<compile_context>
chip_gen: v7x
topology: tpu7x:2x2x1
jax: 0.10.2.dev20260603
libtpu: 0.0.44.dev20260713+nightly
codegen_flags: <defaults>
</compile_context>

<pallas_src>
import jax
import jax.numpy as jnp
from jax import lax
from jax.experimental import pallas as pl
from jax.experimental.pallas import tpu as pltpu
from jax.experimental.pallas import tpu_sc as plsc

N = 10000
E = 320000
D = 128
DE = 16
NLAYER = 3

NC, NS, LANES = 2, 16, 16
NW = NC * NS
N_PAD = 10240
CHUNK = 128
EPT = 10240
NCHUNK = EPT // CHUNK
E_PAD = EPT * NW
ROWS_PT = N_PAD // NS

_mesh = plsc.VectorSubcoreMesh(core_axis_name="c", subcore_axis_name="s")



def _hist_body(col_hbm, out_hbm, colv, ones_b, acc):
  c = lax.axis_index("c")
  s = lax.axis_index("s")
  wid = s * NC + c
  pltpu.sync_copy(col_hbm.at[wid], colv)
  onerow = jnp.where(jnp.arange(LANES, dtype=jnp.int32) == 0, 1.0, 0.0)
  zrow = jnp.zeros((LANES,), jnp.float32)

  @pl.loop(0, CHUNK)
  def _(i):
    for b in range(D // LANES):
      ones_b[i, pl.ds(b * LANES, LANES)] = zrow

  for p in range(ROWS_PT // CHUNK):
    pltpu.sync_copy(ones_b, acc.at[pl.ds(s * ROWS_PT + p * CHUNK, CHUNK)])

  @pl.loop(0, CHUNK)
  def _(i):
    ones_b[i, pl.ds(0, LANES)] = onerow

  plsc.subcore_barrier()

  @pl.loop(0, NCHUNK)
  def _(j):
    pltpu.sync_copy(ones_b, acc.at[colv.at[j]], add=True)

  plsc.subcore_barrier()
  for p in range(ROWS_PT // CHUNK):
    base = s * ROWS_PT + p * CHUNK
    pltpu.sync_copy(acc.at[pl.ds(base, CHUNK)], ones_b)
    pltpu.sync_copy(ones_b, out_hbm.at[c, pl.ds(base, CHUNK)])


_hist = pl.kernel(
    _hist_body,
    out_type=jax.ShapeDtypeStruct((NC, N_PAD, D), jnp.float32),
    mesh=_mesh,
    scratch_types=[
        pltpu.VMEM((NCHUNK, CHUNK), jnp.int32),
        pltpu.VMEM((CHUNK, D), jnp.float32),
        pltpu.VMEM_SHARED((N_PAD, D), jnp.float32),
    ],
)


GC = 128
QCS = 16
GCHUNK_TOT = E_PAD // GC
C0G = 144
C1G = (GCHUNK_TOT - 16 * C0G) // 16
GNBUF = 2
ZR = 64


def _scatter_body(m_hbm, row_hbm, col_hbm, out_hbm,
                  rowq, colq, g0, g1, zbuf, acc, s0, s1):
  c = lax.axis_index("c")
  s = lax.axis_index("s")
  bufs = (g0, g1)
  sems = (s0, s1)
  zrow = jnp.zeros((LANES,), jnp.float32)

  gstart = jnp.where(c == 0, s * C0G, 16 * C0G + s * C1G)
  nst = jnp.where(c == 0, C0G // QCS, C1G // QCS)

  pltpu.sync_copy(row_hbm.at[pl.ds(gstart, QCS)], rowq)
  pltpu.sync_copy(col_hbm.at[pl.ds(gstart, QCS)], colq)
  for b in range(GNBUF):
    pltpu.async_copy(m_hbm.at[rowq.at[b]], bufs[b], sems[b])

  @pl.loop(0, ZR)
  def _(i):
    for b in range(D // LANES):
      zbuf[i, pl.ds(b * LANES, LANES)] = zrow

  for p in range(ROWS_PT // ZR):
    pltpu.sync_copy(zbuf, acc.at[pl.ds(s * ROWS_PT + p * ZR, ZR)])
  plsc.subcore_barrier()

  @pl.loop(0, nst)
  def _(st):
    gb = gstart + st * QCS

    @pl.when(st > 0)
    def _():
      pltpu.sync_copy(row_hbm.at[pl.ds(gb, QCS)], rowq)
      pltpu.sync_copy(col_hbm.at[pl.ds(gb, QCS)], colq)
      for b in range(GNBUF):
        pltpu.async_copy(m_hbm.at[rowq.at[b]], bufs[b], sems[b])

    @pl.loop(0, QCS, step=GNBUF)
    def _(j):
      for b in range(GNBUF):
        k = j + b
        pltpu.make_async_copy(m_hbm.at[rowq.at[k]], bufs[b], sems[b]).wait()
        pltpu.sync_copy(bufs[b], acc.at[colq.at[k]], add=True)

        @pl.when(k + GNBUF < QCS)
        def _():
          pltpu.async_copy(m_hbm.at[rowq.at[k + GNBUF]], bufs[b], sems[b])

  plsc.subcore_barrier()
  for p in range(ROWS_PT // GC):
    base = s * ROWS_PT + p * GC
    pltpu.sync_copy(acc.at[pl.ds(base, GC)], out_hbm.at[c, pl.ds(base, GC)])


_scatter = pl.kernel(
    _scatter_body,
    out_type=jax.ShapeDtypeStruct((NC, N_PAD, D), jnp.float32),
    mesh=_mesh,
    scratch_types=[
        pltpu.VMEM((QCS, GC), jnp.int32),
        pltpu.VMEM((QCS, GC), jnp.int32),
        pltpu.VMEM((GC, D), jnp.float32),
        pltpu.VMEM((GC, D), jnp.float32),
        pltpu.VMEM((ZR, D), jnp.float32),
        pltpu.VMEM_SHARED((N_PAD, D), jnp.float32),
        pltpu.SemaphoreType.DMA,
        pltpu.SemaphoreType.DMA,
    ],
)


def _edgeout_body(a_hbm, c_hbm, t_hbm, row_hbm, col_hbm, out_hbm,
                  av, cv, tv, rowv, colv, obuf):
  c = lax.axis_index("c")
  s = lax.axis_index("s")
  wid = s * NC + c
  pltpu.sync_copy(a_hbm, av)
  pltpu.sync_copy(c_hbm, cv)
  pltpu.sync_copy(t_hbm.at[wid], tv)
  pltpu.sync_copy(row_hbm.at[wid], rowv)
  pltpu.sync_copy(col_hbm.at[wid], colv)

  @pl.loop(0, NCHUNK)
  def _(j):
    for b in range(CHUNK // LANES):
      sl = pl.ds(b * LANES, LANES)
      rv = rowv[j, sl]
      cc = colv[j, sl]
      o = plsc.load_gather(av, [rv]) + plsc.load_gather(cv, [cc]) + tv[j, sl]
      obuf[j, sl] = o

  pltpu.sync_copy(obuf, out_hbm.at[wid])


_edgeout = pl.kernel(
    _edgeout_body,
    out_type=jax.ShapeDtypeStruct((NW, NCHUNK, CHUNK), jnp.float32),
    mesh=_mesh,
    compiler_params=pltpu.CompilerParams(needs_layout_passes=False),
    scratch_types=[
        pltpu.VMEM((N_PAD,), jnp.float32),
        pltpu.VMEM((N_PAD,), jnp.float32),
        pltpu.VMEM((NCHUNK, CHUNK), jnp.float32),
        pltpu.VMEM((NCHUNK, CHUNK), jnp.int32),
        pltpu.VMEM((NCHUNK, CHUNK), jnp.int32),
        pltpu.VMEM((NCHUNK, CHUNK), jnp.float32),
    ],
)



BM = 1024
BE = 512


def _dinv_body(dp_ref, out_ref):
  deg = dp_ref[0, :, :1] + dp_ref[1, :, :1] + 1.0
  dv = lax.rsqrt(jnp.maximum(deg, 1e-12))
  out_ref[...] = jnp.broadcast_to(dv, (BM, D))


def _dinv_call(degp):
  return pl.pallas_call(
      _dinv_body,
      grid=(N_PAD // BM,),
      in_specs=[pl.BlockSpec((NC, BM, D), lambda i: (0, i, 0))],
      out_specs=pl.BlockSpec((BM, D), lambda i: (i, 0)),
      out_shape=jax.ShapeDtypeStruct((N_PAD, D), jnp.float32),
  )(degp)


def _enc_body(x_ref, wn_ref, bn_ref, wc_ref, wr_ref, rb_ref, dv_ref,
              m_ref, r_ref):
  h = jnp.maximum(
      jnp.dot(x_ref[...], wn_ref[...], preferred_element_type=jnp.float32)
      + bn_ref[...], 0.0)
  m_ref[...] = jnp.dot(h, wc_ref[...],
                       preferred_element_type=jnp.float32) * dv_ref[...]
  r_ref[...] = jnp.dot(h, wr_ref[...],
                       preferred_element_type=jnp.float32) + rb_ref[...]


def _enc_call(x_pad, wn, bn, wc0, wr, rb, dinv):
  blk = pl.BlockSpec((BM, D), lambda i: (i, 0))
  wspec = pl.BlockSpec((D, D), lambda i: (0, 0))
  bspec = pl.BlockSpec((1, D), lambda i: (0, 0))
  return pl.pallas_call(
      _enc_body,
      grid=(N_PAD // BM,),
      in_specs=[blk, wspec, bspec, wspec, wspec, bspec, blk],
      out_specs=(blk, blk),
      out_shape=(jax.ShapeDtypeStruct((N_PAD, D), jnp.float32),
                 jax.ShapeDtypeStruct((N_PAD, D), jnp.float32)),
  )(x_pad, wn, bn, wc0, wr, rb, dinv)


def _layer_body(sp_ref, m_ref, r_ref, dv_ref, cb_ref, wc_ref, wr_ref, rb_ref,
                m2_ref, r2_ref):
  tot = sp_ref[0] + sp_ref[1] + m_ref[...]
  h = jnp.maximum(dv_ref[...] * tot + cb_ref[...] + r_ref[...], 0.0)
  m2_ref[...] = jnp.dot(h, wc_ref[...],
                        preferred_element_type=jnp.float32) * dv_ref[...]
  r2_ref[...] = jnp.dot(h, wr_ref[...],
                        preferred_element_type=jnp.float32) + rb_ref[...]


def _layer_call(sp, m, r, dinv, cb, wc_next, wr, rb):
  blk = pl.BlockSpec((BM, D), lambda i: (i, 0))
  spspec = pl.BlockSpec((NC, BM, D), lambda i: (0, i, 0))
  wspec = pl.BlockSpec((D, D), lambda i: (0, 0))
  bspec = pl.BlockSpec((1, D), lambda i: (0, 0))
  return pl.pallas_call(
      _layer_body,
      grid=(N_PAD // BM,),
      in_specs=[spspec, blk, blk, blk, bspec, wspec, wspec, bspec],
      out_specs=(blk, blk),
      out_shape=(jax.ShapeDtypeStruct((N_PAD, D), jnp.float32),
                 jax.ShapeDtypeStruct((N_PAD, D), jnp.float32)),
  )(sp, m, r, dinv, cb, wc_next, wr, rb)


def _final_body(sp_ref, m_ref, r_ref, dv_ref, cb_ref, wac_ref, ac_ref):
  tot = sp_ref[0] + sp_ref[1] + m_ref[...]
  h = jnp.maximum(dv_ref[...] * tot + cb_ref[...] + r_ref[...], 0.0)
  ac_ref[...] = jnp.dot(h, wac_ref[...], preferred_element_type=jnp.float32)


def _final_call(sp, m, r, dinv, cb, wac):
  blk = pl.BlockSpec((BM, D), lambda i: (i, 0))
  spspec = pl.BlockSpec((NC, BM, D), lambda i: (0, i, 0))
  bspec = pl.BlockSpec((1, D), lambda i: (0, 0))
  return pl.pallas_call(
      _final_body,
      grid=(N_PAD // BM,),
      in_specs=[spspec, blk, blk, blk, bspec,
                pl.BlockSpec((D, 2), lambda i: (0, 0))],
      out_specs=pl.BlockSpec((BM, 2), lambda i: (i, 0)),
      out_shape=jax.ShapeDtypeStruct((N_PAD, 2), jnp.float32),
  )(sp, m, r, dinv, cb, wac)


def _t_body(ea_ref, we_ref, be_ref, w3_ref, db_ref, t_ref):
  e = jnp.maximum(
      jnp.dot(ea_ref[...], we_ref[...], preferred_element_type=jnp.float32)
      + be_ref[...], 0.0)
  t_ref[...] = jnp.dot(e, w3_ref[...],
                       preferred_element_type=jnp.float32) + db_ref[...]


def _t_call(edge_attr, we, be, w3, db):
  return pl.pallas_call(
      _t_body,
      grid=(E // BE,),
      in_specs=[pl.BlockSpec((BE, DE), lambda i: (i, 0)),
                pl.BlockSpec((DE, D), lambda i: (0, 0)),
                pl.BlockSpec((1, D), lambda i: (0, 0)),
                pl.BlockSpec((D, 1), lambda i: (0, 0)),
                pl.BlockSpec((1, 1), lambda i: (0, 0))],
      out_specs=pl.BlockSpec((BE, 1), lambda i: (i, 0)),
      out_shape=jax.ShapeDtypeStruct((E, 1), jnp.float32),
  )(edge_attr, we, be, w3, db)



@jax.jit
def kernel(x, edge_index, edge_attr, enc_node_W, enc_node_b, enc_edge_W,
           enc_edge_b, conv_W, conv_b, res_W, res_b, dec_W, dec_b):
  ei = edge_index.astype(jnp.int32)
  row3 = jnp.pad(ei[0], (0, E_PAD - E)).reshape(NW, NCHUNK, CHUNK)
  col3 = jnp.pad(ei[1], (0, E_PAD - E),
                 constant_values=N).reshape(NW, NCHUNK, CHUNK)
  row_f = row3.reshape(GCHUNK_TOT, GC)
  col_f = col3.reshape(GCHUNK_TOT, GC)

  x_pad = jnp.pad(x, ((0, N_PAD - N), (0, 0)))
  bn = enc_node_b.reshape(1, D)
  be = enc_edge_b.reshape(1, D)
  rb = res_b.reshape(1, D)
  db = dec_b.reshape(1, 1)
  w3 = dec_W[2 * D:]
  wac = jnp.concatenate([dec_W[:D], dec_W[D:2 * D]], axis=1)

  degp = _hist(col3)
  dinv = _dinv_call(degp)

  t = _t_call(edge_attr, enc_edge_W, be, w3, db)
  t3 = jnp.pad(t[:, 0], (0, E_PAD - E)).reshape(NW, NCHUNK, CHUNK)

  m, r = _enc_call(x_pad, enc_node_W, bn, conv_W[0], res_W, rb, dinv)
  for i in range(NLAYER - 1):
    sp = _scatter(m, row_f, col_f)
    m, r = _layer_call(sp, m, r, dinv, conv_b[i].reshape(1, D),
                       conv_W[i + 1], res_W, rb)
  sp = _scatter(m, row_f, col_f)
  ac = _final_call(sp, m, r, dinv, conv_b[NLAYER - 1].reshape(1, D), wac)

  o3 = _edgeout(ac[:, 0], ac[:, 1], t3, row3, col3)
  return o3.reshape(E_PAD)[:E]

# --- scband reference (transcript-rebuilt; emitter-appended) ---
"""Pipeline reference for scband-gcn-9620726743390 (READ-ONLY COPY).

The authoritative reference and input builder live on the scoring server;
editing this copy changes nothing except your own understanding.
"""

import jax, jax.numpy as jnp
import numpy as np

N = 10000
E = 320000
D = 128
DE = 16
L = 3


def setup_inputs(seed: int = 0) -> dict:
    key = jax.random.key(seed)
    ks = jax.random.split(key, 16)
    x = jax.random.normal(ks[0], (N, D), dtype=jnp.float32)
    edge_index = jax.random.randint(ks[1], (2, E), 0, N)
    edge_attr = jax.random.normal(ks[2], (E, DE), dtype=jnp.float32)
    s_d = 1.0 / np.sqrt(D)
    s_de = 1.0 / np.sqrt(DE)
    s_dec = 1.0 / np.sqrt(3 * D)
    enc_node_W = jax.random.normal(ks[3], (D, D), dtype=jnp.float32) * s_d
    enc_node_b = jnp.zeros((D,), dtype=jnp.float32)
    enc_edge_W = jax.random.normal(ks[4], (DE, D), dtype=jnp.float32) * s_de
    enc_edge_b = jnp.zeros((D,), dtype=jnp.float32)
    conv_W = jax.random.normal(ks[5], (L, D, D), dtype=jnp.float32) * s_d
    conv_b = jnp.zeros((L, D), dtype=jnp.float32)
    res_W = jax.random.normal(ks[6], (D, D), dtype=jnp.float32) * s_d
    res_b = jnp.zeros((D,), dtype=jnp.float32)
    dec_W = jax.random.normal(ks[7], (3 * D, 1), dtype=jnp.float32) * s_dec
    dec_b = jnp.zeros((1,), dtype=jnp.float32)
    return {
        'x': x, 'edge_index': edge_index, 'edge_attr': edge_attr,
        'enc_node_W': enc_node_W, 'enc_node_b': enc_node_b,
        'enc_edge_W': enc_edge_W, 'enc_edge_b': enc_edge_b,
        'conv_W': conv_W, 'conv_b': conv_b,
        'res_W': res_W, 'res_b': res_b,
        'dec_W': dec_W, 'dec_b': dec_b,
    }


def _gcn_conv(x, edge_index, W, b):
    n = x.shape[0]
    row = edge_index[0]
    col = edge_index[1]
    loop = jnp.arange(n, dtype=row.dtype)
    row = jnp.concatenate([row, loop])
    col = jnp.concatenate([col, loop])
    deg = jax.ops.segment_sum(jnp.ones_like(row, dtype=x.dtype), col, num_segments=n)
    dinv = jax.lax.rsqrt(jnp.maximum(deg, 1e-12))
    norm = dinv[row] * dinv[col]
    h = x @ W
    msg = h[row] * norm[:, None]
    out = jax.ops.segment_sum(msg, col, num_segments=n)
    return out + b


def reference(x, edge_index, edge_attr, enc_node_W, enc_node_b, enc_edge_W, enc_edge_b,
              conv_W, conv_b, res_W, res_b, dec_W, dec_b):
    # LinearEncoder
    h = jax.nn.relu(x @ enc_node_W + enc_node_b)
    e = jax.nn.relu(edge_attr @ enc_edge_W + enc_edge_b)
    # GCNConvLayer: stacked GCNConv with shared residual linear
    for i in range(L):
        h_res = h
        h = jax.nn.relu(_gcn_conv(h, edge_index, conv_W[i], conv_b[i]) + (h_res @ res_W + res_b))
    # GCNConvDecoder
    row = edge_index[0]
    col = edge_index[1]
    feat = jnp.concatenate([h[row], h[col], e], axis=1)
    out = feat @ dec_W + dec_b
    return out.squeeze(-1)

if __name__ == "__main__":
    import jax
    _d = setup_inputs()
    print(jax.jit(kernel)(*tuple(_d.values())))

</pallas_src>

<mosaic_0001>
#map = affine_map<(d0, d1) -> (0, 0)>
#map1 = affine_map<(d0, d1) -> (0, 0, 0)>
module attributes {stable_mosaic.version = 14 : i64} {
  func.func @_scatter_body(%arg0: i32, %arg1: i32, %arg2: memref<10240x128xf32, #tpu.memory_space<hbm>>, %arg3: memref<2560x128xi32, #tpu.memory_space<hbm>>, %arg4: memref<2560x128xi32, #tpu.memory_space<hbm>>, %arg5: memref<2x10240x128xf32, #tpu.memory_space<hbm>>, %arg6: memref<16x128xi32, #tpu.memory_space<vmem>>, %arg7: memref<16x128xi32, #tpu.memory_space<vmem>>, %arg8: memref<128x128xf32, #tpu.memory_space<vmem>>, %arg9: memref<128x128xf32, #tpu.memory_space<vmem>>, %arg10: memref<64x128xf32, #tpu.memory_space<vmem>>, %arg11: memref<10240x128xf32, #tpu.memory_space<vmem_shared>>, %arg12: memref<!tpu.dma_semaphore, #tpu.memory_space<semaphore_mem>>, %arg13: memref<!tpu.dma_semaphore, #tpu.memory_space<semaphore_mem>>) attributes {dimension_semantics = [#tpu.dimension_semantics<core_parallel>, #tpu.dimension_semantics<subcore_parallel>], iteration_bounds = array<i64: 2, 16>, scalar_prefetch = 0 : i64, scratch_operands = 8 : i64, tpu.core_type = #tpu.core_type<sc_vector_subcore>, window_params = [{transform_indices = #map}, {transform_indices = #map}, {transform_indices = #map}, {transform_indices = #map1}]} {
    %broadcast_in_dim3A = arith.constant 0.000000e+00 : f32
    %broadcast_in_dim3A_0 = vector.broadcast %broadcast_in_dim3A : f32 to vector<16xf32>
    %eq3A = arith.constant 0 : i32
    %eq3A_1 = arith.cmpi eq, %arg0, %eq3A : i32
    %mul3A = arith.constant 144 : i32
    %mul3A_2 = arith.muli %arg1, %mul3A : i32
    %mul3A_3 = arith.constant 16 : i32
    %mul3A_4 = arith.muli %arg1, %mul3A_3 : i32
    %add3A = arith.constant 2304 : i32
    %add3A_5 = arith.addi %add3A, %mul3A_4 : i32
    %select_n3A = arith.select %eq3A_1, %mul3A_2, %add3A_5 : i32
    %eq3A_6 = arith.constant 0 : i32
    %eq3A_7 = arith.cmpi eq, %arg0, %eq3A_6 : i32
    %jit3A = arith.constant 9 : i32
    %jit3A_8 = arith.constant 1 : i32
    %select_n3A_9 = arith.select %eq3A_7, %jit3A, %jit3A_8 : i32
    "tpu.region"() ({
      %run_scoped3A = tpu.sem_alloc : memref<!tpu.dma_semaphore, #tpu.memory_space<semaphore_mem>>
      %dma_start3A_104 = arith.constant 0 : i32
      %dma_start3A_105 = tpu.memref_slice %arg3[%select_n3A, %dma_start3A_104] : memref<2560x128xi32, #tpu.memory_space<hbm>> -> memref<16x128xi32, #tpu.memory_space<hbm>>
      %dma_start3A_106 = arith.constant 0 : i32
      %dma_start3A_107 = tpu.memref_slice %arg3[%select_n3A, %dma_start3A_106] : memref<2560x128xi32, #tpu.memory_space<hbm>> -> memref<16x128xi32, #tpu.memory_space<hbm>>
      tpu.enqueue_dma source(%dma_start3A_107 : memref<16x128xi32, #tpu.memory_space<hbm>>) target(%arg6 : memref<16x128xi32, #tpu.memory_space<vmem>>) target_semaphore(%run_scoped3A : memref<!tpu.dma_semaphore, #tpu.memory_space<semaphore_mem>>)
      %dma_wait3A = arith.constant 0 : i32
      %dma_wait3A_108 = tpu.memref_slice %arg3[%select_n3A, %dma_wait3A] : memref<2560x128xi32, #tpu.memory_space<hbm>> -> memref<16x128xi32, #tpu.memory_space<hbm>>
      %dma_wait3A_109 = arith.constant 0 : i32
      %dma_wait3A_110 = tpu.memref_slice %arg3[%select_n3A, %dma_wait3A_109] : memref<2560x128xi32, #tpu.memory_space<hbm>> -> memref<16x128xi32, #tpu.memory_space<hbm>>
      tpu.wait_dma2 semaphore(%run_scoped3A : memref<!tpu.dma_semaphore, #tpu.memory_space<semaphore_mem>>) src(%dma_wait3A_110 : memref<16x128xi32, #tpu.memory_space<hbm>>) dst(%arg6 : memref<16x128xi32, #tpu.memory_space<vmem>>)
      tpu.yield
    }) : () -> ()
    "tpu.region"() ({
      %run_scoped3A = tpu.sem_alloc : memref<!tpu.dma_semaphore, #tpu.memory_space<semaphore_mem>>
      %dma_start3A_104 = arith.constant 0 : i32
      %dma_start3A_105 = tpu.memref_slice %arg4[%select_n3A, %dma_start3A_104] : memref<2560x128xi32, #tpu.memory_space<hbm>> -> memref<16x128xi32, #tpu.memory_space<hbm>>
      %dma_start3A_106 = arith.constant 0 : i32
      %dma_start3A_107 = tpu.memref_slice %arg4[%select_n3A, %dma_start3A_106] : memref<2560x128xi32, #tpu.memory_space<hbm>> -> memref<16x128xi32, #tpu.memory_space<hbm>>
      tpu.enqueue_dma source(%dma_start3A_107 : memref<16x128xi32, #tpu.memory_space<hbm>>) target(%arg7 : memref<16x128xi32, #tpu.memory_space<vmem>>) target_semaphore(%run_scoped3A : memref<!tpu.dma_semaphore, #tpu.memory_space<semaphore_mem>>)
      %dma_wait3A = arith.constant 0 : i32
      %dma_wait3A_108 = tpu.memref_slice %arg4[%select_n3A, %dma_wait3A] : memref<2560x128xi32, #tpu.memory_space<hbm>> -> memref<16x128xi32, #tpu.memory_space<hbm>>
      %dma_wait3A_109 = arith.constant 0 : i32
      %dma_wait3A_110 = tpu.memref_slice %arg4[%select_n3A, %dma_wait3A_109] : memref<2560x128xi32, #tpu.memory_space<hbm>> -> memref<16x128xi32, #tpu.memory_space<hbm>>
      tpu.wait_dma2 semaphore(%run_scoped3A : memref<!tpu.dma_semaphore, #tpu.memory_space<semaphore_mem>>) src(%dma_wait3A_110 : memref<16x128xi32, #tpu.memory_space<hbm>>) dst(%arg7 : memref<16x128xi32, #tpu.memory_space<vmem>>)
      tpu.yield
    }) : () -> ()
    %dma_start3A = arith.constant 0 : i32
    %dma_start3A_10 = arith.constant 0 : i32
    %dma_start3A_11 = tpu.memref_slice %arg6[%dma_start3A, %dma_start3A_10] : memref<16x128xi32, #tpu.memory_space<vmem>> -> memref<1x128xi32, #tpu.memory_space<vmem>>
    %dma_start3A_12 = tpu.memref_squeeze %dma_start3A_11 : memref<1x128xi32, #tpu.memory_space<vmem>> -> memref<128xi32, #tpu.memory_space<vmem>>
    %dma_start3A_13 = arith.constant 0 : i32
    %dma_start3A_14 = arith.constant 0 : i32
    %dma_start3A_15 = tpu.memref_slice %arg2[%dma_start3A_13, %dma_start3A_14] : memref<10240x128xf32, #tpu.memory_space<hbm>> -> memref<10240x128xf32, #tpu.memory_space<hbm>>
    tpu.enqueue_indirect_dma source(%dma_start3A_15 : memref<10240x128xf32, #tpu.memory_space<hbm>>) target(%arg8 : memref<128x128xf32, #tpu.memory_space<vmem>>) offsets(%dma_start3A_12 : memref<128xi32, #tpu.memory_space<vmem>>) semaphore(%arg12 : memref<!tpu.dma_semaphore, #tpu.memory_space<semaphore_mem>>)
    %dma_start3A_16 = arith.constant 1 : i32
    %dma_start3A_17 = arith.constant 0 : i32
    %dma_start3A_18 = tpu.memref_slice %arg6[%dma_start3A_16, %dma_start3A_17] : memref<16x128xi32, #tpu.memory_space<vmem>> -> memref<1x128xi32, #tpu.memory_space<vmem>>
    %dma_start3A_19 = tpu.memref_squeeze %dma_start3A_18 : memref<1x128xi32, #tpu.memory_space<vmem>> -> memref<128xi32, #tpu.memory_space<vmem>>
    %dma_start3A_20 = arith.constant 0 : i32
    %dma_start3A_21 = arith.constant 0 : i32
    %dma_start3A_22 = tpu.memref_slice %arg2[%dma_start3A_20, %dma_start3A_21] : memref<10240x128xf32, #tpu.memory_space<hbm>> -> memref<10240x128xf32, #tpu.memory_space<hbm>>
    tpu.enqueue_indirect_dma source(%dma_start3A_22 : memref<10240x128xf32, #tpu.memory_space<hbm>>) target(%arg9 : memref<128x128xf32, #tpu.memory_space<vmem>>) offsets(%dma_start3A_19 : memref<128xi32, #tpu.memory_space<vmem>>) semaphore(%arg13 : memref<!tpu.dma_semaphore, #tpu.memory_space<semaphore_mem>>)
    %scan3A = arith.constant 0 : i32
    %scan3A_23 = arith.constant 64 : i32
    %scan3A_24 = arith.addi %scan3A, %scan3A_23 : i32
    %scan3A_25 = arith.constant 1 : i32
    scf.for %scan3A_104 = %scan3A to %scan3A_24 step %scan3A_25  : i32 {
      %mul3A_105 = arith.constant 1 : i32
      %mul3A_106 = arith.muli %scan3A_104, %mul3A_105 : i32
      %add3A_107 = arith.constant 0 : i32
      %add3A_108 = arith.addi %add3A_107, %mul3A_106 : i32
      %swap3A = arith.index_cast %add3A_108 : i32 to index
      %swap3A_109 = arith.constant 0 : index
      %swap3A_110 = tpu.vector_load %arg10[%swap3A, %swap3A_109] {strides = array<i32>} : memref<64x128xf32, #tpu.memory_space<vmem>>, vector<1x16xf32>,
      %swap3A_111 = vector.shape_cast %swap3A_110 : vector<1x16xf32> to vector<16xf32>
      %swap3A_112 = vector.shape_cast %broadcast_in_dim3A_0 : vector<16xf32> to vector<1x16xf32>
      tpu.vector_store %arg10[%swap3A, %swap3A_109], %swap3A_112 {strides = array<i32>} : memref<64x128xf32, #tpu.memory_space<vmem>>, vector<1x16xf32>,
      %swap3A_113 = arith.index_cast %add3A_108 : i32 to index
      %swap3A_114 = arith.constant 16 : index
      %swap3A_115 = tpu.vector_load %arg10[%swap3A_113, %swap3A_114] {strides = array<i32>} : memref<64x128xf32, #tpu.memory_space<vmem>>, vector<1x16xf32>,
      %swap3A_116 = vector.shape_cast %swap3A_115 : vector<1x16xf32> to vector<16xf32>
      %swap3A_117 = vector.shape_cast %broadcast_in_dim3A_0 : vector<16xf32> to vector<1x16xf32>
      tpu.vector_store %arg10[%swap3A_113, %swap3A_114], %swap3A_117 {strides = array<i32>} : memref<64x128xf32, #tpu.memory_space<vmem>>, vector<1x16xf32>,
      %swap3A_118 = arith.index_cast %add3A_108 : i32 to index
      %swap3A_119 = arith.constant 32 : index
      %swap3A_120 = tpu.vector_load %arg10[%swap3A_118, %swap3A_119] {strides = array<i32>} : memref<64x128xf32, #tpu.memory_space<vmem>>, vector<1x16xf32>,
      %swap3A_121 = vector.shape_cast %swap3A_120 : vector<1x16xf32> to vector<16xf32>
      %swap3A_122 = vector.shape_cast %broadcast_in_dim3A_0 : vector<16xf32> to vector<1x16xf32>
      tpu.vector_store %arg10[%swap3A_118, %swap3A_119], %swap3A_122 {strides = array<i32>} : memref<64x128xf32, #tpu.memory_space<vmem>>, vector<1x16xf32>,
      %swap3A_123 = arith.index_cast %add3A_108 : i32 to index
      %swap3A_124 = arith.constant 48 : index
      %swap3A_125 = tpu.vector_load %arg10[%swap3A_123, %swap3A_124] {strides = array<i32>} : memref<64x128xf32, #tpu.memory_space<vmem>>, vector<1x16xf32>,
      %swap3A_126 = vector.shape_cast %swap3A_125 : vector<1x16xf32> to vector<16xf32>
      %swap3A_127 = vector.shape_cast %broadcast_in_dim3A_0 : vector<16xf32> to vector<1x16xf32>
      tpu.vector_store %arg10[%swap3A_123, %swap3A_124], %swap3A_127 {strides = array<i32>} : memref<64x128xf32, #tpu.memory_space<vmem>>, vector<1x16xf32>,
      %swap3A_128 = arith.index_cast %add3A_108 : i32 to index
      %swap3A_129 = arith.constant 64 : index
      %swap3A_130 = tpu.vector_load %arg10[%swap3A_128, %swap3A_129] {strides = array<i32>} : memref<64x128xf32, #tpu.memory_space<vmem>>, vector<1x16xf32>,
      %swap3A_131 = vector.shape_cast %swap3A_130 : vector<1x16xf32> to vector<16xf32>
      %swap3A_132 = vector.shape_cast %broadcast_in_dim3A_0 : vector<16xf32> to vector<1x16xf32>
      tpu.vector_store %arg10[%swap3A_128, %swap3A_129], %swap3A_132 {strides = array<i32>} : memref<64x128xf32, #tpu.memory_space<vmem>>, vector<1x16xf32>,
      %swap3A_133 = arith.index_cast %add3A_108 : i32 to index
      %swap3A_134 = arith.constant 80 : index
      %swap3A_135 = tpu.vector_load %arg10[%swap3A_133, %swap3A_134] {strides = array<i32>} : memref<64x128xf32, #tpu.memory_space<vmem>>, vector<1x16xf32>,
      %swap3A_136 = vector.shape_cast %swap3A_135 : vector<1x16xf32> to vector<16xf32>
      %swap3A_137 = vector.shape_cast %broadcast_in_dim3A_0 : vector<16xf32> to vector<1x16xf32>
      tpu.vector_store %arg10[%swap3A_133, %swap3A_134], %swap3A_137 {strides = array<i32>} : memref<64x128xf32, #tpu.memory_space<vmem>>, vector<1x16xf32>,
      %swap3A_138 = arith.index_cast %add3A_108 : i32 to index
      %swap3A_139 = arith.constant 96 : index
      %swap3A_140 = tpu.vector_load %arg10[%swap3A_138, %swap3A_139] {strides = array<i32>} : memref<64x128xf32, #tpu.memory_space<vmem>>, vector<1x16xf32>,
      %swap3A_141 = vector.shape_cast %swap3A_140 : vector<1x16xf32> to vector<16xf32>
      %swap3A_142 = vector.shape_cast %broadcast_in_dim3A_0 : vector<16xf32> to vector<1x16xf32>
      tpu.vector_store %arg10[%swap3A_138, %swap3A_139], %swap3A_142 {strides = array<i32>} : memref<64x128xf32, #tpu.memory_space<vmem>>, vector<1x16xf32>,
      %swap3A_143 = arith.index_cast %add3A_108 : i32 to index
      %swap3A_144 = arith.constant 112 : index
      %swap3A_145 = tpu.vector_load %arg10[%swap3A_143, %swap3A_144] {strides = array<i32>} : memref<64x128xf32, #tpu.memory_space<vmem>>, vector<1x16xf32>,
      %swap3A_146 = vector.shape_cast %swap3A_145 : vector<1x16xf32> to vector<16xf32>
      %swap3A_147 = vector.shape_cast %broadcast_in_dim3A_0 : vector<16xf32> to vector<1x16xf32>
      tpu.vector_store %arg10[%swap3A_143, %swap3A_144], %swap3A_147 {strides = array<i32>} : memref<64x128xf32, #tpu.memory_space<vmem>>, vector<1x16xf32>,
    }
    %scan3A_26 = arith.constant 64 : i32
    %mul3A_27 = arith.constant 640 : i32
    %mul3A_28 = arith.muli %arg1, %mul3A_27 : i32
    %add3A_29 = arith.constant 0 : i32
    %add3A_30 = arith.addi %mul3A_28, %add3A_29 : i32
    "tpu.region"() ({
      %run_scoped3A = tpu.sem_alloc : memref<!tpu.dma_semaphore, #tpu.memory_space<semaphore_mem>>
      %dma_start3A_104 = arith.constant 0 : i32
      %dma_start3A_105 = tpu.memref_slice %arg11[%add3A_30, %dma_start3A_104] : memref<10240x128xf32, #tpu.memory_space<vmem_shared>> -> memref<64x128xf32, #tpu.memory_space<vmem_shared>>
      %dma_start3A_106 = arith.constant 0 : i32
      %dma_start3A_107 = tpu.memref_slice %arg11[%add3A_30, %dma_start3A_106] : memref<10240x128xf32, #tpu.memory_space<vmem_shared>> -> memref<64x128xf32, #tpu.memory_space<vmem_shared>>
      tpu.enqueue_dma source(%arg10 : memref<64x128xf32, #tpu.memory_space<vmem>>) target(%dma_start3A_107 : memref<64x128xf32, #tpu.memory_space<vmem_shared>>) target_semaphore(%run_scoped3A : memref<!tpu.dma_semaphore, #tpu.memory_space<semaphore_mem>>)
      %dma_wait3A = arith.constant 0 : i32
      %dma_wait3A_108 = tpu.memref_slice %arg11[%add3A_30, %dma_wait3A] : memref<10240x128xf32, #tpu.memory_space<vmem_shared>> -> memref<64x128xf32, #tpu.memory_space<vmem_shared>>
      %dma_wait3A_109 = arith.constant 0 : i32
      %dma_wait3A_110 = tpu.memref_slice %arg11[%add3A_30, %dma_wait3A_109] : memref<10240x128xf32, #tpu.memory_space<vmem_shared>> -> memref<64x128xf32, #tpu.memory_space<vmem_shared>>
      tpu.wait_dma2 semaphore(%run_scoped3A : memref<!tpu.dma_semaphore, #tpu.memory_space<semaphore_mem>>) src(%arg10 : memref<64x128xf32, #tpu.memory_space<vmem>>) dst(%dma_wait3A_110 : memref<64x128xf32, #tpu.memory_space<vmem_shared>>)
      tpu.yield
    }) : () -> ()
    %mul3A_31 = arith.constant 640 : i32
    %mul3A_32 = arith.muli %arg1, %mul3A_31 : i32
    %add3A_33 = arith.constant 64 : i32
    %add3A_34 = arith.addi %mul3A_32, %add3A_33 : i32
    "tpu.region"() ({
      %run_scoped3A = tpu.sem_alloc : memref<!tpu.dma_semaphore, #tpu.memory_space<semaphore_mem>>
      %dma_start3A_104 = arith.constant 0 : i32
      %dma_start3A_105 = tpu.memref_slice %arg11[%add3A_34, %dma_start3A_104] : memref<10240x128xf32, #tpu.memory_space<vmem_shared>> -> memref<64x128xf32, #tpu.memory_space<vmem_shared>>
      %dma_start3A_106 = arith.constant 0 : i32
      %dma_start3A_107 = tpu.memref_slice %arg11[%add3A_34, %dma_start3A_106] : memref<10240x128xf32, #tpu.memory_space<vmem_shared>> -> memref<64x128xf32, #tpu.memory_space<vmem_shared>>
      tpu.enqueue_dma source(%arg10 : memref<64x128xf32, #tpu.memory_space<vmem>>) target(%dma_start3A_107 : memref<64x128xf32, #tpu.memory_space<vmem_shared>>) target_semaphore(%run_scoped3A : memref<!tpu.dma_semaphore, #tpu.memory_space<semaphore_mem>>)
      %dma_wait3A = arith.constant 0 : i32
      %dma_wait3A_108 = tpu.memref_slice %arg11[%add3A_34, %dma_wait3A] : memref<10240x128xf32, #tpu.memory_space<vmem_shared>> -> memref<64x128xf32, #tpu.memory_space<vmem_shared>>
      %dma_wait3A_109 = arith.constant 0 : i32
      %dma_wait3A_110 = tpu.memref_slice %arg11[%add3A_34, %dma_wait3A_109] : memref<10240x128xf32, #tpu.memory_space<vmem_shared>> -> memref<64x128xf32, #tpu.memory_space<vmem_shared>>
      tpu.wait_dma2 semaphore(%run_scoped3A : memref<!tpu.dma_semaphore, #tpu.memory_space<semaphore_mem>>) src(%arg10 : memref<64x128xf32, #tpu.memory_space<vmem>>) dst(%dma_wait3A_110 : memref<64x128xf32, #tpu.memory_space<vmem_shared>>)
      tpu.yield
    }) : () -> ()
    %mul3A_35 = arith.constant 640 : i32
    %mul3A_36 = arith.muli %arg1, %mul3A_35 : i32
    %add3A_37 = arith.constant 128 : i32
    %add3A_38 = arith.addi %mul3A_36, %add3A_37 : i32
    "tpu.region"() ({
      %run_scoped3A = tpu.sem_alloc : memref<!tpu.dma_semaphore, #tpu.memory_space<semaphore_mem>>
      %dma_start3A_104 = arith.constant 0 : i32
      %dma_start3A_105 = tpu.memref_slice %arg11[%add3A_38, %dma_start3A_104] : memref<10240x128xf32, #tpu.memory_space<vmem_shared>> -> memref<64x128xf32, #tpu.memory_space<vmem_shared>>
      %dma_start3A_106 = arith.constant 0 : i32
      %dma_start3A_107 = tpu.memref_slice %arg11[%add3A_38, %dma_start3A_106] : memref<10240x128xf32, #tpu.memory_space<vmem_shared>> -> memref<64x128xf32, #tpu.memory_space<vmem_shared>>
      tpu.enqueue_dma source(%arg10 : memref<64x128xf32, #tpu.memory_space<vmem>>) target(%dma_start3A_107 : memref<64x128xf32, #tpu.memory_space<vmem_shared>>) target_semaphore(%run_scoped3A : memref<!tpu.dma_semaphore, #tpu.memory_space<semaphore_mem>>)
      %dma_wait3A = arith.constant 0 : i32
      %dma_wait3A_108 = tpu.memref_slice %arg11[%add3A_38, %dma_wait3A] : memref<10240x128xf32, #tpu.memory_space<vmem_shared>> -> memref<64x128xf32, #tpu.memory_space<vmem_shared>>
      %dma_wait3A_109 = arith.constant 0 : i32
      %dma_wait3A_110 = tpu.memref_slice %arg11[%add3A_38, %dma_wait3A_109] : memref<10240x128xf32, #tpu.memory_space<vmem_shared>> -> memref<64x128xf32, #tpu.memory_space<vmem_shared>>
      tpu.wait_dma2 semaphore(%run_scoped3A : memref<!tpu.dma_semaphore, #tpu.memory_space<semaphore_mem>>) src(%arg10 : memref<64x128xf32, #tpu.memory_space<vmem>>) dst(%dma_wait3A_110 : memref<64x128xf32, #tpu.memory_space<vmem_shared>>)
      tpu.yield
    }) : () -> ()
    %mul3A_39 = arith.constant 640 : i32
    %mul3A_40 = arith.muli %arg1, %mul3A_39 : i32
    %add3A_41 = arith.constant 192 : i32
    %add3A_42 = arith.addi %mul3A_40, %add3A_41 : i32
    "tpu.region"() ({
      %run_scoped3A = tpu.sem_alloc : memref<!tpu.dma_semaphore, #tpu.memory_space<semaphore_mem>>
      %dma_start3A_104 = arith.constant 0 : i32
      %dma_start3A_105 = tpu.memref_slice %arg11[%add3A_42, %dma_start3A_104] : memref<10240x128xf32, #tpu.memory_space<vmem_shared>> -> memref<64x128xf32, #tpu.memory_space<vmem_shared>>
      %dma_start3A_106 = arith.constant 0 : i32
      %dma_start3A_107 = tpu.memref_slice %arg11[%add3A_42, %dma_start3A_106] : memref<10240x128xf32, #tpu.memory_space<vmem_shared>> -> memref<64x128xf32, #tpu.memory_space<vmem_shared>>
      tpu.enqueue_dma source(%arg10 : memref<64x128xf32, #tpu.memory_space<vmem>>) target(%dma_start3A_107 : memref<64x128xf32, #tpu.memory_space<vmem_shared>>) target_semaphore(%run_scoped3A : memref<!tpu.dma_semaphore, #tpu.memory_space<semaphore_mem>>)
      %dma_wait3A = arith.constant 0 : i32
      %dma_wait3A_108 = tpu.memref_slice %arg11[%add3A_42, %dma_wait3A] : memref<10240x128xf32, #tpu.memory_space<vmem_shared>> -> memref<64x128xf32, #tpu.memory_space<vmem_shared>>
      %dma_wait3A_109 = arith.constant 0 : i32
      %dma_wait3A_110 = tpu.memref_slice %arg11[%add3A_42, %dma_wait3A_109] : memref<10240x128xf32, #tpu.memory_space<vmem_shared>> -> memref<64x128xf32, #tpu.memory_space<vmem_shared>>
      tpu.wait_dma2 semaphore(%run_scoped3A : memref<!tpu.dma_semaphore, #tpu.memory_space<semaphore_mem>>) src(%arg10 : memref<64x128xf32, #tpu.memory_space<vmem>>) dst(%dma_wait3A_110 : memref<64x128xf32, #tpu.memory_space<vmem_shared>>)
      tpu.yield
    }) : () -> ()
    %mul3A_43 = arith.constant 640 : i32
    %mul3A_44 = arith.muli %arg1, %mul3A_43 : i32
    %add3A_45 = arith.constant 256 : i32
    %add3A_46 = arith.addi %mul3A_44, %add3A_45 : i32
    "tpu.region"() ({
      %run_scoped3A = tpu.sem_alloc : memref<!tpu.dma_semaphore, #tpu.memory_space<semaphore_mem>>
      %dma_start3A_104 = arith.constant 0 : i32
      %dma_start3A_105 = tpu.memref_slice %arg11[%add3A_46, %dma_start3A_104] : memref<10240x128xf32, #tpu.memory_space<vmem_shared>> -> memref<64x128xf32, #tpu.memory_space<vmem_shared>>
      %dma_start3A_106 = arith.constant 0 : i32
      %dma_start3A_107 = tpu.memref_slice %arg11[%add3A_46, %dma_start3A_106] : memref<10240x128xf32, #tpu.memory_space<vmem_shared>> -> memref<64x128xf32, #tpu.memory_space<vmem_shared>>
      tpu.enqueue_dma source(%arg10 : memref<64x128xf32, #tpu.memory_space<vmem>>) target(%dma_start3A_107 : memref<64x128xf32, #tpu.memory_space<vmem_shared>>) target_semaphore(%run_scoped3A : memref<!tpu.dma_semaphore, #tpu.memory_space<semaphore_mem>>)
      %dma_wait3A = arith.constant 0 : i32
      %dma_wait3A_108 = tpu.memref_slice %arg11[%add3A_46, %dma_wait3A] : memref<10240x128xf32, #tpu.memory_space<vmem_shared>> -> memref<64x128xf32, #tpu.memory_space<vmem_shared>>
      %dma_wait3A_109 = arith.constant 0 : i32
      %dma_wait3A_110 = tpu.memref_slice %arg11[%add3A_46, %dma_wait3A_109] : memref<10240x128xf32, #tpu.memory_space<vmem_shared>> -> memref<64x128xf32, #tpu.memory_space<vmem_shared>>
      tpu.wait_dma2 semaphore(%run_scoped3A : memref<!tpu.dma_semaphore, #tpu.memory_space<semaphore_mem>>) src(%arg10 : memref<64x128xf32, #tpu.memory_space<vmem>>) dst(%dma_wait3A_110 : memref<64x128xf32, #tpu.memory_space<vmem_shared>>)
      tpu.yield
    }) : () -> ()
    %mul3A_47 = arith.constant 640 : i32
    %mul3A_48 = arith.muli %arg1, %mul3A_47 : i32
    %add3A_49 = arith.constant 320 : i32
    %add3A_50 = arith.addi %mul3A_48, %add3A_49 : i32
    "tpu.region"() ({
      %run_scoped3A = tpu.sem_alloc : memref<!tpu.dma_semaphore, #tpu.memory_space<semaphore_mem>>
      %dma_start3A_104 = arith.constant 0 : i32
      %dma_start3A_105 = tpu.memref_slice %arg11[%add3A_50, %dma_start3A_104] : memref<10240x128xf32, #tpu.memory_space<vmem_shared>> -> memref<64x128xf32, #tpu.memory_space<vmem_shared>>
      %dma_start3A_106 = arith.constant 0 : i32
      %dma_start3A_107 = tpu.memref_slice %arg11[%add3A_50, %dma_start3A_106] : memref<10240x128xf32, #tpu.memory_space<vmem_shared>> -> memref<64x128xf32, #tpu.memory_space<vmem_shared>>
      tpu.enqueue_dma source(%arg10 : memref<64x128xf32, #tpu.memory_space<vmem>>) target(%dma_start3A_107 : memref<64x128xf32, #tpu.memory_space<vmem_shared>>) target_semaphore(%run_scoped3A : memref<!tpu.dma_semaphore, #tpu.memory_space<semaphore_mem>>)
      %dma_wait3A = arith.constant 0 : i32
      %dma_wait3A_108 = tpu.memref_slice %arg11[%add3A_50, %dma_wait3A] : memref<10240x128xf32, #tpu.memory_space<vmem_shared>> -> memref<64x128xf32, #tpu.memory_space<vmem_shared>>
      %dma_wait3A_109 = arith.constant 0 : i32
      %dma_wait3A_110 = tpu.memref_slice %arg11[%add3A_50, %dma_wait3A_109] : memref<10240x128xf32, #tpu.memory_space<vmem_shared>> -> memref<64x128xf32, #tpu.memory_space<vmem_shared>>
      tpu.wait_dma2 semaphore(%run_scoped3A : memref<!tpu.dma_semaphore, #tpu.memory_space<semaphore_mem>>) src(%arg10 : memref<64x128xf32, #tpu.memory_space<vmem>>) dst(%dma_wait3A_110 : memref<64x128xf32, #tpu.memory_space<vmem_shared>>)
      tpu.yield
    }) : () -> ()
    %mul3A_51 = arith.constant 640 : i32
    %mul3A_52 = arith.muli %arg1, %mul3A_51 : i32
    %add3A_53 = arith.constant 384 : i32
    %add3A_54 = arith.addi %mul3A_52, %add3A_53 : i32
    "tpu.region"() ({
      %run_scoped3A = tpu.sem_alloc : memref<!tpu.dma_semaphore, #tpu.memory_space<semaphore_mem>>
      %dma_start3A_104 = arith.constant 0 : i32
      %dma_start3A_105 = tpu.memref_slice %arg11[%add3A_54, %dma_start3A_104] : memref<10240x128xf32, #tpu.memory_space<vmem_shared>> -> memref<64x128xf32, #tpu.memory_space<vmem_shared>>
      %dma_start3A_106 = arith.constant 0 : i32
      %dma_start3A_107 = tpu.memref_slice %arg11[%add3A_54, %dma_start3A_106] : memref<10240x128xf32, #tpu.memory_space<vmem_shared>> -> memref<64x128xf32, #tpu.memory_space<vmem_shared>>
      tpu.enqueue_dma source(%arg10 : memref<64x128xf32, #tpu.memory_space<vmem>>) target(%dma_start3A_107 : memref<64x128xf32, #tpu.memory_space<vmem_shared>>) target_semaphore(%run_scoped3A : memref<!tpu.dma_semaphore, #tpu.memory_space<semaphore_mem>>)
      %dma_wait3A = arith.constant 0 : i32
      %dma_wait3A_108 = tpu.memref_slice %arg11[%add3A_54, %dma_wait3A] : memref<10240x128xf32, #tpu.memory_space<vmem_shared>> -> memref<64x128xf32, #tpu.memory_space<vmem_shared>>
      %dma_wait3A_109 = arith.constant 0 : i32
      %dma_wait3A_110 = tpu.memref_slice %arg11[%add3A_54, %dma_wait3A_109] : memref<10240x128xf32, #tpu.memory_space<vmem_shared>> -> memref<64x128xf32, #tpu.memory_space<vmem_shared>>
      tpu.wait_dma2 semaphore(%run_scoped3A : memref<!tpu.dma_semaphore, #tpu.memory_space<semaphore_mem>>) src(%arg10 : memref<64x128xf32, #tpu.memory_space<vmem>>) dst(%dma_wait3A_110 : memref<64x128xf32, #tpu.memory_space<vmem_shared>>)
      tpu.yield
    }) : () -> ()
    %mul3A_55 = arith.constant 640 : i32
    %mul3A_56 = arith.muli %arg1, %mul3A_55 : i32
    %add3A_57 = arith.constant 448 : i32
    %add3A_58 = arith.addi %mul3A_56, %add3A_57 : i32
    "tpu.region"() ({
      %run_scoped3A = tpu.sem_alloc : memref<!tpu.dma_semaphore, #tpu.memory_space<semaphore_mem>>
      %dma_start3A_104 = arith.constant 0 : i32
      %dma_start3A_105 = tpu.memref_slice %arg11[%add3A_58, %dma_start3A_104] : memref<10240x128xf32, #tpu.memory_space<vmem_shared>> -> memref<64x128xf32, #tpu.memory_space<vmem_shared>>
      %dma_start3A_106 = arith.constant 0 : i32
      %dma_start3A_107 = tpu.memref_slice %arg11[%add3A_58, %dma_start3A_106] : memref<10240x128xf32, #tpu.memory_space<vmem_shared>> -> memref<64x128xf32, #tpu.memory_space<vmem_shared>>
      tpu.enqueue_dma source(%arg10 : memref<64x128xf32, #tpu.memory_space<vmem>>) target(%dma_start3A_107 : memref<64x128xf32, #tpu.memory_space<vmem_shared>>) target_semaphore(%run_scoped3A : memref<!tpu.dma_semaphore, #tpu.memory_space<semaphore_mem>>)
      %dma_wait3A = arith.constant 0 : i32
      %dma_wait3A_108 = tpu.memref_slice %arg11[%add3A_58, %dma_wait3A] : memref<10240x128xf32, #tpu.memory_space<vmem_shared>> -> memref<64x128xf32, #tpu.memory_space<vmem_shared>>
      %dma_wait3A_109 = arith.constant 0 : i32
      %dma_wait3A_110 = tpu.memref_slice %arg11[%add3A_58, %dma_wait3A_109] : memref<10240x128xf32, #tpu.memory_space<vmem_shared>> -> memref<64x128xf32, #tpu.memory_space<vmem_shared>>
      tpu.wait_dma2 semaphore(%run_scoped3A : memref<!tpu.dma_semaphore, #tpu.memory_space<semaphore_mem>>) src(%arg10 : memref<64x128xf32, #tpu.memory_space<vmem>>) dst(%dma_wait3A_110 : memref<64x128xf32, #tpu.memory_space<vmem_shared>>)
      tpu.yield
    }) : () -> ()
    %mul3A_59 = arith.constant 640 : i32
    %mul3A_60 = arith.muli %arg1, %mul3A_59 : i32
    %add3A_61 = arith.constant 512 : i32
    %add3A_62 = arith.addi %mul3A_60, %add3A_61 : i32
    "tpu.region"() ({
      %run_scoped3A = tpu.sem_alloc : memref<!tpu.dma_semaphore, #tpu.memory_space<semaphore_mem>>
      %dma_start3A_104 = arith.constant 0 : i32
      %dma_start3A_105 = tpu.memref_slice %arg11[%add3A_62, %dma_start3A_104] : memref<10240x128xf32, #tpu.memory_space<vmem_shared>> -> memref<64x128xf32, #tpu.memory_space<vmem_shared>>
      %dma_start3A_106 = arith.constant 0 : i32
      %dma_start3A_107 = tpu.memref_slice %arg11[%add3A_62, %dma_start3A_106] : memref<10240x128xf32, #tpu.memory_space<vmem_shared>> -> memref<64x128xf32, #tpu.memory_space<vmem_shared>>
      tpu.enqueue_dma source(%arg10 : memref<64x128xf32, #tpu.memory_space<vmem>>) target(%dma_start3A_107 : memref<64x128xf32, #tpu.memory_space<vmem_shared>>) target_semaphore(%run_scoped3A : memref<!tpu.dma_semaphore, #tpu.memory_space<semaphore_mem>>)
      %dma_wait3A = arith.constant 0 : i32
      %dma_wait3A_108 = tpu.memref_slice %arg11[%add3A_62, %dma_wait3A] : memref<10240x128xf32, #tpu.memory_space<vmem_shared>> -> memref<64x128xf32, #tpu.memory_space<vmem_shared>>
      %dma_wait3A_109 = arith.constant 0 : i32
      %dma_wait3A_110 = tpu.memref_slice %arg11[%add3A_62, %dma_wait3A_109] : memref<10240x128xf32, #tpu.memory_space<vmem_shared>> -> memref<64x128xf32, #tpu.memory_space<vmem_shared>>
      tpu.wait_dma2 semaphore(%run_scoped3A : memref<!tpu.dma_semaphore, #tpu.memory_space<semaphore_mem>>) src(%arg10 : memref<64x128xf32, #tpu.memory_space<vmem>>) dst(%dma_wait3A_110 : memref<64x128xf32, #tpu.memory_space<vmem_shared>>)
      tpu.yield
    }) : () -> ()
    %mul3A_63 = arith.constant 640 : i32
    %mul3A_64 = arith.muli %arg1, %mul3A_63 : i32
    %add3A_65 = arith.constant 576 : i32
    %add3A_66 = arith.addi %mul3A_64, %add3A_65 : i32
    "tpu.region"() ({
      %run_scoped3A = tpu.sem_alloc : memref<!tpu.dma_semaphore, #tpu.memory_space<semaphore_mem>>
      %dma_start3A_104 = arith.constant 0 : i32
      %dma_start3A_105 = tpu.memref_slice %arg11[%add3A_66, %dma_start3A_104] : memref<10240x128xf32, #tpu.memory_space<vmem_shared>> -> memref<64x128xf32, #tpu.memory_space<vmem_shared>>
      %dma_start3A_106 = arith.constant 0 : i32
      %dma_start3A_107 = tpu.memref_slice %arg11[%add3A_66, %dma_start3A_106] : memref<10240x128xf32, #tpu.memory_space<vmem_shared>> -> memref<64x128xf32, #tpu.memory_space<vmem_shared>>
      tpu.enqueue_dma source(%arg10 : memref<64x128xf32, #tpu.memory_space<vmem>>) target(%dma_start3A_107 : memref<64x128xf32, #tpu.memory_space<vmem_shared>>) target_semaphore(%run_scoped3A : memref<!tpu.dma_semaphore, #tpu.memory_space<semaphore_mem>>)
      %dma_wait3A = arith.constant 0 : i32
      %dma_wait3A_108 = tpu.memref_slice %arg11[%add3A_66, %dma_wait3A] : memref<10240x128xf32, #tpu.memory_space<vmem_shared>> -> memref<64x128xf32, #tpu.memory_space<vmem_shared>>
      %dma_wait3A_109 = arith.constant 0 : i32
      %dma_wait3A_110 = tpu.memref_slice %arg11[%add3A_66, %dma_wait3A_109] : memref<10240x128xf32, #tpu.memory_space<vmem_shared>> -> memref<64x128xf32, #tpu.memory_space<vmem_shared>>
      tpu.wait_dma2 semaphore(%run_scoped3A : memref<!tpu.dma_semaphore, #tpu.memory_space<semaphore_mem>>) src(%arg10 : memref<64x128xf32, #tpu.memory_space<vmem>>) dst(%dma_wait3A_110 : memref<64x128xf32, #tpu.memory_space<vmem_shared>>)
      tpu.yield
    }) : () -> ()
    %barrier3A = arith.constant 0 : index
    tpu.barrier barrier_id(%barrier3A)
    %sub3A = arith.constant 0 : i32
    %sub3A_67 = arith.subi %select_n3A_9, %sub3A : i32
    %sub3A_68 = arith.constant 1 : i32
    %sub3A_69 = arith.constant 1 : i32
    %sub3A_70 = arith.subi %sub3A_68, %sub3A_69 : i32
    %add3A_71 = arith.addi %sub3A_67, %sub3A_70 : i32
    %div3A = arith.constant 1 : i32
    %div3A_72 = arith.divsi %add3A_71, %div3A : i32
    %while3A = arith.constant 1 : i32
    %while3A_73 = arith.constant 0 : i32
    %while3A_74 = arith.constant 0 : i32
    %while3A_75 = arith.subi %div3A_72, %while3A_74 : i32
    %while3A_76 = arith.addi %while3A_74, %while3A_75 : i32
    %while3A_77 = arith.constant 1 : i32
    %while3A_78 = arith.divsi %while3A_75, %while3A_77 : i32
    %while3A_79 = arith.muli %while3A_78, %while3A_77 : i32
    %while3A_80 = arith.addi %while3A_74, %while3A_79 : i32
    %while3A_81 = arith.constant 1 : i32
    scf.for %while3A_104 = %while3A_74 to %while3A_80 step %while3A_81  : i32 {
      %mul3A_105 = arith.muli %while3A_104, %while3A : i32
      %add3A_106 = arith.addi %while3A_73, %mul3A_105 : i32
      %mul3A_107 = arith.constant 16 : i32
      %mul3A_108 = arith.muli %add3A_106, %mul3A_107 : i32
      %add3A_109 = arith.addi %select_n3A, %mul3A_108 : i32
      %gt3A = arith.constant 0 : i32
      %gt3A_110 = arith.cmpi sgt, %add3A_106, %gt3A : i32
      %convert_element_type3A = arith.extui %gt3A_110 : i1 to i32
      %cond3A = arith.constant 0 : i32
      %cond3A_111 = arith.cmpi ne, %convert_element_type3A, %cond3A : i32
      scf.if %cond3A_111 {
        "tpu.region"() ({
          %run_scoped3A = tpu.sem_alloc : memref<!tpu.dma_semaphore, #tpu.memory_space<semaphore_mem>>
          %dma_start3A_131 = arith.constant 0 : i32
          %dma_start3A_132 = tpu.memref_slice %arg3[%add3A_109, %dma_start3A_131] : memref<2560x128xi32, #tpu.memory_space<hbm>> -> memref<16x128xi32, #tpu.memory_space<hbm>>
          %dma_start3A_133 = arith.constant 0 : i32
          %dma_start3A_134 = tpu.memref_slice %arg3[%add3A_109, %dma_start3A_133] : memref<2560x128xi32, #tpu.memory_space<hbm>> -> memref<16x128xi32, #tpu.memory_space<hbm>>
          tpu.enqueue_dma source(%dma_start3A_134 : memref<16x128xi32, #tpu.memory_space<hbm>>) target(%arg6 : memref<16x128xi32, #tpu.memory_space<vmem>>) target_semaphore(%run_scoped3A : memref<!tpu.dma_semaphore, #tpu.memory_space<semaphore_mem>>)
          %dma_wait3A = arith.constant 0 : i32
          %dma_wait3A_135 = tpu.memref_slice %arg3[%add3A_109, %dma_wait3A] : memref<2560x128xi32, #tpu.memory_space<hbm>> -> memref<16x128xi32, #tpu.memory_space<hbm>>
          %dma_wait3A_136 = arith.constant 0 : i32
          %dma_wait3A_137 = tpu.memref_slice %arg3[%add3A_109, %dma_wait3A_136] : memref<2560x128xi32, #tpu.memory_space<hbm>> -> memref<16x128xi32, #tpu.memory_space<hbm>>
          tpu.wait_dma2 semaphore(%run_scoped3A : memref<!tpu.dma_semaphore, #tpu.memory_space<semaphore_mem>>) src(%dma_wait3A_137 : memref<16x128xi32, #tpu.memory_space<hbm>>) dst(%arg6 : memref<16x128xi32, #tpu.memory_space<vmem>>)
          tpu.yield
        }) : () -> ()
        "tpu.region"() ({
          %run_scoped3A = tpu.sem_alloc : memref<!tpu.dma_semaphore, #tpu.memory_space<semaphore_mem>>
          %dma_start3A_131 = arith.constant 0 : i32
          %dma_start3A_132 = tpu.memref_slice %arg4[%add3A_109, %dma_start3A_131] : memref<2560x128xi32, #tpu.memory_space<hbm>> -> memref<16x128xi32, #tpu.memory_space<hbm>>
          %dma_start3A_133 = arith.constant 0 : i32
          %dma_start3A_134 = tpu.memref_slice %arg4[%add3A_109, %dma_start3A_133] : memref<2560x128xi32, #tpu.memory_space<hbm>> -> memref<16x128xi32, #tpu.memory_space<hbm>>
          tpu.enqueue_dma source(%dma_start3A_134 : memref<16x128xi32, #tpu.memory_space<hbm>>) target(%arg7 : memref<16x128xi32, #tpu.memory_space<vmem>>) target_semaphore(%run_scoped3A : memref<!tpu.dma_semaphore, #tpu.memory_space<semaphore_mem>>)
          %dma_wait3A = arith.constant 0 : i32
          %dma_wait3A_135 = tpu.memref_slice %arg4[%add3A_109, %dma_wait3A] : memref<2560x128xi32, #tpu.memory_space<hbm>> -> memref<16x128xi32, #tpu.memory_space<hbm>>
          %dma_wait3A_136 = arith.constant 0 : i32
          %dma_wait3A_137 = tpu.memref_slice %arg4[%add3A_109, %dma_wait3A_136] : memref<2560x128xi32, #tpu.memory_space<hbm>> -> memref<16x128xi32, #tpu.memory_space<hbm>>
          tpu.wait_dma2 semaphore(%run_scoped3A : memref<!tpu.dma_semaphore, #tpu.memory_space<semaphore_mem>>) src(%dma_wait3A_137 : memref<16x128xi32, #tpu.memory_space<hbm>>) dst(%arg7 : memref<16x128xi32, #tpu.memory_space<vmem>>)
          tpu.yield
        }) : () -> ()
        %dma_start3A_117 = arith.constant 0 : i32
        %dma_start3A_118 = arith.constant 0 : i32
        %dma_start3A_119 = tpu.memref_slice %arg6[%dma_start3A_117, %dma_start3A_118] : memref<16x128xi32, #tpu.memory_space<vmem>> -> memref<1x128xi32, #tpu.memory_space<vmem>>
        %dma_start3A_120 = tpu.memref_squeeze %dma_start3A_119 : memref<1x128xi32, #tpu.memory_space<vmem>> -> memref<128xi32, #tpu.memory_space<vmem>>
        %dma_start3A_121 = arith.constant 0 : i32
        %dma_start3A_122 = arith.constant 0 : i32
        %dma_start3A_123 = tpu.memref_slice %arg2[%dma_start3A_121, %dma_start3A_122] : memref<10240x128xf32, #tpu.memory_space<hbm>> -> memref<10240x128xf32, #tpu.memory_space<hbm>>
        tpu.enqueue_indirect_dma source(%dma_start3A_123 : memref<10240x128xf32, #tpu.memory_space<hbm>>) target(%arg8 : memref<128x128xf32, #tpu.memory_space<vmem>>) offsets(%dma_start3A_120 : memref<128xi32, #tpu.memory_space<vmem>>) semaphore(%arg12 : memref<!tpu.dma_semaphore, #tpu.memory_space<semaphore_mem>>)
        %dma_start3A_124 = arith.constant 1 : i32
        %dma_start3A_125 = arith.constant 0 : i32
        %dma_start3A_126 = tpu.memref_slice %arg6[%dma_start3A_124, %dma_start3A_125] : memref<16x128xi32, #tpu.memory_space<vmem>> -> memref<1x128xi32, #tpu.memory_space<vmem>>
        %dma_start3A_127 = tpu.memref_squeeze %dma_start3A_126 : memref<1x128xi32, #tpu.memory_space<vmem>> -> memref<128xi32, #tpu.memory_space<vmem>>
        %dma_start3A_128 = arith.constant 0 : i32
        %dma_start3A_129 = arith.constant 0 : i32
        %dma_start3A_130 = tpu.memref_slice %arg2[%dma_start3A_128, %dma_start3A_129] : memref<10240x128xf32, #tpu.memory_space<hbm>> -> memref<10240x128xf32, #tpu.memory_space<hbm>>
        tpu.enqueue_indirect_dma source(%dma_start3A_130 : memref<10240x128xf32, #tpu.memory_space<hbm>>) target(%arg9 : memref<128x128xf32, #tpu.memory_space<vmem>>) offsets(%dma_start3A_127 : memref<128xi32, #tpu.memory_space<vmem>>) semaphore(%arg13 : memref<!tpu.dma_semaphore, #tpu.memory_space<semaphore_mem>>)
      } else {
      }
      %scan3A_112 = arith.constant 0 : i32
      %scan3A_113 = arith.constant 8 : i32
      %scan3A_114 = arith.addi %scan3A_112, %scan3A_113 : i32
      %scan3A_115 = arith.constant 1 : i32
      scf.for %scan3A_117 = %scan3A_112 to %scan3A_114 step %scan3A_115  : i32 {
        %mul3A_118 = arith.constant 2 : i32
        %mul3A_119 = arith.muli %scan3A_117, %mul3A_118 : i32
        %add3A_120 = arith.constant 0 : i32
        %add3A_121 = arith.addi %add3A_120, %mul3A_119 : i32
        %add3A_122 = arith.constant 0 : i32
        %add3A_123 = arith.addi %add3A_121, %add3A_122 : i32
        %dma_wait3A = arith.constant 0 : i32
        %dma_wait3A_124 = tpu.memref_slice %arg6[%add3A_123, %dma_wait3A] : memref<16x128xi32, #tpu.memory_space<vmem>> -> memref<1x128xi32, #tpu.memory_space<vmem>>
        %dma_wait3A_125 = tpu.memref_squeeze %dma_wait3A_124 : memref<1x128xi32, #tpu.memory_space<vmem>> -> memref<128xi32, #tpu.memory_space<vmem>>
        %dma_wait3A_126 = arith.constant 0 : i32
        %dma_wait3A_127 = arith.constant 0 : i32
        %dma_wait3A_128 = tpu.memref_slice %arg2[%dma_wait3A_126, %dma_wait3A_127] : memref<10240x128xf32, #tpu.memory_space<hbm>> -> memref<10240x128xf32, #tpu.memory_space<hbm>>
        tpu.wait_indirect_dma semaphore(%arg12 : memref<!tpu.dma_semaphore, #tpu.memory_space<semaphore_mem>>) src(%dma_wait3A_128 : memref<10240x128xf32, #tpu.memory_space<hbm>>) dst(%arg8 : memref<128x128xf32, #tpu.memory_space<vmem>>)
        "tpu.region"() ({
          %run_scoped3A = tpu.sem_alloc : memref<!tpu.dma_semaphore, #tpu.memory_space<semaphore_mem>>
          %dma_start3A_150 = arith.constant 0 : i32
          %dma_start3A_151 = tpu.memref_slice %arg7[%add3A_123, %dma_start3A_150] : memref<16x128xi32, #tpu.memory_space<vmem>> -> memref<1x128xi32, #tpu.memory_space<vmem>>
          %dma_start3A_152 = tpu.memref_squeeze %dma_start3A_151 : memref<1x128xi32, #tpu.memory_space<vmem>> -> memref<128xi32, #tpu.memory_space<vmem>>
          %dma_start3A_153 = arith.constant 0 : i32
          %dma_start3A_154 = arith.constant 0 : i32
          %dma_start3A_155 = tpu.memref_slice %arg11[%dma_start3A_153, %dma_start3A_154] : memref<10240x128xf32, #tpu.memory_space<vmem_shared>> -> memref<10240x128xf32, #tpu.memory_space<vmem_shared>>
          tpu.enqueue_indirect_dma source(%arg8 : memref<128x128xf32, #tpu.memory_space<vmem>>) target(%dma_start3A_155 : memref<10240x128xf32, #tpu.memory_space<vmem_shared>>) offsets(%dma_start3A_152 : memref<128xi32, #tpu.memory_space<vmem>>) semaphore(%run_scoped3A : memref<!tpu.dma_semaphore, #tpu.memory_space<semaphore_mem>>) {add = true}
          %dma_wait3A_156 = arith.constant 0 : i32
          %dma_wait3A_157 = tpu.memref_slice %arg7[%add3A_123, %dma_wait3A_156] : memref<16x128xi32, #tpu.memory_space<vmem>> -> memref<1x128xi32, #tpu.memory_space<vmem>>
          %dma_wait3A_158 = tpu.memref_squeeze %dma_wait3A_157 : memref<1x128xi32, #tpu.memory_space<vmem>> -> memref<128xi32, #tpu.memory_space<vmem>>
          %dma_wait3A_159 = arith.constant 0 : i32
          %dma_wait3A_160 = arith.constant 0 : i32
          %dma_wait3A_161 = tpu.memref_slice %arg11[%dma_wait3A_159, %dma_wait3A_160] : memref<10240x128xf32, #tpu.memory_space<vmem_shared>> -> memref<10240x128xf32, #tpu.memory_space<vmem_shared>>
          tpu.wait_indirect_dma semaphore(%run_scoped3A : memref<!tpu.dma_semaphore, #tpu.memory_space<semaphore_mem>>) src(%arg8 : memref<128x128xf32, #tpu.memory_space<vmem>>) dst(%dma_wait3A_161 : memref<10240x128xf32, #tpu.memory_space<vmem_shared>>)
          tpu.yield
        }) : () -> ()
        %add3A_129 = arith.constant 2 : i32
        %add3A_130 = arith.addi %add3A_123, %add3A_129 : i32
        %lt3A = arith.constant 16 : i32
        %lt3A_131 = arith.cmpi slt, %add3A_130, %lt3A : i32
        %convert_element_type3A_132 = arith.extui %lt3A_131 : i1 to i32
        %cond3A_133 = arith.constant 0 : i32
        %cond3A_134 = arith.cmpi ne, %convert_element_type3A_132, %cond3A_133 : i32
        scf.if %cond3A_134 {
          %add3A_150 = arith.constant 2 : i32
          %add3A_151 = arith.addi %add3A_123, %add3A_150 : i32
          %dma_start3A_152 = arith.constant 0 : i32
          %dma_start3A_153 = tpu.memref_slice %arg6[%add3A_151, %dma_start3A_152] : memref<16x128xi32, #tpu.memory_space<vmem>> -> memref<1x128xi32, #tpu.memory_space<vmem>>
          %dma_start3A_154 = tpu.memref_squeeze %dma_start3A_153 : memref<1x128xi32, #tpu.memory_space<vmem>> -> memref<128xi32, #tpu.memory_space<vmem>>
          %dma_start3A_155 = arith.constant 0 : i32
          %dma_start3A_156 = arith.constant 0 : i32
          %dma_start3A_157 = tpu.memref_slice %arg2[%dma_start3A_155, %dma_start3A_156] : memref<10240x128xf32, #tpu.memory_space<hbm>> -> memref<10240x128xf32, #tpu.memory_space<hbm>>
          tpu.enqueue_indirect_dma source(%dma_start3A_157 : memref<10240x128xf32, #tpu.memory_space<hbm>>) target(%arg8 : memref<128x128xf32, #tpu.memory_space<vmem>>) offsets(%dma_start3A_154 : memref<128xi32, #tpu.memory_space<vmem>>) semaphore(%arg12 : memref<!tpu.dma_semaphore, #tpu.memory_space<semaphore_mem>>)
        } else {
        }
        %add3A_135 = arith.constant 1 : i32
        %add3A_136 = arith.addi %add3A_121, %add3A_135 : i32
        %dma_wait3A_137 = arith.constant 0 : i32
        %dma_wait3A_138 = tpu.memref_slice %arg6[%add3A_136, %dma_wait3A_137] : memref<16x128xi32, #tpu.memory_space<vmem>> -> memref<1x128xi32, #tpu.memory_space<vmem>>
        %dma_wait3A_139 = tpu.memref_squeeze %dma_wait3A_138 : memref<1x128xi32, #tpu.memory_space<vmem>> -> memref<128xi32, #tpu.memory_space<vmem>>
        %dma_wait3A_140 = arith.constant 0 : i32
        %dma_wait3A_141 = arith.constant 0 : i32
        %dma_wait3A_142 = tpu.memref_slice %arg2[%dma_wait3A_140, %dma_wait3A_141] : memref<10240x128xf32, #tpu.memory_space<hbm>> -> memref<10240x128xf32, #tpu.memory_space<hbm>>
        tpu.wait_indirect_dma semaphore(%arg13 : memref<!tpu.dma_semaphore, #tpu.memory_space<semaphore_mem>>) src(%dma_wait3A_142 : memref<10240x128xf32, #tpu.memory_space<hbm>>) dst(%arg9 : memref<128x128xf32, #tpu.memory_space<vmem>>)
        "tpu.region"() ({
          %run_scoped3A = tpu.sem_alloc : memref<!tpu.dma_semaphore, #tpu.memory_space<semaphore_mem>>
          %dma_start3A_150 = arith.constant 0 : i32
          %dma_start3A_151 = tpu.memref_slice %arg7[%add3A_136, %dma_start3A_150] : memref<16x128xi32, #tpu.memory_space<vmem>> -> memref<1x128xi32, #tpu.memory_space<vmem>>
          %dma_start3A_152 = tpu.memref_squeeze %dma_start3A_151 : memref<1x128xi32, #tpu.memory_space<vmem>> -> memref<128xi32, #tpu.memory_space<vmem>>
          %dma_start3A_153 = arith.constant 0 : i32
          %dma_start3A_154 = arith.constant 0 : i32
          %dma_start3A_155 = tpu.memref_slice %arg11[%dma_start3A_153, %dma_start3A_154] : memref<10240x128xf32, #tpu.memory_space<vmem_shared>> -> memref<10240x128xf32, #tpu.memory_space<vmem_shared>>
          tpu.enqueue_indirect_dma source(%arg9 : memref<128x128xf32, #tpu.memory_space<vmem>>) target(%dma_start3A_155 : memref<10240x128xf32, #tpu.memory_space<vmem_shared>>) offsets(%dma_start3A_152 : memref<128xi32, #tpu.memory_space<vmem>>) semaphore(%run_scoped3A : memref<!tpu.dma_semaphore, #tpu.memory_space<semaphore_mem>>) {add = true}
          %dma_wait3A_156 = arith.constant 0 : i32
          %dma_wait3A_157 = tpu.memref_slice %arg7[%add3A_136, %dma_wait3A_156] : memref<16x128xi32, #tpu.memory_space<vmem>> -> memref<1x128xi32, #tpu.memory_space<vmem>>
          %dma_wait3A_158 = tpu.memref_squeeze %dma_wait3A_157 : memref<1x128xi32, #tpu.memory_space<vmem>> -> memref<128xi32, #tpu.memory_space<vmem>>
          %dma_wait3A_159 = arith.constant 0 : i32
          %dma_wait3A_160 = arith.constant 0 : i32
          %dma_wait3A_161 = tpu.memref_slice %arg11[%dma_wait3A_159, %dma_wait3A_160] : memref<10240x128xf32, #tpu.memory_space<vmem_shared>> -> memref<10240x128xf32, #tpu.memory_space<vmem_shared>>
          tpu.wait_indirect_dma semaphore(%run_scoped3A : memref<!tpu.dma_semaphore, #tpu.memory_space<semaphore_mem>>) src(%arg9 : memref<128x128xf32, #tpu.memory_space<vmem>>) dst(%dma_wait3A_161 : memref<10240x128xf32, #tpu.memory_space<vmem_shared>>)
          tpu.yield
        }) : () -> ()
        %add3A_143 = arith.constant 2 : i32
        %add3A_144 = arith.addi %add3A_136, %add3A_143 : i32
        %lt3A_145 = arith.constant 16 : i32
        %lt3A_146 = arith.cmpi slt, %add3A_144, %lt3A_145 : i32
        %convert_element_type3A_147 = arith.extui %lt3A_146 : i1 to i32
        %cond3A_148 = arith.constant 0 : i32
        %cond3A_149 = arith.cmpi ne, %convert_element_type3A_147, %cond3A_148 : i32
        scf.if %cond3A_149 {
          %add3A_150 = arith.constant 2 : i32
          %add3A_151 = arith.addi %add3A_136, %add3A_150 : i32
          %dma_start3A_152 = arith.constant 0 : i32
          %dma_start3A_153 = tpu.memref_slice %arg6[%add3A_151, %dma_start3A_152] : memref<16x128xi32, #tpu.memory_space<vmem>> -> memref<1x128xi32, #tpu.memory_space<vmem>>
          %dma_start3A_154 = tpu.memref_squeeze %dma_start3A_153 : memref<1x128xi32, #tpu.memory_space<vmem>> -> memref<128xi32, #tpu.memory_space<vmem>>
          %dma_start3A_155 = arith.constant 0 : i32
          %dma_start3A_156 = arith.constant 0 : i32
          %dma_start3A_157 = tpu.memref_slice %arg2[%dma_start3A_155, %dma_start3A_156] : memref<10240x128xf32, #tpu.memory_space<hbm>> -> memref<10240x128xf32, #tpu.memory_space<hbm>>
          tpu.enqueue_indirect_dma source(%dma_start3A_157 : memref<10240x128xf32, #tpu.memory_space<hbm>>) target(%arg9 : memref<128x128xf32, #tpu.memory_space<vmem>>) offsets(%dma_start3A_154 : memref<128xi32, #tpu.memory_space<vmem>>) semaphore(%arg13 : memref<!tpu.dma_semaphore, #tpu.memory_space<semaphore_mem>>)
        } else {
        }
      }
      %scan3A_116 = arith.constant 8 : i32
    }
    %while3A_82 = arith.constant 1 : i32
    scf.for %while3A_104 = %while3A_80 to %while3A_76 step %while3A_82  : i32 {
      %mul3A_105 = arith.muli %while3A_104, %while3A : i32
      %add3A_106 = arith.addi %while3A_73, %mul3A_105 : i32
      %mul3A_107 = arith.constant 16 : i32
      %mul3A_108 = arith.muli %add3A_106, %mul3A_107 : i32
      %add3A_109 = arith.addi %select_n3A, %mul3A_108 : i32
      %gt3A = arith.constant 0 : i32
      %gt3A_110 = arith.cmpi sgt, %add3A_106, %gt3A : i32
      %convert_element_type3A = arith.extui %gt3A_110 : i1 to i32
      %cond3A = arith.constant 0 : i32
      %cond3A_111 = arith.cmpi ne, %convert_element_type3A, %cond3A : i32
      scf.if %cond3A_111 {
        "tpu.region"() ({
          %run_scoped3A = tpu.sem_alloc : memref<!tpu.dma_semaphore, #tpu.memory_space<semaphore_mem>>
          %dma_start3A_131 = arith.constant 0 : i32
          %dma_start3A_132 = tpu.memref_slice %arg3[%add3A_109, %dma_start3A_131] : memref<2560x128xi32, #tpu.memory_space<hbm>> -> memref<16x128xi32, #tpu.memory_space<hbm>>
          %dma_start3A_133 = arith.constant 0 : i32
          %dma_start3A_134 = tpu.memref_slice %arg3[%add3A_109, %dma_start3A_133] : memref<2560x128xi32, #tpu.memory_space<hbm>> -> memref<16x128xi32, #tpu.memory_space<hbm>>
          tpu.enqueue_dma source(%dma_start3A_134 : memref<16x128xi32, #tpu.memory_space<hbm>>) target(%arg6 : memref<16x128xi32, #tpu.memory_space<vmem>>) target_semaphore(%run_scoped3A : memref<!tpu.dma_semaphore, #tpu.memory_space<semaphore_mem>>)
          %dma_wait3A = arith.constant 0 : i32
          %dma_wait3A_135 = tpu.memref_slice %arg3[%add3A_109, %dma_wait3A] : memref<2560x128xi32, #tpu.memory_space<hbm>> -> memref<16x128xi32, #tpu.memory_space<hbm>>
          %dma_wait3A_136 = arith.constant 0 : i32
          %dma_wait3A_137 = tpu.memref_slice %arg3[%add3A_109, %dma_wait3A_136] : memref<2560x128xi32, #tpu.memory_space<hbm>> -> memref<16x128xi32, #tpu.memory_space<hbm>>
          tpu.wait_dma2 semaphore(%run_scoped3A : memref<!tpu.dma_semaphore, #tpu.memory_space<semaphore_mem>>) src(%dma_wait3A_137 : memref<16x128xi32, #tpu.memory_space<hbm>>) dst(%arg6 : memref<16x128xi32, #tpu.memory_space<vmem>>)
          tpu.yield
        }) : () -> ()
        "tpu.region"() ({
          %run_scoped3A = tpu.sem_alloc : memref<!tpu.dma_semaphore, #tpu.memory_space<semaphore_mem>>
          %dma_start3A_131 = arith.constant 0 : i32
          %dma_start3A_132 = tpu.memref_slice %arg4[%add3A_109, %dma_start3A_131] : memref<2560x128xi32, #tpu.memory_space<hbm>> -> memref<16x128xi32, #tpu.memory_space<hbm>>
          %dma_start3A_133 = arith.constant 0 : i32
          %dma_start3A_134 = tpu.memref_slice %arg4[%add3A_109, %dma_start3A_133] : memref<2560x128xi32, #tpu.memory_space<hbm>> -> memref<16x128xi32, #tpu.memory_space<hbm>>
          tpu.enqueue_dma source(%dma_start3A_134 : memref<16x128xi32, #tpu.memory_space<hbm>>) target(%arg7 : memref<16x128xi32, #tpu.memory_space<vmem>>) target_semaphore(%run_scoped3A : memref<!tpu.dma_semaphore, #tpu.memory_space<semaphore_mem>>)
          %dma_wait3A = arith.constant 0 : i32
          %dma_wait3A_135 = tpu.memref_slice %arg4[%add3A_109, %dma_wait3A] : memref<2560x128xi32, #tpu.memory_space<hbm>> -> memref<16x128xi32, #tpu.memory_space<hbm>>
          %dma_wait3A_136 = arith.constant 0 : i32
          %dma_wait3A_137 = tpu.memref_slice %arg4[%add3A_109, %dma_wait3A_136] : memref<2560x128xi32, #tpu.memory_space<hbm>> -> memref<16x128xi32, #tpu.memory_space<hbm>>
          tpu.wait_dma2 semaphore(%run_scoped3A : memref<!tpu.dma_semaphore, #tpu.memory_space<semaphore_mem>>) src(%dma_wait3A_137 : memref<16x128xi32, #tpu.memory_space<hbm>>) dst(%arg7 : memref<16x128xi32, #tpu.memory_space<vmem>>)
          tpu.yield
        }) : () -> ()
        %dma_start3A_117 = arith.constant 0 : i32
        %dma_start3A_118 = arith.constant 0 : i32
        %dma_start3A_119 = tpu.memref_slice %arg6[%dma_start3A_117, %dma_start3A_118] : memref<16x128xi32, #tpu.memory_space<vmem>> -> memref<1x128xi32, #tpu.memory_space<vmem>>
        %dma_start3A_120 = tpu.memref_squeeze %dma_start3A_119 : memref<1x128xi32, #tpu.memory_space<vmem>> -> memref<128xi32, #tpu.memory_space<vmem>>
        %dma_start3A_121 = arith.constant 0 : i32
        %dma_start3A_122 = arith.constant 0 : i32
        %dma_start3A_123 = tpu.memref_slice %arg2[%dma_start3A_121, %dma_start3A_122] : memref<10240x128xf32, #tpu.memory_space<hbm>> -> memref<10240x128xf32, #tpu.memory_space<hbm>>
        tpu.enqueue_indirect_dma source(%dma_start3A_123 : memref<10240x128xf32, #tpu.memory_space<hbm>>) target(%arg8 : memref<128x128xf32, #tpu.memory_space<vmem>>) offsets(%dma_start3A_120 : memref<128xi32, #tpu.memory_space<vmem>>) semaphore(%arg12 : memref<!tpu.dma_semaphore, #tpu.memory_space<semaphore_mem>>)
        %dma_start3A_124 = arith.constant 1 : i32
        %dma_start3A_125 = arith.constant 0 : i32
        %dma_start3A_126 = tpu.memref_slice %arg6[%dma_start3A_124, %dma_start3A_125] : memref<16x128xi32, #tpu.memory_space<vmem>> -> memref<1x128xi32, #tpu.memory_space<vmem>>
        %dma_start3A_127 = tpu.memref_squeeze %dma_start3A_126 : memref<1x128xi32, #tpu.memory_space<vmem>> -> memref<128xi32, #tpu.memory_space<vmem>>
        %dma_start3A_128 = arith.constant 0 : i32
        %dma_start3A_129 = arith.constant 0 : i32
        %dma_start3A_130 = tpu.memref_slice %arg2[%dma_start3A_128, %dma_start3A_129] : memref<10240x128xf32, #tpu.memory_space<hbm>> -> memref<10240x128xf32, #tpu.memory_space<hbm>>
        tpu.enqueue_indirect_dma source(%dma_start3A_130 : memref<10240x128xf32, #tpu.memory_space<hbm>>) target(%arg9 : memref<128x128xf32, #tpu.memory_space<vmem>>) offsets(%dma_start3A_127 : memref<128xi32, #tpu.memory_space<vmem>>) semaphore(%arg13 : memref<!tpu.dma_semaphore, #tpu.memory_space<semaphore_mem>>)
      } else {
      }
      %scan3A_112 = arith.constant 0 : i32
      %scan3A_113 = arith.constant 8 : i32
      %scan3A_114 = arith.addi %scan3A_112, %scan3A_113 : i32
      %scan3A_115 = arith.constant 1 : i32
      scf.for %scan3A_117 = %scan3A_112 to %scan3A_114 step %scan3A_115  : i32 {
        %mul3A_118 = arith.constant 2 : i32
        %mul3A_119 = arith.muli %scan3A_117, %mul3A_118 : i32
        %add3A_120 = arith.constant 0 : i32
        %add3A_121 = arith.addi %add3A_120, %mul3A_119 : i32
        %add3A_122 = arith.constant 0 : i32
        %add3A_123 = arith.addi %add3A_121, %add3A_122 : i32
        %dma_wait3A = arith.constant 0 : i32
        %dma_wait3A_124 = tpu.memref_slice %arg6[%add3A_123, %dma_wait3A] : memref<16x128xi32, #tpu.memory_space<vmem>> -> memref<1x128xi32, #tpu.memory_space<vmem>>
        %dma_wait3A_125 = tpu.memref_squeeze %dma_wait3A_124 : memref<1x128xi32, #tpu.memory_space<vmem>> -> memref<128xi32, #tpu.memory_space<vmem>>
        %dma_wait3A_126 = arith.constant 0 : i32
        %dma_wait3A_127 = arith.constant 0 : i32
        %dma_wait3A_128 = tpu.memref_slice %arg2[%dma_wait3A_126, %dma_wait3A_127] : memref<10240x128xf32, #tpu.memory_space<hbm>> -> memref<10240x128xf32, #tpu.memory_space<hbm>>
        tpu.wait_indirect_dma semaphore(%arg12 : memref<!tpu.dma_semaphore, #tpu.memory_space<semaphore_mem>>) src(%dma_wait3A_128 : memref<10240x128xf32, #tpu.memory_space<hbm>>) dst(%arg8 : memref<128x128xf32, #tpu.memory_space<vmem>>)
        "tpu.region"() ({
          %run_scoped3A = tpu.sem_alloc : memref<!tpu.dma_semaphore, #tpu.memory_space<semaphore_mem>>
          %dma_start3A_150 = arith.constant 0 : i32
          %dma_start3A_151 = tpu.memref_slice %arg7[%add3A_123, %dma_start3A_150] : memref<16x128xi32, #tpu.memory_space<vmem>> -> memref<1x128xi32, #tpu.memory_space<vmem>>
          %dma_start3A_152 = tpu.memref_squeeze %dma_start3A_151 : memref<1x128xi32, #tpu.memory_space<vmem>> -> memref<128xi32, #tpu.memory_space<vmem>>
          %dma_start3A_153 = arith.constant 0 : i32
          %dma_start3A_154 = arith.constant 0 : i32
          %dma_start3A_155 = tpu.memref_slice %arg11[%dma_start3A_153, %dma_start3A_154] : memref<10240x128xf32, #tpu.memory_space<vmem_shared>> -> memref<10240x128xf32, #tpu.memory_space<vmem_shared>>
          tpu.enqueue_indirect_dma source(%arg8 : memref<128x128xf32, #tpu.memory_space<vmem>>) target(%dma_start3A_155 : memref<10240x128xf32, #tpu.memory_space<vmem_shared>>) offsets(%dma_start3A_152 : memref<128xi32, #tpu.memory_space<vmem>>) semaphore(%run_scoped3A : memref<!tpu.dma_semaphore, #tpu.memory_space<semaphore_mem>>) {add = true}
          %dma_wait3A_156 = arith.constant 0 : i32
          %dma_wait3A_157 = tpu.memref_slice %arg7[%add3A_123, %dma_wait3A_156] : memref<16x128xi32, #tpu.memory_space<vmem>> -> memref<1x128xi32, #tpu.memory_space<vmem>>
          %dma_wait3A_158 = tpu.memref_squeeze %dma_wait3A_157 : memref<1x128xi32, #tpu.memory_space<vmem>> -> memref<128xi32, #tpu.memory_space<vmem>>
          %dma_wait3A_159 = arith.constant 0 : i32
          %dma_wait3A_160 = arith.constant 0 : i32
          %dma_wait3A_161 = tpu.memref_slice %arg11[%dma_wait3A_159, %dma_wait3A_160] : memref<10240x128xf32, #tpu.memory_space<vmem_shared>> -> memref<10240x128xf32, #tpu.memory_space<vmem_shared>>
          tpu.wait_indirect_dma semaphore(%run_scoped3A : memref<!tpu.dma_semaphore, #tpu.memory_space<semaphore_mem>>) src(%arg8 : memref<128x128xf32, #tpu.memory_space<vmem>>) dst(%dma_wait3A_161 : memref<10240x128xf32, #tpu.memory_space<vmem_shared>>)
          tpu.yield
        }) : () -> ()
        %add3A_129 = arith.constant 2 : i32
        %add3A_130 = arith.addi %add3A_123, %add3A_129 : i32
        %lt3A = arith.constant 16 : i32
        %lt3A_131 = arith.cmpi slt, %add3A_130, %lt3A : i32
        %convert_element_type3A_132 = arith.extui %lt3A_131 : i1 to i32
        %cond3A_133 = arith.constant 0 : i32
        %cond3A_134 = arith.cmpi ne, %convert_element_type3A_132, %cond3A_133 : i32
        scf.if %cond3A_134 {
          %add3A_150 = arith.constant 2 : i32
          %add3A_151 = arith.addi %add3A_123, %add3A_150 : i32
          %dma_start3A_152 = arith.constant 0 : i32
          %dma_start3A_153 = tpu.memref_slice %arg6[%add3A_151, %dma_start3A_152] : memref<16x128xi32, #tpu.memory_space<vmem>> -> memref<1x128xi32, #tpu.memory_space<vmem>>
          %dma_start3A_154 = tpu.memref_squeeze %dma_start3A_153 : memref<1x128xi32, #tpu.memory_space<vmem>> -> memref<128xi32, #tpu.memory_space<vmem>>
          %dma_start3A_155 = arith.constant 0 : i32
          %dma_start3A_156 = arith.constant 0 : i32
          %dma_start3A_157 = tpu.memref_slice %arg2[%dma_start3A_155, %dma_start3A_156] : memref<10240x128xf32, #tpu.memory_space<hbm>> -> memref<10240x128xf32, #tpu.memory_space<hbm>>
          tpu.enqueue_indirect_dma source(%dma_start3A_157 : memref<10240x128xf32, #tpu.memory_space<hbm>>) target(%arg8 : memref<128x128xf32, #tpu.memory_space<vmem>>) offsets(%dma_start3A_154 : memref<128xi32, #tpu.memory_space<vmem>>) semaphore(%arg12 : memref<!tpu.dma_semaphore, #tpu.memory_space<semaphore_mem>>)
        } else {
        }
        %add3A_135 = arith.constant 1 : i32
        %add3A_136 = arith.addi %add3A_121, %add3A_135 : i32
        %dma_wait3A_137 = arith.constant 0 : i32
        %dma_wait3A_138 = tpu.memref_slice %arg6[%add3A_136, %dma_wait3A_137] : memref<16x128xi32, #tpu.memory_space<vmem>> -> memref<1x128xi32, #tpu.memory_space<vmem>>
        %dma_wait3A_139 = tpu.memref_squeeze %dma_wait3A_138 : memref<1x128xi32, #tpu.memory_space<vmem>> -> memref<128xi32, #tpu.memory_space<vmem>>
        %dma_wait3A_140 = arith.constant 0 : i32
        %dma_wait3A_141 = arith.constant 0 : i32
        %dma_wait3A_142 = tpu.memref_slice %arg2[%dma_wait3A_140, %dma_wait3A_141] : memref<10240x128xf32, #tpu.memory_space<hbm>> -> memref<10240x128xf32, #tpu.memory_space<hbm>>
        tpu.wait_indirect_dma semaphore(%arg13 : memref<!tpu.dma_semaphore, #tpu.memory_space<semaphore_mem>>) src(%dma_wait3A_142 : memref<10240x128xf32, #tpu.memory_space<hbm>>) dst(%arg9 : memref<128x128xf32, #tpu.memory_space<vmem>>)
        "tpu.region"() ({
          %run_scoped3A = tpu.sem_alloc : memref<!tpu.dma_semaphore, #tpu.memory_space<semaphore_mem>>
          %dma_start3A_150 = arith.constant 0 : i32
          %dma_start3A_151 = tpu.memref_slice %arg7[%add3A_136, %dma_start3A_150] : memref<16x128xi32, #tpu.memory_space<vmem>> -> memref<1x128xi32, #tpu.memory_space<vmem>>
          %dma_start3A_152 = tpu.memref_squeeze %dma_start3A_151 : memref<1x128xi32, #tpu.memory_space<vmem>> -> memref<128xi32, #tpu.memory_space<vmem>>
          %dma_start3A_153 = arith.constant 0 : i32
          %dma_start3A_154 = arith.constant 0 : i32
          %dma_start3A_155 = tpu.memref_slice %arg11[%dma_start3A_153, %dma_start3A_154] : memref<10240x128xf32, #tpu.memory_space<vmem_shared>> -> memref<10240x128xf32, #tpu.memory_space<vmem_shared>>
          tpu.enqueue_indirect_dma source(%arg9 : memref<128x128xf32, #tpu.memory_space<vmem>>) target(%dma_start3A_155 : memref<10240x128xf32, #tpu.memory_space<vmem_shared>>) offsets(%dma_start3A_152 : memref<128xi32, #tpu.memory_space<vmem>>) semaphore(%run_scoped3A : memref<!tpu.dma_semaphore, #tpu.memory_space<semaphore_mem>>) {add = true}
          %dma_wait3A_156 = arith.constant 0 : i32
          %dma_wait3A_157 = tpu.memref_slice %arg7[%add3A_136, %dma_wait3A_156] : memref<16x128xi32, #tpu.memory_space<vmem>> -> memref<1x128xi32, #tpu.memory_space<vmem>>
          %dma_wait3A_158 = tpu.memref_squeeze %dma_wait3A_157 : memref<1x128xi32, #tpu.memory_space<vmem>> -> memref<128xi32, #tpu.memory_space<vmem>>
          %dma_wait3A_159 = arith.constant 0 : i32
          %dma_wait3A_160 = arith.constant 0 : i32
          %dma_wait3A_161 = tpu.memref_slice %arg11[%dma_wait3A_159, %dma_wait3A_160] : memref<10240x128xf32, #tpu.memory_space<vmem_shared>> -> memref<10240x128xf32, #tpu.memory_space<vmem_shared>>
          tpu.wait_indirect_dma semaphore(%run_scoped3A : memref<!tpu.dma_semaphore, #tpu.memory_space<semaphore_mem>>) src(%arg9 : memref<128x128xf32, #tpu.memory_space<vmem>>) dst(%dma_wait3A_161 : memref<10240x128xf32, #tpu.memory_space<vmem_shared>>)
          tpu.yield
        }) : () -> ()
        %add3A_143 = arith.constant 2 : i32
        %add3A_144 = arith.addi %add3A_136, %add3A_143 : i32
        %lt3A_145 = arith.constant 16 : i32
        %lt3A_146 = arith.cmpi slt, %add3A_144, %lt3A_145 : i32
        %convert_element_type3A_147 = arith.extui %lt3A_146 : i1 to i32
        %cond3A_148 = arith.constant 0 : i32
        %cond3A_149 = arith.cmpi ne, %convert_element_type3A_147, %cond3A_148 : i32
        scf.if %cond3A_149 {
          %add3A_150 = arith.constant 2 : i32
          %add3A_151 = arith.addi %add3A_136, %add3A_150 : i32
          %dma_start3A_152 = arith.constant 0 : i32
          %dma_start3A_153 = tpu.memref_slice %arg6[%add3A_151, %dma_start3A_152] : memref<16x128xi32, #tpu.memory_space<vmem>> -> memref<1x128xi32, #tpu.memory_space<vmem>>
          %dma_start3A_154 = tpu.memref_squeeze %dma_start3A_153 : memref<1x128xi32, #tpu.memory_space<vmem>> -> memref<128xi32, #tpu.memory_space<vmem>>
          %dma_start3A_155 = arith.constant 0 : i32
          %dma_start3A_156 = arith.constant 0 : i32
          %dma_start3A_157 = tpu.memref_slice %arg2[%dma_start3A_155, %dma_start3A_156] : memref<10240x128xf32, #tpu.memory_space<hbm>> -> memref<10240x128xf32, #tpu.memory_space<hbm>>
          tpu.enqueue_indirect_dma source(%dma_start3A_157 : memref<10240x128xf32, #tpu.memory_space<hbm>>) target(%arg9 : memref<128x128xf32, #tpu.memory_space<vmem>>) offsets(%dma_start3A_154 : memref<128xi32, #tpu.memory_space<vmem>>) semaphore(%arg13 : memref<!tpu.dma_semaphore, #tpu.memory_space<semaphore_mem>>)
        } else {
        }
      }
      %scan3A_116 = arith.constant 8 : i32
    }
    %barrier3A_83 = arith.constant 0 : index
    tpu.barrier barrier_id(%barrier3A_83)
    %mul3A_84 = arith.constant 640 : i32
    %mul3A_85 = arith.muli %arg1, %mul3A_84 : i32
    %add3A_86 = arith.constant 0 : i32
    %add3A_87 = arith.addi %mul3A_85, %add3A_86 : i32
    "tpu.region"() ({
      %run_scoped3A = tpu.sem_alloc : memref<!tpu.dma_semaphore, #tpu.memory_space<semaphore_mem>>
      %dma_start3A_104 = arith.constant 0 : i32
      %dma_start3A_105 = tpu.memref_slice %arg5[%arg0, %add3A_87, %dma_start3A_104] : memref<2x10240x128xf32, #tpu.memory_space<hbm>> -> memref<1x128x128xf32, #tpu.memory_space<hbm>>
      %dma_start3A_106 = tpu.memref_squeeze %dma_start3A_105 : memref<1x128x128xf32, #tpu.memory_space<hbm>> -> memref<128x128xf32, #tpu.memory_space<hbm>>
      %dma_start3A_107 = arith.constant 0 : i32
      %dma_start3A_108 = tpu.memref_slice %arg11[%add3A_87, %dma_start3A_107] : memref<10240x128xf32, #tpu.memory_space<vmem_shared>> -> memref<128x128xf32, #tpu.memory_space<vmem_shared>>
      tpu.enqueue_dma source(%dma_start3A_108 : memref<128x128xf32, #tpu.memory_space<vmem_shared>>) target(%dma_start3A_106 : memref<128x128xf32, #tpu.memory_space<hbm>>) target_semaphore(%run_scoped3A : memref<!tpu.dma_semaphore, #tpu.memory_space<semaphore_mem>>)
      %dma_wait3A = arith.constant 0 : i32
      %dma_wait3A_109 = tpu.memref_slice %arg5[%arg0, %add3A_87, %dma_wait3A] : memref<2x10240x128xf32, #tpu.memory_space<hbm>> -> memref<1x128x128xf32, #tpu.memory_space<hbm>>
      %dma_wait3A_110 = tpu.memref_squeeze %dma_wait3A_109 : memref<1x128x128xf32, #tpu.memory_space<hbm>> -> memref<128x128xf32, #tpu.memory_space<hbm>>
      %dma_wait3A_111 = arith.constant 0 : i32
      %dma_wait3A_112 = tpu.memref_slice %arg11[%add3A_87, %dma_wait3A_111] : memref<10240x128xf32, #tpu.memory_space<vmem_shared>> -> memref<128x128xf32, #tpu.memory_space<vmem_shared>>
      tpu.wait_dma2 semaphore(%run_scoped3A : memref<!tpu.dma_semaphore, #tpu.memory_space<semaphore_mem>>) src(%dma_wait3A_112 : memref<128x128xf32, #tpu.memory_space<vmem_shared>>) dst(%dma_wait3A_110 : memref<128x128xf32, #tpu.memory_space<hbm>>)
      tpu.yield
    }) : () -> ()
    %mul3A_88 = arith.constant 640 : i32
    %mul3A_89 = arith.muli %arg1, %mul3A_88 : i32
    %add3A_90 = arith.constant 128 : i32
    %add3A_91 = arith.addi %mul3A_89, %add3A_90 : i32
    "tpu.region"() ({
      %run_scoped3A = tpu.sem_alloc : memref<!tpu.dma_semaphore, #tpu.memory_space<semaphore_mem>>
      %dma_start3A_104 = arith.constant 0 : i32
      %dma_start3A_105 = tpu.memref_slice %arg5[%arg0, %add3A_91, %dma_start3A_104] : memref<2x10240x128xf32, #tpu.memory_space<hbm>> -> memref<1x128x128xf32, #tpu.memory_space<hbm>>
      %dma_start3A_106 = tpu.memref_squeeze %dma_start3A_105 : memref<1x128x128xf32, #tpu.memory_space<hbm>> -> memref<128x128xf32, #tpu.memory_space<hbm>>
      %dma_start3A_107 = arith.constant 0 : i32
      %dma_start3A_108 = tpu.memref_slice %arg11[%add3A_91, %dma_start3A_107] : memref<10240x128xf32, #tpu.memory_space<vmem_shared>> -> memref<128x128xf32, #tpu.memory_space<vmem_shared>>
      tpu.enqueue_dma source(%dma_start3A_108 : memref<128x128xf32, #tpu.memory_space<vmem_shared>>) target(%dma_start3A_106 : memref<128x128xf32, #tpu.memory_space<hbm>>) target_semaphore(%run_scoped3A : memref<!tpu.dma_semaphore, #tpu.memory_space<semaphore_mem>>)
      %dma_wait3A = arith.constant 0 : i32
      %dma_wait3A_109 = tpu.memref_slice %arg5[%arg0, %add3A_91, %dma_wait3A] : memref<2x10240x128xf32, #tpu.memory_space<hbm>> -> memref<1x128x128xf32, #tpu.memory_space<hbm>>
      %dma_wait3A_110 = tpu.memref_squeeze %dma_wait3A_109 : memref<1x128x128xf32, #tpu.memory_space<hbm>> -> memref<128x128xf32, #tpu.memory_space<hbm>>
      %dma_wait3A_111 = arith.constant 0 : i32
      %dma_wait3A_112 = tpu.memref_slice %arg11[%add3A_91, %dma_wait3A_111] : memref<10240x128xf32, #tpu.memory_space<vmem_shared>> -> memref<128x128xf32, #tpu.memory_space<vmem_shared>>
      tpu.wait_dma2 semaphore(%run_scoped3A : memref<!tpu.dma_semaphore, #tpu.memory_space<semaphore_mem>>) src(%dma_wait3A_112 : memref<128x128xf32, #tpu.memory_space<vmem_shared>>) dst(%dma_wait3A_110 : memref<128x128xf32, #tpu.memory_space<hbm>>)
      tpu.yield
    }) : () -> ()
    %mul3A_92 = arith.constant 640 : i32
    %mul3A_93 = arith.muli %arg1, %mul3A_92 : i32
    %add3A_94 = arith.constant 256 : i32
    %add3A_95 = arith.addi %mul3A_93, %add3A_94 : i32
    "tpu.region"() ({
      %run_scoped3A = tpu.sem_alloc : memref<!tpu.dma_semaphore, #tpu.memory_space<semaphore_mem>>
      %dma_start3A_104 = arith.constant 0 : i32
      %dma_start3A_105 = tpu.memref_slice %arg5[%arg0, %add3A_95, %dma_start3A_104] : memref<2x10240x128xf32, #tpu.memory_space<hbm>> -> memref<1x128x128xf32, #tpu.memory_space<hbm>>
      %dma_start3A_106 = tpu.memref_squeeze %dma_start3A_105 : memref<1x128x128xf32, #tpu.memory_space<hbm>> -> memref<128x128xf32, #tpu.memory_space<hbm>>
      %dma_start3A_107 = arith.constant 0 : i32
      %dma_start3A_108 = tpu.memref_slice %arg11[%add3A_95, %dma_start3A_107] : memref<10240x128xf32, #tpu.memory_space<vmem_shared>> -> memref<128x128xf32, #tpu.memory_space<vmem_shared>>
      tpu.enqueue_dma source(%dma_start3A_108 : memref<128x128xf32, #tpu.memory_space<vmem_shared>>) target(%dma_start3A_106 : memref<128x128xf32, #tpu.memory_space<hbm>>) target_semaphore(%run_scoped3A : memref<!tpu.dma_semaphore, #tpu.memory_space<semaphore_mem>>)
      %dma_wait3A = arith.constant 0 : i32
      %dma_wait3A_109 = tpu.memref_slice %arg5[%arg0, %add3A_95, %dma_wait3A] : memref<2x10240x128xf32, #tpu.memory_space<hbm>> -> memref<1x128x128xf32, #tpu.memory_space<hbm>>
      %dma_wait3A_110 = tpu.memref_squeeze %dma_wait3A_109 : memref<1x128x128xf32, #tpu.memory_space<hbm>> -> memref<128x128xf32, #tpu.memory_space<hbm>>
      %dma_wait3A_111 = arith.constant 0 : i32
      %dma_wait3A_112 = tpu.memref_slice %arg11[%add3A_95, %dma_wait3A_111] : memref<10240x128xf32, #tpu.memory_space<vmem_shared>> -> memref<128x128xf32, #tpu.memory_space<vmem_shared>>
      tpu.wait_dma2 semaphore(%run_scoped3A : memref<!tpu.dma_semaphore, #tpu.memory_space<semaphore_mem>>) src(%dma_wait3A_112 : memref<128x128xf32, #tpu.memory_space<vmem_shared>>) dst(%dma_wait3A_110 : memref<128x128xf32, #tpu.memory_space<hbm>>)
      tpu.yield
    }) : () -> ()
    %mul3A_96 = arith.constant 640 : i32
    %mul3A_97 = arith.muli %arg1, %mul3A_96 : i32
    %add3A_98 = arith.constant 384 : i32
    %add3A_99 = arith.addi %mul3A_97, %add3A_98 : i32
    "tpu.region"() ({
      %run_scoped3A = tpu.sem_alloc : memref<!tpu.dma_semaphore, #tpu.memory_space<semaphore_mem>>
      %dma_start3A_104 = arith.constant 0 : i32
      %dma_start3A_105 = tpu.memref_slice %arg5[%arg0, %add3A_99, %dma_start3A_104] : memref<2x10240x128xf32, #tpu.memory_space<hbm>> -> memref<1x128x128xf32, #tpu.memory_space<hbm>>
      %dma_start3A_106 = tpu.memref_squeeze %dma_start3A_105 : memref<1x128x128xf32, #tpu.memory_space<hbm>> -> memref<128x128xf32, #tpu.memory_space<hbm>>
      %dma_start3A_107 = arith.constant 0 : i32
      %dma_start3A_108 = tpu.memref_slice %arg11[%add3A_99, %dma_start3A_107] : memref<10240x128xf32, #tpu.memory_space<vmem_shared>> -> memref<128x128xf32, #tpu.memory_space<vmem_shared>>
      tpu.enqueue_dma source(%dma_start3A_108 : memref<128x128xf32, #tpu.memory_space<vmem_shared>>) target(%dma_start3A_106 : memref<128x128xf32, #tpu.memory_space<hbm>>) target_semaphore(%run_scoped3A : memref<!tpu.dma_semaphore, #tpu.memory_space<semaphore_mem>>)
      %dma_wait3A = arith.constant 0 : i32
      %dma_wait3A_109 = tpu.memref_slice %arg5[%arg0, %add3A_99, %dma_wait3A] : memref<2x10240x128xf32, #tpu.memory_space<hbm>> -> memref<1x128x128xf32, #tpu.memory_space<hbm>>
      %dma_wait3A_110 = tpu.memref_squeeze %dma_wait3A_109 : memref<1x128x128xf32, #tpu.memory_space<hbm>> -> memref<128x128xf32, #tpu.memory_space<hbm>>
      %dma_wait3A_111 = arith.constant 0 : i32
      %dma_wait3A_112 = tpu.memref_slice %arg11[%add3A_99, %dma_wait3A_111] : memref<10240x128xf32, #tpu.memory_space<vmem_shared>> -> memref<128x128xf32, #tpu.memory_space<vmem_shared>>
      tpu.wait_dma2 semaphore(%run_scoped3A : memref<!tpu.dma_semaphore, #tpu.memory_space<semaphore_mem>>) src(%dma_wait3A_112 : memref<128x128xf32, #tpu.memory_space<vmem_shared>>) dst(%dma_wait3A_110 : memref<128x128xf32, #tpu.memory_space<hbm>>)
      tpu.yield
    }) : () -> ()
    %mul3A_100 = arith.constant 640 : i32
    %mul3A_101 = arith.muli %arg1, %mul3A_100 : i32
    %add3A_102 = arith.constant 512 : i32
    %add3A_103 = arith.addi %mul3A_101, %add3A_102 : i32
    "tpu.region"() ({
      %run_scoped3A = tpu.sem_alloc : memref<!tpu.dma_semaphore, #tpu.memory_space<semaphore_mem>>
      %dma_start3A_104 = arith.constant 0 : i32
      %dma_start3A_105 = tpu.memref_slice %arg5[%arg0, %add3A_103, %dma_start3A_104] : memref<2x10240x128xf32, #tpu.memory_space<hbm>> -> memref<1x128x128xf32, #tpu.memory_space<hbm>>
      %dma_start3A_106 = tpu.memref_squeeze %dma_start3A_105 : memref<1x128x128xf32, #tpu.memory_space<hbm>> -> memref<128x128xf32, #tpu.memory_space<hbm>>
      %dma_start3A_107 = arith.constant 0 : i32
      %dma_start3A_108 = tpu.memref_slice %arg11[%add3A_103, %dma_start3A_107] : memref<10240x128xf32, #tpu.memory_space<vmem_shared>> -> memref<128x128xf32, #tpu.memory_space<vmem_shared>>
      tpu.enqueue_dma source(%dma_start3A_108 : memref<128x128xf32, #tpu.memory_space<vmem_shared>>) target(%dma_start3A_106 : memref<128x128xf32, #tpu.memory_space<hbm>>) target_semaphore(%run_scoped3A : memref<!tpu.dma_semaphore, #tpu.memory_space<semaphore_mem>>)
      %dma_wait3A = arith.constant 0 : i32
      %dma_wait3A_109 = tpu.memref_slice %arg5[%arg0, %add3A_103, %dma_wait3A] : memref<2x10240x128xf32, #tpu.memory_space<hbm>> -> memref<1x128x128xf32, #tpu.memory_space<hbm>>
      %dma_wait3A_110 = tpu.memref_squeeze %dma_wait3A_109 : memref<1x128x128xf32, #tpu.memory_space<hbm>> -> memref<128x128xf32, #tpu.memory_space<hbm>>
      %dma_wait3A_111 = arith.constant 0 : i32
      %dma_wait3A_112 = tpu.memref_slice %arg11[%add3A_103, %dma_wait3A_111] : memref<10240x128xf32, #tpu.memory_space<vmem_shared>> -> memref<128x128xf32, #tpu.memory_space<vmem_shared>>
      tpu.wait_dma2 semaphore(%run_scoped3A : memref<!tpu.dma_semaphore, #tpu.memory_space<semaphore_mem>>) src(%dma_wait3A_112 : memref<128x128xf32, #tpu.memory_space<vmem_shared>>) dst(%dma_wait3A_110 : memref<128x128xf32, #tpu.memory_space<hbm>>)
      tpu.yield
    }) : () -> ()
    return
  }
}

#map = affine_map<(d0, d1) -> (0, 0, 0)>
module attributes {stable_mosaic.version = 14 : i64} {
  func.func @_hist_body(%arg0: i32, %arg1: i32, %arg2: memref<32x80x128xi32, #tpu.memory_space<hbm>>, %arg3: memref<2x10240x128xf32, #tpu.memory_space<hbm>>, %arg4: memref<80x128xi32, #tpu.memory_space<vmem>>, %arg5: memref<128x128xf32, #tpu.memory_space<vmem>>, %arg6: memref<10240x128xf32, #tpu.memory_space<vmem_shared>>) attributes {dimension_semantics = [#tpu.dimension_semantics<core_parallel>, #tpu.dimension_semantics<subcore_parallel>], iteration_bounds = array<i64: 2, 16>, scalar_prefetch = 0 : i64, scratch_operands = 3 : i64, tpu.core_type = #tpu.core_type<sc_vector_subcore>, window_params = [{transform_indices = #map}, {transform_indices = #map}]} {
    %mul3A = arith.constant 2 : i32
    %mul3A_0 = arith.muli %arg1, %mul3A : i32
    %add3A = arith.addi %mul3A_0, %arg0 : i32
    "tpu.region"() ({
      %run_scoped3A = tpu.sem_alloc : memref<!tpu.dma_semaphore, #tpu.memory_space<semaphore_mem>>
      %dma_start3A = arith.constant 0 : i32
      %dma_start3A_62 = arith.constant 0 : i32
      %dma_start3A_63 = tpu.memref_slice %arg2[%add3A, %dma_start3A, %dma_start3A_62] : memref<32x80x128xi32, #tpu.memory_space<hbm>> -> memref<1x80x128xi32, #tpu.memory_space<hbm>>
      %dma_start3A_64 = tpu.memref_squeeze %dma_start3A_63 : memref<1x80x128xi32, #tpu.memory_space<hbm>> -> memref<80x128xi32, #tpu.memory_space<hbm>>
      %dma_start3A_65 = arith.constant 0 : i32
      %dma_start3A_66 = arith.constant 0 : i32
      %dma_start3A_67 = tpu.memref_slice %arg2[%add3A, %dma_start3A_65, %dma_start3A_66] : memref<32x80x128xi32, #tpu.memory_space<hbm>> -> memref<1x80x128xi32, #tpu.memory_space<hbm>>
      %dma_start3A_68 = tpu.memref_squeeze %dma_start3A_67 : memref<1x80x128xi32, #tpu.memory_space<hbm>> -> memref<80x128xi32, #tpu.memory_space<hbm>>
      tpu.enqueue_dma source(%dma_start3A_68 : memref<80x128xi32, #tpu.memory_space<hbm>>) target(%arg4 : memref<80x128xi32, #tpu.memory_space<vmem>>) target_semaphore(%run_scoped3A : memref<!tpu.dma_semaphore, #tpu.memory_space<semaphore_mem>>)
      %dma_wait3A = arith.constant 0 : i32
      %dma_wait3A_69 = arith.constant 0 : i32
      %dma_wait3A_70 = tpu.memref_slice %arg2[%add3A, %dma_wait3A, %dma_wait3A_69] : memref<32x80x128xi32, #tpu.memory_space<hbm>> -> memref<1x80x128xi32, #tpu.memory_space<hbm>>
      %dma_wait3A_71 = tpu.memref_squeeze %dma_wait3A_70 : memref<1x80x128xi32, #tpu.memory_space<hbm>> -> memref<80x128xi32, #tpu.memory_space<hbm>>
      %dma_wait3A_72 = arith.constant 0 : i32
      %dma_wait3A_73 = arith.constant 0 : i32
      %dma_wait3A_74 = tpu.memref_slice %arg2[%add3A, %dma_wait3A_72, %dma_wait3A_73] : memref<32x80x128xi32, #tpu.memory_space<hbm>> -> memref<1x80x128xi32, #tpu.memory_space<hbm>>
      %dma_wait3A_75 = tpu.memref_squeeze %dma_wait3A_74 : memref<1x80x128xi32, #tpu.memory_space<hbm>> -> memref<80x128xi32, #tpu.memory_space<hbm>>
      tpu.wait_dma2 semaphore(%run_scoped3A : memref<!tpu.dma_semaphore, #tpu.memory_space<semaphore_mem>>) src(%dma_wait3A_75 : memref<80x128xi32, #tpu.memory_space<hbm>>) dst(%arg4 : memref<80x128xi32, #tpu.memory_space<vmem>>)
      tpu.yield
    }) : () -> ()
    %iota3A = tpu.iota {dimensions = array<i32: 0>} : vector<16xi32>
    %eq3A = arith.constant 0 : i32
    %eq3A_1 = vector.broadcast %eq3A : i32 to vector<16xi32>
    %eq3A_2 = arith.cmpi eq, %iota3A, %eq3A_1 : vector<16xi32>
    %jit3A = arith.constant 1.000000e+00 : f32
    %jit3A_3 = arith.constant 0.000000e+00 : f32
    %broadcast_in_dim3A = vector.broadcast %jit3A : f32 to vector<16xf32>
    %broadcast_in_dim3A_4 = vector.broadcast %jit3A_3 : f32 to vector<16xf32>
    %select_n3A = arith.select %eq3A_2, %broadcast_in_dim3A, %broadcast_in_dim3A_4 : vector<16xi1>, vector<16xf32>
    %broadcast_in_dim3A_5 = arith.constant 0.000000e+00 : f32
    %broadcast_in_dim3A_6 = vector.broadcast %broadcast_in_dim3A_5 : f32 to vector<16xf32>
    %scan3A = arith.constant 0 : i32
    %scan3A_7 = arith.constant 128 : i32
    %scan3A_8 = arith.addi %scan3A, %scan3A_7 : i32
    %scan3A_9 = arith.constant 1 : i32
    scf.for %scan3A_62 = %scan3A to %scan3A_8 step %scan3A_9  : i32 {
      %mul3A_63 = arith.constant 1 : i32
      %mul3A_64 = arith.muli %scan3A_62, %mul3A_63 : i32
      %add3A_65 = arith.constant 0 : i32
      %add3A_66 = arith.addi %add3A_65, %mul3A_64 : i32
      %swap3A = arith.index_cast %add3A_66 : i32 to index
      %swap3A_67 = arith.constant 0 : index
      %swap3A_68 = tpu.vector_load %arg5[%swap3A, %swap3A_67] {strides = array<i32>} : memref<128x128xf32, #tpu.memory_space<vmem>>, vector<1x16xf32>,
      %swap3A_69 = vector.shape_cast %swap3A_68 : vector<1x16xf32> to vector<16xf32>
      %swap3A_70 = vector.shape_cast %broadcast_in_dim3A_6 : vector<16xf32> to vector<1x16xf32>
      tpu.vector_store %arg5[%swap3A, %swap3A_67], %swap3A_70 {strides = array<i32>} : memref<128x128xf32, #tpu.memory_space<vmem>>, vector<1x16xf32>,
      %swap3A_71 = arith.index_cast %add3A_66 : i32 to index
      %swap3A_72 = arith.constant 16 : index
      %swap3A_73 = tpu.vector_load %arg5[%swap3A_71, %swap3A_72] {strides = array<i32>} : memref<128x128xf32, #tpu.memory_space<vmem>>, vector<1x16xf32>,
      %swap3A_74 = vector.shape_cast %swap3A_73 : vector<1x16xf32> to vector<16xf32>
      %swap3A_75 = vector.shape_cast %broadcast_in_dim3A_6 : vector<16xf32> to vector<1x16xf32>
      tpu.vector_store %arg5[%swap3A_71, %swap3A_72], %swap3A_75 {strides = array<i32>} : memref<128x128xf32, #tpu.memory_space<vmem>>, vector<1x16xf32>,
      %swap3A_76 = arith.index_cast %add3A_66 : i32 to index
      %swap3A_77 = arith.constant 32 : index
      %swap3A_78 = tpu.vector_load %arg5[%swap3A_76, %swap3A_77] {strides = array<i32>} : memref<128x128xf32, #tpu.memory_space<vmem>>, vector<1x16xf32>,
      %swap3A_79 = vector.shape_cast %swap3A_78 : vector<1x16xf32> to vector<16xf32>
      %swap3A_80 = vector.shape_cast %broadcast_in_dim3A_6 : vector<16xf32> to vector<1x16xf32>
      tpu.vector_store %arg5[%swap3A_76, %swap3A_77], %swap3A_80 {strides = array<i32>} : memref<128x128xf32, #tpu.memory_space<vmem>>, vector<1x16xf32>,
      %swap3A_81 = arith.index_cast %add3A_66 : i32 to index
      %swap3A_82 = arith.constant 48 : index
      %swap3A_83 = tpu.vector_load %arg5[%swap3A_81, %swap3A_82] {strides = array<i32>} : memref<128x128xf32, #tpu.memory_space<vmem>>, vector<1x16xf32>,
      %swap3A_84 = vector.shape_cast %swap3A_83 : vector<1x16xf32> to vector<16xf32>
      %swap3A_85 = vector.shape_cast %broadcast_in_dim3A_6 : vector<16xf32> to vector<1x16xf32>
      tpu.vector_store %arg5[%swap3A_81, %swap3A_82], %swap3A_85 {strides = array<i32>} : memref<128x128xf32, #tpu.memory_space<vmem>>, vector<1x16xf32>,
      %swap3A_86 = arith.index_cast %add3A_66 : i32 to index
      %swap3A_87 = arith.constant 64 : index
      %swap3A_88 = tpu.vector_load %arg5[%swap3A_86, %swap3A_87] {strides = array<i32>} : memref<128x128xf32, #tpu.memory_space<vmem>>, vector<1x16xf32>,
      %swap3A_89 = vector.shape_cast %swap3A_88 : vector<1x16xf32> to vector<16xf32>
      %swap3A_90 = vector.shape_cast %broadcast_in_dim3A_6 : vector<16xf32> to vector<1x16xf32>
      tpu.vector_store %arg5[%swap3A_86, %swap3A_87], %swap3A_90 {strides = array<i32>} : memref<128x128xf32, #tpu.memory_space<vmem>>, vector<1x16xf32>,
      %swap3A_91 = arith.index_cast %add3A_66 : i32 to index
      %swap3A_92 = arith.constant 80 : index
      %swap3A_93 = tpu.vector_load %arg5[%swap3A_91, %swap3A_92] {strides = array<i32>} : memref<128x128xf32, #tpu.memory_space<vmem>>, vector<1x16xf32>,
      %swap3A_94 = vector.shape_cast %swap3A_93 : vector<1x16xf32> to vector<16xf32>
      %swap3A_95 = vector.shape_cast %broadcast_in_dim3A_6 : vector<16xf32> to vector<1x16xf32>
      tpu.vector_store %arg5[%swap3A_91, %swap3A_92], %swap3A_95 {strides = array<i32>} : memref<128x128xf32, #tpu.memory_space<vmem>>, vector<1x16xf32>,
      %swap3A_96 = arith.index_cast %add3A_66 : i32 to index
      %swap3A_97 = arith.constant 96 : index
      %swap3A_98 = tpu.vector_load %arg5[%swap3A_96, %swap3A_97] {strides = array<i32>} : memref<128x128xf32, #tpu.memory_space<vmem>>, vector<1x16xf32>,
      %swap3A_99 = vector.shape_cast %swap3A_98 : vector<1x16xf32> to vector<16xf32>
      %swap3A_100 = vector.shape_cast %broadcast_in_dim3A_6 : vector<16xf32> to vector<1x16xf32>
      tpu.vector_store %arg5[%swap3A_96, %swap3A_97], %swap3A_100 {strides = array<i32>} : memref<128x128xf32, #tpu.memory_space<vmem>>, vector<1x16xf32>,
      %swap3A_101 = arith.index_cast %add3A_66 : i32 to index
      %swap3A_102 = arith.constant 112 : index
      %swap3A_103 = tpu.vector_load %arg5[%swap3A_101, %swap3A_102] {strides = array<i32>} : memref<128x128xf32, #tpu.memory_space<vmem>>, vector<1x16xf32>,
      %swap3A_104 = vector.shape_cast %swap3A_103 : vector<1x16xf32> to vector<16xf32>
      %swap3A_105 = vector.shape_cast %broadcast_in_dim3A_6 : vector<16xf32> to vector<1x16xf32>
      tpu.vector_store %arg5[%swap3A_101, %swap3A_102], %swap3A_105 {strides = array<i32>} : memref<128x128xf32, #tpu.memory_space<vmem>>, vector<1x16xf32>,
    }
    %scan3A_10 = arith.constant 128 : i32
    %mul3A_11 = arith.constant 640 : i32
    %mul3A_12 = arith.muli %arg1, %mul3A_11 : i32
    %add3A_13 = arith.constant 0 : i32
    %add3A_14 = arith.addi %mul3A_12, %add3A_13 : i32
    "tpu.region"() ({
      %run_scoped3A = tpu.sem_alloc : memref<!tpu.dma_semaphore, #tpu.memory_space<semaphore_mem>>
      %dma_start3A = arith.constant 0 : i32
      %dma_start3A_62 = tpu.memref_slice %arg6[%add3A_14, %dma_start3A] : memref<10240x128xf32, #tpu.memory_space<vmem_shared>> -> memref<128x128xf32, #tpu.memory_space<vmem_shared>>
      %dma_start3A_63 = arith.constant 0 : i32
      %dma_start3A_64 = tpu.memref_slice %arg6[%add3A_14, %dma_start3A_63] : memref<10240x128xf32, #tpu.memory_space<vmem_shared>> -> memref<128x128xf32, #tpu.memory_space<vmem_shared>>
      tpu.enqueue_dma source(%arg5 : memref<128x128xf32, #tpu.memory_space<vmem>>) target(%dma_start3A_64 : memref<128x128xf32, #tpu.memory_space<vmem_shared>>) target_semaphore(%run_scoped3A : memref<!tpu.dma_semaphore, #tpu.memory_space<semaphore_mem>>)
      %dma_wait3A = arith.constant 0 : i32
      %dma_wait3A_65 = tpu.memref_slice %arg6[%add3A_14, %dma_wait3A] : memref<10240x128xf32, #tpu.memory_space<vmem_shared>> -> memref<128x128xf32, #tpu.memory_space<vmem_shared>>
      %dma_wait3A_66 = arith.constant 0 : i32
      %dma_wait3A_67 = tpu.memref_slice %arg6[%add3A_14, %dma_wait3A_66] : memref<10240x128xf32, #tpu.memory_space<vmem_shared>> -> memref<128x128xf32, #tpu.memory_space<vmem_shared>>
      tpu.wait_dma2 semaphore(%run_scoped3A : memref<!tpu.dma_semaphore, #tpu.memory_space<semaphore_mem>>) src(%arg5 : memref<128x128xf32, #tpu.memory_space<vmem>>) dst(%dma_wait3A_67 : memref<128x128xf32, #tpu.memory_space<vmem_shared>>)
      tpu.yield
    }) : () -> ()
    %mul3A_15 = arith.constant 640 : i32
    %mul3A_16 = arith.muli %arg1, %mul3A_15 : i32
    %add3A_17 = arith.constant 128 : i32
    %add3A_18 = arith.addi %mul3A_16, %add3A_17 : i32
    "tpu.region"() ({
      %run_scoped3A = tpu.sem_alloc : memref<!tpu.dma_semaphore, #tpu.memory_space<semaphore_mem>>
      %dma_start3A = arith.constant 0 : i32
      %dma_start3A_62 = tpu.memref_slice %arg6[%add3A_18, %dma_start3A] : memref<10240x128xf32, #tpu.memory_space<vmem_shared>> -> memref<128x128xf32, #tpu.memory_space<vmem_shared>>
      %dma_start3A_63 = arith.constant 0 : i32
      %dma_start3A_64 = tpu.memref_slice %arg6[%add3A_18, %dma_start3A_63] : memref<10240x128xf32, #tpu.memory_space<vmem_shared>> -> memref<128x128xf32, #tpu.memory_space<vmem_shared>>
      tpu.enqueue_dma source(%arg5 : memref<128x128xf32, #tpu.memory_space<vmem>>) target(%dma_start3A_64 : memref<128x128xf32, #tpu.memory_space<vmem_shared>>) target_semaphore(%run_scoped3A : memref<!tpu.dma_semaphore, #tpu.memory_space<semaphore_mem>>)
      %dma_wait3A = arith.constant 0 : i32
      %dma_wait3A_65 = tpu.memref_slice %arg6[%add3A_18, %dma_wait3A] : memref<10240x128xf32, #tpu.memory_space<vmem_shared>> -> memref<128x128xf32, #tpu.memory_space<vmem_shared>>
      %dma_wait3A_66 = arith.constant 0 : i32
      %dma_wait3A_67 = tpu.memref_slice %arg6[%add3A_18, %dma_wait3A_66] : memref<10240x128xf32, #tpu.memory_space<vmem_shared>> -> memref<128x128xf32, #tpu.memory_space<vmem_shared>>
      tpu.wait_dma2 semaphore(%run_scoped3A : memref<!tpu.dma_semaphore, #tpu.memory_space<semaphore_mem>>) src(%arg5 : memref<128x128xf32, #tpu.memory_space<vmem>>) dst(%dma_wait3A_67 : memref<128x128xf32, #tpu.memory_space<vmem_shared>>)
      tpu.yield
    }) : () -> ()
    %mul3A_19 = arith.constant 640 : i32
    %mul3A_20 = arith.muli %arg1, %mul3A_19 : i32
    %add3A_21 = arith.constant 256 : i32
    %add3A_22 = arith.addi %mul3A_20, %add3A_21 : i32
    "tpu.region"() ({
      %run_scoped3A = tpu.sem_alloc : memref<!tpu.dma_semaphore, #tpu.memory_space<semaphore_mem>>
      %dma_start3A = arith.constant 0 : i32
      %dma_start3A_62 = tpu.memref_slice %arg6[%add3A_22, %dma_start3A] : memref<10240x128xf32, #tpu.memory_space<vmem_shared>> -> memref<128x128xf32, #tpu.memory_space<vmem_shared>>
      %dma_start3A_63 = arith.constant 0 : i32
      %dma_start3A_64 = tpu.memref_slice %arg6[%add3A_22, %dma_start3A_63] : memref<10240x128xf32, #tpu.memory_space<vmem_shared>> -> memref<128x128xf32, #tpu.memory_space<vmem_shared>>
      tpu.enqueue_dma source(%arg5 : memref<128x128xf32, #tpu.memory_space<vmem>>) target(%dma_start3A_64 : memref<128x128xf32, #tpu.memory_space<vmem_shared>>) target_semaphore(%run_scoped3A : memref<!tpu.dma_semaphore, #tpu.memory_space<semaphore_mem>>)
      %dma_wait3A = arith.constant 0 : i32
      %dma_wait3A_65 = tpu.memref_slice %arg6[%add3A_22, %dma_wait3A] : memref<10240x128xf32, #tpu.memory_space<vmem_shared>> -> memref<128x128xf32, #tpu.memory_space<vmem_shared>>
      %dma_wait3A_66 = arith.constant 0 : i32
      %dma_wait3A_67 = tpu.memref_slice %arg6[%add3A_22, %dma_wait3A_66] : memref<10240x128xf32, #tpu.memory_space<vmem_shared>> -> memref<128x128xf32, #tpu.memory_space<vmem_shared>>
      tpu.wait_dma2 semaphore(%run_scoped3A : memref<!tpu.dma_semaphore, #tpu.memory_space<semaphore_mem>>) src(%arg5 : memref<128x128xf32, #tpu.memory_space<vmem>>) dst(%dma_wait3A_67 : memref<128x128xf32, #tpu.memory_space<vmem_shared>>)
      tpu.yield
    }) : () -> ()
    %mul3A_23 = arith.constant 640 : i32
    %mul3A_24 = arith.muli %arg1, %mul3A_23 : i32
    %add3A_25 = arith.constant 384 : i32
    %add3A_26 = arith.addi %mul3A_24, %add3A_25 : i32
    "tpu.region"() ({
      %run_scoped3A = tpu.sem_alloc : memref<!tpu.dma_semaphore, #tpu.memory_space<semaphore_mem>>
      %dma_start3A = arith.constant 0 : i32
      %dma_start3A_62 = tpu.memref_slice %arg6[%add3A_26, %dma_start3A] : memref<10240x128xf32, #tpu.memory_space<vmem_shared>> -> memref<128x128xf32, #tpu.memory_space<vmem_shared>>
      %dma_start3A_63 = arith.constant 0 : i32
      %dma_start3A_64 = tpu.memref_slice %arg6[%add3A_26, %dma_start3A_63] : memref<10240x128xf32, #tpu.memory_space<vmem_shared>> -> memref<128x128xf32, #tpu.memory_space<vmem_shared>>
      tpu.enqueue_dma source(%arg5 : memref<128x128xf32, #tpu.memory_space<vmem>>) target(%dma_start3A_64 : memref<128x128xf32, #tpu.memory_space<vmem_shared>>) target_semaphore(%run_scoped3A : memref<!tpu.dma_semaphore, #tpu.memory_space<semaphore_mem>>)
      %dma_wait3A = arith.constant 0 : i32
      %dma_wait3A_65 = tpu.memref_slice %arg6[%add3A_26, %dma_wait3A] : memref<10240x128xf32, #tpu.memory_space<vmem_shared>> -> memref<128x128xf32, #tpu.memory_space<vmem_shared>>
      %dma_wait3A_66 = arith.constant 0 : i32
      %dma_wait3A_67 = tpu.memref_slice %arg6[%add3A_26, %dma_wait3A_66] : memref<10240x128xf32, #tpu.memory_space<vmem_shared>> -> memref<128x128xf32, #tpu.memory_space<vmem_shared>>
      tpu.wait_dma2 semaphore(%run_scoped3A : memref<!tpu.dma_semaphore, #tpu.memory_space<semaphore_mem>>) src(%arg5 : memref<128x128xf32, #tpu.memory_space<vmem>>) dst(%dma_wait3A_67 : memref<128x128xf32, #tpu.memory_space<vmem_shared>>)
      tpu.yield
    }) : () -> ()
    %mul3A_27 = arith.constant 640 : i32
    %mul3A_28 = arith.muli %arg1, %mul3A_27 : i32
    %add3A_29 = arith.constant 512 : i32
    %add3A_30 = arith.addi %mul3A_28, %add3A_29 : i32
    "tpu.region"() ({
      %run_scoped3A = tpu.sem_alloc : memref<!tpu.dma_semaphore, #tpu.memory_space<semaphore_mem>>
      %dma_start3A = arith.constant 0 : i32
      %dma_start3A_62 = tpu.memref_slice %arg6[%add3A_30, %dma_start3A] : memref<10240x128xf32, #tpu.memory_space<vmem_shared>> -> memref<128x128xf32, #tpu.memory_space<vmem_shared>>
      %dma_start3A_63 = arith.constant 0 : i32
      %dma_start3A_64 = tpu.memref_slice %arg6[%add3A_30, %dma_start3A_63] : memref<10240x128xf32, #tpu.memory_space<vmem_shared>> -> memref<128x128xf32, #tpu.memory_space<vmem_shared>>
      tpu.enqueue_dma source(%arg5 : memref<128x128xf32, #tpu.memory_space<vmem>>) target(%dma_start3A_64 : memref<128x128xf32, #tpu.memory_space<vmem_shared>>) target_semaphore(%run_scoped3A : memref<!tpu.dma_semaphore, #tpu.memory_space<semaphore_mem>>)
      %dma_wait3A = arith.constant 0 : i32
      %dma_wait3A_65 = tpu.memref_slice %arg6[%add3A_30, %dma_wait3A] : memref<10240x128xf32, #tpu.memory_space<vmem_shared>> -> memref<128x128xf32, #tpu.memory_space<vmem_shared>>
      %dma_wait3A_66 = arith.constant 0 : i32
      %dma_wait3A_67 = tpu.memref_slice %arg6[%add3A_30, %dma_wait3A_66] : memref<10240x128xf32, #tpu.memory_space<vmem_shared>> -> memref<128x128xf32, #tpu.memory_space<vmem_shared>>
      tpu.wait_dma2 semaphore(%run_scoped3A : memref<!tpu.dma_semaphore, #tpu.memory_space<semaphore_mem>>) src(%arg5 : memref<128x128xf32, #tpu.memory_space<vmem>>) dst(%dma_wait3A_67 : memref<128x128xf32, #tpu.memory_space<vmem_shared>>)
      tpu.yield
    }) : () -> ()
    %scan3A_31 = arith.constant 0 : i32
    %scan3A_32 = arith.constant 128 : i32
    %scan3A_33 = arith.addi %scan3A_31, %scan3A_32 : i32
    %scan3A_34 = arith.constant 1 : i32
    scf.for %scan3A_62 = %scan3A_31 to %scan3A_33 step %scan3A_34  : i32 {
      %mul3A_63 = arith.constant 1 : i32
      %mul3A_64 = arith.muli %scan3A_62, %mul3A_63 : i32
      %add3A_65 = arith.constant 0 : i32
      %add3A_66 = arith.addi %add3A_65, %mul3A_64 : i32
      %swap3A = arith.index_cast %add3A_66 : i32 to index
      %swap3A_67 = arith.constant 0 : index
      %swap3A_68 = tpu.vector_load %arg5[%swap3A, %swap3A_67] {strides = array<i32>} : memref<128x128xf32, #tpu.memory_space<vmem>>, vector<1x16xf32>,
      %swap3A_69 = vector.shape_cast %swap3A_68 : vector<1x16xf32> to vector<16xf32>
      %swap3A_70 = vector.shape_cast %select_n3A : vector<16xf32> to vector<1x16xf32>
      tpu.vector_store %arg5[%swap3A, %swap3A_67], %swap3A_70 {strides = array<i32>} : memref<128x128xf32, #tpu.memory_space<vmem>>, vector<1x16xf32>,
    }
    %scan3A_35 = arith.constant 128 : i32
    %barrier3A = arith.constant 0 : index
    tpu.barrier barrier_id(%barrier3A)
    %scan3A_36 = arith.constant 0 : i32
    %scan3A_37 = arith.constant 80 : i32
    %scan3A_38 = arith.addi %scan3A_36, %scan3A_37 : i32
    %scan3A_39 = arith.constant 1 : i32
    scf.for %scan3A_62 = %scan3A_36 to %scan3A_38 step %scan3A_39  : i32 {
      %mul3A_63 = arith.constant 1 : i32
      %mul3A_64 = arith.muli %scan3A_62, %mul3A_63 : i32
      %add3A_65 = arith.constant 0 : i32
      %add3A_66 = arith.addi %add3A_65, %mul3A_64 : i32
      "tpu.region"() ({
        %run_scoped3A = tpu.sem_alloc : memref<!tpu.dma_semaphore, #tpu.memory_space<semaphore_mem>>
        %dma_start3A = arith.constant 0 : i32
        %dma_start3A_67 = tpu.memref_slice %arg4[%add3A_66, %dma_start3A] : memref<80x128xi32, #tpu.memory_space<vmem>> -> memref<1x128xi32, #tpu.memory_space<vmem>>
        %dma_start3A_68 = tpu.memref_squeeze %dma_start3A_67 : memref<1x128xi32, #tpu.memory_space<vmem>> -> memref<128xi32, #tpu.memory_space<vmem>>
        %dma_start3A_69 = arith.constant 0 : i32
        %dma_start3A_70 = arith.constant 0 : i32
        %dma_start3A_71 = tpu.memref_slice %arg6[%dma_start3A_69, %dma_start3A_70] : memref<10240x128xf32, #tpu.memory_space<vmem_shared>> -> memref<10240x128xf32, #tpu.memory_space<vmem_shared>>
        tpu.enqueue_indirect_dma source(%arg5 : memref<128x128xf32, #tpu.memory_space<vmem>>) target(%dma_start3A_71 : memref<10240x128xf32, #tpu.memory_space<vmem_shared>>) offsets(%dma_start3A_68 : memref<128xi32, #tpu.memory_space<vmem>>) semaphore(%run_scoped3A : memref<!tpu.dma_semaphore, #tpu.memory_space<semaphore_mem>>) {add = true}
        %dma_wait3A = arith.constant 0 : i32
        %dma_wait3A_72 = tpu.memref_slice %arg4[%add3A_66, %dma_wait3A] : memref<80x128xi32, #tpu.memory_space<vmem>> -> memref<1x128xi32, #tpu.memory_space<vmem>>
        %dma_wait3A_73 = tpu.memref_squeeze %dma_wait3A_72 : memref<1x128xi32, #tpu.memory_space<vmem>> -> memref<128xi32, #tpu.memory_space<vmem>>
        %dma_wait3A_74 = arith.constant 0 : i32
        %dma_wait3A_75 = arith.constant 0 : i32
        %dma_wait3A_76 = tpu.memref_slice %arg6[%dma_wait3A_74, %dma_wait3A_75] : memref<10240x128xf32, #tpu.memory_space<vmem_shared>> -> memref<10240x128xf32, #tpu.memory_space<vmem_shared>>
        tpu.wait_indirect_dma semaphore(%run_scoped3A : memref<!tpu.dma_semaphore, #tpu.memory_space<semaphore_mem>>) src(%arg5 : memref<128x128xf32, #tpu.memory_space<vmem>>) dst(%dma_wait3A_76 : memref<10240x128xf32, #tpu.memory_space<vmem_shared>>)
        tpu.yield
      }) : () -> ()
    }
    %scan3A_40 = arith.constant 80 : i32
    %barrier3A_41 = arith.constant 0 : index
    tpu.barrier barrier_id(%barrier3A_41)
    %mul3A_42 = arith.constant 640 : i32
    %mul3A_43 = arith.muli %arg1, %mul3A_42 : i32
    %add3A_44 = arith.constant 0 : i32
    %add3A_45 = arith.addi %mul3A_43, %add3A_44 : i32
    "tpu.region"() ({
      %run_scoped3A = tpu.sem_alloc : memref<!tpu.dma_semaphore, #tpu.memory_space<semaphore_mem>>
      %dma_start3A = arith.constant 0 : i32
      %dma_start3A_62 = tpu.memref_slice %arg6[%add3A_45, %dma_start3A] : memref<10240x128xf32, #tpu.memory_space<vmem_shared>> -> memref<128x128xf32, #tpu.memory_space<vmem_shared>>
      %dma_start3A_63 = arith.constant 0 : i32
      %dma_start3A_64 = tpu.memref_slice %arg6[%add3A_45, %dma_start3A_63] : memref<10240x128xf32, #tpu.memory_space<vmem_shared>> -> memref<128x128xf32, #tpu.memory_space<vmem_shared>>
      tpu.enqueue_dma source(%dma_start3A_64 : memref<128x128xf32, #tpu.memory_space<vmem_shared>>) target(%arg5 : memref<128x128xf32, #tpu.memory_space<vmem>>) target_semaphore(%run_scoped3A : memref<!tpu.dma_semaphore, #tpu.memory_space<semaphore_mem>>)
      %dma_wait3A = arith.constant 0 : i32
      %dma_wait3A_65 = tpu.memref_slice %arg6[%add3A_45, %dma_wait3A] : memref<10240x128xf32, #tpu.memory_space<vmem_shared>> -> memref<128x128xf32, #tpu.memory_space<vmem_shared>>
      %dma_wait3A_66 = arith.constant 0 : i32
      %dma_wait3A_67 = tpu.memref_slice %arg6[%add3A_45, %dma_wait3A_66] : memref<10240x128xf32, #tpu.memory_space<vmem_shared>> -> memref<128x128xf32, #tpu.memory_space<vmem_shared>>
      tpu.wait_dma2 semaphore(%run_scoped3A : memref<!tpu.dma_semaphore, #tpu.memory_space<semaphore_mem>>) src(%dma_wait3A_67 : memref<128x128xf32, #tpu.memory_space<vmem_shared>>) dst(%arg5 : memref<128x128xf32, #tpu.memory_space<vmem>>)
      tpu.yield
    }) : () -> ()
    "tpu.region"() ({
      %run_scoped3A = tpu.sem_alloc : memref<!tpu.dma_semaphore, #tpu.memory_space<semaphore_mem>>
      %dma_start3A = arith.constant 0 : i32
      %dma_start3A_62 = tpu.memref_slice %arg3[%arg0, %add3A_45, %dma_start3A] : memref<2x10240x128xf32, #tpu.memory_space<hbm>> -> memref<1x128x128xf32, #tpu.memory_space<hbm>>
      %dma_start3A_63 = tpu.memref_squeeze %dma_start3A_62 : memref<1x128x128xf32, #tpu.memory_space<hbm>> -> memref<128x128xf32, #tpu.memory_space<hbm>>
      %dma_start3A_64 = arith.constant 0 : i32
      %dma_start3A_65 = tpu.memref_slice %arg3[%arg0, %add3A_45, %dma_start3A_64] : memref<2x10240x128xf32, #tpu.memory_space<hbm>> -> memref<1x128x128xf32, #tpu.memory_space<hbm>>
      %dma_start3A_66 = tpu.memref_squeeze %dma_start3A_65 : memref<1x128x128xf32, #tpu.memory_space<hbm>> -> memref<128x128xf32, #tpu.memory_space<hbm>>
      tpu.enqueue_dma source(%arg5 : memref<128x128xf32, #tpu.memory_space<vmem>>) target(%dma_start3A_66 : memref<128x128xf32, #tpu.memory_space<hbm>>) target_semaphore(%run_scoped3A : memref<!tpu.dma_semaphore, #tpu.memory_space<semaphore_mem>>)
      %dma_wait3A = arith.constant 0 : i32
      %dma_wait3A_67 = tpu.memref_slice %arg3[%arg0, %add3A_45, %dma_wait3A] : memref<2x10240x128xf32, #tpu.memory_space<hbm>> -> memref<1x128x128xf32, #tpu.memory_space<hbm>>
      %dma_wait3A_68 = tpu.memref_squeeze %dma_wait3A_67 : memref<1x128x128xf32, #tpu.memory_space<hbm>> -> memref<128x128xf32, #tpu.memory_space<hbm>>
      %dma_wait3A_69 = arith.constant 0 : i32
      %dma_wait3A_70 = tpu.memref_slice %arg3[%arg0, %add3A_45, %dma_wait3A_69] : memref<2x10240x128xf32, #tpu.memory_space<hbm>> -> memref<1x128x128xf32, #tpu.memory_space<hbm>>
      %dma_wait3A_71 = tpu.memref_squeeze %dma_wait3A_70 : memref<1x128x128xf32, #tpu.memory_space<hbm>> -> memref<128x128xf32, #tpu.memory_space<hbm>>
      tpu.wait_dma2 semaphore(%run_scoped3A : memref<!tpu.dma_semaphore, #tpu.memory_space<semaphore_mem>>) src(%arg5 : memref<128x128xf32, #tpu.memory_space<vmem>>) dst(%dma_wait3A_71 : memref<128x128xf32, #tpu.memory_space<hbm>>)
      tpu.yield
    }) : () -> ()
    %mul3A_46 = arith.constant 640 : i32
    %mul3A_47 = arith.muli %arg1, %mul3A_46 : i32
    %add3A_48 = arith.constant 128 : i32
    %add3A_49 = arith.addi %mul3A_47, %add3A_48 : i32
    "tpu.region"() ({
      %run_scoped3A = tpu.sem_alloc : memref<!tpu.dma_semaphore, #tpu.memory_space<semaphore_mem>>
      %dma_start3A = arith.constant 0 : i32
      %dma_start3A_62 = tpu.memref_slice %arg6[%add3A_49, %dma_start3A] : memref<10240x128xf32, #tpu.memory_space<vmem_shared>> -> memref<128x128xf32, #tpu.memory_space<vmem_shared>>
      %dma_start3A_63 = arith.constant 0 : i32
      %dma_start3A_64 = tpu.memref_slice %arg6[%add3A_49, %dma_start3A_63] : memref<10240x128xf32, #tpu.memory_space<vmem_shared>> -> memref<128x128xf32, #tpu.memory_space<vmem_shared>>
      tpu.enqueue_dma source(%dma_start3A_64 : memref<128x128xf32, #tpu.memory_space<vmem_shared>>) target(%arg5 : memref<128x128xf32, #tpu.memory_space<vmem>>) target_semaphore(%run_scoped3A : memref<!tpu.dma_semaphore, #tpu.memory_space<semaphore_mem>>)
      %dma_wait3A = arith.constant 0 : i32
      %dma_wait3A_65 = tpu.memref_slice %arg6[%add3A_49, %dma_wait3A] : memref<10240x128xf32, #tpu.memory_space<vmem_shared>> -> memref<128x128xf32, #tpu.memory_space<vmem_shared>>
      %dma_wait3A_66 = arith.constant 0 : i32
      %dma_wait3A_67 = tpu.memref_slice %arg6[%add3A_49, %dma_wait3A_66] : memref<10240x128xf32, #tpu.memory_space<vmem_shared>> -> memref<128x128xf32, #tpu.memory_space<vmem_shared>>
      tpu.wait_dma2 semaphore(%run_scoped3A : memref<!tpu.dma_semaphore, #tpu.memory_space<semaphore_mem>>) src(%dma_wait3A_67 : memref<128x128xf32, #tpu.memory_space<vmem_shared>>) dst(%arg5 : memref<128x128xf32, #tpu.memory_space<vmem>>)
      tpu.yield
    }) : () -> ()
    "tpu.region"() ({
      %run_scoped3A = tpu.sem_alloc : memref<!tpu.dma_semaphore, #tpu.memory_space<semaphore_mem>>
      %dma_start3A = arith.constant 0 : i32
      %dma_start3A_62 = tpu.memref_slice %arg3[%arg0, %add3A_49, %dma_start3A] : memref<2x10240x128xf32, #tpu.memory_space<hbm>> -> memref<1x128x128xf32, #tpu.memory_space<hbm>>
      %dma_start3A_63 = tpu.memref_squeeze %dma_start3A_62 : memref<1x128x128xf32, #tpu.memory_space<hbm>> -> memref<128x128xf32, #tpu.memory_space<hbm>>
      %dma_start3A_64 = arith.constant 0 : i32
      %dma_start3A_65 = tpu.memref_slice %arg3[%arg0, %add3A_49, %dma_start3A_64] : memref<2x10240x128xf32, #tpu.memory_space<hbm>> -> memref<1x128x128xf32, #tpu.memory_space<hbm>>
      %dma_start3A_66 = tpu.memref_squeeze %dma_start3A_65 : memref<1x128x128xf32, #tpu.memory_space<hbm>> -> memref<128x128xf32, #tpu.memory_space<hbm>>
      tpu.enqueue_dma source(%arg5 : memref<128x128xf32, #tpu.memory_space<vmem>>) target(%dma_start3A_66 : memref<128x128xf32, #tpu.memory_space<hbm>>) target_semaphore(%run_scoped3A : memref<!tpu.dma_semaphore, #tpu.memory_space<semaphore_mem>>)
      %dma_wait3A = arith.constant 0 : i32
      %dma_wait3A_67 = tpu.memref_slice %arg3[%arg0, %add3A_49, %dma_wait3A] : memref<2x10240x128xf32, #tpu.memory_space<hbm>> -> memref<1x128x128xf32, #tpu.memory_space<hbm>>
      %dma_wait3A_68 = tpu.memref_squeeze %dma_wait3A_67 : memref<1x128x128xf32, #tpu.memory_space<hbm>> -> memref<128x128xf32, #tpu.memory_space<hbm>>
      %dma_wait3A_69 = arith.constant 0 : i32
      %dma_wait3A_70 = tpu.memref_slice %arg3[%arg0, %add3A_49, %dma_wait3A_69] : memref<2x10240x128xf32, #tpu.memory_space<hbm>> -> memref<1x128x128xf32, #tpu.memory_space<hbm>>
      %dma_wait3A_71 = tpu.memref_squeeze %dma_wait3A_70 : memref<1x128x128xf32, #tpu.memory_space<hbm>> -> memref<128x128xf32, #tpu.memory_space<hbm>>
      tpu.wait_dma2 semaphore(%run_scoped3A : memref<!tpu.dma_semaphore, #tpu.memory_space<semaphore_mem>>) src(%arg5 : memref<128x128xf32, #tpu.memory_space<vmem>>) dst(%dma_wait3A_71 : memref<128x128xf32, #tpu.memory_space<hbm>>)
      tpu.yield
    }) : () -> ()
    %mul3A_50 = arith.constant 640 : i32
    %mul3A_51 = arith.muli %arg1, %mul3A_50 : i32
    %add3A_52 = arith.constant 256 : i32
    %add3A_53 = arith.addi %mul3A_51, %add3A_52 : i32
    "tpu.region"() ({
      %run_scoped3A = tpu.sem_alloc : memref<!tpu.dma_semaphore, #tpu.memory_space<semaphore_mem>>
      %dma_start3A = arith.constant 0 : i32
      %dma_start3A_62 = tpu.memref_slice %arg6[%add3A_53, %dma_start3A] : memref<10240x128xf32, #tpu.memory_space<vmem_shared>> -> memref<128x128xf32, #tpu.memory_space<vmem_shared>>
      %dma_start3A_63 = arith.constant 0 : i32
      %dma_start3A_64 = tpu.memref_slice %arg6[%add3A_53, %dma_start3A_63] : memref<10240x128xf32, #tpu.memory_space<vmem_shared>> -> memref<128x128xf32, #tpu.memory_space<vmem_shared>>
      tpu.enqueue_dma source(%dma_start3A_64 : memref<128x128xf32, #tpu.memory_space<vmem_shared>>) target(%arg5 : memref<128x128xf32, #tpu.memory_space<vmem>>) target_semaphore(%run_scoped3A : memref<!tpu.dma_semaphore, #tpu.memory_space<semaphore_mem>>)
      %dma_wait3A = arith.constant 0 : i32
      %dma_wait3A_65 = tpu.memref_slice %arg6[%add3A_53, %dma_wait3A] : memref<10240x128xf32, #tpu.memory_space<vmem_shared>> -> memref<128x128xf32, #tpu.memory_space<vmem_shared>>
      %dma_wait3A_66 = arith.constant 0 : i32
      %dma_wait3A_67 = tpu.memref_slice %arg6[%add3A_53, %dma_wait3A_66] : memref<10240x128xf32, #tpu.memory_space<vmem_shared>> -> memref<128x128xf32, #tpu.memory_space<vmem_shared>>
      tpu.wait_dma2 semaphore(%run_scoped3A : memref<!tpu.dma_semaphore, #tpu.memory_space<semaphore_mem>>) src(%dma_wait3A_67 : memref<128x128xf32, #tpu.memory_space<vmem_shared>>) dst(%arg5 : memref<128x128xf32, #tpu.memory_space<vmem>>)
      tpu.yield
    }) : () -> ()
    "tpu.region"() ({
      %run_scoped3A = tpu.sem_alloc : memref<!tpu.dma_semaphore, #tpu.memory_space<semaphore_mem>>
      %dma_start3A = arith.constant 0 : i32
      %dma_start3A_62 = tpu.memref_slice %arg3[%arg0, %add3A_53, %dma_start3A] : memref<2x10240x128xf32, #tpu.memory_space<hbm>> -> memref<1x128x128xf32, #tpu.memory_space<hbm>>
      %dma_start3A_63 = tpu.memref_squeeze %dma_start3A_62 : memref<1x128x128xf32, #tpu.memory_space<hbm>> -> memref<128x128xf32, #tpu.memory_space<hbm>>
      %dma_start3A_64 = arith.constant 0 : i32
      %dma_start3A_65 = tpu.memref_slice %arg3[%arg0, %add3A_53, %dma_start3A_64] : memref<2x10240x128xf32, #tpu.memory_space<hbm>> -> memref<1x128x128xf32, #tpu.memory_space<hbm>>
      %dma_start3A_66 = tpu.memref_squeeze %dma_start3A_65 : memref<1x128x128xf32, #tpu.memory_space<hbm>> -> memref<128x128xf32, #tpu.memory_space<hbm>>
      tpu.enqueue_dma source(%arg5 : memref<128x128xf32, #tpu.memory_space<vmem>>) target(%dma_start3A_66 : memref<128x128xf32, #tpu.memory_space<hbm>>) target_semaphore(%run_scoped3A : memref<!tpu.dma_semaphore, #tpu.memory_space<semaphore_mem>>)
      %dma_wait3A = arith.constant 0 : i32
      %dma_wait3A_67 = tpu.memref_slice %arg3[%arg0, %add3A_53, %dma_wait3A] : memref<2x10240x128xf32, #tpu.memory_space<hbm>> -> memref<1x128x128xf32, #tpu.memory_space<hbm>>
      %dma_wait3A_68 = tpu.memref_squeeze %dma_wait3A_67 : memref<1x128x128xf32, #tpu.memory_space<hbm>> -> memref<128x128xf32, #tpu.memory_space<hbm>>
      %dma_wait3A_69 = arith.constant 0 : i32
      %dma_wait3A_70 = tpu.memref_slice %arg3[%arg0, %add3A_53, %dma_wait3A_69] : memref<2x10240x128xf32, #tpu.memory_space<hbm>> -> memref<1x128x128xf32, #tpu.memory_space<hbm>>
      %dma_wait3A_71 = tpu.memref_squeeze %dma_wait3A_70 : memref<1x128x128xf32, #tpu.memory_space<hbm>> -> memref<128x128xf32, #tpu.memory_space<hbm>>
      tpu.wait_dma2 semaphore(%run_scoped3A : memref<!tpu.dma_semaphore, #tpu.memory_space<semaphore_mem>>) src(%arg5 : memref<128x128xf32, #tpu.memory_space<vmem>>) dst(%dma_wait3A_71 : memref<128x128xf32, #tpu.memory_space<hbm>>)
      tpu.yield
    }) : () -> ()
    %mul3A_54 = arith.constant 640 : i32
    %mul3A_55 = arith.muli %arg1, %mul3A_54 : i32
    %add3A_56 = arith.constant 384 : i32
    %add3A_57 = arith.addi %mul3A_55, %add3A_56 : i32
    "tpu.region"() ({
      %run_scoped3A = tpu.sem_alloc : memref<!tpu.dma_semaphore, #tpu.memory_space<semaphore_mem>>
      %dma_start3A = arith.constant 0 : i32
      %dma_start3A_62 = tpu.memref_slice %arg6[%add3A_57, %dma_start3A] : memref<10240x128xf32, #tpu.memory_space<vmem_shared>> -> memref<128x128xf32, #tpu.memory_space<vmem_shared>>
      %dma_start3A_63 = arith.constant 0 : i32
      %dma_start3A_64 = tpu.memref_slice %arg6[%add3A_57, %dma_start3A_63] : memref<10240x128xf32, #tpu.memory_space<vmem_shared>> -> memref<128x128xf32, #tpu.memory_space<vmem_shared>>
      tpu.enqueue_dma source(%dma_start3A_64 : memref<128x128xf32, #tpu.memory_space<vmem_shared>>) target(%arg5 : memref<128x128xf32, #tpu.memory_space<vmem>>) target_semaphore(%run_scoped3A : memref<!tpu.dma_semaphore, #tpu.memory_space<semaphore_mem>>)
      %dma_wait3A = arith.constant 0 : i32
      %dma_wait3A_65 = tpu.memref_slice %arg6[%add3A_57, %dma_wait3A] : memref<10240x128xf32, #tpu.memory_space<vmem_shared>> -> memref<128x128xf32, #tpu.memory_space<vmem_shared>>
      %dma_wait3A_66 = arith.constant 0 : i32
      %dma_wait3A_67 = tpu.memref_slice %arg6[%add3A_57, %dma_wait3A_66] : memref<10240x128xf32, #tpu.memory_space<vmem_shared>> -> memref<128x128xf32, #tpu.memory_space<vmem_shared>>
      tpu.wait_dma2 semaphore(%run_scoped3A : memref<!tpu.dma_semaphore, #tpu.memory_space<semaphore_mem>>) src(%dma_wait3A_67 : memref<128x128xf32, #tpu.memory_space<vmem_shared>>) dst(%arg5 : memref<128x128xf32, #tpu.memory_space<vmem>>)
      tpu.yield
    }) : () -> ()
    "tpu.region"() ({
      %run_scoped3A = tpu.sem_alloc : memref<!tpu.dma_semaphore, #tpu.memory_space<semaphore_mem>>
      %dma_start3A = arith.constant 0 : i32
      %dma_start3A_62 = tpu.memref_slice %arg3[%arg0, %add3A_57, %dma_start3A] : memref<2x10240x128xf32, #tpu.memory_space<hbm>> -> memref<1x128x128xf32, #tpu.memory_space<hbm>>
      %dma_start3A_63 = tpu.memref_squeeze %dma_start3A_62 : memref<1x128x128xf32, #tpu.memory_space<hbm>> -> memref<128x128xf32, #tpu.memory_space<hbm>>
      %dma_start3A_64 = arith.constant 0 : i32
      %dma_start3A_65 = tpu.memref_slice %arg3[%arg0, %add3A_57, %dma_start3A_64] : memref<2x10240x128xf32, #tpu.memory_space<hbm>> -> memref<1x128x128xf32, #tpu.memory_space<hbm>>
      %dma_start3A_66 = tpu.memref_squeeze %dma_start3A_65 : memref<1x128x128xf32, #tpu.memory_space<hbm>> -> memref<128x128xf32, #tpu.memory_space<hbm>>
      tpu.enqueue_dma source(%arg5 : memref<128x128xf32, #tpu.memory_space<vmem>>) target(%dma_start3A_66 : memref<128x128xf32, #tpu.memory_space<hbm>>) target_semaphore(%run_scoped3A : memref<!tpu.dma_semaphore, #tpu.memory_space<semaphore_mem>>)
      %dma_wait3A = arith.constant 0 : i32
      %dma_wait3A_67 = tpu.memref_slice %arg3[%arg0, %add3A_57, %dma_wait3A] : memref<2x10240x128xf32, #tpu.memory_space<hbm>> -> memref<1x128x128xf32, #tpu.memory_space<hbm>>
      %dma_wait3A_68 = tpu.memref_squeeze %dma_wait3A_67 : memref<1x128x128xf32, #tpu.memory_space<hbm>> -> memref<128x128xf32, #tpu.memory_space<hbm>>
      %dma_wait3A_69 = arith.constant 0 : i32
      %dma_wait3A_70 = tpu.memref_slice %arg3[%arg0, %add3A_57, %dma_wait3A_69] : memref<2x10240x128xf32, #tpu.memory_space<hbm>> -> memref<1x128x128xf32, #tpu.memory_space<hbm>>
      %dma_wait3A_71 = tpu.memref_squeeze %dma_wait3A_70 : memref<1x128x128xf32, #tpu.memory_space<hbm>> -> memref<128x128xf32, #tpu.memory_space<hbm>>
      tpu.wait_dma2 semaphore(%run_scoped3A : memref<!tpu.dma_semaphore, #tpu.memory_space<semaphore_mem>>) src(%arg5 : memref<128x128xf32, #tpu.memory_space<vmem>>) dst(%dma_wait3A_71 : memref<128x128xf32, #tpu.memory_space<hbm>>)
      tpu.yield
    }) : () -> ()
    %mul3A_58 = arith.constant 640 : i32
    %mul3A_59 = arith.muli %arg1, %mul3A_58 : i32
    %add3A_60 = arith.constant 512 : i32
    %add3A_61 = arith.addi %mul3A_59, %add3A_60 : i32
    "tpu.region"() ({
      %run_scoped3A = tpu.sem_alloc : memref<!tpu.dma_semaphore, #tpu.memory_space<semaphore_mem>>
      %dma_start3A = arith.constant 0 : i32
      %dma_start3A_62 = tpu.memref_slice %arg6[%add3A_61, %dma_start3A] : memref<10240x128xf32, #tpu.memory_space<vmem_shared>> -> memref<128x128xf32, #tpu.memory_space<vmem_shared>>
      %dma_start3A_63 = arith.constant 0 : i32
      %dma_start3A_64 = tpu.memref_slice %arg6[%add3A_61, %dma_start3A_63] : memref<10240x128xf32, #tpu.memory_space<vmem_shared>> -> memref<128x128xf32, #tpu.memory_space<vmem_shared>>
      tpu.enqueue_dma source(%dma_start3A_64 : memref<128x128xf32, #tpu.memory_space<vmem_shared>>) target(%arg5 : memref<128x128xf32, #tpu.memory_space<vmem>>) target_semaphore(%run_scoped3A : memref<!tpu.dma_semaphore, #tpu.memory_space<semaphore_mem>>)
      %dma_wait3A = arith.constant 0 : i32
      %dma_wait3A_65 = tpu.memref_slice %arg6[%add3A_61, %dma_wait3A] : memref<10240x128xf32, #tpu.memory_space<vmem_shared>> -> memref<128x128xf32, #tpu.memory_space<vmem_shared>>
      %dma_wait3A_66 = arith.constant 0 : i32
      %dma_wait3A_67 = tpu.memref_slice %arg6[%add3A_61, %dma_wait3A_66] : memref<10240x128xf32, #tpu.memory_space<vmem_shared>> -> memref<128x128xf32, #tpu.memory_space<vmem_shared>>
      tpu.wait_dma2 semaphore(%run_scoped3A : memref<!tpu.dma_semaphore, #tpu.memory_space<semaphore_mem>>) src(%dma_wait3A_67 : memref<128x128xf32, #tpu.memory_space<vmem_shared>>) dst(%arg5 : memref<128x128xf32, #tpu.memory_space<vmem>>)
      tpu.yield
    }) : () -> ()
    "tpu.region"() ({
      %run_scoped3A = tpu.sem_alloc : memref<!tpu.dma_semaphore, #tpu.memory_space<semaphore_mem>>
      %dma_start3A = arith.constant 0 : i32
      %dma_start3A_62 = tpu.memref_slice %arg3[%arg0, %add3A_61, %dma_start3A] : memref<2x10240x128xf32, #tpu.memory_space<hbm>> -> memref<1x128x128xf32, #tpu.memory_space<hbm>>
      %dma_start3A_63 = tpu.memref_squeeze %dma_start3A_62 : memref<1x128x128xf32, #tpu.memory_space<hbm>> -> memref<128x128xf32, #tpu.memory_space<hbm>>
      %dma_start3A_64 = arith.constant 0 : i32
      %dma_start3A_65 = tpu.memref_slice %arg3[%arg0, %add3A_61, %dma_start3A_64] : memref<2x10240x128xf32, #tpu.memory_space<hbm>> -> memref<1x128x128xf32, #tpu.memory_space<hbm>>
      %dma_start3A_66 = tpu.memref_squeeze %dma_start3A_65 : memref<1x128x128xf32, #tpu.memory_space<hbm>> -> memref<128x128xf32, #tpu.memory_space<hbm>>
      tpu.enqueue_dma source(%arg5 : memref<128x128xf32, #tpu.memory_space<vmem>>) target(%dma_start3A_66 : memref<128x128xf32, #tpu.memory_space<hbm>>) target_semaphore(%run_scoped3A : memref<!tpu.dma_semaphore, #tpu.memory_space<semaphore_mem>>)
      %dma_wait3A = arith.constant 0 : i32
      %dma_wait3A_67 = tpu.memref_slice %arg3[%arg0, %add3A_61, %dma_wait3A] : memref<2x10240x128xf32, #tpu.memory_space<hbm>> -> memref<1x128x128xf32, #tpu.memory_space<hbm>>
      %dma_wait3A_68 = tpu.memref_squeeze %dma_wait3A_67 : memref<1x128x128xf32, #tpu.memory_space<hbm>> -> memref<128x128xf32, #tpu.memory_space<hbm>>
      %dma_wait3A_69 = arith.constant 0 : i32
      %dma_wait3A_70 = tpu.memref_slice %arg3[%arg0, %add3A_61, %dma_wait3A_69] : memref<2x10240x128xf32, #tpu.memory_space<hbm>> -> memref<1x128x128xf32, #tpu.memory_space<hbm>>
      %dma_wait3A_71 = tpu.memref_squeeze %dma_wait3A_70 : memref<1x128x128xf32, #tpu.memory_space<hbm>> -> memref<128x128xf32, #tpu.memory_space<hbm>>
      tpu.wait_dma2 semaphore(%run_scoped3A : memref<!tpu.dma_semaphore, #tpu.memory_space<semaphore_mem>>) src(%arg5 : memref<128x128xf32, #tpu.memory_space<vmem>>) dst(%dma_wait3A_71 : memref<128x128xf32, #tpu.memory_space<hbm>>)
      tpu.yield
    }) : () -> ()
    return
  }
}

#map = affine_map<(d0, d1) -> (0, 0)>
#map1 = affine_map<(d0, d1) -> (0, 0, 0)>
module attributes {stable_mosaic.version = 14 : i64} {
  func.func @_scatter_body(%arg0: i32, %arg1: i32, %arg2: memref<10240x128xf32, #tpu.memory_space<hbm>>, %arg3: memref<2560x128xi32, #tpu.memory_space<hbm>>, %arg4: memref<2560x128xi32, #tpu.memory_space<hbm>>, %arg5: memref<2x10240x128xf32, #tpu.memory_space<hbm>>, %arg6: memref<16x128xi32, #tpu.memory_space<vmem>>, %arg7: memref<16x128xi32, #tpu.memory_space<vmem>>, %arg8: memref<128x128xf32, #tpu.memory_space<vmem>>, %arg9: memref<128x128xf32, #tpu.memory_space<vmem>>, %arg10: memref<64x128xf32, #tpu.memory_space<vmem>>, %arg11: memref<10240x128xf32, #tpu.memory_space<vmem_shared>>, %arg12: memref<!tpu.dma_semaphore, #tpu.memory_space<semaphore_mem>>, %arg13: memref<!tpu.dma_semaphore, #tpu.memory_space<semaphore_mem>>) attributes {dimension_semantics = [#tpu.dimension_semantics<core_parallel>, #tpu.dimension_semantics<subcore_parallel>], iteration_bounds = array<i64: 2, 16>, scalar_prefetch = 0 : i64, scratch_operands = 8 : i64, tpu.core_type = #tpu.core_type<sc_vector_subcore>, window_params = [{transform_indices = #map}, {transform_indices = #map}, {transform_indices = #map}, {transform_indices = #map1}]} {
    %broadcast_in_dim3A = arith.constant 0.000000e+00 : f32
    %broadcast_in_dim3A_0 = vector.broadcast %broadcast_in_dim3A : f32 to vector<16xf32>
    %eq3A = arith.constant 0 : i32
    %eq3A_1 = arith.cmpi eq, %arg0, %eq3A : i32
    %mul3A = arith.constant 144 : i32
    %mul3A_2 = arith.muli %arg1, %mul3A : i32
    %mul3A_3 = arith.constant 16 : i32
    %mul3A_4 = arith.muli %arg1, %mul3A_3 : i32
    %add3A = arith.constant 2304 : i32
    %add3A_5 = arith.addi %add3A, %mul3A_4 : i32
    %select_n3A = arith.select %eq3A_1, %mul3A_2, %add3A_5 : i32
    %eq3A_6 = arith.constant 0 : i32
    %eq3A_7 = arith.cmpi eq, %arg0, %eq3A_6 : i32
    %jit3A = arith.constant 9 : i32
    %jit3A_8 = arith.constant 1 : i32
    %select_n3A_9 = arith.select %eq3A_7, %jit3A, %jit3A_8 : i32
    "tpu.region"() ({
      %run_scoped3A = tpu.sem_alloc : memref<!tpu.dma_semaphore, #tpu.memory_space<semaphore_mem>>
      %dma_start3A_104 = arith.constant 0 : i32
      %dma_start3A_105 = tpu.memref_slice %arg3[%select_n3A, %dma_start3A_104] : memref<2560x128xi32, #tpu.memory_space<hbm>> -> memref<16x128xi32, #tpu.memory_space<hbm>>
      %dma_start3A_106 = arith.constant 0 : i32
      %dma_start3A_107 = tpu.memref_slice %arg3[%select_n3A, %dma_start3A_106] : memref<2560x128xi32, #tpu.memory_space<hbm>> -> memref<16x128xi32, #tpu.memory_space<hbm>>
      tpu.enqueue_dma source(%dma_start3A_107 : memref<16x128xi32, #tpu.memory_space<hbm>>) target(%arg6 : memref<16x128xi32, #tpu.memory_space<vmem>>) target_semaphore(%run_scoped3A : memref<!tpu.dma_semaphore, #tpu.memory_space<semaphore_mem>>)
      %dma_wait3A = arith.constant 0 : i32
      %dma_wait3A_108 = tpu.memref_slice %arg3[%select_n3A, %dma_wait3A] : memref<2560x128xi32, #tpu.memory_space<hbm>> -> memref<16x128xi32, #tpu.memory_space<hbm>>
      %dma_wait3A_109 = arith.constant 0 : i32
      %dma_wait3A_110 = tpu.memref_slice %arg3[%select_n3A, %dma_wait3A_109] : memref<2560x128xi32, #tpu.memory_space<hbm>> -> memref<16x128xi32, #tpu.memory_space<hbm>>
      tpu.wait_dma2 semaphore(%run_scoped3A : memref<!tpu.dma_semaphore, #tpu.memory_space<semaphore_mem>>) src(%dma_wait3A_110 : memref<16x128xi32, #tpu.memory_space<hbm>>) dst(%arg6 : memref<16x128xi32, #tpu.memory_space<vmem>>)
      tpu.yield
    }) : () -> ()
    "tpu.region"() ({
      %run_scoped3A = tpu.sem_alloc : memref<!tpu.dma_semaphore, #tpu.memory_space<semaphore_mem>>
      %dma_start3A_104 = arith.constant 0 : i32
      %dma_start3A_105 = tpu.memref_slice %arg4[%select_n3A, %dma_start3A_104] : memref<2560x128xi32, #tpu.memory_space<hbm>> -> memref<16x128xi32, #tpu.memory_space<hbm>>
      %dma_start3A_106 = arith.constant 0 : i32
      %dma_start3A_107 = tpu.memref_slice %arg4[%select_n3A, %dma_start3A_106] : memref<2560x128xi32, #tpu.memory_space<hbm>> -> memref<16x128xi32, #tpu.memory_space<hbm>>
      tpu.enqueue_dma source(%dma_start3A_107 : memref<16x128xi32, #tpu.memory_space<hbm>>) target(%arg7 : memref<16x128xi32, #tpu.memory_space<vmem>>) target_semaphore(%run_scoped3A : memref<!tpu.dma_semaphore, #tpu.memory_space<semaphore_mem>>)
      %dma_wait3A = arith.constant 0 : i32
      %dma_wait3A_108 = tpu.memref_slice %arg4[%select_n3A, %dma_wait3A] : memref<2560x128xi32, #tpu.memory_space<hbm>> -> memref<16x128xi32, #tpu.memory_space<hbm>>
      %dma_wait3A_109 = arith.constant 0 : i32
      %dma_wait3A_110 = tpu.memref_slice %arg4[%select_n3A, %dma_wait3A_109] : memref<2560x128xi32, #tpu.memory_space<hbm>> -> memref<16x128xi32, #tpu.memory_space<hbm>>
      tpu.wait_dma2 semaphore(%run_scoped3A : memref<!tpu.dma_semaphore, #tpu.memory_space<semaphore_mem>>) src(%dma_wait3A_110 : memref<16x128xi32, #tpu.memory_space<hbm>>) dst(%arg7 : memref<16x128xi32, #tpu.memory_space<vmem>>)
      tpu.yield
    }) : () -> ()
    %dma_start3A = arith.constant 0 : i32
    %dma_start3A_10 = arith.constant 0 : i32
    %dma_start3A_11 = tpu.memref_slice %arg6[%dma_start3A, %dma_start3A_10] : memref<16x128xi32, #tpu.memory_space<vmem>> -> memref<1x128xi32, #tpu.memory_space<vmem>>
    %dma_start3A_12 = tpu.memref_squeeze %dma_start3A_11 : memref<1x128xi32, #tpu.memory_space<vmem>> -> memref<128xi32, #tpu.memory_space<vmem>>
    %dma_start3A_13 = arith.constant 0 : i32
    %dma_start3A_14 = arith.constant 0 : i32
    %dma_start3A_15 = tpu.memref_slice %arg2[%dma_start3A_13, %dma_start3A_14] : memref<10240x128xf32, #tpu.memory_space<hbm>> -> memref<10240x128xf32, #tpu.memory_space<hbm>>
    tpu.enqueue_indirect_dma source(%dma_start3A_15 : memref<10240x128xf32, #tpu.memory_space<hbm>>) target(%arg8 : memref<128x128xf32, #tpu.memory_space<vmem>>) offsets(%dma_start3A_12 : memref<128xi32, #tpu.memory_space<vmem>>) semaphore(%arg12 : memref<!tpu.dma_semaphore, #tpu.memory_space<semaphore_mem>>)
    %dma_start3A_16 = arith.constant 1 : i32
    %dma_start3A_17 = arith.constant 0 : i32
    %dma_start3A_18 = tpu.memref_slice %arg6[%dma_start3A_16, %dma_start3A_17] : memref<16x128xi32, #tpu.memory_space<vmem>> -> memref<1x128xi32, #tpu.memory_space<vmem>>
    %dma_start3A_19 = tpu.memref_squeeze %dma_start3A_18 : memref<1x128xi32, #tpu.memory_space<vmem>> -> memref<128xi32, #tpu.memory_space<vmem>>
    %dma_start3A_20 = arith.constant 0 : i32
    %dma_start3A_21 = arith.constant 0 : i32
    %dma_start3A_22 = tpu.memref_slice %arg2[%dma_start3A_20, %dma_start3A_21] : memref<10240x128xf32, #tpu.memory_space<hbm>> -> memref<10240x128xf32, #tpu.memory_space<hbm>>
    tpu.enqueue_indirect_dma source(%dma_start3A_22 : memref<10240x128xf32, #tpu.memory_space<hbm>>) target(%arg9 : memref<128x128xf32, #tpu.memory_space<vmem>>) offsets(%dma_start3A_19 : memref<128xi32, #tpu.memory_space<vmem>>) semaphore(%arg13 : memref<!tpu.dma_semaphore, #tpu.memory_space<semaphore_mem>>)
    %scan3A = arith.constant 0 : i32
    %scan3A_23 = arith.constant 64 : i32
    %scan3A_24 = arith.addi %scan3A, %scan3A_23 : i32
    %scan3A_25 = arith.constant 1 : i32
    scf.for %scan3A_104 = %scan3A to %scan3A_24 step %scan3A_25  : i32 {
      %mul3A_105 = arith.constant 1 : i32
      %mul3A_106 = arith.muli %scan3A_104, %mul3A_105 : i32
      %add3A_107 = arith.constant 0 : i32
      %add3A_108 = arith.addi %add3A_107, %mul3A_106 : i32
      %swap3A = arith.index_cast %add3A_108 : i32 to index
      %swap3A_109 = arith.constant 0 : index
      %swap3A_110 = tpu.vector_load %arg10[%swap3A, %swap3A_109] {strides = array<i32>} : memref<64x128xf32, #tpu.memory_space<vmem>>, vector<1x16xf32>,
      %swap3A_111 = vector.shape_cast %swap3A_110 : vector<1x16xf32> to vector<16xf32>
      %swap3A_112 = vector.shape_cast %broadcast_in_dim3A_0 : vector<16xf32> to vector<1x16xf32>
      tpu.vector_store %arg10[%swap3A, %swap3A_109], %swap3A_112 {strides = array<i32>} : memref<64x128xf32, #tpu.memory_space<vmem>>, vector<1x16xf32>,
      %swap3A_113 = arith.index_cast %add3A_108 : i32 to index
      %swap3A_114 = arith.constant 16 : index
      %swap3A_115 = tpu.vector_load %arg10[%swap3A_113, %swap3A_114] {strides = array<i32>} : memref<64x128xf32, #tpu.memory_space<vmem>>, vector<1x16xf32>,
      %swap3A_116 = vector.shape_cast %swap3A_115 : vector<1x16xf32> to vector<16xf32>
      %swap3A_117 = vector.shape_cast %broadcast_in_dim3A_0 : vector<16xf32> to vector<1x16xf32>
      tpu.vector_store %arg10[%swap3A_113, %swap3A_114], %swap3A_117 {strides = array<i32>} : memref<64x128xf32, #tpu.memory_space<vmem>>, vector<1x16xf32>,
      %swap3A_118 = arith.index_cast %add3A_108 : i32 to index
      %swap3A_119 = arith.constant 32 : index
      %swap3A_120 = tpu.vector_load %arg10[%swap3A_118, %swap3A_119] {strides = array<i32>} : memref<64x128xf32, #tpu.memory_space<vmem>>, vector<1x16xf32>,
      %swap3A_121 = vector.shape_cast %swap3A_120 : vector<1x16xf32> to vector<16xf32>
      %swap3A_122 = vector.shape_cast %broadcast_in_dim3A_0 : vector<16xf32> to vector<1x16xf32>
      tpu.vector_store %arg10[%swap3A_118, %swap3A_119], %swap3A_122 {strides = array<i32>} : memref<64x128xf32, #tpu.memory_space<vmem>>, vector<1x16xf32>,
      %swap3A_123 = arith.index_cast %add3A_108 : i32 to index
      %swap3A_124 = arith.constant 48 : index
      %swap3A_125 = tpu.vector_load %arg10[%swap3A_123, %swap3A_124] {strides = array<i32>} : memref<64x128xf32, #tpu.memory_space<vmem>>, vector<1x16xf32>,
      %swap3A_126 = vector.shape_cast %swap3A_125 : vector<1x16xf32> to vector<16xf32>
      %swap3A_127 = vector.shape_cast %broadcast_in_dim3A_0 : vector<16xf32> to vector<1x16xf32>
      tpu.vector_store %arg10[%swap3A_123, %swap3A_124], %swap3A_127 {strides = array<i32>} : memref<64x128xf32, #tpu.memory_space<vmem>>, vector<1x16xf32>,
      %swap3A_128 = arith.index_cast %add3A_108 : i32 to index
      %swap3A_129 = arith.constant 64 : index
      %swap3A_130 = tpu.vector_load %arg10[%swap3A_128, %swap3A_129] {strides = array<i32>} : memref<64x128xf32, #tpu.memory_space<vmem>>, vector<1x16xf32>,
      %swap3A_131 = vector.shape_cast %swap3A_130 : vector<1x16xf32> to vector<16xf32>
      %swap3A_132 = vector.shape_cast %broadcast_in_dim3A_0 : vector<16xf32> to vector<1x16xf32>
      tpu.vector_store %arg10[%swap3A_128, %swap3A_129], %swap3A_132 {strides = array<i32>} : memref<64x128xf32, #tpu.memory_space<vmem>>, vector<1x16xf32>,
      %swap3A_133 = arith.index_cast %add3A_108 : i32 to index
      %swap3A_134 = arith.constant 80 : index
      %swap3A_135 = tpu.vector_load %arg10[%swap3A_133, %swap3A_134] {strides = array<i32>} : memref<64x128xf32, #tpu.memory_space<vmem>>, vector<1x16xf32>,
      %swap3A_136 = vector.shape_cast %swap3A_135 : vector<1x16xf32> to vector<16xf32>
      %swap3A_137 = vector.shape_cast %broadcast_in_dim3A_0 : vector<16xf32> to vector<1x16xf32>
      tpu.vector_store %arg10[%swap3A_133, %swap3A_134], %swap3A_137 {strides = array<i32>} : memref<64x128xf32, #tpu.memory_space<vmem>>, vector<1x16xf32>,
      %swap3A_138 = arith.index_cast %add3A_108 : i32 to index
      %swap3A_139 = arith.constant 96 : index
      %swap3A_140 = tpu.vector_load %arg10[%swap3A_138, %swap3A_139] {strides = array<i32>} : memref<64x128xf32, #tpu.memory_space<vmem>>, vector<1x16xf32>,
      %swap3A_141 = vector.shape_cast %swap3A_140 : vector<1x16xf32> to vector<16xf32>
      %swap3A_142 = vector.shape_cast %broadcast_in_dim3A_0 : vector<16xf32> to vector<1x16xf32>
      tpu.vector_store %arg10[%swap3A_138, %swap3A_139], %swap3A_142 {strides = array<i32>} : memref<64x128xf32, #tpu.memory_space<vmem>>, vector<1x16xf32>,
      %swap3A_143 = arith.index_cast %add3A_108 : i32 to index
      %swap3A_144 = arith.constant 112 : index
      %swap3A_145 = tpu.vector_load %arg10[%swap3A_143, %swap3A_144] {strides = array<i32>} : memref<64x128xf32, #tpu.memory_space<vmem>>, vector<1x16xf32>,
      %swap3A_146 = vector.shape_cast %swap3A_145 : vector<1x16xf32> to vector<16xf32>
      %swap3A_147 = vector.shape_cast %broadcast_in_dim3A_0 : vector<16xf32> to vector<1x16xf32>
      tpu.vector_store %arg10[%swap3A_143, %swap3A_144], %swap3A_147 {strides = array<i32>} : memref<64x128xf32, #tpu.memory_space<vmem>>, vector<1x16xf32>,
    }
    %scan3A_26 = arith.constant 64 : i32
    %mul3A_27 = arith.constant 640 : i32
    %mul3A_28 = arith.muli %arg1, %mul3A_27 : i32
    %add3A_29 = arith.constant 0 : i32
    %add3A_30 = arith.addi %mul3A_28, %add3A_29 : i32
    "tpu.region"() ({
      %run_scoped3A = tpu.sem_alloc : memref<!tpu.dma_semaphore, #tpu.memory_space<semaphore_mem>>
      %dma_start3A_104 = arith.constant 0 : i32
      %dma_start3A_105 = tpu.memref_slice %arg11[%add3A_30, %dma_start3A_104] : memref<10240x128xf32, #tpu.memory_space<vmem_shared>> -> memref<64x128xf32, #tpu.memory_space<vmem_shared>>
      %dma_start3A_106 = arith.constant 0 : i32
      %dma_start3A_107 = tpu.memref_slice %arg11[%add3A_30, %dma_start3A_106] : memref<10240x128xf32, #tpu.memory_space<vmem_shared>> -> memref<64x128xf32, #tpu.memory_space<vmem_shared>>
      tpu.enqueue_dma source(%arg10 : memref<64x128xf32, #tpu.memory_space<vmem>>) target(%dma_start3A_107 : memref<64x128xf32, #tpu.memory_space<vmem_shared>>) target_semaphore(%run_scoped3A : memref<!tpu.dma_semaphore, #tpu.memory_space<semaphore_mem>>)
      %dma_wait3A = arith.constant 0 : i32
      %dma_wait3A_108 = tpu.memref_slice %arg11[%add3A_30, %dma_wait3A] : memref<10240x128xf32, #tpu.memory_space<vmem_shared>> -> memref<64x128xf32, #tpu.memory_space<vmem_shared>>
      %dma_wait3A_109 = arith.constant 0 : i32
      %dma_wait3A_110 = tpu.memref_slice %arg11[%add3A_30, %dma_wait3A_109] : memref<10240x128xf32, #tpu.memory_space<vmem_shared>> -> memref<64x128xf32, #tpu.memory_space<vmem_shared>>
      tpu.wait_dma2 semaphore(%run_scoped3A : memref<!tpu.dma_semaphore, #tpu.memory_space<semaphore_mem>>) src(%arg10 : memref<64x128xf32, #tpu.memory_space<vmem>>) dst(%dma_wait3A_110 : memref<64x128xf32, #tpu.memory_space<vmem_shared>>)
      tpu.yield
    }) : () -> ()
    %mul3A_31 = arith.constant 640 : i32
    %mul3A_32 = arith.muli %arg1, %mul3A_31 : i32
    %add3A_33 = arith.constant 64 : i32
    %add3A_34 = arith.addi %mul3A_32, %add3A_33 : i32
    "tpu.region"() ({
      %run_scoped3A = tpu.sem_alloc : memref<!tpu.dma_semaphore, #tpu.memory_space<semaphore_mem>>
      %dma_start3A_104 = arith.constant 0 : i32
      %dma_start3A_105 = tpu.memref_slice %arg11[%add3A_34, %dma_start3A_104] : memref<10240x128xf32, #tpu.memory_space<vmem_shared>> -> memref<64x128xf32, #tpu.memory_space<vmem_shared>>
      %dma_start3A_106 = arith.constant 0 : i32
      %dma_start3A_107 = tpu.memref_slice %arg11[%add3A_34, %dma_start3A_106] : memref<10240x128xf32, #tpu.memory_space<vmem_shared>> -> memref<64x128xf32, #tpu.memory_space<vmem_shared>>
      tpu.enqueue_dma source(%arg10 : memref<64x128xf32, #tpu.memory_space<vmem>>) target(%dma_start3A_107 : memref<64x128xf32, #tpu.memory_space<vmem_shared>>) target_semaphore(%run_scoped3A : memref<!tpu.dma_semaphore, #tpu.memory_space<semaphore_mem>>)
      %dma_wait3A = arith.constant 0 : i32
      %dma_wait3A_108 = tpu.memref_slice %arg11[%add3A_34, %dma_wait3A] : memref<10240x128xf32, #tpu.memory_space<vmem_shared>> -> memref<64x128xf32, #tpu.memory_space<vmem_shared>>
      %dma_wait3A_109 = arith.constant 0 : i32
      %dma_wait3A_110 = tpu.memref_slice %arg11[%add3A_34, %dma_wait3A_109] : memref<10240x128xf32, #tpu.memory_space<vmem_shared>> -> memref<64x128xf32, #tpu.memory_space<vmem_shared>>
      tpu.wait_dma2 semaphore(%run_scoped3A : memref<!tpu.dma_semaphore, #tpu.memory_space<semaphore_mem>>) src(%arg10 : memref<64x128xf32, #tpu.memory_space<vmem>>) dst(%dma_wait3A_110 : memref<64x128xf32, #tpu.memory_space<vmem_shared>>)
      tpu.yield
    }) : () -> ()
    %mul3A_35 = arith.constant 640 : i32
    %mul3A_36 = arith.muli %arg1, %mul3A_35 : i32
    %add3A_37 = arith.constant 128 : i32
    %add3A_38 = arith.addi %mul3A_36, %add3A_37 : i32
    "tpu.region"() ({
      %run_scoped3A = tpu.sem_alloc : memref<!tpu.dma_semaphore, #tpu.memory_space<semaphore_mem>>
      %dma_start3A_104 = arith.constant 0 : i32
      %dma_start3A_105 = tpu.memref_slice %arg11[%add3A_38, %dma_start3A_104] : memref<10240x128xf32, #tpu.memory_space<vmem_shared>> -> memref<64x128xf32, #tpu.memory_space<vmem_shared>>
      %dma_start3A_106 = arith.constant 0 : i32
      %dma_start3A_107 = tpu.memref_slice %arg11[%add3A_38, %dma_start3A_106] : memref<10240x128xf32, #tpu.memory_space<vmem_shared>> -> memref<64x128xf32, #tpu.memory_space<vmem_shared>>
      tpu.enqueue_dma source(%arg10 : memref<64x128xf32, #tpu.memory_space<vmem>>) target(%dma_start3A_107 : memref<64x128xf32, #tpu.memory_space<vmem_shared>>) target_semaphore(%run_scoped3A : memref<!tpu.dma_semaphore, #tpu.memory_space<semaphore_mem>>)
      %dma_wait3A = arith.constant 0 : i32
      %dma_wait3A_108 = tpu.memref_slice %arg11[%add3A_38, %dma_wait3A] : memref<10240x128xf32, #tpu.memory_space<vmem_shared>> -> memref<64x128xf32, #tpu.memory_space<vmem_shared>>
      %dma_wait3A_109 = arith.constant 0 : i32
      %dma_wait3A_110 = tpu.memref_slice %arg11[%add3A_38, %dma_wait3A_109] : memref<10240x128xf32, #tpu.memory_space<vmem_shared>> -> memref<64x128xf32, #tpu.memory_space<vmem_shared>>
      tpu.wait_dma2 semaphore(%run_scoped3A : memref<!tpu.dma_semaphore, #tpu.memory_space<semaphore_mem>>) src(%arg10 : memref<64x128xf32, #tpu.memory_space<vmem>>) dst(%dma_wait3A_110 : memref<64x128xf32, #tpu.memory_space<vmem_shared>>)
      tpu.yield
    }) : () -> ()
    %mul3A_39 = arith.constant 640 : i32
    %mul3A_40 = arith.muli %arg1, %mul3A_39 : i32
    %add3A_41 = arith.constant 192 : i32
    %add3A_42 = arith.addi %mul3A_40, %add3A_41 : i32
    "tpu.region"() ({
      %run_scoped3A = tpu.sem_alloc : memref<!tpu.dma_semaphore, #tpu.memory_space<semaphore_mem>>
      %dma_start3A_104 = arith.constant 0 : i32
      %dma_start3A_105 = tpu.memref_slice %arg11[%add3A_42, %dma_start3A_104] : memref<10240x128xf32, #tpu.memory_space<vmem_shared>> -> memref<64x128xf32, #tpu.memory_space<vmem_shared>>
      %dma_start3A_106 = arith.constant 0 : i32
      %dma_start3A_107 = tpu.memref_slice %arg11[%add3A_42, %dma_start3A_106] : memref<10240x128xf32, #tpu.memory_space<vmem_shared>> -> memref<64x128xf32, #tpu.memory_space<vmem_shared>>
      tpu.enqueue_dma source(%arg10 : memref<64x128xf32, #tpu.memory_space<vmem>>) target(%dma_start3A_107 : memref<64x128xf32, #tpu.memory_space<vmem_shared>>) target_semaphore(%run_scoped3A : memref<!tpu.dma_semaphore, #tpu.memory_space<semaphore_mem>>)
      %dma_wait3A = arith.constant 0 : i32
      %dma_wait3A_108 = tpu.memref_slice %arg11[%add3A_42, %dma_wait3A] : memref<10240x128xf32, #tpu.memory_space<vmem_shared>> -> memref<64x128xf32, #tpu.memory_space<vmem_shared>>
      %dma_wait3A_109 = arith.constant 0 : i32
      %dma_wait3A_110 = tpu.memref_slice %arg11[%add3A_42, %dma_wait3A_109] : memref<10240x128xf32, #tpu.memory_space<vmem_shared>> -> memref<64x128xf32, #tpu.memory_space<vmem_shared>>
      tpu.wait_dma2 semaphore(%run_scoped3A : memref<!tpu.dma_semaphore, #tpu.memory_space<semaphore_mem>>) src(%arg10 : memref<64x128xf32, #tpu.memory_space<vmem>>) dst(%dma_wait3A_110 : memref<64x128xf32, #tpu.memory_space<vmem_shared>>)
      tpu.yield
    }) : () -> ()
    %mul3A_43 = arith.constant 640 : i32
    %mul3A_44 = arith.muli %arg1, %mul3A_43 : i32
    %add3A_45 = arith.constant 256 : i32
    %add3A_46 = arith.addi %mul3A_44, %add3A_45 : i32
    "tpu.region"() ({
      %run_scoped3A = tpu.sem_alloc : memref<!tpu.dma_semaphore, #tpu.memory_space<semaphore_mem>>
      %dma_start3A_104 = arith.constant 0 : i32
      %dma_start3A_105 = tpu.memref_slice %arg11[%add3A_46, %dma_start3A_104] : memref<10240x128xf32, #tpu.memory_space<vmem_shared>> -> memref<64x128xf32, #tpu.memory_space<vmem_shared>>
      %dma_start3A_106 = arith.constant 0 : i32
      %dma_start3A_107 = tpu.memref_slice %arg11[%add3A_46, %dma_start3A_106] : memref<10240x128xf32, #tpu.memory_space<vmem_shared>> -> memref<64x128xf32, #tpu.memory_space<vmem_shared>>
      tpu.enqueue_dma source(%arg10 : memref<64x128xf32, #tpu.memory_space<vmem>>) target(%dma_start3A_107 : memref<64x128xf32, #tpu.memory_space<vmem_shared>>) target_semaphore(%run_scoped3A : memref<!tpu.dma_semaphore, #tpu.memory_space<semaphore_mem>>)
      %dma_wait3A = arith.constant 0 : i32
      %dma_wait3A_108 = tpu.memref_slice %arg11[%add3A_46, %dma_wait3A] : memref<10240x128xf32, #tpu.memory_space<vmem_shared>> -> memref<64x128xf32, #tpu.memory_space<vmem_shared>>
      %dma_wait3A_109 = arith.constant 0 : i32
      %dma_wait3A_110 = tpu.memref_slice %arg11[%add3A_46, %dma_wait3A_109] : memref<10240x128xf32, #tpu.memory_space<vmem_shared>> -> memref<64x128xf32, #tpu.memory_space<vmem_shared>>
      tpu.wait_dma2 semaphore(%run_scoped3A : memref<!tpu.dma_semaphore, #tpu.memory_space<semaphore_mem>>) src(%arg10 : memref<64x128xf32, #tpu.memory_space<vmem>>) dst(%dma_wait3A_110 : memref<64x128xf32, #tpu.memory_space<vmem_shared>>)
      tpu.yield
    }) : () -> ()
    %mul3A_47 = arith.constant 640 : i32
    %mul3A_48 = arith.muli %arg1, %mul3A_47 : i32
    %add3A_49 = arith.constant 320 : i32
    %add3A_50 = arith.addi %mul3A_48, %add3A_49 : i32
    "tpu.region"() ({
      %run_scoped3A = tpu.sem_alloc : memref<!tpu.dma_semaphore, #tpu.memory_space<semaphore_mem>>
      %dma_start3A_104 = arith.constant 0 : i32
      %dma_start3A_105 = tpu.memref_slice %arg11[%add3A_50, %dma_start3A_104] : memref<10240x128xf32, #tpu.memory_space<vmem_shared>> -> memref<64x128xf32, #tpu.memory_space<vmem_shared>>
      %dma_start3A_106 = arith.constant 0 : i32
      %dma_start3A_107 = tpu.memref_slice %arg11[%add3A_50, %dma_start3A_106] : memref<10240x128xf32, #tpu.memory_space<vmem_shared>> -> memref<64x128xf32, #tpu.memory_space<vmem_shared>>
      tpu.enqueue_dma source(%arg10 : memref<64x128xf32, #tpu.memory_space<vmem>>) target(%dma_start3A_107 : memref<64x128xf32, #tpu.memory_space<vmem_shared>>) target_semaphore(%run_scoped3A : memref<!tpu.dma_semaphore, #tpu.memory_space<semaphore_mem>>)
      %dma_wait3A = arith.constant 0 : i32
      %dma_wait3A_108 = tpu.memref_slice %arg11[%add3A_50, %dma_wait3A] : memref<10240x128xf32, #tpu.memory_space<vmem_shared>> -> memref<64x128xf32, #tpu.memory_space<vmem_shared>>
      %dma_wait3A_109 = arith.constant 0 : i32
      %dma_wait3A_110 = tpu.memref_slice %arg11[%add3A_50, %dma_wait3A_109] : memref<10240x128xf32, #tpu.memory_space<vmem_shared>> -> memref<64x128xf32, #tpu.memory_space<vmem_shared>>
      tpu.wait_dma2 semaphore(%run_scoped3A : memref<!tpu.dma_semaphore, #tpu.memory_space<semaphore_mem>>) src(%arg10 : memref<64x128xf32, #tpu.memory_space<vmem>>) dst(%dma_wait3A_110 : memref<64x128xf32, #tpu.memory_space<vmem_shared>>)
      tpu.yield
    }) : () -> ()
    %mul3A_51 = arith.constant 640 : i32
    %mul3A_52 = arith.muli %arg1, %mul3A_51 : i32
    %add3A_53 = arith.constant 384 : i32
    %add3A_54 = arith.addi %mul3A_52, %add3A_53 : i32
    "tpu.region"() ({
      %run_scoped3A = tpu.sem_alloc : memref<!tpu.dma_semaphore, #tpu.memory_space<semaphore_mem>>
      %dma_start3A_104 = arith.constant 0 : i32
      %dma_start3A_105 = tpu.memref_slice %arg11[%add3A_54, %dma_start3A_104] : memref<10240x128xf32, #tpu.memory_space<vmem_shared>> -> memref<64x128xf32, #tpu.memory_space<vmem_shared>>
      %dma_start3A_106 = arith.constant 0 : i32
      %dma_start3A_107 = tpu.memref_slice %arg11[%add3A_54, %dma_start3A_106] : memref<10240x128xf32, #tpu.memory_space<vmem_shared>> -> memref<64x128xf32, #tpu.memory_space<vmem_shared>>
      tpu.enqueue_dma source(%arg10 : memref<64x128xf32, #tpu.memory_space<vmem>>) target(%dma_start3A_107 : memref<64x128xf32, #tpu.memory_space<vmem_shared>>) target_semaphore(%run_scoped3A : memref<!tpu.dma_semaphore, #tpu.memory_space<semaphore_mem>>)
      %dma_wait3A = arith.constant 0 : i32
      %dma_wait3A_108 = tpu.memref_slice %arg11[%add3A_54, %dma_wait3A] : memref<10240x128xf32, #tpu.memory_space<vmem_shared>> -> memref<64x128xf32, #tpu.memory_space<vmem_shared>>
      %dma_wait3A_109 = arith.constant 0 : i32
      %dma_wait3A_110 = tpu.memref_slice %arg11[%add3A_54, %dma_wait3A_109] : memref<10240x128xf32, #tpu.memory_space<vmem_shared>> -> memref<64x128xf32, #tpu.memory_space<vmem_shared>>
      tpu.wait_dma2 semaphore(%run_scoped3A : memref<!tpu.dma_semaphore, #tpu.memory_space<semaphore_mem>>) src(%arg10 : memref<64x128xf32, #tpu.memory_space<vmem>>) dst(%dma_wait3A_110 : memref<64x128xf32, #tpu.memory_space<vmem_shared>>)
      tpu.yield
    }) : () -> ()
    %mul3A_55 = arith.constant 640 : i32
    %mul3A_56 = arith.muli %arg1, %mul3A_55 : i32
    %add3A_57 = arith.constant 448 : i32
    %add3A_58 = arith.addi %mul3A_56, %add3A_57 : i32
    "tpu.region"() ({
      %run_scoped3A = tpu.sem_alloc : memref<!tpu.dma_semaphore, #tpu.memory_space<semaphore_mem>>
      %dma_start3A_104 = arith.constant 0 : i32
      %dma_start3A_105 = tpu.memref_slice %arg11[%add3A_58, %dma_start3A_104] : memref<10240x128xf32, #tpu.memory_space<vmem_shared>> -> memref<64x128xf32, #tpu.memory_space<vmem_shared>>
      %dma_start3A_106 = arith.constant 0 : i32
      %dma_start3A_107 = tpu.memref_slice %arg11[%add3A_58, %dma_start3A_106] : memref<10240x128xf32, #tpu.memory_space<vmem_shared>> -> memref<64x128xf32, #tpu.memory_space<vmem_shared>>
      tpu.enqueue_dma source(%arg10 : memref<64x128xf32, #tpu.memory_space<vmem>>) target(%dma_start3A_107 : memref<64x128xf32, #tpu.memory_space<vmem_shared>>) target_semaphore(%run_scoped3A : memref<!tpu.dma_semaphore, #tpu.memory_space<semaphore_mem>>)
      %dma_wait3A = arith.constant 0 : i32
      %dma_wait3A_108 = tpu.memref_slice %arg11[%add3A_58, %dma_wait3A] : memref<10240x128xf32, #tpu.memory_space<vmem_shared>> -> memref<64x128xf32, #tpu.memory_space<vmem_shared>>
      %dma_wait3A_109 = arith.constant 0 : i32
      %dma_wait3A_110 = tpu.memref_slice %arg11[%add3A_58, %dma_wait3A_109] : memref<10240x128xf32, #tpu.memory_space<vmem_shared>> -> memref<64x128xf32, #tpu.memory_space<vmem_shared>>
      tpu.wait_dma2 semaphore(%run_scoped3A : memref<!tpu.dma_semaphore, #tpu.memory_space<semaphore_mem>>) src(%arg10 : memref<64x128xf32, #tpu.memory_space<vmem>>) dst(%dma_wait3A_110 : memref<64x128xf32, #tpu.memory_space<vmem_shared>>)
      tpu.yield
    }) : () -> ()
    %mul3A_59 = arith.constant 640 : i32
    %mul3A_60 = arith.muli %arg1, %mul3A_59 : i32
    %add3A_61 = arith.constant 512 : i32
    %add3A_62 = arith.addi %mul3A_60, %add3A_61 : i32
    "tpu.region"() ({
      %run_scoped3A = tpu.sem_alloc : memref<!tpu.dma_semaphore, #tpu.memory_space<semaphore_mem>>
      %dma_start3A_104 = arith.constant 0 : i32
      %dma_start3A_105 = tpu.memref_slice %arg11[%add3A_62, %dma_start3A_104] : memref<10240x128xf32, #tpu.memory_space<vmem_shared>> -> memref<64x128xf32, #tpu.memory_space<vmem_shared>>
      %dma_start3A_106 = arith.constant 0 : i32
      %dma_start3A_107 = tpu.memref_slice %arg11[%add3A_62, %dma_start3A_106] : memref<10240x128xf32, #tpu.memory_space<vmem_shared>> -> memref<64x128xf32, #tpu.memory_space<vmem_shared>>
      tpu.enqueue_dma source(%arg10 : memref<64x128xf32, #tpu.memory_space<vmem>>) target(%dma_start3A_107 : memref<64x128xf32, #tpu.memory_space<vmem_shared>>) target_semaphore(%run_scoped3A : memref<!tpu.dma_semaphore, #tpu.memory_space<semaphore_mem>>)
      %dma_wait3A = arith.constant 0 : i32
      %dma_wait3A_108 = tpu.memref_slice %arg11[%add3A_62, %dma_wait3A] : memref<10240x128xf32, #tpu.memory_space<vmem_shared>> -> memref<64x128xf32, #tpu.memory_space<vmem_shared>>
      %dma_wait3A_109 = arith.constant 0 : i32
      %dma_wait3A_110 = tpu.memref_slice %arg11[%add3A_62, %dma_wait3A_109] : memref<10240x128xf32, #tpu.memory_space<vmem_shared>> -> memref<64x128xf32, #tpu.memory_space<vmem_shared>>
      tpu.wait_dma2 semaphore(%run_scoped3A : memref<!tpu.dma_semaphore, #tpu.memory_space<semaphore_mem>>) src(%arg10 : memref<64x128xf32, #tpu.memory_space<vmem>>) dst(%dma_wait3A_110 : memref<64x128xf32, #tpu.memory_space<vmem_shared>>)
      tpu.yield
    }) : () -> ()
    %mul3A_63 = arith.constant 640 : i32
    %mul3A_64 = arith.muli %arg1, %mul3A_63 : i32
    %add3A_65 = arith.constant 576 : i32
    %add3A_66 = arith.addi %mul3A_64, %add3A_65 : i32
    "tpu.region"() ({
      %run_scoped3A = tpu.sem_alloc : memref<!tpu.dma_semaphore, #tpu.memory_space<semaphore_mem>>
      %dma_start3A_104 = arith.constant 0 : i32
      %dma_start3A_105 = tpu.memref_slice %arg11[%add3A_66, %dma_start3A_104] : memref<10240x128xf32, #tpu.memory_space<vmem_shared>> -> memref<64x128xf32, #tpu.memory_space<vmem_shared>>
      %dma_start3A_106 = arith.constant 0 : i32
      %dma_start3A_107 = tpu.memref_slice %arg11[%add3A_66, %dma_start3A_106] : memref<10240x128xf32, #tpu.memory_space<vmem_shared>> -> memref<64x128xf32, #tpu.memory_space<vmem_shared>>
      tpu.enqueue_dma source(%arg10 : memref<64x128xf32, #tpu.memory_space<vmem>>) target(%dma_start3A_107 : memref<64x128xf32, #tpu.memory_space<vmem_shared>>) target_semaphore(%run_scoped3A : memref<!tpu.dma_semaphore, #tpu.memory_space<semaphore_mem>>)
      %dma_wait3A = arith.constant 0 : i32
      %dma_wait3A_108 = tpu.memref_slice %arg11[%add3A_66, %dma_wait3A] : memref<10240x128xf32, #tpu.memory_space<vmem_shared>> -> memref<64x128xf32, #tpu.memory_space<vmem_shared>>
      %dma_wait3A_109 = arith.constant 0 : i32
      %dma_wait3A_110 = tpu.memref_slice %arg11[%add3A_66, %dma_wait3A_109] : memref<10240x128xf32, #tpu.memory_space<vmem_shared>> -> memref<64x128xf32, #tpu.memory_space<vmem_shared>>
      tpu.wait_dma2 semaphore(%run_scoped3A : memref<!tpu.dma_semaphore, #tpu.memory_space<semaphore_mem>>) src(%arg10 : memref<64x128xf32, #tpu.memory_space<vmem>>) dst(%dma_wait3A_110 : memref<64x128xf32, #tpu.memory_space<vmem_shared>>)
      tpu.yield
    }) : () -> ()
    %barrier3A = arith.constant 0 : index
    tpu.barrier barrier_id(%barrier3A)
    %sub3A = arith.constant 0 : i32
    %sub3A_67 = arith.subi %select_n3A_9, %sub3A : i32
    %sub3A_68 = arith.constant 1 : i32
    %sub3A_69 = arith.constant 1 : i32
    %sub3A_70 = arith.subi %sub3A_68, %sub3A_69 : i32
    %add3A_71 = arith.addi %sub3A_67, %sub3A_70 : i32
    %div3A = arith.constant 1 : i32
    %div3A_72 = arith.divsi %add3A_71, %div3A : i32
    %while3A = arith.constant 1 : i32
    %while3A_73 = arith.constant 0 : i32
    %while3A_74 = arith.constant 0 : i32
    %while3A_75 = arith.subi %div3A_72, %while3A_74 : i32
    %while3A_76 = arith.addi %while3A_74, %while3A_75 : i32
    %while3A_77 = arith.constant 1 : i32
    %while3A_78 = arith.divsi %while3A_75, %while3A_77 : i32
    %while3A_79 = arith.muli %while3A_78, %while3A_77 : i32
    %while3A_80 = arith.addi %while3A_74, %while3A_79 : i32
    %while3A_81 = arith.constant 1 : i32
    scf.for %while3A_104 = %while3A_74 to %while3A_80 step %while3A_81  : i32 {
      %mul3A_105 = arith.muli %while3A_104, %while3A : i32
      %add3A_106 = arith.addi %while3A_73, %mul3A_105 : i32
      %mul3A_107 = arith.constant 16 : i32
      %mul3A_108 = arith.muli %add3A_106, %mul3A_107 : i32
      %add3A_109 = arith.addi %select_n3A, %mul3A_108 : i32
      %gt3A = arith.constant 0 : i32
      %gt3A_110 = arith.cmpi sgt, %add3A_106, %gt3A : i32
      %convert_element_type3A = arith.extui %gt3A_110 : i1 to i32
      %cond3A = arith.constant 0 : i32
      %cond3A_111 = arith.cmpi ne, %convert_element_type3A, %cond3A : i32
      scf.if %cond3A_111 {
        "tpu.region"() ({
          %run_scoped3A = tpu.sem_alloc : memref<!tpu.dma_semaphore, #tpu.memory_space<semaphore_mem>>
          %dma_start3A_131 = arith.constant 0 : i32
          %dma_start3A_132 = tpu.memref_slice %arg3[%add3A_109, %dma_start3A_131] : memref<2560x128xi32, #tpu.memory_space<hbm>> -> memref<16x128xi32, #tpu.memory_space<hbm>>
          %dma_start3A_133 = arith.constant 0 : i32
          %dma_start3A_134 = tpu.memref_slice %arg3[%add3A_109, %dma_start3A_133] : memref<2560x128xi32, #tpu.memory_space<hbm>> -> memref<16x128xi32, #tpu.memory_space<hbm>>
          tpu.enqueue_dma source(%dma_start3A_134 : memref<16x128xi32, #tpu.memory_space<hbm>>) target(%arg6 : memref<16x128xi32, #tpu.memory_space<vmem>>) target_semaphore(%run_scoped3A : memref<!tpu.dma_semaphore, #tpu.memory_space<semaphore_mem>>)
          %dma_wait3A = arith.constant 0 : i32
          %dma_wait3A_135 = tpu.memref_slice %arg3[%add3A_109, %dma_wait3A] : memref<2560x128xi32, #tpu.memory_space<hbm>> -> memref<16x128xi32, #tpu.memory_space<hbm>>
          %dma_wait3A_136 = arith.constant 0 : i32
          %dma_wait3A_137 = tpu.memref_slice %arg3[%add3A_109, %dma_wait3A_136] : memref<2560x128xi32, #tpu.memory_space<hbm>> -> memref<16x128xi32, #tpu.memory_space<hbm>>
          tpu.wait_dma2 semaphore(%run_scoped3A : memref<!tpu.dma_semaphore, #tpu.memory_space<semaphore_mem>>) src(%dma_wait3A_137 : memref<16x128xi32, #tpu.memory_space<hbm>>) dst(%arg6 : memref<16x128xi32, #tpu.memory_space<vmem>>)
          tpu.yield
        }) : () -> ()
        "tpu.region"() ({
          %run_scoped3A = tpu.sem_alloc : memref<!tpu.dma_semaphore, #tpu.memory_space<semaphore_mem>>
          %dma_start3A_131 = arith.constant 0 : i32
          %dma_start3A_132 = tpu.memref_slice %arg4[%add3A_109, %dma_start3A_131] : memref<2560x128xi32, #tpu.memory_space<hbm>> -> memref<16x128xi32, #tpu.memory_space<hbm>>
          %dma_start3A_133 = arith.constant 0 : i32
          %dma_start3A_134 = tpu.memref_slice %arg4[%add3A_109, %dma_start3A_133] : memref<2560x128xi32, #tpu.memory_space<hbm>> -> memref<16x128xi32, #tpu.memory_space<hbm>>
          tpu.enqueue_dma source(%dma_start3A_134 : memref<16x128xi32, #tpu.memory_space<hbm>>) target(%arg7 : memref<16x128xi32, #tpu.memory_space<vmem>>) target_semaphore(%run_scoped3A : memref<!tpu.dma_semaphore, #tpu.memory_space<semaphore_mem>>)
          %dma_wait3A = arith.constant 0 : i32
          %dma_wait3A_135 = tpu.memref_slice %arg4[%add3A_109, %dma_wait3A] : memref<2560x128xi32, #tpu.memory_space<hbm>> -> memref<16x128xi32, #tpu.memory_space<hbm>>
          %dma_wait3A_136 = arith.constant 0 : i32
          %dma_wait3A_137 = tpu.memref_slice %arg4[%add3A_109, %dma_wait3A_136] : memref<2560x128xi32, #tpu.memory_space<hbm>> -> memref<16x128xi32, #tpu.memory_space<hbm>>
          tpu.wait_dma2 semaphore(%run_scoped3A : memref<!tpu.dma_semaphore, #tpu.memory_space<semaphore_mem>>) src(%dma_wait3A_137 : memref<16x128xi32, #tpu.memory_space<hbm>>) dst(%arg7 : memref<16x128xi32, #tpu.memory_space<vmem>>)
          tpu.yield
        }) : () -> ()
        %dma_start3A_117 = arith.constant 0 : i32
        %dma_start3A_118 = arith.constant 0 : i32
        %dma_start3A_119 = tpu.memref_slice %arg6[%dma_start3A_117, %dma_start3A_118] : memref<16x128xi32, #tpu.memory_space<vmem>> -> memref<1x128xi32, #tpu.memory_space<vmem>>
        %dma_start3A_120 = tpu.memref_squeeze %dma_start3A_119 : memref<1x128xi32, #tpu.memory_space<vmem>> -> memref<128xi32, #tpu.memory_space<vmem>>
        %dma_start3A_121 = arith.constant 0 : i32
        %dma_start3A_122 = arith.constant 0 : i32
        %dma_start3A_123 = tpu.memref_slice %arg2[%dma_start3A_121, %dma_start3A_122] : memref<10240x128xf32, #tpu.memory_space<hbm>> -> memref<10240x128xf32, #tpu.memory_space<hbm>>
        tpu.enqueue_indirect_dma source(%dma_start3A_123 : memref<10240x128xf32, #tpu.memory_space<hbm>>) target(%arg8 : memref<128x128xf32, #tpu.memory_space<vmem>>) offsets(%dma_start3A_120 : memref<128xi32, #tpu.memory_space<vmem>>) semaphore(%arg12 : memref<!tpu.dma_semaphore, #tpu.memory_space<semaphore_mem>>)
        %dma_start3A_124 = arith.constant 1 : i32
        %dma_start3A_125 = arith.constant 0 : i32
        %dma_start3A_126 = tpu.memref_slice %arg6[%dma_start3A_124, %dma_start3A_125] : memref<16x128xi32, #tpu.memory_space<vmem>> -> memref<1x128xi32, #tpu.memory_space<vmem>>
        %dma_start3A_127 = tpu.memref_squeeze %dma_start3A_126 : memref<1x128xi32, #tpu.memory_space<vmem>> -> memref<128xi32, #tpu.memory_space<vmem>>
        %dma_start3A_128 = arith.constant 0 : i32
        %dma_start3A_129 = arith.constant 0 : i32
        %dma_start3A_130 = tpu.memref_slice %arg2[%dma_start3A_128, %dma_start3A_129] : memref<10240x128xf32, #tpu.memory_space<hbm>> -> memref<10240x128xf32, #tpu.memory_space<hbm>>
        tpu.enqueue_indirect_dma source(%dma_start3A_130 : memref<10240x128xf32, #tpu.memory_space<hbm>>) target(%arg9 : memref<128x128xf32, #tpu.memory_space<vmem>>) offsets(%dma_start3A_127 : memref<128xi32, #tpu.memory_space<vmem>>) semaphore(%arg13 : memref<!tpu.dma_semaphore, #tpu.memory_space<semaphore_mem>>)
      } else {
      }
      %scan3A_112 = arith.constant 0 : i32
      %scan3A_113 = arith.constant 8 : i32
      %scan3A_114 = arith.addi %scan3A_112, %scan3A_113 : i32
      %scan3A_115 = arith.constant 1 : i32
      scf.for %scan3A_117 = %scan3A_112 to %scan3A_114 step %scan3A_115  : i32 {
        %mul3A_118 = arith.constant 2 : i32
        %mul3A_119 = arith.muli %scan3A_117, %mul3A_118 : i32
        %add3A_120 = arith.constant 0 : i32
        %add3A_121 = arith.addi %add3A_120, %mul3A_119 : i32
        %add3A_122 = arith.constant 0 : i32
        %add3A_123 = arith.addi %add3A_121, %add3A_122 : i32
        %dma_wait3A = arith.constant 0 : i32
        %dma_wait3A_124 = tpu.memref_slice %arg6[%add3A_123, %dma_wait3A] : memref<16x128xi32, #tpu.memory_space<vmem>> -> memref<1x128xi32, #tpu.memory_space<vmem>>
        %dma_wait3A_125 = tpu.memref_squeeze %dma_wait3A_124 : memref<1x128xi32, #tpu.memory_space<vmem>> -> memref<128xi32, #tpu.memory_space<vmem>>
        %dma_wait3A_126 = arith.constant 0 : i32
        %dma_wait3A_127 = arith.constant 0 : i32
        %dma_wait3A_128 = tpu.memref_slice %arg2[%dma_wait3A_126, %dma_wait3A_127] : memref<10240x128xf32, #tpu.memory_space<hbm>> -> memref<10240x128xf32, #tpu.memory_space<hbm>>
        tpu.wait_indirect_dma semaphore(%arg12 : memref<!tpu.dma_semaphore, #tpu.memory_space<semaphore_mem>>) src(%dma_wait3A_128 : memref<10240x128xf32, #tpu.memory_space<hbm>>) dst(%arg8 : memref<128x128xf32, #tpu.memory_space<vmem>>)
        "tpu.region"() ({
          %run_scoped3A = tpu.sem_alloc : memref<!tpu.dma_semaphore, #tpu.memory_space<semaphore_mem>>
          %dma_start3A_150 = arith.constant 0 : i32
          %dma_start3A_151 = tpu.memref_slice %arg7[%add3A_123, %dma_start3A_150] : memref<16x128xi32, #tpu.memory_space<vmem>> -> memref<1x128xi32, #tpu.memory_space<vmem>>
          %dma_start3A_152 = tpu.memref_squeeze %dma_start3A_151 : memref<1x128xi32, #tpu.memory_space<vmem>> -> memref<128xi32, #tpu.memory_space<vmem>>
          %dma_start3A_153 = arith.constant 0 : i32
          %dma_start3A_154 = arith.constant 0 : i32
          %dma_start3A_155 = tpu.memref_slice %arg11[%dma_start3A_153, %dma_start3A_154] : memref<10240x128xf32, #tpu.memory_space<vmem_shared>> -> memref<10240x128xf32, #tpu.memory_space<vmem_shared>>
          tpu.enqueue_indirect_dma source(%arg8 : memref<128x128xf32, #tpu.memory_space<vmem>>) target(%dma_start3A_155 : memref<10240x128xf32, #tpu.memory_space<vmem_shared>>) offsets(%dma_start3A_152 : memref<128xi32, #tpu.memory_space<vmem>>) semaphore(%run_scoped3A : memref<!tpu.dma_semaphore, #tpu.memory_space<semaphore_mem>>) {add = true}
          %dma_wait3A_156 = arith.constant 0 : i32
          %dma_wait3A_157 = tpu.memref_slice %arg7[%add3A_123, %dma_wait3A_156] : memref<16x128xi32, #tpu.memory_space<vmem>> -> memref<1x128xi32, #tpu.memory_space<vmem>>
          %dma_wait3A_158 = tpu.memref_squeeze %dma_wait3A_157 : memref<1x128xi32, #tpu.memory_space<vmem>> -> memref<128xi32, #tpu.memory_space<vmem>>
          %dma_wait3A_159 = arith.constant 0 : i32
          %dma_wait3A_160 = arith.constant 0 : i32
          %dma_wait3A_161 = tpu.memref_slice %arg11[%dma_wait3A_159, %dma_wait3A_160] : memref<10240x128xf32, #tpu.memory_space<vmem_shared>> -> memref<10240x128xf32, #tpu.memory_space<vmem_shared>>
          tpu.wait_indirect_dma semaphore(%run_scoped3A : memref<!tpu.dma_semaphore, #tpu.memory_space<semaphore_mem>>) src(%arg8 : memref<128x128xf32, #tpu.memory_space<vmem>>) dst(%dma_wait3A_161 : memref<10240x128xf32, #tpu.memory_space<vmem_shared>>)
          tpu.yield
        }) : () -> ()
        %add3A_129 = arith.constant 2 : i32
        %add3A_130 = arith.addi %add3A_123, %add3A_129 : i32
        %lt3A = arith.constant 16 : i32
        %lt3A_131 = arith.cmpi slt, %add3A_130, %lt3A : i32
        %convert_element_type3A_132 = arith.extui %lt3A_131 : i1 to i32
        %cond3A_133 = arith.constant 0 : i32
        %cond3A_134 = arith.cmpi ne, %convert_element_type3A_132, %cond3A_133 : i32
        scf.if %cond3A_134 {
          %add3A_150 = arith.constant 2 : i32
          %add3A_151 = arith.addi %add3A_123, %add3A_150 : i32
          %dma_start3A_152 = arith.constant 0 : i32
          %dma_start3A_153 = tpu.memref_slice %arg6[%add3A_151, %dma_start3A_152] : memref<16x128xi32, #tpu.memory_space<vmem>> -> memref<1x128xi32, #tpu.memory_space<vmem>>
          %dma_start3A_154 = tpu.memref_squeeze %dma_start3A_153 : memref<1x128xi32, #tpu.memory_space<vmem>> -> memref<128xi32, #tpu.memory_space<vmem>>
          %dma_start3A_155 = arith.constant 0 : i32
          %dma_start3A_156 = arith.constant 0 : i32
          %dma_start3A_157 = tpu.memref_slice %arg2[%dma_start3A_155, %dma_start3A_156] : memref<10240x128xf32, #tpu.memory_space<hbm>> -> memref<10240x128xf32, #tpu.memory_space<hbm>>
          tpu.enqueue_indirect_dma source(%dma_start3A_157 : memref<10240x128xf32, #tpu.memory_space<hbm>>) target(%arg8 : memref<128x128xf32, #tpu.memory_space<vmem>>) offsets(%dma_start3A_154 : memref<128xi32, #tpu.memory_space<vmem>>) semaphore(%arg12 : memref<!tpu.dma_semaphore, #tpu.memory_space<semaphore_mem>>)
        } else {
        }
        %add3A_135 = arith.constant 1 : i32
        %add3A_136 = arith.addi %add3A_121, %add3A_135 : i32
        %dma_wait3A_137 = arith.constant 0 : i32
        %dma_wait3A_138 = tpu.memref_slice %arg6[%add3A_136, %dma_wait3A_137] : memref<16x128xi32, #tpu.memory_space<vmem>> -> memref<1x128xi32, #tpu.memory_space<vmem>>
        %dma_wait3A_139 = tpu.memref_squeeze %dma_wait3A_138 : memref<1x128xi32, #tpu.memory_space<vmem>> -> memref<128xi32, #tpu.memory_space<vmem>>
        %dma_wait3A_140 = arith.constant 0 : i32
        %dma_wait3A_141 = arith.constant 0 : i32
        %dma_wait3A_142 = tpu.memref_slice %arg2[%dma_wait3A_140, %dma_wait3A_141] : memref<10240x128xf32, #tpu.memory_space<hbm>> -> memref<10240x128xf32, #tpu.memory_space<hbm>>
        tpu.wait_indirect_dma semaphore(%arg13 : memref<!tpu.dma_semaphore, #tpu.memory_space<semaphore_mem>>) src(%dma_wait3A_142 : memref<10240x128xf32, #tpu.memory_space<hbm>>) dst(%arg9 : memref<128x128xf32, #tpu.memory_space<vmem>>)
        "tpu.region"() ({
          %run_scoped3A = tpu.sem_alloc : memref<!tpu.dma_semaphore, #tpu.memory_space<semaphore_mem>>
          %dma_start3A_150 = arith.constant 0 : i32
          %dma_start3A_151 = tpu.memref_slice %arg7[%add3A_136, %dma_start3A_150] : memref<16x128xi32, #tpu.memory_space<vmem>> -> memref<1x128xi32, #tpu.memory_space<vmem>>
          %dma_start3A_152 = tpu.memref_squeeze %dma_start3A_151 : memref<1x128xi32, #tpu.memory_space<vmem>> -> memref<128xi32, #tpu.memory_space<vmem>>
          %dma_start3A_153 = arith.constant 0 : i32
          %dma_start3A_154 = arith.constant 0 : i32
          %dma_start3A_155 = tpu.memref_slice %arg11[%dma_start3A_153, %dma_start3A_154] : memref<10240x128xf32, #tpu.memory_space<vmem_shared>> -> memref<10240x128xf32, #tpu.memory_space<vmem_shared>>
          tpu.enqueue_indirect_dma source(%arg9 : memref<128x128xf32, #tpu.memory_space<vmem>>) target(%dma_start3A_155 : memref<10240x128xf32, #tpu.memory_space<vmem_shared>>) offsets(%dma_start3A_152 : memref<128xi32, #tpu.memory_space<vmem>>) semaphore(%run_scoped3A : memref<!tpu.dma_semaphore, #tpu.memory_space<semaphore_mem>>) {add = true}
          %dma_wait3A_156 = arith.constant 0 : i32
          %dma_wait3A_157 = tpu.memref_slice %arg7[%add3A_136, %dma_wait3A_156] : memref<16x128xi32, #tpu.memory_space<vmem>> -> memref<1x128xi32, #tpu.memory_space<vmem>>
          %dma_wait3A_158 = tpu.memref_squeeze %dma_wait3A_157 : memref<1x128xi32, #tpu.memory_space<vmem>> -> memref<128xi32, #tpu.memory_space<vmem>>
          %dma_wait3A_159 = arith.constant 0 : i32
          %dma_wait3A_160 = arith.constant 0 : i32
          %dma_wait3A_161 = tpu.memref_slice %arg11[%dma_wait3A_159, %dma_wait3A_160] : memref<10240x128xf32, #tpu.memory_space<vmem_shared>> -> memref<10240x128xf32, #tpu.memory_space<vmem_shared>>
          tpu.wait_indirect_dma semaphore(%run_scoped3A : memref<!tpu.dma_semaphore, #tpu.memory_space<semaphore_mem>>) src(%arg9 : memref<128x128xf32, #tpu.memory_space<vmem>>) dst(%dma_wait3A_161 : memref<10240x128xf32, #tpu.memory_space<vmem_shared>>)
          tpu.yield
        }) : () -> ()
        %add3A_143 = arith.constant 2 : i32
        %add3A_144 = arith.addi %add3A_136, %add3A_143 : i32
        %lt3A_145 = arith.constant 16 : i32
        %lt3A_146 = arith.cmpi slt, %add3A_144, %lt3A_145 : i32
        %convert_element_type3A_147 = arith.extui %lt3A_146 : i1 to i32
        %cond3A_148 = arith.constant 0 : i32
        %cond3A_149 = arith.cmpi ne, %convert_element_type3A_147, %cond3A_148 : i32
        scf.if %cond3A_149 {
          %add3A_150 = arith.constant 2 : i32
          %add3A_151 = arith.addi %add3A_136, %add3A_150 : i32
          %dma_start3A_152 = arith.constant 0 : i32
          %dma_start3A_153 = tpu.memref_slice %arg6[%add3A_151, %dma_start3A_152] : memref<16x128xi32, #tpu.memory_space<vmem>> -> memref<1x128xi32, #tpu.memory_space<vmem>>
          %dma_start3A_154 = tpu.memref_squeeze %dma_start3A_153 : memref<1x128xi32, #tpu.memory_space<vmem>> -> memref<128xi32, #tpu.memory_space<vmem>>
          %dma_start3A_155 = arith.constant 0 : i32
          %dma_start3A_156 = arith.constant 0 : i32
          %dma_start3A_157 = tpu.memref_slice %arg2[%dma_start3A_155, %dma_start3A_156] : memref<10240x128xf32, #tpu.memory_space<hbm>> -> memref<10240x128xf32, #tpu.memory_space<hbm>>
          tpu.enqueue_indirect_dma source(%dma_start3A_157 : memref<10240x128xf32, #tpu.memory_space<hbm>>) target(%arg9 : memref<128x128xf32, #tpu.memory_space<vmem>>) offsets(%dma_start3A_154 : memref<128xi32, #tpu.memory_space<vmem>>) semaphore(%arg13 : memref<!tpu.dma_semaphore, #tpu.memory_space<semaphore_mem>>)
        } else {
        }
      }
      %scan3A_116 = arith.constant 8 : i32
    }
    %while3A_82 = arith.constant 1 : i32
    scf.for %while3A_104 = %while3A_80 to %while3A_76 step %while3A_82  : i32 {
      %mul3A_105 = arith.muli %while3A_104, %while3A : i32
      %add3A_106 = arith.addi %while3A_73, %mul3A_105 : i32
      %mul3A_107 = arith.constant 16 : i32
      %mul3A_108 = arith.muli %add3A_106, %mul3A_107 : i32
      %add3A_109 = arith.addi %select_n3A, %mul3A_108 : i32
      %gt3A = arith.constant 0 : i32
      %gt3A_110 = arith.cmpi sgt, %add3A_106, %gt3A : i32
      %convert_element_type3A = arith.extui %gt3A_110 : i1 to i32
      %cond3A = arith.constant 0 : i32
      %cond3A_111 = arith.cmpi ne, %convert_element_type3A, %cond3A : i32
      scf.if %cond3A_111 {
        "tpu.region"() ({
          %run_scoped3A = tpu.sem_alloc : memref<!tpu.dma_semaphore, #tpu.memory_space<semaphore_mem>>
          %dma_start3A_131 = arith.constant 0 : i32
          %dma_start3A_132 = tpu.memref_slice %arg3[%add3A_109, %dma_start3A_131] : memref<2560x128xi32, #tpu.memory_space<hbm>> -> memref<16x128xi32, #tpu.memory_space<hbm>>
          %dma_start3A_133 = arith.constant 0 : i32
          %dma_start3A_134 = tpu.memref_slice %arg3[%add3A_109, %dma_start3A_133] : memref<2560x128xi32, #tpu.memory_space<hbm>> -> memref<16x128xi32, #tpu.memory_space<hbm>>
          tpu.enqueue_dma source(%dma_start3A_134 : memref<16x128xi32, #tpu.memory_space<hbm>>) target(%arg6 : memref<16x128xi32, #tpu.memory_space<vmem>>) target_semaphore(%run_scoped3A : memref<!tpu.dma_semaphore, #tpu.memory_space<semaphore_mem>>)
          %dma_wait3A = arith.constant 0 : i32
          %dma_wait3A_135 = tpu.memref_slice %arg3[%add3A_109, %dma_wait3A] : memref<2560x128xi32, #tpu.memory_space<hbm>> -> memref<16x128xi32, #tpu.memory_space<hbm>>
          %dma_wait3A_136 = arith.constant 0 : i32
          %dma_wait3A_137 = tpu.memref_slice %arg3[%add3A_109, %dma_wait3A_136] : memref<2560x128xi32, #tpu.memory_space<hbm>> -> memref<16x128xi32, #tpu.memory_space<hbm>>
          tpu.wait_dma2 semaphore(%run_scoped3A : memref<!tpu.dma_semaphore, #tpu.memory_space<semaphore_mem>>) src(%dma_wait3A_137 : memref<16x128xi32, #tpu.memory_space<hbm>>) dst(%arg6 : memref<16x128xi32, #tpu.memory_space<vmem>>)
          tpu.yield
        }) : () -> ()
        "tpu.region"() ({
          %run_scoped3A = tpu.sem_alloc : memref<!tpu.dma_semaphore, #tpu.memory_space<semaphore_mem>>
          %dma_start3A_131 = arith.constant 0 : i32
          %dma_start3A_132 = tpu.memref_slice %arg4[%add3A_109, %dma_start3A_131] : memref<2560x128xi32, #tpu.memory_space<hbm>> -> memref<16x128xi32, #tpu.memory_space<hbm>>
          %dma_start3A_133 = arith.constant 0 : i32
          %dma_start3A_134 = tpu.memref_slice %arg4[%add3A_109, %dma_start3A_133] : memref<2560x128xi32, #tpu.memory_space<hbm>> -> memref<16x128xi32, #tpu.memory_space<hbm>>
          tpu.enqueue_dma source(%dma_start3A_134 : memref<16x128xi32, #tpu.memory_space<hbm>>) target(%arg7 : memref<16x128xi32, #tpu.memory_space<vmem>>) target_semaphore(%run_scoped3A : memref<!tpu.dma_semaphore, #tpu.memory_space<semaphore_mem>>)
          %dma_wait3A = arith.constant 0 : i32
          %dma_wait3A_135 = tpu.memref_slice %arg4[%add3A_109, %dma_wait3A] : memref<2560x128xi32, #tpu.memory_space<hbm>> -> memref<16x128xi32, #tpu.memory_space<hbm>>
          %dma_wait3A_136 = arith.constant 0 : i32
          %dma_wait3A_137 = tpu.memref_slice %arg4[%add3A_109, %dma_wait3A_136] : memref<2560x128xi32, #tpu.memory_space<hbm>> -> memref<16x128xi32, #tpu.memory_space<hbm>>
          tpu.wait_dma2 semaphore(%run_scoped3A : memref<!tpu.dma_semaphore, #tpu.memory_space<semaphore_mem>>) src(%dma_wait3A_137 : memref<16x128xi32, #tpu.memory_space<hbm>>) dst(%arg7 : memref<16x128xi32, #tpu.memory_space<vmem>>)
          tpu.yield
        }) : () -> ()
        %dma_start3A_117 = arith.constant 0 : i32
        %dma_start3A_118 = arith.constant 0 : i32
        %dma_start3A_119 = tpu.memref_slice %arg6[%dma_start3A_117, %dma_start3A_118] : memref<16x128xi32, #tpu.memory_space<vmem>> -> memref<1x128xi32, #tpu.memory_space<vmem>>
        %dma_start3A_120 = tpu.memref_squeeze %dma_start3A_119 : memref<1x128xi32, #tpu.memory_space<vmem>> -> memref<128xi32, #tpu.memory_space<vmem>>
        %dma_start3A_121 = arith.constant 0 : i32
        %dma_start3A_122 = arith.constant 0 : i32
        %dma_start3A_123 = tpu.memref_slice %arg2[%dma_start3A_121, %dma_start3A_122] : memref<10240x128xf32, #tpu.memory_space<hbm>> -> memref<10240x128xf32, #tpu.memory_space<hbm>>
        tpu.enqueue_indirect_dma source(%dma_start3A_123 : memref<10240x128xf32, #tpu.memory_space<hbm>>) target(%arg8 : memref<128x128xf32, #tpu.memory_space<vmem>>) offsets(%dma_start3A_120 : memref<128xi32, #tpu.memory_space<vmem>>) semaphore(%arg12 : memref<!tpu.dma_semaphore, #tpu.memory_space<semaphore_mem>>)
        %dma_start3A_124 = arith.constant 1 : i32
        %dma_start3A_125 = arith.constant 0 : i32
        %dma_start3A_126 = tpu.memref_slice %arg6[%dma_start3A_124, %dma_start3A_125] : memref<16x128xi32, #tpu.memory_space<vmem>> -> memref<1x128xi32, #tpu.memory_space<vmem>>
        %dma_start3A_127 = tpu.memref_squeeze %dma_start3A_126 : memref<1x128xi32, #tpu.memory_space<vmem>> -> memref<128xi32, #tpu.memory_space<vmem>>
        %dma_start3A_128 = arith.constant 0 : i32
        %dma_start3A_129 = arith.constant 0 : i32
        %dma_start3A_130 = tpu.memref_slice %arg2[%dma_start3A_128, %dma_start3A_129] : memref<10240x128xf32, #tpu.memory_space<hbm>> -> memref<10240x128xf32, #tpu.memory_space<hbm>>
        tpu.enqueue_indirect_dma source(%dma_start3A_130 : memref<10240x128xf32, #tpu.memory_space<hbm>>) target(%arg9 : memref<128x128xf32, #tpu.memory_space<vmem>>) offsets(%dma_start3A_127 : memref<128xi32, #tpu.memory_space<vmem>>) semaphore(%arg13 : memref<!tpu.dma_semaphore, #tpu.memory_space<semaphore_mem>>)
      } else {
      }
      %scan3A_112 = arith.constant 0 : i32
      %scan3A_113 = arith.constant 8 : i32
      %scan3A_114 = arith.addi %scan3A_112, %scan3A_113 : i32
      %scan3A_115 = arith.constant 1 : i32
      scf.for %scan3A_117 = %scan3A_112 to %scan3A_114 step %scan3A_115  : i32 {
        %mul3A_118 = arith.constant 2 : i32
        %mul3A_119 = arith.muli %scan3A_117, %mul3A_118 : i32
        %add3A_120 = arith.constant 0 : i32
        %add3A_121 = arith.addi %add3A_120, %mul3A_119 : i32
        %add3A_122 = arith.constant 0 : i32
        %add3A_123 = arith.addi %add3A_121, %add3A_122 : i32
        %dma_wait3A = arith.constant 0 : i32
        %dma_wait3A_124 = tpu.memref_slice %arg6[%add3A_123, %dma_wait3A] : memref<16x128xi32, #tpu.memory_space<vmem>> -> memref<1x128xi32, #tpu.memory_space<vmem>>
        %dma_wait3A_125 = tpu.memref_squeeze %dma_wait3A_124 : memref<1x128xi32, #tpu.memory_space<vmem>> -> memref<128xi32, #tpu.memory_space<vmem>>
        %dma_wait3A_126 = arith.constant 0 : i32
        %dma_wait3A_127 = arith.constant 0 : i32
        %dma_wait3A_128 = tpu.memref_slice %arg2[%dma_wait3A_126, %dma_wait3A_127] : memref<10240x128xf32, #tpu.memory_space<hbm>> -> memref<10240x128xf32, #tpu.memory_space<hbm>>
        tpu.wait_indirect_dma semaphore(%arg12 : memref<!tpu.dma_semaphore, #tpu.memory_space<semaphore_mem>>) src(%dma_wait3A_128 : memref<10240x128xf32, #tpu.memory_space<hbm>>) dst(%arg8 : memref<128x128xf32, #tpu.memory_space<vmem>>)
        "tpu.region"() ({
          %run_scoped3A = tpu.sem_alloc : memref<!tpu.dma_semaphore, #tpu.memory_space<semaphore_mem>>
          %dma_start3A_150 = arith.constant 0 : i32
          %dma_start3A_151 = tpu.memref_slice %arg7[%add3A_123, %dma_start3A_150] : memref<16x128xi32, #tpu.memory_space<vmem>> -> memref<1x128xi32, #tpu.memory_space<vmem>>
          %dma_start3A_152 = tpu.memref_squeeze %dma_start3A_151 : memref<1x128xi32, #tpu.memory_space<vmem>> -> memref<128xi32, #tpu.memory_space<vmem>>
          %dma_start3A_153 = arith.constant 0 : i32
          %dma_start3A_154 = arith.constant 0 : i32
          %dma_start3A_155 = tpu.memref_slice %arg11[%dma_start3A_153, %dma_start3A_154] : memref<10240x128xf32, #tpu.memory_space<vmem_shared>> -> memref<10240x128xf32, #tpu.memory_space<vmem_shared>>
          tpu.enqueue_indirect_dma source(%arg8 : memref<128x128xf32, #tpu.memory_space<vmem>>) target(%dma_start3A_155 : memref<10240x128xf32, #tpu.memory_space<vmem_shared>>) offsets(%dma_start3A_152 : memref<128xi32, #tpu.memory_space<vmem>>) semaphore(%run_scoped3A : memref<!tpu.dma_semaphore, #tpu.memory_space<semaphore_mem>>) {add = true}
          %dma_wait3A_156 = arith.constant 0 : i32
          %dma_wait3A_157 = tpu.memref_slice %arg7[%add3A_123, %dma_wait3A_156] : memref<16x128xi32, #tpu.memory_space<vmem>> -> memref<1x128xi32, #tpu.memory_space<vmem>>
          %dma_wait3A_158 = tpu.memref_squeeze %dma_wait3A_157 : memref<1x128xi32, #tpu.memory_space<vmem>> -> memref<128xi32, #tpu.memory_space<vmem>>
          %dma_wait3A_159 = arith.constant 0 : i32
          %dma_wait3A_160 = arith.constant 0 : i32
          %dma_wait3A_161 = tpu.memref_slice %arg11[%dma_wait3A_159, %dma_wait3A_160] : memref<10240x128xf32, #tpu.memory_space<vmem_shared>> -> memref<10240x128xf32, #tpu.memory_space<vmem_shared>>
          tpu.wait_indirect_dma semaphore(%run_scoped3A : memref<!tpu.dma_semaphore, #tpu.memory_space<semaphore_mem>>) src(%arg8 : memref<128x128xf32, #tpu.memory_space<vmem>>) dst(%dma_wait3A_161 : memref<10240x128xf32, #tpu.memory_space<vmem_shared>>)
          tpu.yield
        }) : () -> ()
        %add3A_129 = arith.constant 2 : i32
        %add3A_130 = arith.addi %add3A_123, %add3A_129 : i32
        %lt3A = arith.constant 16 : i32
        %lt3A_131 = arith.cmpi slt, %add3A_130, %lt3A : i32
        %convert_element_type3A_132 = arith.extui %lt3A_131 : i1 to i32
        %cond3A_133 = arith.constant 0 : i32
        %cond3A_134 = arith.cmpi ne, %convert_element_type3A_132, %cond3A_133 : i32
        scf.if %cond3A_134 {
          %add3A_150 = arith.constant 2 : i32
          %add3A_151 = arith.addi %add3A_123, %add3A_150 : i32
          %dma_start3A_152 = arith.constant 0 : i32
          %dma_start3A_153 = tpu.memref_slice %arg6[%add3A_151, %dma_start3A_152] : memref<16x128xi32, #tpu.memory_space<vmem>> -> memref<1x128xi32, #tpu.memory_space<vmem>>
          %dma_start3A_154 = tpu.memref_squeeze %dma_start3A_153 : memref<1x128xi32, #tpu.memory_space<vmem>> -> memref<128xi32, #tpu.memory_space<vmem>>
          %dma_start3A_155 = arith.constant 0 : i32
          %dma_start3A_156 = arith.constant 0 : i32
          %dma_start3A_157 = tpu.memref_slice %arg2[%dma_start3A_155, %dma_start3A_156] : memref<10240x128xf32, #tpu.memory_space<hbm>> -> memref<10240x128xf32, #tpu.memory_space<hbm>>
          tpu.enqueue_indirect_dma source(%dma_start3A_157 : memref<10240x128xf32, #tpu.memory_space<hbm>>) target(%arg8 : memref<128x128xf32, #tpu.memory_space<vmem>>) offsets(%dma_start3A_154 : memref<128xi32, #tpu.memory_space<vmem>>) semaphore(%arg12 : memref<!tpu.dma_semaphore, #tpu.memory_space<semaphore_mem>>)
        } else {
        }
        %add3A_135 = arith.constant 1 : i32
        %add3A_136 = arith.addi %add3A_121, %add3A_135 : i32
        %dma_wait3A_137 = arith.constant 0 : i32
        %dma_wait3A_138 = tpu.memref_slice %arg6[%add3A_136, %dma_wait3A_137] : memref<16x128xi32, #tpu.memory_space<vmem>> -> memref<1x128xi32, #tpu.memory_space<vmem>>
        %dma_wait3A_139 = tpu.memref_squeeze %dma_wait3A_138 : memref<1x128xi32, #tpu.memory_space<vmem>> -> memref<128xi32, #tpu.memory_space<vmem>>
        %dma_wait3A_140 = arith.constant 0 : i32
        %dma_wait3A_141 = arith.constant 0 : i32
        %dma_wait3A_142 = tpu.memref_slice %arg2[%dma_wait3A_140, %dma_wait3A_141] : memref<10240x128xf32, #tpu.memory_space<hbm>> -> memref<10240x128xf32, #tpu.memory_space<hbm>>
        tpu.wait_indirect_dma semaphore(%arg13 : memref<!tpu.dma_semaphore, #tpu.memory_space<semaphore_mem>>) src(%dma_wait3A_142 : memref<10240x128xf32, #tpu.memory_space<hbm>>) dst(%arg9 : memref<128x128xf32, #tpu.memory_space<vmem>>)
        "tpu.region"() ({
          %run_scoped3A = tpu.sem_alloc : memref<!tpu.dma_semaphore, #tpu.memory_space<semaphore_mem>>
          %dma_start3A_150 = arith.constant 0 : i32
          %dma_start3A_151 = tpu.memref_slice %arg7[%add3A_136, %dma_start3A_150] : memref<16x128xi32, #tpu.memory_space<vmem>> -> memref<1x128xi32, #tpu.memory_space<vmem>>
          %dma_start3A_152 = tpu.memref_squeeze %dma_start3A_151 : memref<1x128xi32, #tpu.memory_space<vmem>> -> memref<128xi32, #tpu.memory_space<vmem>>
          %dma_start3A_153 = arith.constant 0 : i32
          %dma_start3A_154 = arith.constant 0 : i32
          %dma_start3A_155 = tpu.memref_slice %arg11[%dma_start3A_153, %dma_start3A_154] : memref<10240x128xf32, #tpu.memory_space<vmem_shared>> -> memref<10240x128xf32, #tpu.memory_space<vmem_shared>>
          tpu.enqueue_indirect_dma source(%arg9 : memref<128x128xf32, #tpu.memory_space<vmem>>) target(%dma_start3A_155 : memref<10240x128xf32, #tpu.memory_space<vmem_shared>>) offsets(%dma_start3A_152 : memref<128xi32, #tpu.memory_space<vmem>>) semaphore(%run_scoped3A : memref<!tpu.dma_semaphore, #tpu.memory_space<semaphore_mem>>) {add = true}
          %dma_wait3A_156 = arith.constant 0 : i32
          %dma_wait3A_157 = tpu.memref_slice %arg7[%add3A_136, %dma_wait3A_156] : memref<16x128xi32, #tpu.memory_space<vmem>> -> memref<1x128xi32, #tpu.memory_space<vmem>>
          %dma_wait3A_158 = tpu.memref_squeeze %dma_wait3A_157 : memref<1x128xi32, #tpu.memory_space<vmem>> -> memref<128xi32, #tpu.memory_space<vmem>>
          %dma_wait3A_159 = arith.constant 0 : i32
          %dma_wait3A_160 = arith.constant 0 : i32
          %dma_wait3A_161 = tpu.memref_slice %arg11[%dma_wait3A_159, %dma_wait3A_160] : memref<10240x128xf32, #tpu.memory_space<vmem_shared>> -> memref<10240x128xf32, #tpu.memory_space<vmem_shared>>
          tpu.wait_indirect_dma semaphore(%run_scoped3A : memref<!tpu.dma_semaphore, #tpu.memory_space<semaphore_mem>>) src(%arg9 : memref<128x128xf32, #tpu.memory_space<vmem>>) dst(%dma_wait3A_161 : memref<10240x128xf32, #tpu.memory_space<vmem_shared>>)
          tpu.yield
        }) : () -> ()
        %add3A_143 = arith.constant 2 : i32
        %add3A_144 = arith.addi %add3A_136, %add3A_143 : i32
        %lt3A_145 = arith.constant 16 : i32
        %lt3A_146 = arith.cmpi slt, %add3A_144, %lt3A_145 : i32
        %convert_element_type3A_147 = arith.extui %lt3A_146 : i1 to i32
        %cond3A_148 = arith.constant 0 : i32
        %cond3A_149 = arith.cmpi ne, %convert_element_type3A_147, %cond3A_148 : i32
        scf.if %cond3A_149 {
          %add3A_150 = arith.constant 2 : i32
          %add3A_151 = arith.addi %add3A_136, %add3A_150 : i32
          %dma_start3A_152 = arith.constant 0 : i32
          %dma_start3A_153 = tpu.memref_slice %arg6[%add3A_151, %dma_start3A_152] : memref<16x128xi32, #tpu.memory_space<vmem>> -> memref<1x128xi32, #tpu.memory_space<vmem>>
          %dma_start3A_154 = tpu.memref_squeeze %dma_start3A_153 : memref<1x128xi32, #tpu.memory_space<vmem>> -> memref<128xi32, #tpu.memory_space<vmem>>
          %dma_start3A_155 = arith.constant 0 : i32
          %dma_start3A_156 = arith.constant 0 : i32
          %dma_start3A_157 = tpu.memref_slice %arg2[%dma_start3A_155, %dma_start3A_156] : memref<10240x128xf32, #tpu.memory_space<hbm>> -> memref<10240x128xf32, #tpu.memory_space<hbm>>
          tpu.enqueue_indirect_dma source(%dma_start3A_157 : memref<10240x128xf32, #tpu.memory_space<hbm>>) target(%arg9 : memref<128x128xf32, #tpu.memory_space<vmem>>) offsets(%dma_start3A_154 : memref<128xi32, #tpu.memory_space<vmem>>) semaphore(%arg13 : memref<!tpu.dma_semaphore, #tpu.memory_space<semaphore_mem>>)
        } else {
        }
      }
      %scan3A_116 = arith.constant 8 : i32
    }
    %barrier3A_83 = arith.constant 0 : index
    tpu.barrier barrier_id(%barrier3A_83)
    %mul3A_84 = arith.constant 640 : i32
    %mul3A_85 = arith.muli %arg1, %mul3A_84 : i32
    %add3A_86 = arith.constant 0 : i32
    %add3A_87 = arith.addi %mul3A_85, %add3A_86 : i32
    "tpu.region"() ({
      %run_scoped3A = tpu.sem_alloc : memref<!tpu.dma_semaphore, #tpu.memory_space<semaphore_mem>>
      %dma_start3A_104 = arith.constant 0 : i32
      %dma_start3A_105 = tpu.memref_slice %arg5[%arg0, %add3A_87, %dma_start3A_104] : memref<2x10240x128xf32, #tpu.memory_space<hbm>> -> memref<1x128x128xf32, #tpu.memory_space<hbm>>
      %dma_start3A_106 = tpu.memref_squeeze %dma_start3A_105 : memref<1x128x128xf32, #tpu.memory_space<hbm>> -> memref<128x128xf32, #tpu.memory_space<hbm>>
      %dma_start3A_107 = arith.constant 0 : i32
      %dma_start3A_108 = tpu.memref_slice %arg11[%add3A_87, %dma_start3A_107] : memref<10240x128xf32, #tpu.memory_space<vmem_shared>> -> memref<128x128xf32, #tpu.memory_space<vmem_shared>>
      tpu.enqueue_dma source(%dma_start3A_108 : memref<128x128xf32, #tpu.memory_space<vmem_shared>>) target(%dma_start3A_106 : memref<128x128xf32, #tpu.memory_space<hbm>>) target_semaphore(%run_scoped3A : memref<!tpu.dma_semaphore, #tpu.memory_space<semaphore_mem>>)
      %dma_wait3A = arith.constant 0 : i32
      %dma_wait3A_109 = tpu.memref_slice %arg5[%arg0, %add3A_87, %dma_wait3A] : memref<2x10240x128xf32, #tpu.memory_space<hbm>> -> memref<1x128x128xf32, #tpu.memory_space<hbm>>
      %dma_wait3A_110 = tpu.memref_squeeze %dma_wait3A_109 : memref<1x128x128xf32, #tpu.memory_space<hbm>> -> memref<128x128xf32, #tpu.memory_space<hbm>>
      %dma_wait3A_111 = arith.constant 0 : i32
      %dma_wait3A_112 = tpu.memref_slice %arg11[%add3A_87, %dma_wait3A_111] : memref<10240x128xf32, #tpu.memory_space<vmem_shared>> -> memref<128x128xf32, #tpu.memory_space<vmem_shared>>
      tpu.wait_dma2 semaphore(%run_scoped3A : memref<!tpu.dma_semaphore, #tpu.memory_space<semaphore_mem>>) src(%dma_wait3A_112 : memref<128x128xf32, #tpu.memory_space<vmem_shared>>) dst(%dma_wait3A_110 : memref<128x128xf32, #tpu.memory_space<hbm>>)
      tpu.yield
    }) : () -> ()
    %mul3A_88 = arith.constant 640 : i32
    %mul3A_89 = arith.muli %arg1, %mul3A_88 : i32
    %add3A_90 = arith.constant 128 : i32
    %add3A_91 = arith.addi %mul3A_89, %add3A_90 : i32
    "tpu.region"() ({
      %run_scoped3A = tpu.sem_alloc : memref<!tpu.dma_semaphore, #tpu.memory_space<semaphore_mem>>
      %dma_start3A_104 = arith.constant 0 : i32
      %dma_start3A_105 = tpu.memref_slice %arg5[%arg0, %add3A_91, %dma_start3A_104] : memref<2x10240x128xf32, #tpu.memory_space<hbm>> -> memref<1x128x128xf32, #tpu.memory_space<hbm>>
      %dma_start3A_106 = tpu.memref_squeeze %dma_start3A_105 : memref<1x128x128xf32, #tpu.memory_space<hbm>> -> memref<128x128xf32, #tpu.memory_space<hbm>>
      %dma_start3A_107 = arith.constant 0 : i32
      %dma_start3A_108 = tpu.memref_slice %arg11[%add3A_91, %dma_start3A_107] : memref<10240x128xf32, #tpu.memory_space<vmem_shared>> -> memref<128x128xf32, #tpu.memory_space<vmem_shared>>
      tpu.enqueue_dma source(%dma_start3A_108 : memref<128x128xf32, #tpu.memory_space<vmem_shared>>) target(%dma_start3A_106 : memref<128x128xf32, #tpu.memory_space<hbm>>) target_semaphore(%run_scoped3A : memref<!tpu.dma_semaphore, #tpu.memory_space<semaphore_mem>>)
      %dma_wait3A = arith.constant 0 : i32
      %dma_wait3A_109 = tpu.memref_slice %arg5[%arg0, %add3A_91, %dma_wait3A] : memref<2x10240x128xf32, #tpu.memory_space<hbm>> -> memref<1x128x128xf32, #tpu.memory_space<hbm>>
      %dma_wait3A_110 = tpu.memref_squeeze %dma_wait3A_109 : memref<1x128x128xf32, #tpu.memory_space<hbm>> -> memref<128x128xf32, #tpu.memory_space<hbm>>
      %dma_wait3A_111 = arith.constant 0 : i32
      %dma_wait3A_112 = tpu.memref_slice %arg11[%add3A_91, %dma_wait3A_111] : memref<10240x128xf32, #tpu.memory_space<vmem_shared>> -> memref<128x128xf32, #tpu.memory_space<vmem_shared>>
      tpu.wait_dma2 semaphore(%run_scoped3A : memref<!tpu.dma_semaphore, #tpu.memory_space<semaphore_mem>>) src(%dma_wait3A_112 : memref<128x128xf32, #tpu.memory_space<vmem_shared>>) dst(%dma_wait3A_110 : memref<128x128xf32, #tpu.memory_space<hbm>>)
      tpu.yield
    }) : () -> ()
    %mul3A_92 = arith.constant 640 : i32
    %mul3A_93 = arith.muli %arg1, %mul3A_92 : i32
    %add3A_94 = arith.constant 256 : i32
    %add3A_95 = arith.addi %mul3A_93, %add3A_94 : i32
    "tpu.region"() ({
      %run_scoped3A = tpu.sem_alloc : memref<!tpu.dma_semaphore, #tpu.memory_space<semaphore_mem>>
      %dma_start3A_104 = arith.constant 0 : i32
      %dma_start3A_105 = tpu.memref_slice %arg5[%arg0, %add3A_95, %dma_start3A_104] : memref<2x10240x128xf32, #tpu.memory_space<hbm>> -> memref<1x128x128xf32, #tpu.memory_space<hbm>>
      %dma_start3A_106 = tpu.memref_squeeze %dma_start3A_105 : memref<1x128x128xf32, #tpu.memory_space<hbm>> -> memref<128x128xf32, #tpu.memory_space<hbm>>
      %dma_start3A_107 = arith.constant 0 : i32
      %dma_start3A_108 = tpu.memref_slice %arg11[%add3A_95, %dma_start3A_107] : memref<10240x128xf32, #tpu.memory_space<vmem_shared>> -> memref<128x128xf32, #tpu.memory_space<vmem_shared>>
      tpu.enqueue_dma source(%dma_start3A_108 : memref<128x128xf32, #tpu.memory_space<vmem_shared>>) target(%dma_start3A_106 : memref<128x128xf32, #tpu.memory_space<hbm>>) target_semaphore(%run_scoped3A : memref<!tpu.dma_semaphore, #tpu.memory_space<semaphore_mem>>)
      %dma_wait3A = arith.constant 0 : i32
      %dma_wait3A_109 = tpu.memref_slice %arg5[%arg0, %add3A_95, %dma_wait3A] : memref<2x10240x128xf32, #tpu.memory_space<hbm>> -> memref<1x128x128xf32, #tpu.memory_space<hbm>>
      %dma_wait3A_110 = tpu.memref_squeeze %dma_wait3A_109 : memref<1x128x128xf32, #tpu.memory_space<hbm>> -> memref<128x128xf32, #tpu.memory_space<hbm>>
      %dma_wait3A_111 = arith.constant 0 : i32
      %dma_wait3A_112 = tpu.memref_slice %arg11[%add3A_95, %dma_wait3A_111] : memref<10240x128xf32, #tpu.memory_space<vmem_shared>> -> memref<128x128xf32, #tpu.memory_space<vmem_shared>>
      tpu.wait_dma2 semaphore(%run_scoped3A : memref<!tpu.dma_semaphore, #tpu.memory_space<semaphore_mem>>) src(%dma_wait3A_112 : memref<128x128xf32, #tpu.memory_space<vmem_shared>>) dst(%dma_wait3A_110 : memref<128x128xf32, #tpu.memory_space<hbm>>)
      tpu.yield
    }) : () -> ()
    %mul3A_96 = arith.constant 640 : i32
    %mul3A_97 = arith.muli %arg1, %mul3A_96 : i32
    %add3A_98 = arith.constant 384 : i32
    %add3A_99 = arith.addi %mul3A_97, %add3A_98 : i32
    "tpu.region"() ({
      %run_scoped3A = tpu.sem_alloc : memref<!tpu.dma_semaphore, #tpu.memory_space<semaphore_mem>>
      %dma_start3A_104 = arith.constant 0 : i32
      %dma_start3A_105 = tpu.memref_slice %arg5[%arg0, %add3A_99, %dma_start3A_104] : memref<2x10240x128xf32, #tpu.memory_space<hbm>> -> memref<1x128x128xf32, #tpu.memory_space<hbm>>
      %dma_start3A_106 = tpu.memref_squeeze %dma_start3A_105 : memref<1x128x128xf32, #tpu.memory_space<hbm>> -> memref<128x128xf32, #tpu.memory_space<hbm>>
      %dma_start3A_107 = arith.constant 0 : i32
      %dma_start3A_108 = tpu.memref_slice %arg11[%add3A_99, %dma_start3A_107] : memref<10240x128xf32, #tpu.memory_space<vmem_shared>> -> memref<128x128xf32, #tpu.memory_space<vmem_shared>>
      tpu.enqueue_dma source(%dma_start3A_108 : memref<128x128xf32, #tpu.memory_space<vmem_shared>>) target(%dma_start3A_106 : memref<128x128xf32, #tpu.memory_space<hbm>>) target_semaphore(%run_scoped3A : memref<!tpu.dma_semaphore, #tpu.memory_space<semaphore_mem>>)
      %dma_wait3A = arith.constant 0 : i32
      %dma_wait3A_109 = tpu.memref_slice %arg5[%arg0, %add3A_99, %dma_wait3A] : memref<2x10240x128xf32, #tpu.memory_space<hbm>> -> memref<1x128x128xf32, #tpu.memory_space<hbm>>
      %dma_wait3A_110 = tpu.memref_squeeze %dma_wait3A_109 : memref<1x128x128xf32, #tpu.memory_space<hbm>> -> memref<128x128xf32, #tpu.memory_space<hbm>>
      %dma_wait3A_111 = arith.constant 0 : i32
      %dma_wait3A_112 = tpu.memref_slice %arg11[%add3A_99, %dma_wait3A_111] : memref<10240x128xf32, #tpu.memory_space<vmem_shared>> -> memref<128x128xf32, #tpu.memory_space<vmem_shared>>
      tpu.wait_dma2 semaphore(%run_scoped3A : memref<!tpu.dma_semaphore, #tpu.memory_space<semaphore_mem>>) src(%dma_wait3A_112 : memref<128x128xf32, #tpu.memory_space<vmem_shared>>) dst(%dma_wait3A_110 : memref<128x128xf32, #tpu.memory_space<hbm>>)
      tpu.yield
    }) : () -> ()
    %mul3A_100 = arith.constant 640 : i32
    %mul3A_101 = arith.muli %arg1, %mul3A_100 : i32
    %add3A_102 = arith.constant 512 : i32
    %add3A_103 = arith.addi %mul3A_101, %add3A_102 : i32
    "tpu.region"() ({
      %run_scoped3A = tpu.sem_alloc : memref<!tpu.dma_semaphore, #tpu.memory_space<semaphore_mem>>
      %dma_start3A_104 = arith.constant 0 : i32
      %dma_start3A_105 = tpu.memref_slice %arg5[%arg0, %add3A_103, %dma_start3A_104] : memref<2x10240x128xf32, #tpu.memory_space<hbm>> -> memref<1x128x128xf32, #tpu.memory_space<hbm>>
      %dma_start3A_106 = tpu.memref_squeeze %dma_start3A_105 : memref<1x128x128xf32, #tpu.memory_space<hbm>> -> memref<128x128xf32, #tpu.memory_space<hbm>>
      %dma_start3A_107 = arith.constant 0 : i32
      %dma_start3A_108 = tpu.memref_slice %arg11[%add3A_103, %dma_start3A_107] : memref<10240x128xf32, #tpu.memory_space<vmem_shared>> -> memref<128x128xf32, #tpu.memory_space<vmem_shared>>
      tpu.enqueue_dma source(%dma_start3A_108 : memref<128x128xf32, #tpu.memory_space<vmem_shared>>) target(%dma_start3A_106 : memref<128x128xf32, #tpu.memory_space<hbm>>) target_semaphore(%run_scoped3A : memref<!tpu.dma_semaphore, #tpu.memory_space<semaphore_mem>>)
      %dma_wait3A = arith.constant 0 : i32
      %dma_wait3A_109 = tpu.memref_slice %arg5[%arg0, %add3A_103, %dma_wait3A] : memref<2x10240x128xf32, #tpu.memory_space<hbm>> -> memref<1x128x128xf32, #tpu.memory_space<hbm>>
      %dma_wait3A_110 = tpu.memref_squeeze %dma_wait3A_109 : memref<1x128x128xf32, #tpu.memory_space<hbm>> -> memref<128x128xf32, #tpu.memory_space<hbm>>
      %dma_wait3A_111 = arith.constant 0 : i32
      %dma_wait3A_112 = tpu.memref_slice %arg11[%add3A_103, %dma_wait3A_111] : memref<10240x128xf32, #tpu.memory_space<vmem_shared>> -> memref<128x128xf32, #tpu.memory_space<vmem_shared>>
      tpu.wait_dma2 semaphore(%run_scoped3A : memref<!tpu.dma_semaphore, #tpu.memory_space<semaphore_mem>>) src(%dma_wait3A_112 : memref<128x128xf32, #tpu.memory_space<vmem_shared>>) dst(%dma_wait3A_110 : memref<128x128xf32, #tpu.memory_space<hbm>>)
      tpu.yield
    }) : () -> ()
    return
  }
}

#map = affine_map<(d0, d1) -> (0, 0)>
#map1 = affine_map<(d0, d1) -> (0, 0, 0)>
module attributes {stable_mosaic.version = 14 : i64} {
  func.func @_scatter_body(%arg0: i32, %arg1: i32, %arg2: memref<10240x128xf32, #tpu.memory_space<hbm>>, %arg3: memref<2560x128xi32, #tpu.memory_space<hbm>>, %arg4: memref<2560x128xi32, #tpu.memory_space<hbm>>, %arg5: memref<2x10240x128xf32, #tpu.memory_space<hbm>>, %arg6: memref<16x128xi32, #tpu.memory_space<vmem>>, %arg7: memref<16x128xi32, #tpu.memory_space<vmem>>, %arg8: memref<128x128xf32, #tpu.memory_space<vmem>>, %arg9: memref<128x128xf32, #tpu.memory_space<vmem>>, %arg10: memref<64x128xf32, #tpu.memory_space<vmem>>, %arg11: memref<10240x128xf32, #tpu.memory_space<vmem_shared>>, %arg12: memref<!tpu.dma_semaphore, #tpu.memory_space<semaphore_mem>>, %arg13: memref<!tpu.dma_semaphore, #tpu.memory_space<semaphore_mem>>) attributes {dimension_semantics = [#tpu.dimension_semantics<core_parallel>, #tpu.dimension_semantics<subcore_parallel>], iteration_bounds = array<i64: 2, 16>, scalar_prefetch = 0 : i64, scratch_operands = 8 : i64, tpu.core_type = #tpu.core_type<sc_vector_subcore>, window_params = [{transform_indices = #map}, {transform_indices = #map}, {transform_indices = #map}, {transform_indices = #map1}]} {
    %broadcast_in_dim3A = arith.constant 0.000000e+00 : f32
    %broadcast_in_dim3A_0 = vector.broadcast %broadcast_in_dim3A : f32 to vector<16xf32>
    %eq3A = arith.constant 0 : i32
    %eq3A_1 = arith.cmpi eq, %arg0, %eq3A : i32
    %mul3A = arith.constant 144 : i32
    %mul3A_2 = arith.muli %arg1, %mul3A : i32
    %mul3A_3 = arith.constant 16 : i32
    %mul3A_4 = arith.muli %arg1, %mul3A_3 : i32
    %add3A = arith.constant 2304 : i32
    %add3A_5 = arith.addi %add3A, %mul3A_4 : i32
    %select_n3A = arith.select %eq3A_1, %mul3A_2, %add3A_5 : i32
    %eq3A_6 = arith.constant 0 : i32
    %eq3A_7 = arith.cmpi eq, %arg0, %eq3A_6 : i32
    %jit3A = arith.constant 9 : i32
    %jit3A_8 = arith.constant 1 : i32
    %select_n3A_9 = arith.select %eq3A_7, %jit3A, %jit3A_8 : i32
    "tpu.region"() ({
      %run_scoped3A = tpu.sem_alloc : memref<!tpu.dma_semaphore, #tpu.memory_space<semaphore_mem>>
      %dma_start3A_104 = arith.constant 0 : i32
      %dma_start3A_105 = tpu.memref_slice %arg3[%select_n3A, %dma_start3A_104] : memref<2560x128xi32, #tpu.memory_space<hbm>> -> memref<16x128xi32, #tpu.memory_space<hbm>>
      %dma_start3A_106 = arith.constant 0 : i32
      %dma_start3A_107 = tpu.memref_slice %arg3[%select_n3A, %dma_start3A_106] : memref<2560x128xi32, #tpu.memory_space<hbm>> -> memref<16x128xi32, #tpu.memory_space<hbm>>
      tpu.enqueue_dma source(%dma_start3A_107 : memref<16x128xi32, #tpu.memory_space<hbm>>) target(%arg6 : memref<16x128xi32, #tpu.memory_space<vmem>>) target_semaphore(%run_scoped3A : memref<!tpu.dma_semaphore, #tpu.memory_space<semaphore_mem>>)
      %dma_wait3A = arith.constant 0 : i32
      %dma_wait3A_108 = tpu.memref_slice %arg3[%select_n3A, %dma_wait3A] : memref<2560x128xi32, #tpu.memory_space<hbm>> -> memref<16x128xi32, #tpu.memory_space<hbm>>
      %dma_wait3A_109 = arith.constant 0 : i32
      %dma_wait3A_110 = tpu.memref_slice %arg3[%select_n3A, %dma_wait3A_109] : memref<2560x128xi32, #tpu.memory_space<hbm>> -> memref<16x128xi32, #tpu.memory_space<hbm>>
      tpu.wait_dma2 semaphore(%run_scoped3A : memref<!tpu.dma_semaphore, #tpu.memory_space<semaphore_mem>>) src(%dma_wait3A_110 : memref<16x128xi32, #tpu.memory_space<hbm>>) dst(%arg6 : memref<16x128xi32, #tpu.memory_space<vmem>>)
      tpu.yield
    }) : () -> ()
    "tpu.region"() ({
      %run_scoped3A = tpu.sem_alloc : memref<!tpu.dma_semaphore, #tpu.memory_space<semaphore_mem>>
      %dma_start3A_104 = arith.constant 0 : i32
      %dma_start3A_105 = tpu.memref_slice %arg4[%select_n3A, %dma_start3A_104] : memref<2560x128xi32, #tpu.memory_space<hbm>> -> memref<16x128xi32, #tpu.memory_space<hbm>>
      %dma_start3A_106 = arith.constant 0 : i32
      %dma_start3A_107 = tpu.memref_slice %arg4[%select_n3A, %dma_start3A_106] : memref<2560x128xi32, #tpu.memory_space<hbm>> -> memref<16x128xi32, #tpu.memory_space<hbm>>
      tpu.enqueue_dma source(%dma_start3A_107 : memref<16x128xi32, #tpu.memory_space<hbm>>) target(%arg7 : memref<16x128xi32, #tpu.memory_space<vmem>>) target_semaphore(%run_scoped3A : memref<!tpu.dma_semaphore, #tpu.memory_space<semaphore_mem>>)
      %dma_wait3A = arith.constant 0 : i32
      %dma_wait3A_108 = tpu.memref_slice %arg4[%select_n3A, %dma_wait3A] : memref<2560x128xi32, #tpu.memory_space<hbm>> -> memref<16x128xi32, #tpu.memory_space<hbm>>
      %dma_wait3A_109 = arith.constant 0 : i32
      %dma_wait3A_110 = tpu.memref_slice %arg4[%select_n3A, %dma_wait3A_109] : memref<2560x128xi32, #tpu.memory_space<hbm>> -> memref<16x128xi32, #tpu.memory_space<hbm>>
      tpu.wait_dma2 semaphore(%run_scoped3A : memref<!tpu.dma_semaphore, #tpu.memory_space<semaphore_mem>>) src(%dma_wait3A_110 : memref<16x128xi32, #tpu.memory_space<hbm>>) dst(%arg7 : memref<16x128xi32, #tpu.memory_space<vmem>>)
      tpu.yield
    }) : () -> ()
    %dma_start3A = arith.constant 0 : i32
    %dma_start3A_10 = arith.constant 0 : i32
    %dma_start3A_11 = tpu.memref_slice %arg6[%dma_start3A, %dma_start3A_10] : memref<16x128xi32, #tpu.memory_space<vmem>> -> memref<1x128xi32, #tpu.memory_space<vmem>>
    %dma_start3A_12 = tpu.memref_squeeze %dma_start3A_11 : memref<1x128xi32, #tpu.memory_space<vmem>> -> memref<128xi32, #tpu.memory_space<vmem>>
    %dma_start3A_13 = arith.constant 0 : i32
    %dma_start3A_14 = arith.constant 0 : i32
    %dma_start3A_15 = tpu.memref_slice %arg2[%dma_start3A_13, %dma_start3A_14] : memref<10240x128xf32, #tpu.memory_space<hbm>> -> memref<10240x128xf32, #tpu.memory_space<hbm>>
    tpu.enqueue_indirect_dma source(%dma_start3A_15 : memref<10240x128xf32, #tpu.memory_space<hbm>>) target(%arg8 : memref<128x128xf32, #tpu.memory_space<vmem>>) offsets(%dma_start3A_12 : memref<128xi32, #tpu.memory_space<vmem>>) semaphore(%arg12 : memref<!tpu.dma_semaphore, #tpu.memory_space<semaphore_mem>>)
    %dma_start3A_16 = arith.constant 1 : i32
    %dma_start3A_17 = arith.constant 0 : i32
    %dma_start3A_18 = tpu.memref_slice %arg6[%dma_start3A_16, %dma_start3A_17] : memref<16x128xi32, #tpu.memory_space<vmem>> -> memref<1x128xi32, #tpu.memory_space<vmem>>
    %dma_start3A_19 = tpu.memref_squeeze %dma_start3A_18 : memref<1x128xi32, #tpu.memory_space<vmem>> -> memref<128xi32, #tpu.memory_space<vmem>>
    %dma_start3A_20 = arith.constant 0 : i32
    %dma_start3A_21 = arith.constant 0 : i32
    %dma_start3A_22 = tpu.memref_slice %arg2[%dma_start3A_20, %dma_start3A_21] : memref<10240x128xf32, #tpu.memory_space<hbm>> -> memref<10240x128xf32, #tpu.memory_space<hbm>>
    tpu.enqueue_indirect_dma source(%dma_start3A_22 : memref<10240x128xf32, #tpu.memory_space<hbm>>) target(%arg9 : memref<128x128xf32, #tpu.memory_space<vmem>>) offsets(%dma_start3A_19 : memref<128xi32, #tpu.memory_space<vmem>>) semaphore(%arg13 : memref<!tpu.dma_semaphore, #tpu.memory_space<semaphore_mem>>)
    %scan3A = arith.constant 0 : i32
    %scan3A_23 = arith.constant 64 : i32
    %scan3A_24 = arith.addi %scan3A, %scan3A_23 : i32
    %scan3A_25 = arith.constant 1 : i32
    scf.for %scan3A_104 = %scan3A to %scan3A_24 step %scan3A_25  : i32 {
      %mul3A_105 = arith.constant 1 : i32
      %mul3A_106 = arith.muli %scan3A_104, %mul3A_105 : i32
      %add3A_107 = arith.constant 0 : i32
      %add3A_108 = arith.addi %add3A_107, %mul3A_106 : i32
      %swap3A = arith.index_cast %add3A_108 : i32 to index
      %swap3A_109 = arith.constant 0 : index
      %swap3A_110 = tpu.vector_load %arg10[%swap3A, %swap3A_109] {strides = array<i32>} : memref<64x128xf32, #tpu.memory_space<vmem>>, vector<1x16xf32>,
      %swap3A_111 = vector.shape_cast %swap3A_110 : vector<1x16xf32> to vector<16xf32>
      %swap3A_112 = vector.shape_cast %broadcast_in_dim3A_0 : vector<16xf32> to vector<1x16xf32>
      tpu.vector_store %arg10[%swap3A, %swap3A_109], %swap3A_112 {strides = array<i32>} : memref<64x128xf32, #tpu.memory_space<vmem>>, vector<1x16xf32>,
      %swap3A_113 = arith.index_cast %add3A_108 : i32 to index
      %swap3A_114 = arith.constant 16 : index
      %swap3A_115 = tpu.vector_load %arg10[%swap3A_113, %swap3A_114] {strides = array<i32>} : memref<64x128xf32, #tpu.memory_space<vmem>>, vector<1x16xf32>,
      %swap3A_116 = vector.shape_cast %swap3A_115 : vector<1x16xf32> to vector<16xf32>
      %swap3A_117 = vector.shape_cast %broadcast_in_dim3A_0 : vector<16xf32> to vector<1x16xf32>
      tpu.vector_store %arg10[%swap3A_113, %swap3A_114], %swap3A_117 {strides = array<i32>} : memref<64x128xf32, #tpu.memory_space<vmem>>, vector<1x16xf32>,
      %swap3A_118 = arith.index_cast %add3A_108 : i32 to index
      %swap3A_119 = arith.constant 32 : index
      %swap3A_120 = tpu.vector_load %arg10[%swap3A_118, %swap3A_119] {strides = array<i32>} : memref<64x128xf32, #tpu.memory_space<vmem>>, vector<1x16xf32>,
      %swap3A_121 = vector.shape_cast %swap3A_120 : vector<1x16xf32> to vector<16xf32>
      %swap3A_122 = vector.shape_cast %broadcast_in_dim3A_0 : vector<16xf32> to vector<1x16xf32>
      tpu.vector_store %arg10[%swap3A_118, %swap3A_119], %swap3A_122 {strides = array<i32>} : memref<64x128xf32, #tpu.memory_space<vmem>>, vector<1x16xf32>,
      %swap3A_123 = arith.index_cast %add3A_108 : i32 to index
      %swap3A_124 = arith.constant 48 : index
      %swap3A_125 = tpu.vector_load %arg10[%swap3A_123, %swap3A_124] {strides = array<i32>} : memref<64x128xf32, #tpu.memory_space<vmem>>, vector<1x16xf32>,
      %swap3A_126 = vector.shape_cast %swap3A_125 : vector<1x16xf32> to vector<16xf32>
      %swap3A_127 = vector.shape_cast %broadcast_in_dim3A_0 : vector<16xf32> to vector<1x16xf32>
      tpu.vector_store %arg10[%swap3A_123, %swap3A_124], %swap3A_127 {strides = array<i32>} : memref<64x128xf32, #tpu.memory_space<vmem>>, vector<1x16xf32>,
      %swap3A_128 = arith.index_cast %add3A_108 : i32 to index
      %swap3A_129 = arith.constant 64 : index
      %swap3A_130 = tpu.vector_load %arg10[%swap3A_128, %swap3A_129] {strides = array<i32>} : memref<64x128xf32, #tpu.memory_space<vmem>>, vector<1x16xf32>,
      %swap3A_131 = vector.shape_cast %swap3A_130 : vector<1x16xf32> to vector<16xf32>
      %swap3A_132 = vector.shape_cast %broadcast_in_dim3A_0 : vector<16xf32> to vector<1x16xf32>
      tpu.vector_store %arg10[%swap3A_128, %swap3A_129], %swap3A_132 {strides = array<i32>} : memref<64x128xf32, #tpu.memory_space<vmem>>, vector<1x16xf32>,
      %swap3A_133 = arith.index_cast %add3A_108 : i32 to index
      %swap3A_134 = arith.constant 80 : index
      %swap3A_135 = tpu.vector_load %arg10[%swap3A_133, %swap3A_134] {strides = array<i32>} : memref<64x128xf32, #tpu.memory_space<vmem>>, vector<1x16xf32>,
      %swap3A_136 = vector.shape_cast %swap3A_135 : vector<1x16xf32> to vector<16xf32>
      %swap3A_137 = vector.shape_cast %broadcast_in_dim3A_0 : vector<16xf32> to vector<1x16xf32>
      tpu.vector_store %arg10[%swap3A_133, %swap3A_134], %swap3A_137 {strides = array<i32>} : memref<64x128xf32, #tpu.memory_space<vmem>>, vector<1x16xf32>,
      %swap3A_138 = arith.index_cast %add3A_108 : i32 to index
      %swap3A_139 = arith.constant 96 : index
      %swap3A_140 = tpu.vector_load %arg10[%swap3A_138, %swap3A_139] {strides = array<i32>} : memref<64x128xf32, #tpu.memory_space<vmem>>, vector<1x16xf32>,
      %swap3A_141 = vector.shape_cast %swap3A_140 : vector<1x16xf32> to vector<16xf32>
      %swap3A_142 = vector.shape_cast %broadcast_in_dim3A_0 : vector<16xf32> to vector<1x16xf32>
      tpu.vector_store %arg10[%swap3A_138, %swap3A_139], %swap3A_142 {strides = array<i32>} : memref<64x128xf32, #tpu.memory_space<vmem>>, vector<1x16xf32>,
      %swap3A_143 = arith.index_cast %add3A_108 : i32 to index
      %swap3A_144 = arith.constant 112 : index
      %swap3A_145 = tpu.vector_load %arg10[%swap3A_143, %swap3A_144] {strides = array<i32>} : memref<64x128xf32, #tpu.memory_space<vmem>>, vector<1x16xf32>,
      %swap3A_146 = vector.shape_cast %swap3A_145 : vector<1x16xf32> to vector<16xf32>
      %swap3A_147 = vector.shape_cast %broadcast_in_dim3A_0 : vector<16xf32> to vector<1x16xf32>
      tpu.vector_store %arg10[%swap3A_143, %swap3A_144], %swap3A_147 {strides = array<i32>} : memref<64x128xf32, #tpu.memory_space<vmem>>, vector<1x16xf32>,
    }
    %scan3A_26 = arith.constant 64 : i32
    %mul3A_27 = arith.constant 640 : i32
    %mul3A_28 = arith.muli %arg1, %mul3A_27 : i32
    %add3A_29 = arith.constant 0 : i32
    %add3A_30 = arith.addi %mul3A_28, %add3A_29 : i32
    "tpu.region"() ({
      %run_scoped3A = tpu.sem_alloc : memref<!tpu.dma_semaphore, #tpu.memory_space<semaphore_mem>>
      %dma_start3A_104 = arith.constant 0 : i32
      %dma_start3A_105 = tpu.memref_slice %arg11[%add3A_30, %dma_start3A_104] : memref<10240x128xf32, #tpu.memory_space<vmem_shared>> -> memref<64x128xf32, #tpu.memory_space<vmem_shared>>
      %dma_start3A_106 = arith.constant 0 : i32
      %dma_start3A_107 = tpu.memref_slice %arg11[%add3A_30, %dma_start3A_106] : memref<10240x128xf32, #tpu.memory_space<vmem_shared>> -> memref<64x128xf32, #tpu.memory_space<vmem_shared>>
      tpu.enqueue_dma source(%arg10 : memref<64x128xf32, #tpu.memory_space<vmem>>) target(%dma_start3A_107 : memref<64x128xf32, #tpu.memory_space<vmem_shared>>) target_semaphore(%run_scoped3A : memref<!tpu.dma_semaphore, #tpu.memory_space<semaphore_mem>>)
      %dma_wait3A = arith.constant 0 : i32
      %dma_wait3A_108 = tpu.memref_slice %arg11[%add3A_30, %dma_wait3A] : memref<10240x128xf32, #tpu.memory_space<vmem_shared>> -> memref<64x128xf32, #tpu.memory_space<vmem_shared>>
      %dma_wait3A_109 = arith.constant 0 : i32
      %dma_wait3A_110 = tpu.memref_slice %arg11[%add3A_30, %dma_wait3A_109] : memref<10240x128xf32, #tpu.memory_space<vmem_shared>> -> memref<64x128xf32, #tpu.memory_space<vmem_shared>>
      tpu.wait_dma2 semaphore(%run_scoped3A : memref<!tpu.dma_semaphore, #tpu.memory_space<semaphore_mem>>) src(%arg10 : memref<64x128xf32, #tpu.memory_space<vmem>>) dst(%dma_wait3A_110 : memref<64x128xf32, #tpu.memory_space<vmem_shared>>)
      tpu.yield
    }) : () -> ()
    %mul3A_31 = arith.constant 640 : i32
    %mul3A_32 = arith.muli %arg1, %mul3A_31 : i32
    %add3A_33 = arith.constant 64 : i32
    %add3A_34 = arith.addi %mul3A_32, %add3A_33 : i32
    "tpu.region"() ({
      %run_scoped3A = tpu.sem_alloc : memref<!tpu.dma_semaphore, #tpu.memory_space<semaphore_mem>>
      %dma_start3A_104 = arith.constant 0 : i32
      %dma_start3A_105 = tpu.memref_slice %arg11[%add3A_34, %dma_start3A_104] : memref<10240x128xf32, #tpu.memory_space<vmem_shared>> -> memref<64x128xf32, #tpu.memory_space<vmem_shared>>
      %dma_start3A_106 = arith.constant 0 : i32
      %dma_start3A_107 = tpu.memref_slice %arg11[%add3A_34, %dma_start3A_106] : memref<10240x128xf32, #tpu.memory_space<vmem_shared>> -> memref<64x128xf32, #tpu.memory_space<vmem_shared>>
      tpu.enqueue_dma source(%arg10 : memref<64x128xf32, #tpu.memory_space<vmem>>) target(%dma_start3A_107 : memref<64x128xf32, #tpu.memory_space<vmem_shared>>) target_semaphore(%run_scoped3A : memref<!tpu.dma_semaphore, #tpu.memory_space<semaphore_mem>>)
      %dma_wait3A = arith.constant 0 : i32
      %dma_wait3A_108 = tpu.memref_slice %arg11[%add3A_34, %dma_wait3A] : memref<10240x128xf32, #tpu.memory_space<vmem_shared>> -> memref<64x128xf32, #tpu.memory_space<vmem_shared>>
      %dma_wait3A_109 = arith.constant 0 : i32
      %dma_wait3A_110 = tpu.memref_slice %arg11[%add3A_34, %dma_wait3A_109] : memref<10240x128xf32, #tpu.memory_space<vmem_shared>> -> memref<64x128xf32, #tpu.memory_space<vmem_shared>>
      tpu.wait_dma2 semaphore(%run_scoped3A : memref<!tpu.dma_semaphore, #tpu.memory_space<semaphore_mem>>) src(%arg10 : memref<64x128xf32, #tpu.memory_space<vmem>>) dst(%dma_wait3A_110 : memref<64x128xf32, #tpu.memory_space<vmem_shared>>)
      tpu.yield
    }) : () -> ()
    %mul3A_35 = arith.constant 640 : i32
    %mul3A_36 = arith.muli %arg1, %mul3A_35 : i32
    %add3A_37 = arith.constant 128 : i32
    %add3A_38 = arith.addi %mul3A_36, %add3A_37 : i32
    "tpu.region"() ({
      %run_scoped3A = tpu.sem_alloc : memref<!tpu.dma_semaphore, #tpu.memory_space<semaphore_mem>>
      %dma_start3A_104 = arith.constant 0 : i32
      %dma_start3A_105 = tpu.memref_slice %arg11[%add3A_38, %dma_start3A_104] : memref<10240x128xf32, #tpu.memory_space<vmem_shared>> -> memref<64x128xf32, #tpu.memory_space<vmem_shared>>
      %dma_start3A_106 = arith.constant 0 : i32
      %dma_start3A_107 = tpu.memref_slice %arg11[%add3A_38, %dma_start3A_106] : memref<10240x128xf32, #tpu.memory_space<vmem_shared>> -> memref<64x128xf32, #tpu.memory_space<vmem_shared>>
      tpu.enqueue_dma source(%arg10 : memref<64x128xf32, #tpu.memory_space<vmem>>) target(%dma_start3A_107 : memref<64x128xf32, #tpu.memory_space<vmem_shared>>) target_semaphore(%run_scoped3A : memref<!tpu.dma_semaphore, #tpu.memory_space<semaphore_mem>>)
      %dma_wait3A = arith.constant 0 : i32
      %dma_wait3A_108 = tpu.memref_slice %arg11[%add3A_38, %dma_wait3A] : memref<10240x128xf32, #tpu.memory_space<vmem_shared>> -> memref<64x128xf32, #tpu.memory_space<vmem_shared>>
      %dma_wait3A_109 = arith.constant 0 : i32
      %dma_wait3A_110 = tpu.memref_slice %arg11[%add3A_38, %dma_wait3A_109] : memref<10240x128xf32, #tpu.memory_space<vmem_shared>> -> memref<64x128xf32, #tpu.memory_space<vmem_shared>>
      tpu.wait_dma2 semaphore(%run_scoped3A : memref<!tpu.dma_semaphore, #tpu.memory_space<semaphore_mem>>) src(%arg10 : memref<64x128xf32, #tpu.memory_space<vmem>>) dst(%dma_wait3A_110 : memref<64x128xf32, #tpu.memory_space<vmem_shared>>)
      tpu.yield
    }) : () -> ()
    %mul3A_39 = arith.constant 640 : i32
    %mul3A_40 = arith.muli %arg1, %mul3A_39 : i32
    %add3A_41 = arith.constant 192 : i32
    %add3A_42 = arith.addi %mul3A_40, %add3A_41 : i32
    "tpu.region"() ({
      %run_scoped3A = tpu.sem_alloc : memref<!tpu.dma_semaphore, #tpu.memory_space<semaphore_mem>>
      %dma_start3A_104 = arith.constant 0 : i32
      %dma_start3A_105 = tpu.memref_slice %arg11[%add3A_42, %dma_start3A_104] : memref<10240x128xf32, #tpu.memory_space<vmem_shared>> -> memref<64x128xf32, #tpu.memory_space<vmem_shared>>
      %dma_start3A_106 = arith.constant 0 : i32
      %dma_start3A_107 = tpu.memref_slice %arg11[%add3A_42, %dma_start3A_106] : memref<10240x128xf32, #tpu.memory_space<vmem_shared>> -> memref<64x128xf32, #tpu.memory_space<vmem_shared>>
      tpu.enqueue_dma source(%arg10 : memref<64x128xf32, #tpu.memory_space<vmem>>) target(%dma_start3A_107 : memref<64x128xf32, #tpu.memory_space<vmem_shared>>) target_semaphore(%run_scoped3A : memref<!tpu.dma_semaphore, #tpu.memory_space<semaphore_mem>>)
      %dma_wait3A = arith.constant 0 : i32
      %dma_wait3A_108 = tpu.memref_slice %arg11[%add3A_42, %dma_wait3A] : memref<10240x128xf32, #tpu.memory_space<vmem_shared>> -> memref<64x128xf32, #tpu.memory_space<vmem_shared>>
      %dma_wait3A_109 = arith.constant 0 : i32
      %dma_wait3A_110 = tpu.memref_slice %arg11[%add3A_42, %dma_wait3A_109] : memref<10240x128xf32, #tpu.memory_space<vmem_shared>> -> memref<64x128xf32, #tpu.memory_space<vmem_shared>>
      tpu.wait_dma2 semaphore(%run_scoped3A : memref<!tpu.dma_semaphore, #tpu.memory_space<semaphore_mem>>) src(%arg10 : memref<64x128xf32, #tpu.memory_space<vmem>>) dst(%dma_wait3A_110 : memref<64x128xf32, #tpu.memory_space<vmem_shared>>)
      tpu.yield
    }) : () -> ()
    %mul3A_43 = arith.constant 640 : i32
    %mul3A_44 = arith.muli %arg1, %mul3A_43 : i32
    %add3A_45 = arith.constant 256 : i32
    %add3A_46 = arith.addi %mul3A_44, %add3A_45 : i32
    "tpu.region"() ({
      %run_scoped3A = tpu.sem_alloc : memref<!tpu.dma_semaphore, #tpu.memory_space<semaphore_mem>>
      %dma_start3A_104 = arith.constant 0 : i32
      %dma_start3A_105 = tpu.memref_slice %arg11[%add3A_46, %dma_start3A_104] : memref<10240x128xf32, #tpu.memory_space<vmem_shared>> -> memref<64x128xf32, #tpu.memory_space<vmem_shared>>
      %dma_start3A_106 = arith.constant 0 : i32
      %dma_start3A_107 = tpu.memref_slice %arg11[%add3A_46, %dma_start3A_106] : memref<10240x128xf32, #tpu.memory_space<vmem_shared>> -> memref<64x128xf32, #tpu.memory_space<vmem_shared>>
      tpu.enqueue_dma source(%arg10 : memref<64x128xf32, #tpu.memory_space<vmem>>) target(%dma_start3A_107 : memref<64x128xf32, #tpu.memory_space<vmem_shared>>) target_semaphore(%run_scoped3A : memref<!tpu.dma_semaphore, #tpu.memory_space<semaphore_mem>>)
      %dma_wait3A = arith.constant 0 : i32
      %dma_wait3A_108 = tpu.memref_slice %arg11[%add3A_46, %dma_wait3A] : memref<10240x128xf32, #tpu.memory_space<vmem_shared>> -> memref<64x128xf32, #tpu.memory_space<vmem_shared>>
      %dma_wait3A_109 = arith.constant 0 : i32
      %dma_wait3A_110 = tpu.memref_slice %arg11[%add3A_46, %dma_wait3A_109] : memref<10240x128xf32, #tpu.memory_space<vmem_shared>> -> memref<64x128xf32, #tpu.memory_space<vmem_shared>>
      tpu.wait_dma2 semaphore(%run_scoped3A : memref<!tpu.dma_semaphore, #tpu.memory_space<semaphore_mem>>) src(%arg10 : memref<64x128xf32, #tpu.memory_space<vmem>>) dst(%dma_wait3A_110 : memref<64x128xf32, #tpu.memory_space<vmem_shared>>)
      tpu.yield
    }) : () -> ()
    %mul3A_47 = arith.constant 640 : i32
    %mul3A_48 = arith.muli %arg1, %mul3A_47 : i32
    %add3A_49 = arith.constant 320 : i32
    %add3A_50 = arith.addi %mul3A_48, %add3A_49 : i32
    "tpu.region"() ({
      %run_scoped3A = tpu.sem_alloc : memref<!tpu.dma_semaphore, #tpu.memory_space<semaphore_mem>>
      %dma_start3A_104 = arith.constant 0 : i32
      %dma_start3A_105 = tpu.memref_slice %arg11[%add3A_50, %dma_start3A_104] : memref<10240x128xf32, #tpu.memory_space<vmem_shared>> -> memref<64x128xf32, #tpu.memory_space<vmem_shared>>
      %dma_start3A_106 = arith.constant 0 : i32
      %dma_start3A_107 = tpu.memref_slice %arg11[%add3A_50, %dma_start3A_106] : memref<10240x128xf32, #tpu.memory_space<vmem_shared>> -> memref<64x128xf32, #tpu.memory_space<vmem_shared>>
      tpu.enqueue_dma source(%arg10 : memref<64x128xf32, #tpu.memory_space<vmem>>) target(%dma_start3A_107 : memref<64x128xf32, #tpu.memory_space<vmem_shared>>) target_semaphore(%run_scoped3A : memref<!tpu.dma_semaphore, #tpu.memory_space<semaphore_mem>>)
      %dma_wait3A = arith.constant 0 : i32
      %dma_wait3A_108 = tpu.memref_slice %arg11[%add3A_50, %dma_wait3A] : memref<10240x128xf32, #tpu.memory_space<vmem_shared>> -> memref<64x128xf32, #tpu.memory_space<vmem_shared>>
      %dma_wait3A_109 = arith.constant 0 : i32
      %dma_wait3A_110 = tpu.memref_slice %arg11[%add3A_50, %dma_wait3A_109] : memref<10240x128xf32, #tpu.memory_space<vmem_shared>> -> memref<64x128xf32, #tpu.memory_space<vmem_shared>>
      tpu.wait_dma2 semaphore(%run_scoped3A : memref<!tpu.dma_semaphore, #tpu.memory_space<semaphore_mem>>) src(%arg10 : memref<64x128xf32, #tpu.memory_space<vmem>>) dst(%dma_wait3A_110 : memref<64x128xf32, #tpu.memory_space<vmem_shared>>)
      tpu.yield
    }) : () -> ()
    %mul3A_51 = arith.constant 640 : i32
    %mul3A_52 = arith.muli %arg1, %mul3A_51 : i32
    %add3A_53 = arith.constant 384 : i32
    %add3A_54 = arith.addi %mul3A_52, %add3A_53 : i32
    "tpu.region"() ({
      %run_scoped3A = tpu.sem_alloc : memref<!tpu.dma_semaphore, #tpu.memory_space<semaphore_mem>>
      %dma_start3A_104 = arith.constant 0 : i32
      %dma_start3A_105 = tpu.memref_slice %arg11[%add3A_54, %dma_start3A_104] : memref<10240x128xf32, #tpu.memory_space<vmem_shared>> -> memref<64x128xf32, #tpu.memory_space<vmem_shared>>
      %dma_start3A_106 = arith.constant 0 : i32
      %dma_start3A_107 = tpu.memref_slice %arg11[%add3A_54, %dma_start3A_106] : memref<10240x128xf32, #tpu.memory_space<vmem_shared>> -> memref<64x128xf32, #tpu.memory_space<vmem_shared>>
      tpu.enqueue_dma source(%arg10 : memref<64x128xf32, #tpu.memory_space<vmem>>) target(%dma_start3A_107 : memref<64x128xf32, #tpu.memory_space<vmem_shared>>) target_semaphore(%run_scoped3A : memref<!tpu.dma_semaphore, #tpu.memory_space<semaphore_mem>>)
      %dma_wait3A = arith.constant 0 : i32
      %dma_wait3A_108 = tpu.memref_slice %arg11[%add3A_54, %dma_wait3A] : memref<10240x128xf32, #tpu.memory_space<vmem_shared>> -> memref<64x128xf32, #tpu.memory_space<vmem_shared>>
      %dma_wait3A_109 = arith.constant 0 : i32
      %dma_wait3A_110 = tpu.memref_slice %arg11[%add3A_54, %dma_wait3A_109] : memref<10240x128xf32, #tpu.memory_space<vmem_shared>> -> memref<64x128xf32, #tpu.memory_space<vmem_shared>>
      tpu.wait_dma2 semaphore(%run_scoped3A : memref<!tpu.dma_semaphore, #tpu.memory_space<semaphore_mem>>) src(%arg10 : memref<64x128xf32, #tpu.memory_space<vmem>>) dst(%dma_wait3A_110 : memref<64x128xf32, #tpu.memory_space<vmem_shared>>)
      tpu.yield
    }) : () -> ()
    %mul3A_55 = arith.constant 640 : i32
    %mul3A_56 = arith.muli %arg1, %mul3A_55 : i32
    %add3A_57 = arith.constant 448 : i32
    %add3A_58 = arith.addi %mul3A_56, %add3A_57 : i32
    "tpu.region"() ({
      %run_scoped3A = tpu.sem_alloc : memref<!tpu.dma_semaphore, #tpu.memory_space<semaphore_mem>>
      %dma_start3A_104 = arith.constant 0 : i32
      %dma_start3A_105 = tpu.memref_slice %arg11[%add3A_58, %dma_start3A_104] : memref<10240x128xf32, #tpu.memory_space<vmem_shared>> -> memref<64x128xf32, #tpu.memory_space<vmem_shared>>
      %dma_start3A_106 = arith.constant 0 : i32
      %dma_start3A_107 = tpu.memref_slice %arg11[%add3A_58, %dma_start3A_106] : memref<10240x128xf32, #tpu.memory_space<vmem_shared>> -> memref<64x128xf32, #tpu.memory_space<vmem_shared>>
      tpu.enqueue_dma source(%arg10 : memref<64x128xf32, #tpu.memory_space<vmem>>) target(%dma_start3A_107 : memref<64x128xf32, #tpu.memory_space<vmem_shared>>) target_semaphore(%run_scoped3A : memref<!tpu.dma_semaphore, #tpu.memory_space<semaphore_mem>>)
      %dma_wait3A = arith.constant 0 : i32
      %dma_wait3A_108 = tpu.memref_slice %arg11[%add3A_58, %dma_wait3A] : memref<10240x128xf32, #tpu.memory_space<vmem_shared>> -> memref<64x128xf32, #tpu.memory_space<vmem_shared>>
      %dma_wait3A_109 = arith.constant 0 : i32
      %dma_wait3A_110 = tpu.memref_slice %arg11[%add3A_58, %dma_wait3A_109] : memref<10240x128xf32, #tpu.memory_space<vmem_shared>> -> memref<64x128xf32, #tpu.memory_space<vmem_shared>>
      tpu.wait_dma2 semaphore(%run_scoped3A : memref<!tpu.dma_semaphore, #tpu.memory_space<semaphore_mem>>) src(%arg10 : memref<64x128xf32, #tpu.memory_space<vmem>>) dst(%dma_wait3A_110 : memref<64x128xf32, #tpu.memory_space<vmem_shared>>)
      tpu.yield
    }) : () -> ()
    %mul3A_59 = arith.constant 640 : i32
    %mul3A_60 = arith.muli %arg1, %mul3A_59 : i32
    %add3A_61 = arith.constant 512 : i32
    %add3A_62 = arith.addi %mul3A_60, %add3A_61 : i32
    "tpu.region"() ({
      %run_scoped3A = tpu.sem_alloc : memref<!tpu.dma_semaphore, #tpu.memory_space<semaphore_mem>>
      %dma_start3A_104 = arith.constant 0 : i32
      %dma_start3A_105 = tpu.memref_slice %arg11[%add3A_62, %dma_start3A_104] : memref<10240x128xf32, #tpu.memory_space<vmem_shared>> -> memref<64x128xf32, #tpu.memory_space<vmem_shared>>
      %dma_start3A_106 = arith.constant 0 : i32
      %dma_start3A_107 = tpu.memref_slice %arg11[%add3A_62, %dma_start3A_106] : memref<10240x128xf32, #tpu.memory_space<vmem_shared>> -> memref<64x128xf32, #tpu.memory_space<vmem_shared>>
      tpu.enqueue_dma source(%arg10 : memref<64x128xf32, #tpu.memory_space<vmem>>) target(%dma_start3A_107 : memref<64x128xf32, #tpu.memory_space<vmem_shared>>) target_semaphore(%run_scoped3A : memref<!tpu.dma_semaphore, #tpu.memory_space<semaphore_mem>>)
      %dma_wait3A = arith.constant 0 : i32
      %dma_wait3A_108 = tpu.memref_slice %arg11[%add3A_62, %dma_wait3A] : memref<10240x128xf32, #tpu.memory_space<vmem_shared>> -> memref<64x128xf32, #tpu.memory_space<vmem_shared>>
      %dma_wait3A_109 = arith.constant 0 : i32
      %dma_wait3A_110 = tpu.memref_slice %arg11[%add3A_62, %dma_wait3A_109] : memref<10240x128xf32, #tpu.memory_space<vmem_shared>> -> memref<64x128xf32, #tpu.memory_space<vmem_shared>>
      tpu.wait_dma2 semaphore(%run_scoped3A : memref<!tpu.dma_semaphore, #tpu.memory_space<semaphore_mem>>) src(%arg10 : memref<64x128xf32, #tpu.memory_space<vmem>>) dst(%dma_wait3A_110 : memref<64x128xf32, #tpu.memory_space<vmem_shared>>)
      tpu.yield
    }) : () -> ()
    %mul3A_63 = arith.constant 640 : i32
    %mul3A_64 = arith.muli %arg1, %mul3A_63 : i32
    %add3A_65 = arith.constant 576 : i32
    %add3A_66 = arith.addi %mul3A_64, %add3A_65 : i32
    "tpu.region"() ({
      %run_scoped3A = tpu.sem_alloc : memref<!tpu.dma_semaphore, #tpu.memory_space<semaphore_mem>>
      %dma_start3A_104 = arith.constant 0 : i32
      %dma_start3A_105 = tpu.memref_slice %arg11[%add3A_66, %dma_start3A_104] : memref<10240x128xf32, #tpu.memory_space<vmem_shared>> -> memref<64x128xf32, #tpu.memory_space<vmem_shared>>
      %dma_start3A_106 = arith.constant 0 : i32
      %dma_start3A_107 = tpu.memref_slice %arg11[%add3A_66, %dma_start3A_106] : memref<10240x128xf32, #tpu.memory_space<vmem_shared>> -> memref<64x128xf32, #tpu.memory_space<vmem_shared>>
      tpu.enqueue_dma source(%arg10 : memref<64x128xf32, #tpu.memory_space<vmem>>) target(%dma_start3A_107 : memref<64x128xf32, #tpu.memory_space<vmem_shared>>) target_semaphore(%run_scoped3A : memref<!tpu.dma_semaphore, #tpu.memory_space<semaphore_mem>>)
      %dma_wait3A = arith.constant 0 : i32
      %dma_wait3A_108 = tpu.memref_slice %arg11[%add3A_66, %dma_wait3A] : memref<10240x128xf32, #tpu.memory_space<vmem_shared>> -> memref<64x128xf32, #tpu.memory_space<vmem_shared>>
      %dma_wait3A_109 = arith.constant 0 : i32
      %dma_wait3A_110 = tpu.memref_slice %arg11[%add3A_66, %dma_wait3A_109] : memref<10240x128xf32, #tpu.memory_space<vmem_shared>> -> memref<64x128xf32, #tpu.memory_space<vmem_shared>>
      tpu.wait_dma2 semaphore(%run_scoped3A : memref<!tpu.dma_semaphore, #tpu.memory_space<semaphore_mem>>) src(%arg10 : memref<64x128xf32, #tpu.memory_space<vmem>>) dst(%dma_wait3A_110 : memref<64x128xf32, #tpu.memory_space<vmem_shared>>)
      tpu.yield
    }) : () -> ()
    %barrier3A = arith.constant 0 : index
    tpu.barrier barrier_id(%barrier3A)
    %sub3A = arith.constant 0 : i32
    %sub3A_67 = arith.subi %select_n3A_9, %sub3A : i32
    %sub3A_68 = arith.constant 1 : i32
    %sub3A_69 = arith.constant 1 : i32
    %sub3A_70 = arith.subi %sub3A_68, %sub3A_69 : i32
    %add3A_71 = arith.addi %sub3A_67, %sub3A_70 : i32
    %div3A = arith.constant 1 : i32
    %div3A_72 = arith.divsi %add3A_71, %div3A : i32
    %while3A = arith.constant 1 : i32
    %while3A_73 = arith.constant 0 : i32
    %while3A_74 = arith.constant 0 : i32
    %while3A_75 = arith.subi %div3A_72, %while3A_74 : i32
    %while3A_76 = arith.addi %while3A_74, %while3A_75 : i32
    %while3A_77 = arith.constant 1 : i32
    %while3A_78 = arith.divsi %while3A_75, %while3A_77 : i32
    %while3A_79 = arith.muli %while3A_78, %while3A_77 : i32
    %while3A_80 = arith.addi %while3A_74, %while3A_79 : i32
    %while3A_81 = arith.constant 1 : i32
    scf.for %while3A_104 = %while3A_74 to %while3A_80 step %while3A_81  : i32 {
      %mul3A_105 = arith.muli %while3A_104, %while3A : i32
      %add3A_106 = arith.addi %while3A_73, %mul3A_105 : i32
      %mul3A_107 = arith.constant 16 : i32
      %mul3A_108 = arith.muli %add3A_106, %mul3A_107 : i32
      %add3A_109 = arith.addi %select_n3A, %mul3A_108 : i32
      %gt3A = arith.constant 0 : i32
      %gt3A_110 = arith.cmpi sgt, %add3A_106, %gt3A : i32
      %convert_element_type3A = arith.extui %gt3A_110 : i1 to i32
      %cond3A = arith.constant 0 : i32
      %cond3A_111 = arith.cmpi ne, %convert_element_type3A, %cond3A : i32
      scf.if %cond3A_111 {
        "tpu.region"() ({
          %run_scoped3A = tpu.sem_alloc : memref<!tpu.dma_semaphore, #tpu.memory_space<semaphore_mem>>
          %dma_start3A_131 = arith.constant 0 : i32
          %dma_start3A_132 = tpu.memref_slice %arg3[%add3A_109, %dma_start3A_131] : memref<2560x128xi32, #tpu.memory_space<hbm>> -> memref<16x128xi32, #tpu.memory_space<hbm>>
          %dma_start3A_133 = arith.constant 0 : i32
          %dma_start3A_134 = tpu.memref_slice %arg3[%add3A_109, %dma_start3A_133] : memref<2560x128xi32, #tpu.memory_space<hbm>> -> memref<16x128xi32, #tpu.memory_space<hbm>>
          tpu.enqueue_dma source(%dma_start3A_134 : memref<16x128xi32, #tpu.memory_space<hbm>>) target(%arg6 : memref<16x128xi32, #tpu.memory_space<vmem>>) target_semaphore(%run_scoped3A : memref<!tpu.dma_semaphore, #tpu.memory_space<semaphore_mem>>)
          %dma_wait3A = arith.constant 0 : i32
          %dma_wait3A_135 = tpu.memref_slice %arg3[%add3A_109, %dma_wait3A] : memref<2560x128xi32, #tpu.memory_space<hbm>> -> memref<16x128xi32, #tpu.memory_space<hbm>>
          %dma_wait3A_136 = arith.constant 0 : i32
          %dma_wait3A_137 = tpu.memref_slice %arg3[%add3A_109, %dma_wait3A_136] : memref<2560x128xi32, #tpu.memory_space<hbm>> -> memref<16x128xi32, #tpu.memory_space<hbm>>
          tpu.wait_dma2 semaphore(%run_scoped3A : memref<!tpu.dma_semaphore, #tpu.memory_space<semaphore_mem>>) src(%dma_wait3A_137 : memref<16x128xi32, #tpu.memory_space<hbm>>) dst(%arg6 : memref<16x128xi32, #tpu.memory_space<vmem>>)
          tpu.yield
        }) : () -> ()
        "tpu.region"() ({
          %run_scoped3A = tpu.sem_alloc : memref<!tpu.dma_semaphore, #tpu.memory_space<semaphore_mem>>
          %dma_start3A_131 = arith.constant 0 : i32
          %dma_start3A_132 = tpu.memref_slice %arg4[%add3A_109, %dma_start3A_131] : memref<2560x128xi32, #tpu.memory_space<hbm>> -> memref<16x128xi32, #tpu.memory_space<hbm>>
          %dma_start3A_133 = arith.constant 0 : i32
          %dma_start3A_134 = tpu.memref_slice %arg4[%add3A_109, %dma_start3A_133] : memref<2560x128xi32, #tpu.memory_space<hbm>> -> memref<16x128xi32, #tpu.memory_space<hbm>>
          tpu.enqueue_dma source(%dma_start3A_134 : memref<16x128xi32, #tpu.memory_space<hbm>>) target(%arg7 : memref<16x128xi32, #tpu.memory_space<vmem>>) target_semaphore(%run_scoped3A : memref<!tpu.dma_semaphore, #tpu.memory_space<semaphore_mem>>)
          %dma_wait3A = arith.constant 0 : i32
          %dma_wait3A_135 = tpu.memref_slice %arg4[%add3A_109, %dma_wait3A] : memref<2560x128xi32, #tpu.memory_space<hbm>> -> memref<16x128xi32, #tpu.memory_space<hbm>>
          %dma_wait3A_136 = arith.constant 0 : i32
          %dma_wait3A_137 = tpu.memref_slice %arg4[%add3A_109, %dma_wait3A_136] : memref<2560x128xi32, #tpu.memory_space<hbm>> -> memref<16x128xi32, #tpu.memory_space<hbm>>
          tpu.wait_dma2 semaphore(%run_scoped3A : memref<!tpu.dma_semaphore, #tpu.memory_space<semaphore_mem>>) src(%dma_wait3A_137 : memref<16x128xi32, #tpu.memory_space<hbm>>) dst(%arg7 : memref<16x128xi32, #tpu.memory_space<vmem>>)
          tpu.yield
        }) : () -> ()
        %dma_start3A_117 = arith.constant 0 : i32
        %dma_start3A_118 = arith.constant 0 : i32
        %dma_start3A_119 = tpu.memref_slice %arg6[%dma_start3A_117, %dma_start3A_118] : memref<16x128xi32, #tpu.memory_space<vmem>> -> memref<1x128xi32, #tpu.memory_space<vmem>>
        %dma_start3A_120 = tpu.memref_squeeze %dma_start3A_119 : memref<1x128xi32, #tpu.memory_space<vmem>> -> memref<128xi32, #tpu.memory_space<vmem>>
        %dma_start3A_121 = arith.constant 0 : i32
        %dma_start3A_122 = arith.constant 0 : i32
        %dma_start3A_123 = tpu.memref_slice %arg2[%dma_start3A_121, %dma_start3A_122] : memref<10240x128xf32, #tpu.memory_space<hbm>> -> memref<10240x128xf32, #tpu.memory_space<hbm>>
        tpu.enqueue_indirect_dma source(%dma_start3A_123 : memref<10240x128xf32, #tpu.memory_space<hbm>>) target(%arg8 : memref<128x128xf32, #tpu.memory_space<vmem>>) offsets(%dma_start3A_120 : memref<128xi32, #tpu.memory_space<vmem>>) semaphore(%arg12 : memref<!tpu.dma_semaphore, #tpu.memory_space<semaphore_mem>>)
        %dma_start3A_124 = arith.constant 1 : i32
        %dma_start3A_125 = arith.constant 0 : i32
        %dma_start3A_126 = tpu.memref_slice %arg6[%dma_start3A_124, %dma_start3A_125] : memref<16x128xi32, #tpu.memory_space<vmem>> -> memref<1x128xi32, #tpu.memory_space<vmem>>
        %dma_start3A_127 = tpu.memref_squeeze %dma_start3A_126 : memref<1x128xi32, #tpu.memory_space<vmem>> -> memref<128xi32, #tpu.memory_space<vmem>>
        %dma_start3A_128 = arith.constant 0 : i32
        %dma_start3A_129 = arith.constant 0 : i32
        %dma_start3A_130 = tpu.memref_slice %arg2[%dma_start3A_128, %dma_start3A_129] : memref<10240x128xf32, #tpu.memory_space<hbm>> -> memref<10240x128xf32, #tpu.memory_space<hbm>>
        tpu.enqueue_indirect_dma source(%dma_start3A_130 : memref<10240x128xf32, #tpu.memory_space<hbm>>) target(%arg9 : memref<128x128xf32, #tpu.memory_space<vmem>>) offsets(%dma_start3A_127 : memref<128xi32, #tpu.memory_space<vmem>>) semaphore(%arg13 : memref<!tpu.dma_semaphore, #tpu.memory_space<semaphore_mem>>)
      } else {
      }
      %scan3A_112 = arith.constant 0 : i32
      %scan3A_113 = arith.constant 8 : i32
      %scan3A_114 = arith.addi %scan3A_112, %scan3A_113 : i32
      %scan3A_115 = arith.constant 1 : i32
      scf.for %scan3A_117 = %scan3A_112 to %scan3A_114 step %scan3A_115  : i32 {
        %mul3A_118 = arith.constant 2 : i32
        %mul3A_119 = arith.muli %scan3A_117, %mul3A_118 : i32
        %add3A_120 = arith.constant 0 : i32
        %add3A_121 = arith.addi %add3A_120, %mul3A_119 : i32
        %add3A_122 = arith.constant 0 : i32
        %add3A_123 = arith.addi %add3A_121, %add3A_122 : i32
        %dma_wait3A = arith.constant 0 : i32
        %dma_wait3A_124 = tpu.memref_slice %arg6[%add3A_123, %dma_wait3A] : memref<16x128xi32, #tpu.memory_space<vmem>> -> memref<1x128xi32, #tpu.memory_space<vmem>>
        %dma_wait3A_125 = tpu.memref_squeeze %dma_wait3A_124 : memref<1x128xi32, #tpu.memory_space<vmem>> -> memref<128xi32, #tpu.memory_space<vmem>>
        %dma_wait3A_126 = arith.constant 0 : i32
        %dma_wait3A_127 = arith.constant 0 : i32
        %dma_wait3A_128 = tpu.memref_slice %arg2[%dma_wait3A_126, %dma_wait3A_127] : memref<10240x128xf32, #tpu.memory_space<hbm>> -> memref<10240x128xf32, #tpu.memory_space<hbm>>
        tpu.wait_indirect_dma semaphore(%arg12 : memref<!tpu.dma_semaphore, #tpu.memory_space<semaphore_mem>>) src(%dma_wait3A_128 : memref<10240x128xf32, #tpu.memory_space<hbm>>) dst(%arg8 : memref<128x128xf32, #tpu.memory_space<vmem>>)
        "tpu.region"() ({
          %run_scoped3A = tpu.sem_alloc : memref<!tpu.dma_semaphore, #tpu.memory_space<semaphore_mem>>
          %dma_start3A_150 = arith.constant 0 : i32
          %dma_start3A_151 = tpu.memref_slice %arg7[%add3A_123, %dma_start3A_150] : memref<16x128xi32, #tpu.memory_space<vmem>> -> memref<1x128xi32, #tpu.memory_space<vmem>>
          %dma_start3A_152 = tpu.memref_squeeze %dma_start3A_151 : memref<1x128xi32, #tpu.memory_space<vmem>> -> memref<128xi32, #tpu.memory_space<vmem>>
          %dma_start3A_153 = arith.constant 0 : i32
          %dma_start3A_154 = arith.constant 0 : i32
          %dma_start3A_155 = tpu.memref_slice %arg11[%dma_start3A_153, %dma_start3A_154] : memref<10240x128xf32, #tpu.memory_space<vmem_shared>> -> memref<10240x128xf32, #tpu.memory_space<vmem_shared>>
          tpu.enqueue_indirect_dma source(%arg8 : memref<128x128xf32, #tpu.memory_space<vmem>>) target(%dma_start3A_155 : memref<10240x128xf32, #tpu.memory_space<vmem_shared>>) offsets(%dma_start3A_152 : memref<128xi32, #tpu.memory_space<vmem>>) semaphore(%run_scoped3A : memref<!tpu.dma_semaphore, #tpu.memory_space<semaphore_mem>>) {add = true}
          %dma_wait3A_156 = arith.constant 0 : i32
          %dma_wait3A_157 = tpu.memref_slice %arg7[%add3A_123, %dma_wait3A_156] : memref<16x128xi32, #tpu.memory_space<vmem>> -> memref<1x128xi32, #tpu.memory_space<vmem>>
          %dma_wait3A_158 = tpu.memref_squeeze %dma_wait3A_157 : memref<1x128xi32, #tpu.memory_space<vmem>> -> memref<128xi32, #tpu.memory_space<vmem>>
          %dma_wait3A_159 = arith.constant 0 : i32
          %dma_wait3A_160 = arith.constant 0 : i32
          %dma_wait3A_161 = tpu.memref_slice %arg11[%dma_wait3A_159, %dma_wait3A_160] : memref<10240x128xf32, #tpu.memory_space<vmem_shared>> -> memref<10240x128xf32, #tpu.memory_space<vmem_shared>>
          tpu.wait_indirect_dma semaphore(%run_scoped3A : memref<!tpu.dma_semaphore, #tpu.memory_space<semaphore_mem>>) src(%arg8 : memref<128x128xf32, #tpu.memory_space<vmem>>) dst(%dma_wait3A_161 : memref<10240x128xf32, #tpu.memory_space<vmem_shared>>)
          tpu.yield
        }) : () -> ()
        %add3A_129 = arith.constant 2 : i32
        %add3A_130 = arith.addi %add3A_123, %add3A_129 : i32
        %lt3A = arith.constant 16 : i32
        %lt3A_131 = arith.cmpi slt, %add3A_130, %lt3A : i32
        %convert_element_type3A_132 = arith.extui %lt3A_131 : i1 to i32
        %cond3A_133 = arith.constant 0 : i32
        %cond3A_134 = arith.cmpi ne, %convert_element_type3A_132, %cond3A_133 : i32
        scf.if %cond3A_134 {
          %add3A_150 = arith.constant 2 : i32
          %add3A_151 = arith.addi %add3A_123, %add3A_150 : i32
          %dma_start3A_152 = arith.constant 0 : i32
          %dma_start3A_153 = tpu.memref_slice %arg6[%add3A_151, %dma_start3A_152] : memref<16x128xi32, #tpu.memory_space<vmem>> -> memref<1x128xi32, #tpu.memory_space<vmem>>
          %dma_start3A_154 = tpu.memref_squeeze %dma_start3A_153 : memref<1x128xi32, #tpu.memory_space<vmem>> -> memref<128xi32, #tpu.memory_space<vmem>>
          %dma_start3A_155 = arith.constant 0 : i32
          %dma_start3A_156 = arith.constant 0 : i32
          %dma_start3A_157 = tpu.memref_slice %arg2[%dma_start3A_155, %dma_start3A_156] : memref<10240x128xf32, #tpu.memory_space<hbm>> -> memref<10240x128xf32, #tpu.memory_space<hbm>>
          tpu.enqueue_indirect_dma source(%dma_start3A_157 : memref<10240x128xf32, #tpu.memory_space<hbm>>) target(%arg8 : memref<128x128xf32, #tpu.memory_space<vmem>>) offsets(%dma_start3A_154 : memref<128xi32, #tpu.memory_space<vmem>>) semaphore(%arg12 : memref<!tpu.dma_semaphore, #tpu.memory_space<semaphore_mem>>)
        } else {
        }
        %add3A_135 = arith.constant 1 : i32
        %add3A_136 = arith.addi %add3A_121, %add3A_135 : i32
        %dma_wait3A_137 = arith.constant 0 : i32
        %dma_wait3A_138 = tpu.memref_slice %arg6[%add3A_136, %dma_wait3A_137] : memref<16x128xi32, #tpu.memory_space<vmem>> -> memref<1x128xi32, #tpu.memory_space<vmem>>
        %dma_wait3A_139 = tpu.memref_squeeze %dma_wait3A_138 : memref<1x128xi32, #tpu.memory_space<vmem>> -> memref<128xi32, #tpu.memory_space<vmem>>
        %dma_wait3A_140 = arith.constant 0 : i32
        %dma_wait3A_141 = arith.constant 0 : i32
        %dma_wait3A_142 = tpu.memref_slice %arg2[%dma_wait3A_140, %dma_wait3A_141] : memref<10240x128xf32, #tpu.memory_space<hbm>> -> memref<10240x128xf32, #tpu.memory_space<hbm>>
        tpu.wait_indirect_dma semaphore(%arg13 : memref<!tpu.dma_semaphore, #tpu.memory_space<semaphore_mem>>) src(%dma_wait3A_142 : memref<10240x128xf32, #tpu.memory_space<hbm>>) dst(%arg9 : memref<128x128xf32, #tpu.memory_space<vmem>>)
        "tpu.region"() ({
          %run_scoped3A = tpu.sem_alloc : memref<!tpu.dma_semaphore, #tpu.memory_space<semaphore_mem>>
          %dma_start3A_150 = arith.constant 0 : i32
          %dma_start3A_151 = tpu.memref_slice %arg7[%add3A_136, %dma_start3A_150] : memref<16x128xi32, #tpu.memory_space<vmem>> -> memref<1x128xi32, #tpu.memory_space<vmem>>
          %dma_start3A_152 = tpu.memref_squeeze %dma_start3A_151 : memref<1x128xi32, #tpu.memory_space<vmem>> -> memref<128xi32, #tpu.memory_space<vmem>>
          %dma_start3A_153 = arith.constant 0 : i32
          %dma_start3A_154 = arith.constant 0 : i32
          %dma_start3A_155 = tpu.memref_slice %arg11[%dma_start3A_153, %dma_start3A_154] : memref<10240x128xf32, #tpu.memory_space<vmem_shared>> -> memref<10240x128xf32, #tpu.memory_space<vmem_shared>>
          tpu.enqueue_indirect_dma source(%arg9 : memref<128x128xf32, #tpu.memory_space<vmem>>) target(%dma_start3A_155 : memref<10240x128xf32, #tpu.memory_space<vmem_shared>>) offsets(%dma_start3A_152 : memref<128xi32, #tpu.memory_space<vmem>>) semaphore(%run_scoped3A : memref<!tpu.dma_semaphore, #tpu.memory_space<semaphore_mem>>) {add = true}
          %dma_wait3A_156 = arith.constant 0 : i32
          %dma_wait3A_157 = tpu.memref_slice %arg7[%add3A_136, %dma_wait3A_156] : memref<16x128xi32, #tpu.memory_space<vmem>> -> memref<1x128xi32, #tpu.memory_space<vmem>>
          %dma_wait3A_158 = tpu.memref_squeeze %dma_wait3A_157 : memref<1x128xi32, #tpu.memory_space<vmem>> -> memref<128xi32, #tpu.memory_space<vmem>>
          %dma_wait3A_159 = arith.constant 0 : i32
          %dma_wait3A_160 = arith.constant 0 : i32
          %dma_wait3A_161 = tpu.memref_slice %arg11[%dma_wait3A_159, %dma_wait3A_160] : memref<10240x128xf32, #tpu.memory_space<vmem_shared>> -> memref<10240x128xf32, #tpu.memory_space<vmem_shared>>
          tpu.wait_indirect_dma semaphore(%run_scoped3A : memref<!tpu.dma_semaphore, #tpu.memory_space<semaphore_mem>>) src(%arg9 : memref<128x128xf32, #tpu.memory_space<vmem>>) dst(%dma_wait3A_161 : memref<10240x128xf32, #tpu.memory_space<vmem_shared>>)
          tpu.yield
        }) : () -> ()
        %add3A_143 = arith.constant 2 : i32
        %add3A_144 = arith.addi %add3A_136, %add3A_143 : i32
        %lt3A_145 = arith.constant 16 : i32
        %lt3A_146 = arith.cmpi slt, %add3A_144, %lt3A_145 : i32
        %convert_element_type3A_147 = arith.extui %lt3A_146 : i1 to i32
        %cond3A_148 = arith.constant 0 : i32
        %cond3A_149 = arith.cmpi ne, %convert_element_type3A_147, %cond3A_148 : i32
        scf.if %cond3A_149 {
          %add3A_150 = arith.constant 2 : i32
          %add3A_151 = arith.addi %add3A_136, %add3A_150 : i32
          %dma_start3A_152 = arith.constant 0 : i32
          %dma_start3A_153 = tpu.memref_slice %arg6[%add3A_151, %dma_start3A_152] : memref<16x128xi32, #tpu.memory_space<vmem>> -> memref<1x128xi32, #tpu.memory_space<vmem>>
          %dma_start3A_154 = tpu.memref_squeeze %dma_start3A_153 : memref<1x128xi32, #tpu.memory_space<vmem>> -> memref<128xi32, #tpu.memory_space<vmem>>
          %dma_start3A_155 = arith.constant 0 : i32
          %dma_start3A_156 = arith.constant 0 : i32
          %dma_start3A_157 = tpu.memref_slice %arg2[%dma_start3A_155, %dma_start3A_156] : memref<10240x128xf32, #tpu.memory_space<hbm>> -> memref<10240x128xf32, #tpu.memory_space<hbm>>
          tpu.enqueue_indirect_dma source(%dma_start3A_157 : memref<10240x128xf32, #tpu.memory_space<hbm>>) target(%arg9 : memref<128x128xf32, #tpu.memory_space<vmem>>) offsets(%dma_start3A_154 : memref<128xi32, #tpu.memory_space<vmem>>) semaphore(%arg13 : memref<!tpu.dma_semaphore, #tpu.memory_space<semaphore_mem>>)
        } else {
        }
      }
      %scan3A_116 = arith.constant 8 : i32
    }
    %while3A_82 = arith.constant 1 : i32
    scf.for %while3A_104 = %while3A_80 to %while3A_76 step %while3A_82  : i32 {
      %mul3A_105 = arith.muli %while3A_104, %while3A : i32
      %add3A_106 = arith.addi %while3A_73, %mul3A_105 : i32
      %mul3A_107 = arith.constant 16 : i32
      %mul3A_108 = arith.muli %add3A_106, %mul3A_107 : i32
      %add3A_109 = arith.addi %select_n3A, %mul3A_108 : i32
      %gt3A = arith.constant 0 : i32
      %gt3A_110 = arith.cmpi sgt, %add3A_106, %gt3A : i32
      %convert_element_type3A = arith.extui %gt3A_110 : i1 to i32
      %cond3A = arith.constant 0 : i32
      %cond3A_111 = arith.cmpi ne, %convert_element_type3A, %cond3A : i32
      scf.if %cond3A_111 {
        "tpu.region"() ({
          %run_scoped3A = tpu.sem_alloc : memref<!tpu.dma_semaphore, #tpu.memory_space<semaphore_mem>>
          %dma_start3A_131 = arith.constant 0 : i32
          %dma_start3A_132 = tpu.memref_slice %arg3[%add3A_109, %dma_start3A_131] : memref<2560x128xi32, #tpu.memory_space<hbm>> -> memref<16x128xi32, #tpu.memory_space<hbm>>
          %dma_start3A_133 = arith.constant 0 : i32
          %dma_start3A_134 = tpu.memref_slice %arg3[%add3A_109, %dma_start3A_133] : memref<2560x128xi32, #tpu.memory_space<hbm>> -> memref<16x128xi32, #tpu.memory_space<hbm>>
          tpu.enqueue_dma source(%dma_start3A_134 : memref<16x128xi32, #tpu.memory_space<hbm>>) target(%arg6 : memref<16x128xi32, #tpu.memory_space<vmem>>) target_semaphore(%run_scoped3A : memref<!tpu.dma_semaphore, #tpu.memory_space<semaphore_mem>>)
          %dma_wait3A = arith.constant 0 : i32
          %dma_wait3A_135 = tpu.memref_slice %arg3[%add3A_109, %dma_wait3A] : memref<2560x128xi32, #tpu.memory_space<hbm>> -> memref<16x128xi32, #tpu.memory_space<hbm>>
          %dma_wait3A_136 = arith.constant 0 : i32
          %dma_wait3A_137 = tpu.memref_slice %arg3[%add3A_109, %dma_wait3A_136] : memref<2560x128xi32, #tpu.memory_space<hbm>> -> memref<16x128xi32, #tpu.memory_space<hbm>>
          tpu.wait_dma2 semaphore(%run_scoped3A : memref<!tpu.dma_semaphore, #tpu.memory_space<semaphore_mem>>) src(%dma_wait3A_137 : memref<16x128xi32, #tpu.memory_space<hbm>>) dst(%arg6 : memref<16x128xi32, #tpu.memory_space<vmem>>)
          tpu.yield
        }) : () -> ()
        "tpu.region"() ({
          %run_scoped3A = tpu.sem_alloc : memref<!tpu.dma_semaphore, #tpu.memory_space<semaphore_mem>>
          %dma_start3A_131 = arith.constant 0 : i32
          %dma_start3A_132 = tpu.memref_slice %arg4[%add3A_109, %dma_start3A_131] : memref<2560x128xi32, #tpu.memory_space<hbm>> -> memref<16x128xi32, #tpu.memory_space<hbm>>
          %dma_start3A_133 = arith.constant 0 : i32
          %dma_start3A_134 = tpu.memref_slice %arg4[%add3A_109, %dma_start3A_133] : memref<2560x128xi32, #tpu.memory_space<hbm>> -> memref<16x128xi32, #tpu.memory_space<hbm>>
          tpu.enqueue_dma source(%dma_start3A_134 : memref<16x128xi32, #tpu.memory_space<hbm>>) target(%arg7 : memref<16x128xi32, #tpu.memory_space<vmem>>) target_semaphore(%run_scoped3A : memref<!tpu.dma_semaphore, #tpu.memory_space<semaphore_mem>>)
          %dma_wait3A = arith.constant 0 : i32
          %dma_wait3A_135 = tpu.memref_slice %arg4[%add3A_109, %dma_wait3A] : memref<2560x128xi32, #tpu.memory_space<hbm>> -> memref<16x128xi32, #tpu.memory_space<hbm>>
          %dma_wait3A_136 = arith.constant 0 : i32
          %dma_wait3A_137 = tpu.memref_slice %arg4[%add3A_109, %dma_wait3A_136] : memref<2560x128xi32, #tpu.memory_space<hbm>> -> memref<16x128xi32, #tpu.memory_space<hbm>>
          tpu.wait_dma2 semaphore(%run_scoped3A : memref<!tpu.dma_semaphore, #tpu.memory_space<semaphore_mem>>) src(%dma_wait3A_137 : memref<16x128xi32, #tpu.memory_space<hbm>>) dst(%arg7 : memref<16x128xi32, #tpu.memory_space<vmem>>)
          tpu.yield
        }) : () -> ()
        %dma_start3A_117 = arith.constant 0 : i32
        %dma_start3A_118 = arith.constant 0 : i32
        %dma_start3A_119 = tpu.memref_slice %arg6[%dma_start3A_117, %dma_start3A_118] : memref<16x128xi32, #tpu.memory_space<vmem>> -> memref<1x128xi32, #tpu.memory_space<vmem>>
        %dma_start3A_120 = tpu.memref_squeeze %dma_start3A_119 : memref<1x128xi32, #tpu.memory_space<vmem>> -> memref<128xi32, #tpu.memory_space<vmem>>
        %dma_start3A_121 = arith.constant 0 : i32
        %dma_start3A_122 = arith.constant 0 : i32
        %dma_start3A_123 = tpu.memref_slice %arg2[%dma_start3A_121, %dma_start3A_122] : memref<10240x128xf32, #tpu.memory_space<hbm>> -> memref<10240x128xf32, #tpu.memory_space<hbm>>
        tpu.enqueue_indirect_dma source(%dma_start3A_123 : memref<10240x128xf32, #tpu.memory_space<hbm>>) target(%arg8 : memref<128x128xf32, #tpu.memory_space<vmem>>) offsets(%dma_start3A_120 : memref<128xi32, #tpu.memory_space<vmem>>) semaphore(%arg12 : memref<!tpu.dma_semaphore, #tpu.memory_space<semaphore_mem>>)
        %dma_start3A_124 = arith.constant 1 : i32
        %dma_start3A_125 = arith.constant 0 : i32
        %dma_start3A_126 = tpu.memref_slice %arg6[%dma_start3A_124, %dma_start3A_125] : memref<16x128xi32, #tpu.memory_space<vmem>> -> memref<1x128xi32, #tpu.memory_space<vmem>>
        %dma_start3A_127 = tpu.memref_squeeze %dma_start3A_126 : memref<1x128xi32, #tpu.memory_space<vmem>> -> memref<128xi32, #tpu.memory_space<vmem>>
        %dma_start3A_128 = arith.constant 0 : i32
        %dma_start3A_129 = arith.constant 0 : i32
        %dma_start3A_130 = tpu.memref_slice %arg2[%dma_start3A_128, %dma_start3A_129] : memref<10240x128xf32, #tpu.memory_space<hbm>> -> memref<10240x128xf32, #tpu.memory_space<hbm>>
        tpu.enqueue_indirect_dma source(%dma_start3A_130 : memref<10240x128xf32, #tpu.memory_space<hbm>>) target(%arg9 : memref<128x128xf32, #tpu.memory_space<vmem>>) offsets(%dma_start3A_127 : memref<128xi32, #tpu.memory_space<vmem>>) semaphore(%arg13 : memref<!tpu.dma_semaphore, #tpu.memory_space<semaphore_mem>>)
      } else {
      }
      %scan3A_112 = arith.constant 0 : i32
      %scan3A_113 = arith.constant 8 : i32
      %scan3A_114 = arith.addi %scan3A_112, %scan3A_113 : i32
      %scan3A_115 = arith.constant 1 : i32
      scf.for %scan3A_117 = %scan3A_112 to %scan3A_114 step %scan3A_115  : i32 {
        %mul3A_118 = arith.constant 2 : i32
        %mul3A_119 = arith.muli %scan3A_117, %mul3A_118 : i32
        %add3A_120 = arith.constant 0 : i32
        %add3A_121 = arith.addi %add3A_120, %mul3A_119 : i32
        %add3A_122 = arith.constant 0 : i32
        %add3A_123 = arith.addi %add3A_121, %add3A_122 : i32
        %dma_wait3A = arith.constant 0 : i32
        %dma_wait3A_124 = tpu.memref_slice %arg6[%add3A_123, %dma_wait3A] : memref<16x128xi32, #tpu.memory_space<vmem>> -> memref<1x128xi32, #tpu.memory_space<vmem>>
        %dma_wait3A_125 = tpu.memref_squeeze %dma_wait3A_124 : memref<1x128xi32, #tpu.memory_space<vmem>> -> memref<128xi32, #tpu.memory_space<vmem>>
        %dma_wait3A_126 = arith.constant 0 : i32
        %dma_wait3A_127 = arith.constant 0 : i32
        %dma_wait3A_128 = tpu.memref_slice %arg2[%dma_wait3A_126, %dma_wait3A_127] : memref<10240x128xf32, #tpu.memory_space<hbm>> -> memref<10240x128xf32, #tpu.memory_space<hbm>>
        tpu.wait_indirect_dma semaphore(%arg12 : memref<!tpu.dma_semaphore, #tpu.memory_space<semaphore_mem>>) src(%dma_wait3A_128 : memref<10240x128xf32, #tpu.memory_space<hbm>>) dst(%arg8 : memref<128x128xf32, #tpu.memory_space<vmem>>)
        "tpu.region"() ({
          %run_scoped3A = tpu.sem_alloc : memref<!tpu.dma_semaphore, #tpu.memory_space<semaphore_mem>>
          %dma_start3A_150 = arith.constant 0 : i32
          %dma_start3A_151 = tpu.memref_slice %arg7[%add3A_123, %dma_start3A_150] : memref<16x128xi32, #tpu.memory_space<vmem>> -> memref<1x128xi32, #tpu.memory_space<vmem>>
          %dma_start3A_152 = tpu.memref_squeeze %dma_start3A_151 : memref<1x128xi32, #tpu.memory_space<vmem>> -> memref<128xi32, #tpu.memory_space<vmem>>
          %dma_start3A_153 = arith.constant 0 : i32
          %dma_start3A_154 = arith.constant 0 : i32
          %dma_start3A_155 = tpu.memref_slice %arg11[%dma_start3A_153, %dma_start3A_154] : memref<10240x128xf32, #tpu.memory_space<vmem_shared>> -> memref<10240x128xf32, #tpu.memory_space<vmem_shared>>
          tpu.enqueue_indirect_dma source(%arg8 : memref<128x128xf32, #tpu.memory_space<vmem>>) target(%dma_start3A_155 : memref<10240x128xf32, #tpu.memory_space<vmem_shared>>) offsets(%dma_start3A_152 : memref<128xi32, #tpu.memory_space<vmem>>) semaphore(%run_scoped3A : memref<!tpu.dma_semaphore, #tpu.memory_space<semaphore_mem>>) {add = true}
          %dma_wait3A_156 = arith.constant 0 : i32
          %dma_wait3A_157 = tpu.memref_slice %arg7[%add3A_123, %dma_wait3A_156] : memref<16x128xi32, #tpu.memory_space<vmem>> -> memref<1x128xi32, #tpu.memory_space<vmem>>
          %dma_wait3A_158 = tpu.memref_squeeze %dma_wait3A_157 : memref<1x128xi32, #tpu.memory_space<vmem>> -> memref<128xi32, #tpu.memory_space<vmem>>
          %dma_wait3A_159 = arith.constant 0 : i32
          %dma_wait3A_160 = arith.constant 0 : i32
          %dma_wait3A_161 = tpu.memref_slice %arg11[%dma_wait3A_159, %dma_wait3A_160] : memref<10240x128xf32, #tpu.memory_space<vmem_shared>> -> memref<10240x128xf32, #tpu.memory_space<vmem_shared>>
          tpu.wait_indirect_dma semaphore(%run_scoped3A : memref<!tpu.dma_semaphore, #tpu.memory_space<semaphore_mem>>) src(%arg8 : memref<128x128xf32, #tpu.memory_space<vmem>>) dst(%dma_wait3A_161 : memref<10240x128xf32, #tpu.memory_space<vmem_shared>>)
          tpu.yield
        }) : () -> ()
        %add3A_129 = arith.constant 2 : i32
        %add3A_130 = arith.addi %add3A_123, %add3A_129 : i32
        %lt3A = arith.constant 16 : i32
        %lt3A_131 = arith.cmpi slt, %add3A_130, %lt3A : i32
        %convert_element_type3A_132 = arith.extui %lt3A_131 : i1 to i32
        %cond3A_133 = arith.constant 0 : i32
        %cond3A_134 = arith.cmpi ne, %convert_element_type3A_132, %cond3A_133 : i32
        scf.if %cond3A_134 {
          %add3A_150 = arith.constant 2 : i32
          %add3A_151 = arith.addi %add3A_123, %add3A_150 : i32
          %dma_start3A_152 = arith.constant 0 : i32
          %dma_start3A_153 = tpu.memref_slice %arg6[%add3A_151, %dma_start3A_152] : memref<16x128xi32, #tpu.memory_space<vmem>> -> memref<1x128xi32, #tpu.memory_space<vmem>>
          %dma_start3A_154 = tpu.memref_squeeze %dma_start3A_153 : memref<1x128xi32, #tpu.memory_space<vmem>> -> memref<128xi32, #tpu.memory_space<vmem>>
          %dma_start3A_155 = arith.constant 0 : i32
          %dma_start3A_156 = arith.constant 0 : i32
          %dma_start3A_157 = tpu.memref_slice %arg2[%dma_start3A_155, %dma_start3A_156] : memref<10240x128xf32, #tpu.memory_space<hbm>> -> memref<10240x128xf32, #tpu.memory_space<hbm>>
          tpu.enqueue_indirect_dma source(%dma_start3A_157 : memref<10240x128xf32, #tpu.memory_space<hbm>>) target(%arg8 : memref<128x128xf32, #tpu.memory_space<vmem>>) offsets(%dma_start3A_154 : memref<128xi32, #tpu.memory_space<vmem>>) semaphore(%arg12 : memref<!tpu.dma_semaphore, #tpu.memory_space<semaphore_mem>>)
        } else {
        }
        %add3A_135 = arith.constant 1 : i32
        %add3A_136 = arith.addi %add3A_121, %add3A_135 : i32
        %dma_wait3A_137 = arith.constant 0 : i32
        %dma_wait3A_138 = tpu.memref_slice %arg6[%add3A_136, %dma_wait3A_137] : memref<16x128xi32, #tpu.memory_space<vmem>> -> memref<1x128xi32, #tpu.memory_space<vmem>>
        %dma_wait3A_139 = tpu.memref_squeeze %dma_wait3A_138 : memref<1x128xi32, #tpu.memory_space<vmem>> -> memref<128xi32, #tpu.memory_space<vmem>>
        %dma_wait3A_140 = arith.constant 0 : i32
        %dma_wait3A_141 = arith.constant 0 : i32
        %dma_wait3A_142 = tpu.memref_slice %arg2[%dma_wait3A_140, %dma_wait3A_141] : memref<10240x128xf32, #tpu.memory_space<hbm>> -> memref<10240x128xf32, #tpu.memory_space<hbm>>
        tpu.wait_indirect_dma semaphore(%arg13 : memref<!tpu.dma_semaphore, #tpu.memory_space<semaphore_mem>>) src(%dma_wait3A_142 : memref<10240x128xf32, #tpu.memory_space<hbm>>) dst(%arg9 : memref<128x128xf32, #tpu.memory_space<vmem>>)
        "tpu.region"() ({
          %run_scoped3A = tpu.sem_alloc : memref<!tpu.dma_semaphore, #tpu.memory_space<semaphore_mem>>
          %dma_start3A_150 = arith.constant 0 : i32
          %dma_start3A_151 = tpu.memref_slice %arg7[%add3A_136, %dma_start3A_150] : memref<16x128xi32, #tpu.memory_space<vmem>> -> memref<1x128xi32, #tpu.memory_space<vmem>>
          %dma_start3A_152 = tpu.memref_squeeze %dma_start3A_151 : memref<1x128xi32, #tpu.memory_space<vmem>> -> memref<128xi32, #tpu.memory_space<vmem>>
          %dma_start3A_153 = arith.constant 0 : i32
          %dma_start3A_154 = arith.constant 0 : i32
          %dma_start3A_155 = tpu.memref_slice %arg11[%dma_start3A_153, %dma_start3A_154] : memref<10240x128xf32, #tpu.memory_space<vmem_shared>> -> memref<10240x128xf32, #tpu.memory_space<vmem_shared>>
          tpu.enqueue_indirect_dma source(%arg9 : memref<128x128xf32, #tpu.memory_space<vmem>>) target(%dma_start3A_155 : memref<10240x128xf32, #tpu.memory_space<vmem_shared>>) offsets(%dma_start3A_152 : memref<128xi32, #tpu.memory_space<vmem>>) semaphore(%run_scoped3A : memref<!tpu.dma_semaphore, #tpu.memory_space<semaphore_mem>>) {add = true}
          %dma_wait3A_156 = arith.constant 0 : i32
          %dma_wait3A_157 = tpu.memref_slice %arg7[%add3A_136, %dma_wait3A_156] : memref<16x128xi32, #tpu.memory_space<vmem>> -> memref<1x128xi32, #tpu.memory_space<vmem>>
          %dma_wait3A_158 = tpu.memref_squeeze %dma_wait3A_157 : memref<1x128xi32, #tpu.memory_space<vmem>> -> memref<128xi32, #tpu.memory_space<vmem>>
          %dma_wait3A_159 = arith.constant 0 : i32
          %dma_wait3A_160 = arith.constant 0 : i32
          %dma_wait3A_161 = tpu.memref_slice %arg11[%dma_wait3A_159, %dma_wait3A_160] : memref<10240x128xf32, #tpu.memory_space<vmem_shared>> -> memref<10240x128xf32, #tpu.memory_space<vmem_shared>>
          tpu.wait_indirect_dma semaphore(%run_scoped3A : memref<!tpu.dma_semaphore, #tpu.memory_space<semaphore_mem>>) src(%arg9 : memref<128x128xf32, #tpu.memory_space<vmem>>) dst(%dma_wait3A_161 : memref<10240x128xf32, #tpu.memory_space<vmem_shared>>)
          tpu.yield
        }) : () -> ()
        %add3A_143 = arith.constant 2 : i32
        %add3A_144 = arith.addi %add3A_136, %add3A_143 : i32
        %lt3A_145 = arith.constant 16 : i32
        %lt3A_146 = arith.cmpi slt, %add3A_144, %lt3A_145 : i32
        %convert_element_type3A_147 = arith.extui %lt3A_146 : i1 to i32
        %cond3A_148 = arith.constant 0 : i32
        %cond3A_149 = arith.cmpi ne, %convert_element_type3A_147, %cond3A_148 : i32
        scf.if %cond3A_149 {
          %add3A_150 = arith.constant 2 : i32
          %add3A_151 = arith.addi %add3A_136, %add3A_150 : i32
          %dma_start3A_152 = arith.constant 0 : i32
          %dma_start3A_153 = tpu.memref_slice %arg6[%add3A_151, %dma_start3A_152] : memref<16x128xi32, #tpu.memory_space<vmem>> -> memref<1x128xi32, #tpu.memory_space<vmem>>
          %dma_start3A_154 = tpu.memref_squeeze %dma_start3A_153 : memref<1x128xi32, #tpu.memory_space<vmem>> -> memref<128xi32, #tpu.memory_space<vmem>>
          %dma_start3A_155 = arith.constant 0 : i32
          %dma_start3A_156 = arith.constant 0 : i32
          %dma_start3A_157 = tpu.memref_slice %arg2[%dma_start3A_155, %dma_start3A_156] : memref<10240x128xf32, #tpu.memory_space<hbm>> -> memref<10240x128xf32, #tpu.memory_space<hbm>>
          tpu.enqueue_indirect_dma source(%dma_start3A_157 : memref<10240x128xf32, #tpu.memory_space<hbm>>) target(%arg9 : memref<128x128xf32, #tpu.memory_space<vmem>>) offsets(%dma_start3A_154 : memref<128xi32, #tpu.memory_space<vmem>>) semaphore(%arg13 : memref<!tpu.dma_semaphore, #tpu.memory_space<semaphore_mem>>)
        } else {
        }
      }
      %scan3A_116 = arith.constant 8 : i32
    }
    %barrier3A_83 = arith.constant 0 : index
    tpu.barrier barrier_id(%barrier3A_83)
    %mul3A_84 = arith.constant 640 : i32
    %mul3A_85 = arith.muli %arg1, %mul3A_84 : i32
    %add3A_86 = arith.constant 0 : i32
    %add3A_87 = arith.addi %mul3A_85, %add3A_86 : i32
    "tpu.region"() ({
      %run_scoped3A = tpu.sem_alloc : memref<!tpu.dma_semaphore, #tpu.memory_space<semaphore_mem>>
      %dma_start3A_104 = arith.constant 0 : i32
      %dma_start3A_105 = tpu.memref_slice %arg5[%arg0, %add3A_87, %dma_start3A_104] : memref<2x10240x128xf32, #tpu.memory_space<hbm>> -> memref<1x128x128xf32, #tpu.memory_space<hbm>>
      %dma_start3A_106 = tpu.memref_squeeze %dma_start3A_105 : memref<1x128x128xf32, #tpu.memory_space<hbm>> -> memref<128x128xf32, #tpu.memory_space<hbm>>
      %dma_start3A_107 = arith.constant 0 : i32
      %dma_start3A_108 = tpu.memref_slice %arg11[%add3A_87, %dma_start3A_107] : memref<10240x128xf32, #tpu.memory_space<vmem_shared>> -> memref<128x128xf32, #tpu.memory_space<vmem_shared>>
      tpu.enqueue_dma source(%dma_start3A_108 : memref<128x128xf32, #tpu.memory_space<vmem_shared>>) target(%dma_start3A_106 : memref<128x128xf32, #tpu.memory_space<hbm>>) target_semaphore(%run_scoped3A : memref<!tpu.dma_semaphore, #tpu.memory_space<semaphore_mem>>)
      %dma_wait3A = arith.constant 0 : i32
      %dma_wait3A_109 = tpu.memref_slice %arg5[%arg0, %add3A_87, %dma_wait3A] : memref<2x10240x128xf32, #tpu.memory_space<hbm>> -> memref<1x128x128xf32, #tpu.memory_space<hbm>>
      %dma_wait3A_110 = tpu.memref_squeeze %dma_wait3A_109 : memref<1x128x128xf32, #tpu.memory_space<hbm>> -> memref<128x128xf32, #tpu.memory_space<hbm>>
      %dma_wait3A_111 = arith.constant 0 : i32
      %dma_wait3A_112 = tpu.memref_slice %arg11[%add3A_87, %dma_wait3A_111] : memref<10240x128xf32, #tpu.memory_space<vmem_shared>> -> memref<128x128xf32, #tpu.memory_space<vmem_shared>>
      tpu.wait_dma2 semaphore(%run_scoped3A : memref<!tpu.dma_semaphore, #tpu.memory_space<semaphore_mem>>) src(%dma_wait3A_112 : memref<128x128xf32, #tpu.memory_space<vmem_shared>>) dst(%dma_wait3A_110 : memref<128x128xf32, #tpu.memory_space<hbm>>)
      tpu.yield
    }) : () -> ()
    %mul3A_88 = arith.constant 640 : i32
    %mul3A_89 = arith.muli %arg1, %mul3A_88 : i32
    %add3A_90 = arith.constant 128 : i32
    %add3A_91 = arith.addi %mul3A_89, %add3A_90 : i32
    "tpu.region"() ({
      %run_scoped3A = tpu.sem_alloc : memref<!tpu.dma_semaphore, #tpu.memory_space<semaphore_mem>>
      %dma_start3A_104 = arith.constant 0 : i32
      %dma_start3A_105 = tpu.memref_slice %arg5[%arg0, %add3A_91, %dma_start3A_104] : memref<2x10240x128xf32, #tpu.memory_space<hbm>> -> memref<1x128x128xf32, #tpu.memory_space<hbm>>
      %dma_start3A_106 = tpu.memref_squeeze %dma_start3A_105 : memref<1x128x128xf32, #tpu.memory_space<hbm>> -> memref<128x128xf32, #tpu.memory_space<hbm>>
      %dma_start3A_107 = arith.constant 0 : i32
      %dma_start3A_108 = tpu.memref_slice %arg11[%add3A_91, %dma_start3A_107] : memref<10240x128xf32, #tpu.memory_space<vmem_shared>> -> memref<128x128xf32, #tpu.memory_space<vmem_shared>>
      tpu.enqueue_dma source(%dma_start3A_108 : memref<128x128xf32, #tpu.memory_space<vmem_shared>>) target(%dma_start3A_106 : memref<128x128xf32, #tpu.memory_space<hbm>>) target_semaphore(%run_scoped3A : memref<!tpu.dma_semaphore, #tpu.memory_space<semaphore_mem>>)
      %dma_wait3A = arith.constant 0 : i32
      %dma_wait3A_109 = tpu.memref_slice %arg5[%arg0, %add3A_91, %dma_wait3A] : memref<2x10240x128xf32, #tpu.memory_space<hbm>> -> memref<1x128x128xf32, #tpu.memory_space<hbm>>
      %dma_wait3A_110 = tpu.memref_squeeze %dma_wait3A_109 : memref<1x128x128xf32, #tpu.memory_space<hbm>> -> memref<128x128xf32, #tpu.memory_space<hbm>>
      %dma_wait3A_111 = arith.constant 0 : i32
      %dma_wait3A_112 = tpu.memref_slice %arg11[%add3A_91, %dma_wait3A_111] : memref<10240x128xf32, #tpu.memory_space<vmem_shared>> -> memref<128x128xf32, #tpu.memory_space<vmem_shared>>
      tpu.wait_dma2 semaphore(%run_scoped3A : memref<!tpu.dma_semaphore, #tpu.memory_space<semaphore_mem>>) src(%dma_wait3A_112 : memref<128x128xf32, #tpu.memory_space<vmem_shared>>) dst(%dma_wait3A_110 : memref<128x128xf32, #tpu.memory_space<hbm>>)
      tpu.yield
    }) : () -> ()
    %mul3A_92 = arith.constant 640 : i32
    %mul3A_93 = arith.muli %arg1, %mul3A_92 : i32
    %add3A_94 = arith.constant 256 : i32
    %add3A_95 = arith.addi %mul3A_93, %add3A_94 : i32
    "tpu.region"() ({
      %run_scoped3A = tpu.sem_alloc : memref<!tpu.dma_semaphore, #tpu.memory_space<semaphore_mem>>
      %dma_start3A_104 = arith.constant 0 : i32
      %dma_start3A_105 = tpu.memref_slice %arg5[%arg0, %add3A_95, %dma_start3A_104] : memref<2x10240x128xf32, #tpu.memory_space<hbm>> -> memref<1x128x128xf32, #tpu.memory_space<hbm>>
      %dma_start3A_106 = tpu.memref_squeeze %dma_start3A_105 : memref<1x128x128xf32, #tpu.memory_space<hbm>> -> memref<128x128xf32, #tpu.memory_space<hbm>>
      %dma_start3A_107 = arith.constant 0 : i32
      %dma_start3A_108 = tpu.memref_slice %arg11[%add3A_95, %dma_start3A_107] : memref<10240x128xf32, #tpu.memory_space<vmem_shared>> -> memref<128x128xf32, #tpu.memory_space<vmem_shared>>
      tpu.enqueue_dma source(%dma_start3A_108 : memref<128x128xf32, #tpu.memory_space<vmem_shared>>) target(%dma_start3A_106 : memref<128x128xf32, #tpu.memory_space<hbm>>) target_semaphore(%run_scoped3A : memref<!tpu.dma_semaphore, #tpu.memory_space<semaphore_mem>>)
      %dma_wait3A = arith.constant 0 : i32
      %dma_wait3A_109 = tpu.memref_slice %arg5[%arg0, %add3A_95, %dma_wait3A] : memref<2x10240x128xf32, #tpu.memory_space<hbm>> -> memref<1x128x128xf32, #tpu.memory_space<hbm>>
      %dma_wait3A_110 = tpu.memref_squeeze %dma_wait3A_109 : memref<1x128x128xf32, #tpu.memory_space<hbm>> -> memref<128x128xf32, #tpu.memory_space<hbm>>
      %dma_wait3A_111 = arith.constant 0 : i32
      %dma_wait3A_112 = tpu.memref_slice %arg11[%add3A_95, %dma_wait3A_111] : memref<10240x128xf32, #tpu.memory_space<vmem_shared>> -> memref<128x128xf32, #tpu.memory_space<vmem_shared>>
      tpu.wait_dma2 semaphore(%run_scoped3A : memref<!tpu.dma_semaphore, #tpu.memory_space<semaphore_mem>>) src(%dma_wait3A_112 : memref<128x128xf32, #tpu.memory_space<vmem_shared>>) dst(%dma_wait3A_110 : memref<128x128xf32, #tpu.memory_space<hbm>>)
      tpu.yield
    }) : () -> ()
    %mul3A_96 = arith.constant 640 : i32
    %mul3A_97 = arith.muli %arg1, %mul3A_96 : i32
    %add3A_98 = arith.constant 384 : i32
    %add3A_99 = arith.addi %mul3A_97, %add3A_98 : i32
    "tpu.region"() ({
      %run_scoped3A = tpu.sem_alloc : memref<!tpu.dma_semaphore, #tpu.memory_space<semaphore_mem>>
      %dma_start3A_104 = arith.constant 0 : i32
      %dma_start3A_105 = tpu.memref_slice %arg5[%arg0, %add3A_99, %dma_start3A_104] : memref<2x10240x128xf32, #tpu.memory_space<hbm>> -> memref<1x128x128xf32, #tpu.memory_space<hbm>>
      %dma_start3A_106 = tpu.memref_squeeze %dma_start3A_105 : memref<1x128x128xf32, #tpu.memory_space<hbm>> -> memref<128x128xf32, #tpu.memory_space<hbm>>
      %dma_start3A_107 = arith.constant 0 : i32
      %dma_start3A_108 = tpu.memref_slice %arg11[%add3A_99, %dma_start3A_107] : memref<10240x128xf32, #tpu.memory_space<vmem_shared>> -> memref<128x128xf32, #tpu.memory_space<vmem_shared>>
      tpu.enqueue_dma source(%dma_start3A_108 : memref<128x128xf32, #tpu.memory_space<vmem_shared>>) target(%dma_start3A_106 : memref<128x128xf32, #tpu.memory_space<hbm>>) target_semaphore(%run_scoped3A : memref<!tpu.dma_semaphore, #tpu.memory_space<semaphore_mem>>)
      %dma_wait3A = arith.constant 0 : i32
      %dma_wait3A_109 = tpu.memref_slice %arg5[%arg0, %add3A_99, %dma_wait3A] : memref<2x10240x128xf32, #tpu.memory_space<hbm>> -> memref<1x128x128xf32, #tpu.memory_space<hbm>>
      %dma_wait3A_110 = tpu.memref_squeeze %dma_wait3A_109 : memref<1x128x128xf32, #tpu.memory_space<hbm>> -> memref<128x128xf32, #tpu.memory_space<hbm>>
      %dma_wait3A_111 = arith.constant 0 : i32
      %dma_wait3A_112 = tpu.memref_slice %arg11[%add3A_99, %dma_wait3A_111] : memref<10240x128xf32, #tpu.memory_space<vmem_shared>> -> memref<128x128xf32, #tpu.memory_space<vmem_shared>>
      tpu.wait_dma2 semaphore(%run_scoped3A : memref<!tpu.dma_semaphore, #tpu.memory_space<semaphore_mem>>) src(%dma_wait3A_112 : memref<128x128xf32, #tpu.memory_space<vmem_shared>>) dst(%dma_wait3A_110 : memref<128x128xf32, #tpu.memory_space<hbm>>)
      tpu.yield
    }) : () -> ()
    %mul3A_100 = arith.constant 640 : i32
    %mul3A_101 = arith.muli %arg1, %mul3A_100 : i32
    %add3A_102 = arith.constant 512 : i32
    %add3A_103 = arith.addi %mul3A_101, %add3A_102 : i32
    "tpu.region"() ({
      %run_scoped3A = tpu.sem_alloc : memref<!tpu.dma_semaphore, #tpu.memory_space<semaphore_mem>>
      %dma_start3A_104 = arith.constant 0 : i32
      %dma_start3A_105 = tpu.memref_slice %arg5[%arg0, %add3A_103, %dma_start3A_104] : memref<2x10240x128xf32, #tpu.memory_space<hbm>> -> memref<1x128x128xf32, #tpu.memory_space<hbm>>
      %dma_start3A_106 = tpu.memref_squeeze %dma_start3A_105 : memref<1x128x128xf32, #tpu.memory_space<hbm>> -> memref<128x128xf32, #tpu.memory_space<hbm>>
      %dma_start3A_107 = arith.constant 0 : i32
      %dma_start3A_108 = tpu.memref_slice %arg11[%add3A_103, %dma_start3A_107] : memref<10240x128xf32, #tpu.memory_space<vmem_shared>> -> memref<128x128xf32, #tpu.memory_space<vmem_shared>>
      tpu.enqueue_dma source(%dma_start3A_108 : memref<128x128xf32, #tpu.memory_space<vmem_shared>>) target(%dma_start3A_106 : memref<128x128xf32, #tpu.memory_space<hbm>>) target_semaphore(%run_scoped3A : memref<!tpu.dma_semaphore, #tpu.memory_space<semaphore_mem>>)
      %dma_wait3A = arith.constant 0 : i32
      %dma_wait3A_109 = tpu.memref_slice %arg5[%arg0, %add3A_103, %dma_wait3A] : memref<2x10240x128xf32, #tpu.memory_space<hbm>> -> memref<1x128x128xf32, #tpu.memory_space<hbm>>
      %dma_wait3A_110 = tpu.memref_squeeze %dma_wait3A_109 : memref<1x128x128xf32, #tpu.memory_space<hbm>> -> memref<128x128xf32, #tpu.memory_space<hbm>>
      %dma_wait3A_111 = arith.constant 0 : i32
      %dma_wait3A_112 = tpu.memref_slice %arg11[%add3A_103, %dma_wait3A_111] : memref<10240x128xf32, #tpu.memory_space<vmem_shared>> -> memref<128x128xf32, #tpu.memory_space<vmem_shared>>
      tpu.wait_dma2 semaphore(%run_scoped3A : memref<!tpu.dma_semaphore, #tpu.memory_space<semaphore_mem>>) src(%dma_wait3A_112 : memref<128x128xf32, #tpu.memory_space<vmem_shared>>) dst(%dma_wait3A_110 : memref<128x128xf32, #tpu.memory_space<hbm>>)
      tpu.yield
    }) : () -> ()
    return
  }
}

#map = affine_map<(d0, d1) -> (0)>
#map1 = affine_map<(d0, d1) -> (0, 0, 0)>
module attributes {stable_mosaic.version = 14 : i64} {
  func.func @_edgeout_body(%arg0: i32, %arg1: i32, %arg2: memref<10240xf32, #tpu.memory_space<hbm>>, %arg3: memref<10240xf32, #tpu.memory_space<hbm>>, %arg4: memref<32x80x128xf32, #tpu.memory_space<hbm>>, %arg5: memref<32x80x128xi32, #tpu.memory_space<hbm>>, %arg6: memref<32x80x128xi32, #tpu.memory_space<hbm>>, %arg7: memref<32x80x128xf32, #tpu.memory_space<hbm>>, %arg8: memref<10240xf32, #tpu.memory_space<vmem>>, %arg9: memref<10240xf32, #tpu.memory_space<vmem>>, %arg10: memref<80x128xf32, #tpu.memory_space<vmem>>, %arg11: memref<80x128xi32, #tpu.memory_space<vmem>>, %arg12: memref<80x128xi32, #tpu.memory_space<vmem>>, %arg13: memref<80x128xf32, #tpu.memory_space<vmem>>) attributes {dimension_semantics = [#tpu.dimension_semantics<core_parallel>, #tpu.dimension_semantics<subcore_parallel>], iteration_bounds = array<i64: 2, 16>, scalar_prefetch = 0 : i64, scratch_operands = 6 : i64, tpu.core_type = #tpu.core_type<sc_vector_subcore>, window_params = [{transform_indices = #map}, {transform_indices = #map}, {transform_indices = #map1}, {transform_indices = #map1}, {transform_indices = #map1}, {transform_indices = #map1}]} {
    %mul3A = arith.constant 2 : i32
    %mul3A_0 = arith.muli %arg1, %mul3A : i32
    %add3A = arith.addi %mul3A_0, %arg0 : i32
    "tpu.region"() ({
      %run_scoped3A = tpu.sem_alloc : memref<!tpu.dma_semaphore, #tpu.memory_space<semaphore_mem>>
      tpu.enqueue_dma source(%arg2 : memref<10240xf32, #tpu.memory_space<hbm>>) target(%arg8 : memref<10240xf32, #tpu.memory_space<vmem>>) target_semaphore(%run_scoped3A : memref<!tpu.dma_semaphore, #tpu.memory_space<semaphore_mem>>)
      tpu.wait_dma2 semaphore(%run_scoped3A : memref<!tpu.dma_semaphore, #tpu.memory_space<semaphore_mem>>) src(%arg2 : memref<10240xf32, #tpu.memory_space<hbm>>) dst(%arg8 : memref<10240xf32, #tpu.memory_space<vmem>>)
      tpu.yield
    }) : () -> ()
    "tpu.region"() ({
      %run_scoped3A = tpu.sem_alloc : memref<!tpu.dma_semaphore, #tpu.memory_space<semaphore_mem>>
      tpu.enqueue_dma source(%arg3 : memref<10240xf32, #tpu.memory_space<hbm>>) target(%arg9 : memref<10240xf32, #tpu.memory_space<vmem>>) target_semaphore(%run_scoped3A : memref<!tpu.dma_semaphore, #tpu.memory_space<semaphore_mem>>)
      tpu.wait_dma2 semaphore(%run_scoped3A : memref<!tpu.dma_semaphore, #tpu.memory_space<semaphore_mem>>) src(%arg3 : memref<10240xf32, #tpu.memory_space<hbm>>) dst(%arg9 : memref<10240xf32, #tpu.memory_space<vmem>>)
      tpu.yield
    }) : () -> ()
    "tpu.region"() ({
      %run_scoped3A = tpu.sem_alloc : memref<!tpu.dma_semaphore, #tpu.memory_space<semaphore_mem>>
      %dma_start3A = arith.constant 0 : i32
      %dma_start3A_5 = arith.constant 0 : i32
      %dma_start3A_6 = tpu.memref_slice %arg4[%add3A, %dma_start3A, %dma_start3A_5] : memref<32x80x128xf32, #tpu.memory_space<hbm>> -> memref<1x80x128xf32, #tpu.memory_space<hbm>>
      %dma_start3A_7 = tpu.memref_squeeze %dma_start3A_6 : memref<1x80x128xf32, #tpu.memory_space<hbm>> -> memref<80x128xf32, #tpu.memory_space<hbm>>
      %dma_start3A_8 = arith.constant 0 : i32
      %dma_start3A_9 = arith.constant 0 : i32
      %dma_start3A_10 = tpu.memref_slice %arg4[%add3A, %dma_start3A_8, %dma_start3A_9] : memref<32x80x128xf32, #tpu.memory_space<hbm>> -> memref<1x80x128xf32, #tpu.memory_space<hbm>>
      %dma_start3A_11 = tpu.memref_squeeze %dma_start3A_10 : memref<1x80x128xf32, #tpu.memory_space<hbm>> -> memref<80x128xf32, #tpu.memory_space<hbm>>
      tpu.enqueue_dma source(%dma_start3A_11 : memref<80x128xf32, #tpu.memory_space<hbm>>) target(%arg10 : memref<80x128xf32, #tpu.memory_space<vmem>>) target_semaphore(%run_scoped3A : memref<!tpu.dma_semaphore, #tpu.memory_space<semaphore_mem>>)
      %dma_wait3A = arith.constant 0 : i32
      %dma_wait3A_12 = arith.constant 0 : i32
      %dma_wait3A_13 = tpu.memref_slice %arg4[%add3A, %dma_wait3A, %dma_wait3A_12] : memref<32x80x128xf32, #tpu.memory_space<hbm>> -> memref<1x80x128xf32, #tpu.memory_space<hbm>>
      %dma_wait3A_14 = tpu.memref_squeeze %dma_wait3A_13 : memref<1x80x128xf32, #tpu.memory_space<hbm>> -> memref<80x128xf32, #tpu.memory_space<hbm>>
      %dma_wait3A_15 = arith.constant 0 : i32
      %dma_wait3A_16 = arith.constant 0 : i32
      %dma_wait3A_17 = tpu.memref_slice %arg4[%add3A, %dma_wait3A_15, %dma_wait3A_16] : memref<32x80x128xf32, #tpu.memory_space<hbm>> -> memref<1x80x128xf32, #tpu.memory_space<hbm>>
      %dma_wait3A_18 = tpu.memref_squeeze %dma_wait3A_17 : memref<1x80x128xf32, #tpu.memory_space<hbm>> -> memref<80x128xf32, #tpu.memory_space<hbm>>
      tpu.wait_dma2 semaphore(%run_scoped3A : memref<!tpu.dma_semaphore, #tpu.memory_space<semaphore_mem>>) src(%dma_wait3A_18 : memref<80x128xf32, #tpu.memory_space<hbm>>) dst(%arg10 : memref<80x128xf32, #tpu.memory_space<vmem>>)
      tpu.yield
    }) : () -> ()
    "tpu.region"() ({
      %run_scoped3A = tpu.sem_alloc : memref<!tpu.dma_semaphore, #tpu.memory_space<semaphore_mem>>
      %dma_start3A = arith.constant 0 : i32
      %dma_start3A_5 = arith.constant 0 : i32
      %dma_start3A_6 = tpu.memref_slice %arg5[%add3A, %dma_start3A, %dma_start3A_5] : memref<32x80x128xi32, #tpu.memory_space<hbm>> -> memref<1x80x128xi32, #tpu.memory_space<hbm>>
      %dma_start3A_7 = tpu.memref_squeeze %dma_start3A_6 : memref<1x80x128xi32, #tpu.memory_space<hbm>> -> memref<80x128xi32, #tpu.memory_space<hbm>>
      %dma_start3A_8 = arith.constant 0 : i32
      %dma_start3A_9 = arith.constant 0 : i32
      %dma_start3A_10 = tpu.memref_slice %arg5[%add3A, %dma_start3A_8, %dma_start3A_9] : memref<32x80x128xi32, #tpu.memory_space<hbm>> -> memref<1x80x128xi32, #tpu.memory_space<hbm>>
      %dma_start3A_11 = tpu.memref_squeeze %dma_start3A_10 : memref<1x80x128xi32, #tpu.memory_space<hbm>> -> memref<80x128xi32, #tpu.memory_space<hbm>>
      tpu.enqueue_dma source(%dma_start3A_11 : memref<80x128xi32, #tpu.memory_space<hbm>>) target(%arg11 : memref<80x128xi32, #tpu.memory_space<vmem>>) target_semaphore(%run_scoped3A : memref<!tpu.dma_semaphore, #tpu.memory_space<semaphore_mem>>)
      %dma_wait3A = arith.constant 0 : i32
      %dma_wait3A_12 = arith.constant 0 : i32
      %dma_wait3A_13 = tpu.memref_slice %arg5[%add3A, %dma_wait3A, %dma_wait3A_12] : memref<32x80x128xi32, #tpu.memory_space<hbm>> -> memref<1x80x128xi32, #tpu.memory_space<hbm>>
      %dma_wait3A_14 = tpu.memref_squeeze %dma_wait3A_13 : memref<1x80x128xi32, #tpu.memory_space<hbm>> -> memref<80x128xi32, #tpu.memory_space<hbm>>
      %dma_wait3A_15 = arith.constant 0 : i32
      %dma_wait3A_16 = arith.constant 0 : i32
      %dma_wait3A_17 = tpu.memref_slice %arg5[%add3A, %dma_wait3A_15, %dma_wait3A_16] : memref<32x80x128xi32, #tpu.memory_space<hbm>> -> memref<1x80x128xi32, #tpu.memory_space<hbm>>
      %dma_wait3A_18 = tpu.memref_squeeze %dma_wait3A_17 : memref<1x80x128xi32, #tpu.memory_space<hbm>> -> memref<80x128xi32, #tpu.memory_space<hbm>>
      tpu.wait_dma2 semaphore(%run_scoped3A : memref<!tpu.dma_semaphore, #tpu.memory_space<semaphore_mem>>) src(%dma_wait3A_18 : memref<80x128xi32, #tpu.memory_space<hbm>>) dst(%arg11 : memref<80x128xi32, #tpu.memory_space<vmem>>)
      tpu.yield
    }) : () -> ()
    "tpu.region"() ({
      %run_scoped3A = tpu.sem_alloc : memref<!tpu.dma_semaphore, #tpu.memory_space<semaphore_mem>>
      %dma_start3A = arith.constant 0 : i32
      %dma_start3A_5 = arith.constant 0 : i32
      %dma_start3A_6 = tpu.memref_slice %arg6[%add3A, %dma_start3A, %dma_start3A_5] : memref<32x80x128xi32, #tpu.memory_space<hbm>> -> memref<1x80x128xi32, #tpu.memory_space<hbm>>
      %dma_start3A_7 = tpu.memref_squeeze %dma_start3A_6 : memref<1x80x128xi32, #tpu.memory_space<hbm>> -> memref<80x128xi32, #tpu.memory_space<hbm>>
      %dma_start3A_8 = arith.constant 0 : i32
      %dma_start3A_9 = arith.constant 0 : i32
      %dma_start3A_10 = tpu.memref_slice %arg6[%add3A, %dma_start3A_8, %dma_start3A_9] : memref<32x80x128xi32, #tpu.memory_space<hbm>> -> memref<1x80x128xi32, #tpu.memory_space<hbm>>
      %dma_start3A_11 = tpu.memref_squeeze %dma_start3A_10 : memref<1x80x128xi32, #tpu.memory_space<hbm>> -> memref<80x128xi32, #tpu.memory_space<hbm>>
      tpu.enqueue_dma source(%dma_start3A_11 : memref<80x128xi32, #tpu.memory_space<hbm>>) target(%arg12 : memref<80x128xi32, #tpu.memory_space<vmem>>) target_semaphore(%run_scoped3A : memref<!tpu.dma_semaphore, #tpu.memory_space<semaphore_mem>>)
      %dma_wait3A = arith.constant 0 : i32
      %dma_wait3A_12 = arith.constant 0 : i32
      %dma_wait3A_13 = tpu.memref_slice %arg6[%add3A, %dma_wait3A, %dma_wait3A_12] : memref<32x80x128xi32, #tpu.memory_space<hbm>> -> memref<1x80x128xi32, #tpu.memory_space<hbm>>
      %dma_wait3A_14 = tpu.memref_squeeze %dma_wait3A_13 : memref<1x80x128xi32, #tpu.memory_space<hbm>> -> memref<80x128xi32, #tpu.memory_space<hbm>>
      %dma_wait3A_15 = arith.constant 0 : i32
      %dma_wait3A_16 = arith.constant 0 : i32
      %dma_wait3A_17 = tpu.memref_slice %arg6[%add3A, %dma_wait3A_15, %dma_wait3A_16] : memref<32x80x128xi32, #tpu.memory_space<hbm>> -> memref<1x80x128xi32, #tpu.memory_space<hbm>>
      %dma_wait3A_18 = tpu.memref_squeeze %dma_wait3A_17 : memref<1x80x128xi32, #tpu.memory_space<hbm>> -> memref<80x128xi32, #tpu.memory_space<hbm>>
      tpu.wait_dma2 semaphore(%run_scoped3A : memref<!tpu.dma_semaphore, #tpu.memory_space<semaphore_mem>>) src(%dma_wait3A_18 : memref<80x128xi32, #tpu.memory_space<hbm>>) dst(%arg12 : memref<80x128xi32, #tpu.memory_space<vmem>>)
      tpu.yield
    }) : () -> ()
    %scan3A = arith.constant 0 : i32
    %scan3A_1 = arith.constant 80 : i32
    %scan3A_2 = arith.addi %scan3A, %scan3A_1 : i32
    %scan3A_3 = arith.constant 1 : i32
    scf.for %scan3A_5 = %scan3A to %scan3A_2 step %scan3A_3  : i32 {
      %mul3A_6 = arith.constant 1 : i32
      %mul3A_7 = arith.muli %scan3A_5, %mul3A_6 : i32
      %add3A_8 = arith.constant 0 : i32
      %add3A_9 = arith.addi %add3A_8, %mul3A_7 : i32
      %get3A = arith.index_cast %add3A_9 : i32 to index
      %get3A_10 = arith.constant 0 : index
      %get3A_11 = tpu.vector_load %arg11[%get3A, %get3A_10] {strides = array<i32>} : memref<80x128xi32, #tpu.memory_space<vmem>>, vector<16xi32>,
      %get3A_12 = arith.index_cast %add3A_9 : i32 to index
      %get3A_13 = arith.constant 0 : index
      %get3A_14 = tpu.vector_load %arg12[%get3A_12, %get3A_13] {strides = array<i32>} : memref<80x128xi32, #tpu.memory_space<vmem>>, vector<16xi32>,
      %gather3A = tpu.vector_load_idx %arg8[%get3A_11] : memref<10240xf32, #tpu.memory_space<vmem>>[vector<16xi32>], vector<16xf32>,
      %gather3A_15 = tpu.vector_load_idx %arg9[%get3A_14] : memref<10240xf32, #tpu.memory_space<vmem>>[vector<16xi32>], vector<16xf32>,
      %add3A_16 = arith.addf %gather3A, %gather3A_15 : vector<16xf32>
      %get3A_17 = arith.index_cast %add3A_9 : i32 to index
      %get3A_18 = arith.constant 0 : index
      %get3A_19 = tpu.vector_load %arg10[%get3A_17, %get3A_18] {strides = array<i32>} : memref<80x128xf32, #tpu.memory_space<vmem>>, vector<16xf32>,
      %add3A_20 = arith.addf %add3A_16, %get3A_19 : vector<16xf32>
      %swap3A = arith.index_cast %add3A_9 : i32 to index
      %swap3A_21 = arith.constant 0 : index
      %swap3A_22 = tpu.vector_load %arg13[%swap3A, %swap3A_21] {strides = array<i32>} : memref<80x128xf32, #tpu.memory_space<vmem>>, vector<16xf32>,
      tpu.vector_store %arg13[%swap3A, %swap3A_21], %add3A_20 {strides = array<i32>} : memref<80x128xf32, #tpu.memory_space<vmem>>, vector<16xf32>,
      %get3A_23 = arith.index_cast %add3A_9 : i32 to index
      %get3A_24 = arith.constant 16 : index
      %get3A_25 = tpu.vector_load %arg11[%get3A_23, %get3A_24] {strides = array<i32>} : memref<80x128xi32, #tpu.memory_space<vmem>>, vector<16xi32>,
      %get3A_26 = arith.index_cast %add3A_9 : i32 to index
      %get3A_27 = arith.constant 16 : index
      %get3A_28 = tpu.vector_load %arg12[%get3A_26, %get3A_27] {strides = array<i32>} : memref<80x128xi32, #tpu.memory_space<vmem>>, vector<16xi32>,
      %gather3A_29 = tpu.vector_load_idx %arg8[%get3A_25] : memref<10240xf32, #tpu.memory_space<vmem>>[vector<16xi32>], vector<16xf32>,
      %gather3A_30 = tpu.vector_load_idx %arg9[%get3A_28] : memref<10240xf32, #tpu.memory_space<vmem>>[vector<16xi32>], vector<16xf32>,
      %add3A_31 = arith.addf %gather3A_29, %gather3A_30 : vector<16xf32>
      %get3A_32 = arith.index_cast %add3A_9 : i32 to index
      %get3A_33 = arith.constant 16 : index
      %get3A_34 = tpu.vector_load %arg10[%get3A_32, %get3A_33] {strides = array<i32>} : memref<80x128xf32, #tpu.memory_space<vmem>>, vector<16xf32>,
      %add3A_35 = arith.addf %add3A_31, %get3A_34 : vector<16xf32>
      %swap3A_36 = arith.index_cast %add3A_9 : i32 to index
      %swap3A_37 = arith.constant 16 : index
      %swap3A_38 = tpu.vector_load %arg13[%swap3A_36, %swap3A_37] {strides = array<i32>} : memref<80x128xf32, #tpu.memory_space<vmem>>, vector<16xf32>,
      tpu.vector_store %arg13[%swap3A_36, %swap3A_37], %add3A_35 {strides = array<i32>} : memref<80x128xf32, #tpu.memory_space<vmem>>, vector<16xf32>,
      %get3A_39 = arith.index_cast %add3A_9 : i32 to index
      %get3A_40 = arith.constant 32 : index
      %get3A_41 = tpu.vector_load %arg11[%get3A_39, %get3A_40] {strides = array<i32>} : memref<80x128xi32, #tpu.memory_space<vmem>>, vector<16xi32>,
      %get3A_42 = arith.index_cast %add3A_9 : i32 to index
      %get3A_43 = arith.constant 32 : index
      %get3A_44 = tpu.vector_load %arg12[%get3A_42, %get3A_43] {strides = array<i32>} : memref<80x128xi32, #tpu.memory_space<vmem>>, vector<16xi32>,
      %gather3A_45 = tpu.vector_load_idx %arg8[%get3A_41] : memref<10240xf32, #tpu.memory_space<vmem>>[vector<16xi32>], vector<16xf32>,
      %gather3A_46 = tpu.vector_load_idx %arg9[%get3A_44] : memref<10240xf32, #tpu.memory_space<vmem>>[vector<16xi32>], vector<16xf32>,
      %add3A_47 = arith.addf %gather3A_45, %gather3A_46 : vector<16xf32>
      %get3A_48 = arith.index_cast %add3A_9 : i32 to index
      %get3A_49 = arith.constant 32 : index
      %get3A_50 = tpu.vector_load %arg10[%get3A_48, %get3A_49] {strides = array<i32>} : memref<80x128xf32, #tpu.memory_space<vmem>>, vector<16xf32>,
      %add3A_51 = arith.addf %add3A_47, %get3A_50 : vector<16xf32>
      %swap3A_52 = arith.index_cast %add3A_9 : i32 to index
      %swap3A_53 = arith.constant 32 : index
      %swap3A_54 = tpu.vector_load %arg13[%swap3A_52, %swap3A_53] {strides = array<i32>} : memref<80x128xf32, #tpu.memory_space<vmem>>, vector<16xf32>,
      tpu.vector_store %arg13[%swap3A_52, %swap3A_53], %add3A_51 {strides = array<i32>} : memref<80x128xf32, #tpu.memory_space<vmem>>, vector<16xf32>,
      %get3A_55 = arith.index_cast %add3A_9 : i32 to index
      %get3A_56 = arith.constant 48 : index
      %get3A_57 = tpu.vector_load %arg11[%get3A_55, %get3A_56] {strides = array<i32>} : memref<80x128xi32, #tpu.memory_space<vmem>>, vector<16xi32>,
      %get3A_58 = arith.index_cast %add3A_9 : i32 to index
      %get3A_59 = arith.constant 48 : index
      %get3A_60 = tpu.vector_load %arg12[%get3A_58, %get3A_59] {strides = array<i32>} : memref<80x128xi32, #tpu.memory_space<vmem>>, vector<16xi32>,
      %gather3A_61 = tpu.vector_load_idx %arg8[%get3A_57] : memref<10240xf32, #tpu.memory_space<vmem>>[vector<16xi32>], vector<16xf32>,
      %gather3A_62 = tpu.vector_load_idx %arg9[%get3A_60] : memref<10240xf32, #tpu.memory_space<vmem>>[vector<16xi32>], vector<16xf32>,
      %add3A_63 = arith.addf %gather3A_61, %gather3A_62 : vector<16xf32>
      %get3A_64 = arith.index_cast %add3A_9 : i32 to index
      %get3A_65 = arith.constant 48 : index
      %get3A_66 = tpu.vector_load %arg10[%get3A_64, %get3A_65] {strides = array<i32>} : memref<80x128xf32, #tpu.memory_space<vmem>>, vector<16xf32>,
      %add3A_67 = arith.addf %add3A_63, %get3A_66 : vector<16xf32>
      %swap3A_68 = arith.index_cast %add3A_9 : i32 to index
      %swap3A_69 = arith.constant 48 : index
      %swap3A_70 = tpu.vector_load %arg13[%swap3A_68, %swap3A_69] {strides = array<i32>} : memref<80x128xf32, #tpu.memory_space<vmem>>, vector<16xf32>,
      tpu.vector_store %arg13[%swap3A_68, %swap3A_69], %add3A_67 {strides = array<i32>} : memref<80x128xf32, #tpu.memory_space<vmem>>, vector<16xf32>,
      %get3A_71 = arith.index_cast %add3A_9 : i32 to index
      %get3A_72 = arith.constant 64 : index
      %get3A_73 = tpu.vector_load %arg11[%get3A_71, %get3A_72] {strides = array<i32>} : memref<80x128xi32, #tpu.memory_space<vmem>>, vector<16xi32>,
      %get3A_74 = arith.index_cast %add3A_9 : i32 to index
      %get3A_75 = arith.constant 64 : index
      %get3A_76 = tpu.vector_load %arg12[%get3A_74, %get3A_75] {strides = array<i32>} : memref<80x128xi32, #tpu.memory_space<vmem>>, vector<16xi32>,
      %gather3A_77 = tpu.vector_load_idx %arg8[%get3A_73] : memref<10240xf32, #tpu.memory_space<vmem>>[vector<16xi32>], vector<16xf32>,
      %gather3A_78 = tpu.vector_load_idx %arg9[%get3A_76] : memref<10240xf32, #tpu.memory_space<vmem>>[vector<16xi32>], vector<16xf32>,
      %add3A_79 = arith.addf %gather3A_77, %gather3A_78 : vector<16xf32>
      %get3A_80 = arith.index_cast %add3A_9 : i32 to index
      %get3A_81 = arith.constant 64 : index
      %get3A_82 = tpu.vector_load %arg10[%get3A_80, %get3A_81] {strides = array<i32>} : memref<80x128xf32, #tpu.memory_space<vmem>>, vector<16xf32>,
      %add3A_83 = arith.addf %add3A_79, %get3A_82 : vector<16xf32>
      %swap3A_84 = arith.index_cast %add3A_9 : i32 to index
      %swap3A_85 = arith.constant 64 : index
      %swap3A_86 = tpu.vector_load %arg13[%swap3A_84, %swap3A_85] {strides = array<i32>} : memref<80x128xf32, #tpu.memory_space<vmem>>, vector<16xf32>,
      tpu.vector_store %arg13[%swap3A_84, %swap3A_85], %add3A_83 {strides = array<i32>} : memref<80x128xf32, #tpu.memory_space<vmem>>, vector<16xf32>,
      %get3A_87 = arith.index_cast %add3A_9 : i32 to index
      %get3A_88 = arith.constant 80 : index
      %get3A_89 = tpu.vector_load %arg11[%get3A_87, %get3A_88] {strides = array<i32>} : memref<80x128xi32, #tpu.memory_space<vmem>>, vector<16xi32>,
      %get3A_90 = arith.index_cast %add3A_9 : i32 to index
      %get3A_91 = arith.constant 80 : index
      %get3A_92 = tpu.vector_load %arg12[%get3A_90, %get3A_91] {strides = array<i32>} : memref<80x128xi32, #tpu.memory_space<vmem>>, vector<16xi32>,
      %gather3A_93 = tpu.vector_load_idx %arg8[%get3A_89] : memref<10240xf32, #tpu.memory_space<vmem>>[vector<16xi32>], vector<16xf32>,
      %gather3A_94 = tpu.vector_load_idx %arg9[%get3A_92] : memref<10240xf32, #tpu.memory_space<vmem>>[vector<16xi32>], vector<16xf32>,
      %add3A_95 = arith.addf %gather3A_93, %gather3A_94 : vector<16xf32>
      %get3A_96 = arith.index_cast %add3A_9 : i32 to index
      %get3A_97 = arith.constant 80 : index
      %get3A_98 = tpu.vector_load %arg10[%get3A_96, %get3A_97] {strides = array<i32>} : memref<80x128xf32, #tpu.memory_space<vmem>>, vector<16xf32>,
      %add3A_99 = arith.addf %add3A_95, %get3A_98 : vector<16xf32>
      %swap3A_100 = arith.index_cast %add3A_9 : i32 to index
      %swap3A_101 = arith.constant 80 : index
      %swap3A_102 = tpu.vector_load %arg13[%swap3A_100, %swap3A_101] {strides = array<i32>} : memref<80x128xf32, #tpu.memory_space<vmem>>, vector<16xf32>,
      tpu.vector_store %arg13[%swap3A_100, %swap3A_101], %add3A_99 {strides = array<i32>} : memref<80x128xf32, #tpu.memory_space<vmem>>, vector<16xf32>,
      %get3A_103 = arith.index_cast %add3A_9 : i32 to index
      %get3A_104 = arith.constant 96 : index
      %get3A_105 = tpu.vector_load %arg11[%get3A_103, %get3A_104] {strides = array<i32>} : memref<80x128xi32, #tpu.memory_space<vmem>>, vector<16xi32>,
      %get3A_106 = arith.index_cast %add3A_9 : i32 to index
      %get3A_107 = arith.constant 96 : index
      %get3A_108 = tpu.vector_load %arg12[%get3A_106, %get3A_107] {strides = array<i32>} : memref<80x128xi32, #tpu.memory_space<vmem>>, vector<16xi32>,
      %gather3A_109 = tpu.vector_load_idx %arg8[%get3A_105] : memref<10240xf32, #tpu.memory_space<vmem>>[vector<16xi32>], vector<16xf32>,
      %gather3A_110 = tpu.vector_load_idx %arg9[%get3A_108] : memref<10240xf32, #tpu.memory_space<vmem>>[vector<16xi32>], vector<16xf32>,
      %add3A_111 = arith.addf %gather3A_109, %gather3A_110 : vector<16xf32>
      %get3A_112 = arith.index_cast %add3A_9 : i32 to index
      %get3A_113 = arith.constant 96 : index
      %get3A_114 = tpu.vector_load %arg10[%get3A_112, %get3A_113] {strides = array<i32>} : memref<80x128xf32, #tpu.memory_space<vmem>>, vector<16xf32>,
      %add3A_115 = arith.addf %add3A_111, %get3A_114 : vector<16xf32>
      %swap3A_116 = arith.index_cast %add3A_9 : i32 to index
      %swap3A_117 = arith.constant 96 : index
      %swap3A_118 = tpu.vector_load %arg13[%swap3A_116, %swap3A_117] {strides = array<i32>} : memref<80x128xf32, #tpu.memory_space<vmem>>, vector<16xf32>,
      tpu.vector_store %arg13[%swap3A_116, %swap3A_117], %add3A_115 {strides = array<i32>} : memref<80x128xf32, #tpu.memory_space<vmem>>, vector<16xf32>,
      %get3A_119 = arith.index_cast %add3A_9 : i32 to index
      %get3A_120 = arith.constant 112 : index
      %get3A_121 = tpu.vector_load %arg11[%get3A_119, %get3A_120] {strides = array<i32>} : memref<80x128xi32, #tpu.memory_space<vmem>>, vector<16xi32>,
      %get3A_122 = arith.index_cast %add3A_9 : i32 to index
      %get3A_123 = arith.constant 112 : index
      %get3A_124 = tpu.vector_load %arg12[%get3A_122, %get3A_123] {strides = array<i32>} : memref<80x128xi32, #tpu.memory_space<vmem>>, vector<16xi32>,
      %gather3A_125 = tpu.vector_load_idx %arg8[%get3A_121] : memref<10240xf32, #tpu.memory_space<vmem>>[vector<16xi32>], vector<16xf32>,
      %gather3A_126 = tpu.vector_load_idx %arg9[%get3A_124] : memref<10240xf32, #tpu.memory_space<vmem>>[vector<16xi32>], vector<16xf32>,
      %add3A_127 = arith.addf %gather3A_125, %gather3A_126 : vector<16xf32>
      %get3A_128 = arith.index_cast %add3A_9 : i32 to index
      %get3A_129 = arith.constant 112 : index
      %get3A_130 = tpu.vector_load %arg10[%get3A_128, %get3A_129] {strides = array<i32>} : memref<80x128xf32, #tpu.memory_space<vmem>>, vector<16xf32>,
      %add3A_131 = arith.addf %add3A_127, %get3A_130 : vector<16xf32>
      %swap3A_132 = arith.index_cast %add3A_9 : i32 to index
      %swap3A_133 = arith.constant 112 : index
      %swap3A_134 = tpu.vector_load %arg13[%swap3A_132, %swap3A_133] {strides = array<i32>} : memref<80x128xf32, #tpu.memory_space<vmem>>, vector<16xf32>,
      tpu.vector_store %arg13[%swap3A_132, %swap3A_133], %add3A_131 {strides = array<i32>} : memref<80x128xf32, #tpu.memory_space<vmem>>, vector<16xf32>,
    }
    %scan3A_4 = arith.constant 80 : i32
    "tpu.region"() ({
      %run_scoped3A = tpu.sem_alloc : memref<!tpu.dma_semaphore, #tpu.memory_space<semaphore_mem>>
      %dma_start3A = arith.constant 0 : i32
      %dma_start3A_5 = arith.constant 0 : i32
      %dma_start3A_6 = tpu.memref_slice %arg7[%add3A, %dma_start3A, %dma_start3A_5] : memref<32x80x128xf32, #tpu.memory_space<hbm>> -> memref<1x80x128xf32, #tpu.memory_space<hbm>>
      %dma_start3A_7 = tpu.memref_squeeze %dma_start3A_6 : memref<1x80x128xf32, #tpu.memory_space<hbm>> -> memref<80x128xf32, #tpu.memory_space<hbm>>
      %dma_start3A_8 = arith.constant 0 : i32
      %dma_start3A_9 = arith.constant 0 : i32
      %dma_start3A_10 = tpu.memref_slice %arg7[%add3A, %dma_start3A_8, %dma_start3A_9] : memref<32x80x128xf32, #tpu.memory_space<hbm>> -> memref<1x80x128xf32, #tpu.memory_space<hbm>>
      %dma_start3A_11 = tpu.memref_squeeze %dma_start3A_10 : memref<1x80x128xf32, #tpu.memory_space<hbm>> -> memref<80x128xf32, #tpu.memory_space<hbm>>
      tpu.enqueue_dma source(%arg13 : memref<80x128xf32, #tpu.memory_space<vmem>>) target(%dma_start3A_11 : memref<80x128xf32, #tpu.memory_space<hbm>>) target_semaphore(%run_scoped3A : memref<!tpu.dma_semaphore, #tpu.memory_space<semaphore_mem>>)
      %dma_wait3A = arith.constant 0 : i32
      %dma_wait3A_12 = arith.constant 0 : i32
      %dma_wait3A_13 = tpu.memref_slice %arg7[%add3A, %dma_wait3A, %dma_wait3A_12] : memref<32x80x128xf32, #tpu.memory_space<hbm>> -> memref<1x80x128xf32, #tpu.memory_space<hbm>>
      %dma_wait3A_14 = tpu.memref_squeeze %dma_wait3A_13 : memref<1x80x128xf32, #tpu.memory_space<hbm>> -> memref<80x128xf32, #tpu.memory_space<hbm>>
      %dma_wait3A_15 = arith.constant 0 : i32
      %dma_wait3A_16 = arith.constant 0 : i32
      %dma_wait3A_17 = tpu.memref_slice %arg7[%add3A, %dma_wait3A_15, %dma_wait3A_16] : memref<32x80x128xf32, #tpu.memory_space<hbm>> -> memref<1x80x128xf32, #tpu.memory_space<hbm>>
      %dma_wait3A_18 = tpu.memref_squeeze %dma_wait3A_17 : memref<1x80x128xf32, #tpu.memory_space<hbm>> -> memref<80x128xf32, #tpu.memory_space<hbm>>
      tpu.wait_dma2 semaphore(%run_scoped3A : memref<!tpu.dma_semaphore, #tpu.memory_space<semaphore_mem>>) src(%arg13 : memref<80x128xf32, #tpu.memory_space<vmem>>) dst(%dma_wait3A_18 : memref<80x128xf32, #tpu.memory_space<hbm>>)
      tpu.yield
    }) : () -> ()
    return
  }
}

module attributes {stable_mosaic.version = 14 : i64} {
  func.func @_dinv_body(%arg0: i32, %arg1: memref<2x1024x128xf32, #tpu.memory_space<vmem>>, %arg2: memref<1024x128xf32, #tpu.memory_space<vmem>>) attributes {dimension_semantics = [#tpu.dimension_semantics<arbitrary>], iteration_bounds = array<i64: 10>, scalar_prefetch = 0 : i64, scratch_operands = 0 : i64, tpu.core_type = #tpu.core_type<tc>, window_params = [{transform_indices = @transform_0, window_bounds = array<i64: 2, 1024, 128>}, {transform_indices = @transform_1, window_bounds = array<i64: 1024, 128>}]} {
    %get3A = arith.constant 0 : index
    %get3A_0 = arith.constant 0 : index
    %get3A_1 = arith.constant 0 : index
    %get3A_2 = vector.load %arg1[%get3A, %get3A_0, %get3A_1] : memref<2x1024x128xf32, #tpu.memory_space<vmem>>, vector<1x1024x1xf32>
    %get3A_3 = vector.shape_cast %get3A_2 : vector<1x1024x1xf32> to vector<1024x1xf32>
    %get3A_4 = arith.constant 1 : index
    %get3A_5 = arith.constant 0 : index
    %get3A_6 = arith.constant 0 : index
    %get3A_7 = vector.load %arg1[%get3A_4, %get3A_5, %get3A_6] : memref<2x1024x128xf32, #tpu.memory_space<vmem>>, vector<1x1024x1xf32>
    %get3A_8 = vector.shape_cast %get3A_7 : vector<1x1024x1xf32> to vector<1024x1xf32>
    %add3A = arith.addf %get3A_3, %get3A_8 : vector<1024x1xf32>
    %add3A_9 = arith.constant 1.000000e+00 : f32
    %add3A_10 = vector.broadcast %add3A_9 : f32 to vector<1024x1xf32>
    %add3A_11 = arith.addf %add3A, %add3A_10 : vector<1024x1xf32>
    %max3A = arith.constant 9.99999996E-13 : f32
    %max3A_12 = vector.broadcast %max3A : f32 to vector<1024x1xf32>
    %max3A_13 = arith.maximumf %add3A_11, %max3A_12 : vector<1024x1xf32>
    %rsqrt3A = math.rsqrt %max3A_13 : vector<1024x1xf32>
    %broadcast_in_dim3A = vector.shape_cast %rsqrt3A : vector<1024x1xf32> to vector<1024x1xf32>
    %broadcast_in_dim3A_14 = vector.broadcast %broadcast_in_dim3A : vector<1024x1xf32> to vector<1024x128xf32>
    %swap3A = arith.constant 0 : index
    %swap3A_15 = arith.constant 0 : index
    %swap3A_16 = vector.load %arg2[%swap3A, %swap3A_15] : memref<1024x128xf32, #tpu.memory_space<vmem>>, vector<1024x128xf32>
    tpu.vector_store %arg2[%swap3A, %swap3A_15], %broadcast_in_dim3A_14 {strides = array<i32>} : memref<1024x128xf32, #tpu.memory_space<vmem>>, vector<1024x128xf32>,
    return
  }
  func.func @transform_0(%arg0: i32) -> (i32, i32, i32) {
    %c0_i32 = arith.constant 0 : i32
    %c0_i32_0 = arith.constant 0 : i32
    %c0_i32_1 = arith.constant 0 : i32
    return %c0_i32, %arg0, %c0_i32_0 : i32, i32, i32
  }
  func.func @transform_1(%arg0: i32) -> (i32, i32) {
    %c0_i32 = arith.constant 0 : i32
    %c0_i32_0 = arith.constant 0 : i32
    return %arg0, %c0_i32 : i32, i32
  }
}

module attributes {stable_mosaic.version = 14 : i64} {
  func.func @_enc_body(%arg0: i32, %arg1: memref<1024x128xf32, #tpu.memory_space<vmem>>, %arg2: memref<128x128xf32, #tpu.memory_space<vmem>>, %arg3: memref<1x128xf32, #tpu.memory_space<vmem>>, %arg4: memref<128x128xf32, #tpu.memory_space<vmem>>, %arg5: memref<128x128xf32, #tpu.memory_space<vmem>>, %arg6: memref<1x128xf32, #tpu.memory_space<vmem>>, %arg7: memref<1024x128xf32, #tpu.memory_space<vmem>>, %arg8: memref<1024x128xf32, #tpu.memory_space<vmem>>, %arg9: memref<1024x128xf32, #tpu.memory_space<vmem>>) attributes {dimension_semantics = [#tpu.dimension_semantics<arbitrary>], iteration_bounds = array<i64: 10>, scalar_prefetch = 0 : i64, scratch_operands = 0 : i64, tpu.core_type = #tpu.core_type<tc>, window_params = [{transform_indices = @transform_0, window_bounds = array<i64: 1024, 128>}, {pipeline_mode = #tpu.pipeline_mode<synchronous>, transform_indices = @transform_1, window_bounds = array<i64: 128, 128>}, {pipeline_mode = #tpu.pipeline_mode<synchronous>, transform_indices = @transform_2, window_bounds = array<i64: 1, 128>}, {pipeline_mode = #tpu.pipeline_mode<synchronous>, transform_indices = @transform_3, window_bounds = array<i64: 128, 128>}, {pipeline_mode = #tpu.pipeline_mode<synchronous>, transform_indices = @transform_4, window_bounds = array<i64: 128, 128>}, {pipeline_mode = #tpu.pipeline_mode<synchronous>, transform_indices = @transform_5, window_bounds = array<i64: 1, 128>}, {transform_indices = @transform_6, window_bounds = array<i64: 1024, 128>}, {transform_indices = @transform_7, window_bounds = array<i64: 1024, 128>}, {transform_indices = @transform_8, window_bounds = array<i64: 1024, 128>}]} {
    %get3A = arith.constant 0 : index
    %get3A_0 = arith.constant 0 : index
    %get3A_1 = vector.load %arg1[%get3A, %get3A_0] : memref<1024x128xf32, #tpu.memory_space<vmem>>, vector<1024x128xf32>
    %get3A_2 = arith.constant 0 : index
    %get3A_3 = arith.constant 0 : index
    %get3A_4 = vector.load %arg2[%get3A_2, %get3A_3] : memref<128x128xf32, #tpu.memory_space<vmem>>, vector<128x128xf32>
    %dot_general3A = arith.constant dense<0.000000e+00> : vector<1024x128xf32>
    %dot_general3A_5 = tpu.matmul %get3A_1, %get3A_4, %dot_general3A {dimension_numbers = #tpu.dot_dimension_numbers<[1], [0], [0], [1], [0, 0, 1, 1], [], []>, transpose_lhs_hint = false} : vector<1024x128xf32>, vector<128x128xf32>, vector<1024x128xf32> -> vector<1024x128xf32>
    %get3A_6 = arith.constant 0 : index
    %get3A_7 = arith.constant 0 : index
    %get3A_8 = vector.load %arg3[%get3A_6, %get3A_7] : memref<1x128xf32, #tpu.memory_space<vmem>>, vector<1x128xf32>
    %add3A = vector.broadcast %get3A_8 : vector<1x128xf32> to vector<1024x128xf32>
    %add3A_9 = arith.addf %dot_general3A_5, %add3A : vector<1024x128xf32>
    %max3A = arith.constant 0.000000e+00 : f32
    %max3A_10 = vector.broadcast %max3A : f32 to vector<1024x128xf32>
    %max3A_11 = arith.maximumf %add3A_9, %max3A_10 : vector<1024x128xf32>
    %get3A_12 = arith.constant 0 : index
    %get3A_13 = arith.constant 0 : index
    %get3A_14 = vector.load %arg4[%get3A_12, %get3A_13] : memref<128x128xf32, #tpu.memory_space<vmem>>, vector<128x128xf32>
    %dot_general3A_15 = arith.constant dense<0.000000e+00> : vector<1024x128xf32>
    %dot_general3A_16 = tpu.matmul %max3A_11, %get3A_14, %dot_general3A_15 {dimension_numbers = #tpu.dot_dimension_numbers<[1], [0], [0], [1], [0, 0, 1, 1], [], []>, transpose_lhs_hint = false} : vector<1024x128xf32>, vector<128x128xf32>, vector<1024x128xf32> -> vector<1024x128xf32>
    %get3A_17 = arith.constant 0 : index
    %get3A_18 = arith.constant 0 : index
    %get3A_19 = vector.load %arg7[%get3A_17, %get3A_18] : memref<1024x128xf32, #tpu.memory_space<vmem>>, vector<1024x128xf32>
    %mul3A = arith.mulf %dot_general3A_16, %get3A_19 : vector<1024x128xf32>
    %swap3A = arith.constant 0 : index
    %swap3A_20 = arith.constant 0 : index
    %swap3A_21 = vector.load %arg8[%swap3A, %swap3A_20] : memref<1024x128xf32, #tpu.memory_space<vmem>>, vector<1024x128xf32>
    tpu.vector_store %arg8[%swap3A, %swap3A_20], %mul3A {strides = array<i32>} : memref<1024x128xf32, #tpu.memory_space<vmem>>, vector<1024x128xf32>,
    %get3A_22 = arith.constant 0 : index
    %get3A_23 = arith.constant 0 : index
    %get3A_24 = vector.load %arg5[%get3A_22, %get3A_23] : memref<128x128xf32, #tpu.memory_space<vmem>>, vector<128x128xf32>
    %dot_general3A_25 = arith.constant dense<0.000000e+00> : vector<1024x128xf32>
    %dot_general3A_26 = tpu.matmul %max3A_11, %get3A_24, %dot_general3A_25 {dimension_numbers = #tpu.dot_dimension_numbers<[1], [0], [0], [1], [0, 0, 1, 1], [], []>, transpose_lhs_hint = false} : vector<1024x128xf32>, vector<128x128xf32>, vector<1024x128xf32> -> vector<1024x128xf32>
    %get3A_27 = arith.constant 0 : index
    %get3A_28 = arith.constant 0 : index
    %get3A_29 = vector.load %arg6[%get3A_27, %get3A_28] : memref<1x128xf32, #tpu.memory_space<vmem>>, vector<1x128xf32>
    %add3A_30 = vector.broadcast %get3A_29 : vector<1x128xf32> to vector<1024x128xf32>
    %add3A_31 = arith.addf %dot_general3A_26, %add3A_30 : vector<1024x128xf32>
    %swap3A_32 = arith.constant 0 : index
    %swap3A_33 = arith.constant 0 : index
    %swap3A_34 = vector.load %arg9[%swap3A_32, %swap3A_33] : memref<1024x128xf32, #tpu.memory_space<vmem>>, vector<1024x128xf32>
    tpu.vector_store %arg9[%swap3A_32, %swap3A_33], %add3A_31 {strides = array<i32>} : memref<1024x128xf32, #tpu.memory_space<vmem>>, vector<1024x128xf32>,
    return
  }
  func.func @transform_0(%arg0: i32) -> (i32, i32) {
    %c0_i32 = arith.constant 0 : i32
    %c0_i32_0 = arith.constant 0 : i32
    return %arg0, %c0_i32 : i32, i32
  }
  func.func @transform_1(%arg0: i32) -> (i32, i32) {
    %c0_i32 = arith.constant 0 : i32
    %c0_i32_0 = arith.constant 0 : i32
    %c0_i32_1 = arith.constant 0 : i32
    return %c0_i32, %c0_i32_0 : i32, i32
  }
  func.func @transform_2(%arg0: i32) -> (i32, i32) {
    %c0_i32 = arith.constant 0 : i32
    %c0_i32_0 = arith.constant 0 : i32
    %c0_i32_1 = arith.constant 0 : i32
    return %c0_i32, %c0_i32_0 : i32, i32
  }
  func.func @transform_3(%arg0: i32) -> (i32, i32) {
    %c0_i32 = arith.constant 0 : i32
    %c0_i32_0 = arith.constant 0 : i32
    %c0_i32_1 = arith.constant 0 : i32
    return %c0_i32, %c0_i32_0 : i32, i32
  }
  func.func @transform_4(%arg0: i32) -> (i32, i32) {
    %c0_i32 = arith.constant 0 : i32
    %c0_i32_0 = arith.constant 0 : i32
    %c0_i32_1 = arith.constant 0 : i32
    return %c0_i32, %c0_i32_0 : i32, i32
  }
  func.func @transform_5(%arg0: i32) -> (i32, i32) {
    %c0_i32 = arith.constant 0 : i32
    %c0_i32_0 = arith.constant 0 : i32
    %c0_i32_1 = arith.constant 0 : i32
    return %c0_i32, %c0_i32_0 : i32, i32
  }
  func.func @transform_6(%arg0: i32) -> (i32, i32) {
    %c0_i32 = arith.constant 0 : i32
    %c0_i32_0 = arith.constant 0 : i32
    return %arg0, %c0_i32 : i32, i32
  }
  func.func @transform_7(%arg0: i32) -> (i32, i32) {
    %c0_i32 = arith.constant 0 : i32
    %c0_i32_0 = arith.constant 0 : i32
    return %arg0, %c0_i32 : i32, i32
  }
  func.func @transform_8(%arg0: i32) -> (i32, i32) {
    %c0_i32 = arith.constant 0 : i32
    %c0_i32_0 = arith.constant 0 : i32
    return %arg0, %c0_i32 : i32, i32
  }
}

module attributes {stable_mosaic.version = 14 : i64} {
  func.func @_layer_body(%arg0: i32, %arg1: memref<2x1024x128xf32, #tpu.memory_space<vmem>>, %arg2: memref<1024x128xf32, #tpu.memory_space<vmem>>, %arg3: memref<1024x128xf32, #tpu.memory_space<vmem>>, %arg4: memref<1024x128xf32, #tpu.memory_space<vmem>>, %arg5: memref<1x128xf32, #tpu.memory_space<vmem>>, %arg6: memref<128x128xf32, #tpu.memory_space<vmem>>, %arg7: memref<128x128xf32, #tpu.memory_space<vmem>>, %arg8: memref<1x128xf32, #tpu.memory_space<vmem>>, %arg9: memref<1024x128xf32, #tpu.memory_space<vmem>>, %arg10: memref<1024x128xf32, #tpu.memory_space<vmem>>) attributes {dimension_semantics = [#tpu.dimension_semantics<arbitrary>], iteration_bounds = array<i64: 10>, scalar_prefetch = 0 : i64, scratch_operands = 0 : i64, tpu.core_type = #tpu.core_type<tc>, window_params = [{transform_indices = @transform_0, window_bounds = array<i64: 2, 1024, 128>}, {transform_indices = @transform_1, window_bounds = array<i64: 1024, 128>}, {transform_indices = @transform_2, window_bounds = array<i64: 1024, 128>}, {transform_indices = @transform_3, window_bounds = array<i64: 1024, 128>}, {pipeline_mode = #tpu.pipeline_mode<synchronous>, transform_indices = @transform_4, window_bounds = array<i64: 1, 128>}, {pipeline_mode = #tpu.pipeline_mode<synchronous>, transform_indices = @transform_5, window_bounds = array<i64: 128, 128>}, {pipeline_mode = #tpu.pipeline_mode<synchronous>, transform_indices = @transform_6, window_bounds = array<i64: 128, 128>}, {pipeline_mode = #tpu.pipeline_mode<synchronous>, transform_indices = @transform_7, window_bounds = array<i64: 1, 128>}, {transform_indices = @transform_8, window_bounds = array<i64: 1024, 128>}, {transform_indices = @transform_9, window_bounds = array<i64: 1024, 128>}]} {
    %get3A = arith.constant 0 : index
    %get3A_0 = arith.constant 0 : index
    %get3A_1 = arith.constant 0 : index
    %get3A_2 = vector.load %arg1[%get3A, %get3A_0, %get3A_1] : memref<2x1024x128xf32, #tpu.memory_space<vmem>>, vector<1x1024x128xf32>
    %get3A_3 = vector.shape_cast %get3A_2 : vector<1x1024x128xf32> to vector<1024x128xf32>
    %get3A_4 = arith.constant 1 : index
    %get3A_5 = arith.constant 0 : index
    %get3A_6 = arith.constant 0 : index
    %get3A_7 = vector.load %arg1[%get3A_4, %get3A_5, %get3A_6] : memref<2x1024x128xf32, #tpu.memory_space<vmem>>, vector<1x1024x128xf32>
    %get3A_8 = vector.shape_cast %get3A_7 : vector<1x1024x128xf32> to vector<1024x128xf32>
    %add3A = arith.addf %get3A_3, %get3A_8 : vector<1024x128xf32>
    %get3A_9 = arith.constant 0 : index
    %get3A_10 = arith.constant 0 : index
    %get3A_11 = vector.load %arg2[%get3A_9, %get3A_10] : memref<1024x128xf32, #tpu.memory_space<vmem>>, vector<1024x128xf32>
    %add3A_12 = arith.addf %add3A, %get3A_11 : vector<1024x128xf32>
    %get3A_13 = arith.constant 0 : index
    %get3A_14 = arith.constant 0 : index
    %get3A_15 = vector.load %arg4[%get3A_13, %get3A_14] : memref<1024x128xf32, #tpu.memory_space<vmem>>, vector<1024x128xf32>
    %mul3A = arith.mulf %get3A_15, %add3A_12 : vector<1024x128xf32>
    %get3A_16 = arith.constant 0 : index
    %get3A_17 = arith.constant 0 : index
    %get3A_18 = vector.load %arg5[%get3A_16, %get3A_17] : memref<1x128xf32, #tpu.memory_space<vmem>>, vector<1x128xf32>
    %add3A_19 = vector.broadcast %get3A_18 : vector<1x128xf32> to vector<1024x128xf32>
    %add3A_20 = arith.addf %mul3A, %add3A_19 : vector<1024x128xf32>
    %get3A_21 = arith.constant 0 : index
    %get3A_22 = arith.constant 0 : index
    %get3A_23 = vector.load %arg3[%get3A_21, %get3A_22] : memref<1024x128xf32, #tpu.memory_space<vmem>>, vector<1024x128xf32>
    %add3A_24 = arith.addf %add3A_20, %get3A_23 : vector<1024x128xf32>
    %max3A = arith.constant 0.000000e+00 : f32
    %max3A_25 = vector.broadcast %max3A : f32 to vector<1024x128xf32>
    %max3A_26 = arith.maximumf %add3A_24, %max3A_25 : vector<1024x128xf32>
    %get3A_27 = arith.constant 0 : index
    %get3A_28 = arith.constant 0 : index
    %get3A_29 = vector.load %arg6[%get3A_27, %get3A_28] : memref<128x128xf32, #tpu.memory_space<vmem>>, vector<128x128xf32>
    %dot_general3A = arith.constant dense<0.000000e+00> : vector<1024x128xf32>
    %dot_general3A_30 = tpu.matmul %max3A_26, %get3A_29, %dot_general3A {dimension_numbers = #tpu.dot_dimension_numbers<[1], [0], [0], [1], [0, 0, 1, 1], [], []>, transpose_lhs_hint = false} : vector<1024x128xf32>, vector<128x128xf32>, vector<1024x128xf32> -> vector<1024x128xf32>
    %get3A_31 = arith.constant 0 : index
    %get3A_32 = arith.constant 0 : index
    %get3A_33 = vector.load %arg4[%get3A_31, %get3A_32] : memref<1024x128xf32, #tpu.memory_space<vmem>>, vector<1024x128xf32>
    %mul3A_34 = arith.mulf %dot_general3A_30, %get3A_33 : vector<1024x128xf32>
    %swap3A = arith.constant 0 : index
    %swap3A_35 = arith.constant 0 : index
    %swap3A_36 = vector.load %arg9[%swap3A, %swap3A_35] : memref<1024x128xf32, #tpu.memory_space<vmem>>, vector<1024x128xf32>
    tpu.vector_store %arg9[%swap3A, %swap3A_35], %mul3A_34 {strides = array<i32>} : memref<1024x128xf32, #tpu.memory_space<vmem>>, vector<1024x128xf32>,
    %get3A_37 = arith.constant 0 : index
    %get3A_38 = arith.constant 0 : index
    %get3A_39 = vector.load %arg7[%get3A_37, %get3A_38] : memref<128x128xf32, #tpu.memory_space<vmem>>, vector<128x128xf32>
    %dot_general3A_40 = arith.constant dense<0.000000e+00> : vector<1024x128xf32>
    %dot_general3A_41 = tpu.matmul %max3A_26, %get3A_39, %dot_general3A_40 {dimension_numbers = #tpu.dot_dimension_numbers<[1], [0], [0], [1], [0, 0, 1, 1], [], []>, transpose_lhs_hint = false} : vector<1024x128xf32>, vector<128x128xf32>, vector<1024x128xf32> -> vector<1024x128xf32>
    %get3A_42 = arith.constant 0 : index
    %get3A_43 = arith.constant 0 : index
    %get3A_44 = vector.load %arg8[%get3A_42, %get3A_43] : memref<1x128xf32, #tpu.memory_space<vmem>>, vector<1x128xf32>
    %add3A_45 = vector.broadcast %get3A_44 : vector<1x128xf32> to vector<1024x128xf32>
    %add3A_46 = arith.addf %dot_general3A_41, %add3A_45 : vector<1024x128xf32>
    %swap3A_47 = arith.constant 0 : index
    %swap3A_48 = arith.constant 0 : index
    %swap3A_49 = vector.load %arg10[%swap3A_47, %swap3A_48] : memref<1024x128xf32, #tpu.memory_space<vmem>>, vector<1024x128xf32>
    tpu.vector_store %arg10[%swap3A_47, %swap3A_48], %add3A_46 {strides = array<i32>} : memref<1024x128xf32, #tpu.memory_space<vmem>>, vector<1024x128xf32>,
    return
  }
  func.func @transform_0(%arg0: i32) -> (i32, i32, i32) {
    %c0_i32 = arith.constant 0 : i32
    %c0_i32_0 = arith.constant 0 : i32
    %c0_i32_1 = arith.constant 0 : i32
    return %c0_i32, %arg0, %c0_i32_0 : i32, i32, i32
  }
  func.func @transform_1(%arg0: i32) -> (i32, i32) {
    %c0_i32 = arith.constant 0 : i32
    %c0_i32_0 = arith.constant 0 : i32
    return %arg0, %c0_i32 : i32, i32
  }
  func.func @transform_2(%arg0: i32) -> (i32, i32) {
    %c0_i32 = arith.constant 0 : i32
    %c0_i32_0 = arith.constant 0 : i32
    return %arg0, %c0_i32 : i32, i32
  }
  func.func @transform_3(%arg0: i32) -> (i32, i32) {
    %c0_i32 = arith.constant 0 : i32
    %c0_i32_0 = arith.constant 0 : i32
    return %arg0, %c0_i32 : i32, i32
  }
  func.func @transform_4(%arg0: i32) -> (i32, i32) {
    %c0_i32 = arith.constant 0 : i32
    %c0_i32_0 = arith.constant 0 : i32
    %c0_i32_1 = arith.constant 0 : i32
    return %c0_i32, %c0_i32_0 : i32, i32
  }
  func.func @transform_5(%arg0: i32) -> (i32, i32) {
    %c0_i32 = arith.constant 0 : i32
    %c0_i32_0 = arith.constant 0 : i32
    %c0_i32_1 = arith.constant 0 : i32
    return %c0_i32, %c0_i32_0 : i32, i32
  }
  func.func @transform_6(%arg0: i32) -> (i32, i32) {
    %c0_i32 = arith.constant 0 : i32
    %c0_i32_0 = arith.constant 0 : i32
    %c0_i32_1 = arith.constant 0 : i32
    return %c0_i32, %c0_i32_0 : i32, i32
  }
  func.func @transform_7(%arg0: i32) -> (i32, i32) {
    %c0_i32 = arith.constant 0 : i32
    %c0_i32_0 = arith.constant 0 : i32
    %c0_i32_1 = arith.constant 0 : i32
    return %c0_i32, %c0_i32_0 : i32, i32
  }
  func.func @transform_8(%arg0: i32) -> (i32, i32) {
    %c0_i32 = arith.constant 0 : i32
    %c0_i32_0 = arith.constant 0 : i32
    return %arg0, %c0_i32 : i32, i32
  }
  func.func @transform_9(%arg0: i32) -> (i32, i32) {
    %c0_i32 = arith.constant 0 : i32
    %c0_i32_0 = arith.constant 0 : i32
    return %arg0, %c0_i32 : i32, i32
  }
}

module attributes {stable_mosaic.version = 14 : i64} {
  func.func @_t_body(%arg0: i32, %arg1: memref<512x16xf32, #tpu.memory_space<vmem>>, %arg2: memref<16x128xf32, #tpu.memory_space<vmem>>, %arg3: memref<1x128xf32, #tpu.memory_space<vmem>>, %arg4: memref<128x1xf32, #tpu.memory_space<vmem>>, %arg5: memref<1x1xf32, #tpu.memory_space<vmem>>, %arg6: memref<512x1xf32, #tpu.memory_space<vmem>>) attributes {dimension_semantics = [#tpu.dimension_semantics<arbitrary>], iteration_bounds = array<i64: 625>, scalar_prefetch = 0 : i64, scratch_operands = 0 : i64, tpu.core_type = #tpu.core_type<tc>, window_params = [{transform_indices = @transform_0, window_bounds = array<i64: 512, 16>}, {pipeline_mode = #tpu.pipeline_mode<synchronous>, transform_indices = @transform_1, window_bounds = array<i64: 16, 128>}, {pipeline_mode = #tpu.pipeline_mode<synchronous>, transform_indices = @transform_2, window_bounds = array<i64: 1, 128>}, {pipeline_mode = #tpu.pipeline_mode<synchronous>, transform_indices = @transform_3, window_bounds = array<i64: 128, 1>}, {pipeline_mode = #tpu.pipeline_mode<synchronous>, transform_indices = @transform_4, window_bounds = array<i64: 1, 1>}, {transform_indices = @transform_5, window_bounds = array<i64: 512, 1>}]} {
    %get3A = arith.constant 0 : index
    %get3A_0 = arith.constant 0 : index
    %get3A_1 = vector.load %arg1[%get3A, %get3A_0] : memref<512x16xf32, #tpu.memory_space<vmem>>, vector<512x16xf32>
    %get3A_2 = arith.constant 0 : index
    %get3A_3 = arith.constant 0 : index
    %get3A_4 = vector.load %arg2[%get3A_2, %get3A_3] : memref<16x128xf32, #tpu.memory_space<vmem>>, vector<16x128xf32>
    %dot_general3A = arith.constant dense<0.000000e+00> : vector<512x128xf32>
    %dot_general3A_5 = tpu.matmul %get3A_1, %get3A_4, %dot_general3A {dimension_numbers = #tpu.dot_dimension_numbers<[1], [0], [0], [1], [0, 0, 1, 1], [], []>, transpose_lhs_hint = false} : vector<512x16xf32>, vector<16x128xf32>, vector<512x128xf32> -> vector<512x128xf32>
    %get3A_6 = arith.constant 0 : index
    %get3A_7 = arith.constant 0 : index
    %get3A_8 = vector.load %arg3[%get3A_6, %get3A_7] : memref<1x128xf32, #tpu.memory_space<vmem>>, vector<1x128xf32>
    %add3A = vector.broadcast %get3A_8 : vector<1x128xf32> to vector<512x128xf32>
    %add3A_9 = arith.addf %dot_general3A_5, %add3A : vector<512x128xf32>
    %max3A = arith.constant 0.000000e+00 : f32
    %max3A_10 = vector.broadcast %max3A : f32 to vector<512x128xf32>
    %max3A_11 = arith.maximumf %add3A_9, %max3A_10 : vector<512x128xf32>
    %get3A_12 = arith.constant 0 : index
    %get3A_13 = arith.constant 0 : index
    %get3A_14 = vector.load %arg4[%get3A_12, %get3A_13] : memref<128x1xf32, #tpu.memory_space<vmem>>, vector<128x1xf32>
    %dot_general3A_15 = arith.constant dense<0.000000e+00> : vector<512x1xf32>
    %dot_general3A_16 = tpu.matmul %max3A_11, %get3A_14, %dot_general3A_15 {dimension_numbers = #tpu.dot_dimension_numbers<[1], [0], [0], [1], [0, 0, 1, 1], [], []>, transpose_lhs_hint = false} : vector<512x128xf32>, vector<128x1xf32>, vector<512x1xf32> -> vector<512x1xf32>
    %get3A_17 = arith.constant 0 : index
    %get3A_18 = arith.constant 0 : index
    %get3A_19 = vector.load %arg5[%get3A_17, %get3A_18] : memref<1x1xf32, #tpu.memory_space<vmem>>, vector<1x1xf32>
    %add3A_20 = vector.broadcast %get3A_19 : vector<1x1xf32> to vector<512x1xf32>
    %add3A_21 = arith.addf %dot_general3A_16, %add3A_20 : vector<512x1xf32>
    %swap3A = arith.constant 0 : index
    %swap3A_22 = arith.constant 0 : index
    %swap3A_23 = vector.load %arg6[%swap3A, %swap3A_22] : memref<512x1xf32, #tpu.memory_space<vmem>>, vector<512x1xf32>
    tpu.vector_store %arg6[%swap3A, %swap3A_22], %add3A_21 {strides = array<i32>} : memref<512x1xf32, #tpu.memory_space<vmem>>, vector<512x1xf32>,
    return
  }
  func.func @transform_0(%arg0: i32) -> (i32, i32) {
    %c0_i32 = arith.constant 0 : i32
    %c0_i32_0 = arith.constant 0 : i32
    return %arg0, %c0_i32 : i32, i32
  }
  func.func @transform_1(%arg0: i32) -> (i32, i32) {
    %c0_i32 = arith.constant 0 : i32
    %c0_i32_0 = arith.constant 0 : i32
    %c0_i32_1 = arith.constant 0 : i32
    return %c0_i32, %c0_i32_0 : i32, i32
  }
  func.func @transform_2(%arg0: i32) -> (i32, i32) {
    %c0_i32 = arith.constant 0 : i32
    %c0_i32_0 = arith.constant 0 : i32
    %c0_i32_1 = arith.constant 0 : i32
    return %c0_i32, %c0_i32_0 : i32, i32
  }
  func.func @transform_3(%arg0: i32) -> (i32, i32) {
    %c0_i32 = arith.constant 0 : i32
    %c0_i32_0 = arith.constant 0 : i32
    %c0_i32_1 = arith.constant 0 : i32
    return %c0_i32, %c0_i32_0 : i32, i32
  }
  func.func @transform_4(%arg0: i32) -> (i32, i32) {
    %c0_i32 = arith.constant 0 : i32
    %c0_i32_0 = arith.constant 0 : i32
    %c0_i32_1 = arith.constant 0 : i32
    return %c0_i32, %c0_i32_0 : i32, i32
  }
  func.func @transform_5(%arg0: i32) -> (i32, i32) {
    %c0_i32 = arith.constant 0 : i32
    %c0_i32_0 = arith.constant 0 : i32
    return %arg0, %c0_i32 : i32, i32
  }
}

module attributes {stable_mosaic.version = 14 : i64} {
  func.func @_final_body(%arg0: i32, %arg1: memref<2x1024x128xf32, #tpu.memory_space<vmem>>, %arg2: memref<1024x128xf32, #tpu.memory_space<vmem>>, %arg3: memref<1024x128xf32, #tpu.memory_space<vmem>>, %arg4: memref<1024x128xf32, #tpu.memory_space<vmem>>, %arg5: memref<1x128xf32, #tpu.memory_space<vmem>>, %arg6: memref<128x2xf32, #tpu.memory_space<vmem>>, %arg7: memref<1024x2xf32, #tpu.memory_space<vmem>>) attributes {dimension_semantics = [#tpu.dimension_semantics<arbitrary>], iteration_bounds = array<i64: 10>, scalar_prefetch = 0 : i64, scratch_operands = 0 : i64, tpu.core_type = #tpu.core_type<tc>, window_params = [{transform_indices = @transform_0, window_bounds = array<i64: 2, 1024, 128>}, {transform_indices = @transform_1, window_bounds = array<i64: 1024, 128>}, {transform_indices = @transform_2, window_bounds = array<i64: 1024, 128>}, {transform_indices = @transform_3, window_bounds = array<i64: 1024, 128>}, {pipeline_mode = #tpu.pipeline_mode<synchronous>, transform_indices = @transform_4, window_bounds = array<i64: 1, 128>}, {pipeline_mode = #tpu.pipeline_mode<synchronous>, transform_indices = @transform_5, window_bounds = array<i64: 128, 2>}, {transform_indices = @transform_6, window_bounds = array<i64: 1024, 2>}]} {
    %get3A = arith.constant 0 : index
    %get3A_0 = arith.constant 0 : index
    %get3A_1 = arith.constant 0 : index
    %get3A_2 = vector.load %arg1[%get3A, %get3A_0, %get3A_1] : memref<2x1024x128xf32, #tpu.memory_space<vmem>>, vector<1x1024x128xf32>
    %get3A_3 = vector.shape_cast %get3A_2 : vector<1x1024x128xf32> to vector<1024x128xf32>
    %get3A_4 = arith.constant 1 : index
    %get3A_5 = arith.constant 0 : index
    %get3A_6 = arith.constant 0 : index
    %get3A_7 = vector.load %arg1[%get3A_4, %get3A_5, %get3A_6] : memref<2x1024x128xf32, #tpu.memory_space<vmem>>, vector<1x1024x128xf32>
    %get3A_8 = vector.shape_cast %get3A_7 : vector<1x1024x128xf32> to vector<1024x128xf32>
    %add3A = arith.addf %get3A_3, %get3A_8 : vector<1024x128xf32>
    %get3A_9 = arith.constant 0 : index
    %get3A_10 = arith.constant 0 : index
    %get3A_11 = vector.load %arg2[%get3A_9, %get3A_10] : memref<1024x128xf32, #tpu.memory_space<vmem>>, vector<1024x128xf32>
    %add3A_12 = arith.addf %add3A, %get3A_11 : vector<1024x128xf32>
    %get3A_13 = arith.constant 0 : index
    %get3A_14 = arith.constant 0 : index
    %get3A_15 = vector.load %arg4[%get3A_13, %get3A_14] : memref<1024x128xf32, #tpu.memory_space<vmem>>, vector<1024x128xf32>
    %mul3A = arith.mulf %get3A_15, %add3A_12 : vector<1024x128xf32>
    %get3A_16 = arith.constant 0 : index
    %get3A_17 = arith.constant 0 : index
    %get3A_18 = vector.load %arg5[%get3A_16, %get3A_17] : memref<1x128xf32, #tpu.memory_space<vmem>>, vector<1x128xf32>
    %add3A_19 = vector.broadcast %get3A_18 : vector<1x128xf32> to vector<1024x128xf32>
    %add3A_20 = arith.addf %mul3A, %add3A_19 : vector<1024x128xf32>
    %get3A_21 = arith.constant 0 : index
    %get3A_22 = arith.constant 0 : index
    %get3A_23 = vector.load %arg3[%get3A_21, %get3A_22] : memref<1024x128xf32, #tpu.memory_space<vmem>>, vector<1024x128xf32>
    %add3A_24 = arith.addf %add3A_20, %get3A_23 : vector<1024x128xf32>
    %max3A = arith.constant 0.000000e+00 : f32
    %max3A_25 = vector.broadcast %max3A : f32 to vector<1024x128xf32>
    %max3A_26 = arith.maximumf %add3A_24, %max3A_25 : vector<1024x128xf32>
    %get3A_27 = arith.constant 0 : index
    %get3A_28 = arith.constant 0 : index
    %get3A_29 = vector.load %arg6[%get3A_27, %get3A_28] : memref<128x2xf32, #tpu.memory_space<vmem>>, vector<128x2xf32>
    %dot_general3A = arith.constant dense<0.000000e+00> : vector<1024x2xf32>
    %dot_general3A_30 = tpu.matmul %max3A_26, %get3A_29, %dot_general3A {dimension_numbers = #tpu.dot_dimension_numbers<[1], [0], [0], [1], [0, 0, 1, 1], [], []>, transpose_lhs_hint = false} : vector<1024x128xf32>, vector<128x2xf32>, vector<1024x2xf32> -> vector<1024x2xf32>
    %swap3A = arith.constant 0 : index
    %swap3A_31 = arith.constant 0 : index
    %swap3A_32 = vector.load %arg7[%swap3A, %swap3A_31] : memref<1024x2xf32, #tpu.memory_space<vmem>>, vector<1024x2xf32>
    tpu.vector_store %arg7[%swap3A, %swap3A_31], %dot_general3A_30 {strides = array<i32>} : memref<1024x2xf32, #tpu.memory_space<vmem>>, vector<1024x2xf32>,
    return
  }
  func.func @transform_0(%arg0: i32) -> (i32, i32, i32) {
    %c0_i32 = arith.constant 0 : i32
    %c0_i32_0 = arith.constant 0 : i32
    %c0_i32_1 = arith.constant 0 : i32
    return %c0_i32, %arg0, %c0_i32_0 : i32, i32, i32
  }
  func.func @transform_1(%arg0: i32) -> (i32, i32) {
    %c0_i32 = arith.constant 0 : i32
    %c0_i32_0 = arith.constant 0 : i32
    return %arg0, %c0_i32 : i32, i32
  }
  func.func @transform_2(%arg0: i32) -> (i32, i32) {
    %c0_i32 = arith.constant 0 : i32
    %c0_i32_0 = arith.constant 0 : i32
    return %arg0, %c0_i32 : i32, i32
  }
  func.func @transform_3(%arg0: i32) -> (i32, i32) {
    %c0_i32 = arith.constant 0 : i32
    %c0_i32_0 = arith.constant 0 : i32
    return %arg0, %c0_i32 : i32, i32
  }
  func.func @transform_4(%arg0: i32) -> (i32, i32) {
    %c0_i32 = arith.constant 0 : i32
    %c0_i32_0 = arith.constant 0 : i32
    %c0_i32_1 = arith.constant 0 : i32
    return %c0_i32, %c0_i32_0 : i32, i32
  }
  func.func @transform_5(%arg0: i32) -> (i32, i32) {
    %c0_i32 = arith.constant 0 : i32
    %c0_i32_0 = arith.constant 0 : i32
    %c0_i32_1 = arith.constant 0 : i32
    return %c0_i32, %c0_i32_0 : i32, i32
  }
  func.func @transform_6(%arg0: i32) -> (i32, i32) {
    %c0_i32 = arith.constant 0 : i32
    %c0_i32_0 = arith.constant 0 : i32
    return %arg0, %c0_i32 : i32, i32
  }
}

</mosaic_0001>

<sc_bundles>
// kernel: kernel.13.cloned.1.call-start
scs
__scs_entry_jumppad:
0x0: {  	(pc) =	sbr.rel $0x88, $3  }
0x1: {  	(tag) =	ssettag $0x0;
	lr =	simm.s32 $0x1  }
0x2: {  	[smem:$0x3F94] =	sst lr;
	_ =	strace $0xD0000000  }
0x3: {  	_ = 	snop  }
0x4: {  	_ = 	snop  }
0x5: {  	_ = 	snop  }
0x6: {  	_ = 	snop  }
0x7: {  	_ = 	snop  }
__scs_overlays_trampoline_lowered:
0x8: {  	[smem:$0x3FA3] =	sst s0  }
0x9: {  	[smem:$0x3FA4] =	sst s1  }
0xa: {  	[smem:$0x3FA5] =	sst s2  }
0xb: {  	[smem:$0x3FA6] =	sst s3  }
0xc: {  	[smem:$0x3FA7] =	sst s4  }
0xd: {  	[smem:$0x3FA8] =	sst s5  }
0xe: {  	[smem:$0x3FA9] =	sst s6  }
0xf: {  	[smem:$0x3FAA] =	sst s7  }
0x10: {  	[smem:$0x3FAB] =	sst s8  }
0x11: {  	[smem:$0x3FAC] =	sst s9;
	s0 =	simm.s32 @!p0 $0x0  }
0x12: {  	s1 =	sld [smem:$0x3F92];
	s0 =	simm.s32 @p0 $0x1  }
0x13: {  	[smem:$0x3FAD] =	sst s0;
	s0 =	simm.s32 @!p1 $0x0  }
0x14: {  	s2 =	sld [smem:$0x3F91];
	s0 =	simm.s32 @p1 $0x1  }
0x15: {  	[smem:$0x3FAE] =	sst s0;
	s0 =	simm.s32 @!p2 $0x0  }
0x16: {  	s3 =	sld [smem:$0x3FDB];
	s0 =	simm.s32 @p2 $0x1  }
0x17: {  	s4 =	simm.s32 $0x1BF5;
	[smem:$0x3FB0] =	sst s0  }
0x18: {  	s0 =	sld [smem:$0x3F93];
	_ =	swait.ge [sflag:s4], $0x0  }
0x19: {  	s7 =	sld [smem:$0x3F94]  }
0x1a: {  	s8 =	sadd.s32 $0xFFFFE003, lr  }
0x1b: {  	s9 =	sadd.s32 $0xFFFFFEF7, lr;
	s5 =	simm.s32 $0xFFFFFFFF;
	p2 =	slt.u32 s8, $0xFFFFF086  }
0x1c: {  	p1 =	slt.u32 s9, $0xF7A;
	s5 =	simm.s32 @!p2 $0x0  }
0x1d: {  	s5 =	simm.s32 @p1 $0x1;
	p0 =	seq.s32 s7, s2  }
0x1e: {  	s7 =	smul.u32 @!p0 $0xF7A, s2;
	p2 =	seq.s32 @!p0 s5, $0x0  }
0x1f: {  	s9 =	smul.u32 $0xF7A, s1;
	s8 =	simm.s32 @!p0 $0x1BF5;
	p2 =	por !p2, p0  }
0x20: {  	[sflag:s8] =	ssyncset.s32 @!p0 $0xFFFFF086;
	s6 =	sadd.s32 @!p0 s3, s7;
	s7 =	simm.s32 @!p0 $0x108  }
0x21: {  	s3 =	sadd.s32 s3, s9;
	s6 =	sadd.s32 @!p0 $0x88, s6;
	s7 =	simm.s32 @p2 $0x1082  }
0x22: {  	[simem:s7], [sflag:s8] =	dma.local @!p0 [hbm:s6], $0xF7A  }
0x23: {  	s9 =	sor.u32 $0xD0000000, s2;
	s6 =	simm.s32 $0x108;
	_ =	swait.ge @!p0 [sflag:s8], $0x0  }
0x24: {  	s3 =	sadd.s32 $0x88, s3;
	s6 =	simm.s32 @!p1 $0x1082;
	[sflag:s4] =	ssyncset.s32 $0xFFFFF086  }
0x25: {  	[simem:s6], [sflag:s4] =	dma.local [hbm:s3], $0xF7A  }
0x26: {  	[smem:$0x3F94] =	sst s1;
	(tag) =	ssettag s2;
	_ =	strace s9  }
0x27: {  	s1 =	sld [smem:$0x3FA4]  }
0x28: {  	s2 =	sld [smem:$0x3FA5]  }
0x29: {  	s4 =	sld [smem:$0x3FA7]  }
0x2a: {  	p0 =	seq.s32 s5, $0x0;
	s5 =	sld [smem:$0x3FA8]  }
0x2b: {  	s6 =	sld [smem:$0x3FA9]  }
0x2c: {  	s7 =	sld [smem:$0x3FAA]  }
0x2d: {  	s3 =	simm.s32 $0x108;
	s8 =	sld [smem:$0x3FAB]  }
0x2e: {  	s3 =	simm.s32 @!p0 $0x1082;
	s9 =	sld [smem:$0x3FAC]  }
0x2f: {  	lr =	sadd.s32 s0, s3;
	s0 =	sld [smem:$0x3FA3]  }
0x30: {  	s3 =	sld [smem:$0x3FA6]  }
0x31: {  	[smem:$0x3FAF] =	sst s10  }
0x32: {  	s10 =	sld [smem:$0x3FAD];
	_ =	sdelay $0x3  }
0x33: {  	p0 =	seq.s32 s10, $0x1;
	s10 =	sld [smem:$0x3FAF];
	_ =	sdelay $0x3  }
0x34: {  	[smem:$0x3FAF] =	sst s10  }
0x35: {  	s10 =	sld [smem:$0x3FAE];
	_ =	sdelay $0x3  }
0x36: {  	p1 =	seq.s32 s10, $0x1;
	s10 =	sld [smem:$0x3FAF];
	_ =	sdelay $0x3  }
0x37: {  	[smem:$0x3FAF] =	sst s10  }
0x38: {  	s10 =	sld [smem:$0x3FB0]  }
0x39: {  	_ = 	snop;
	(pc) =	sbr.ind lr, $3  }
0x3a: {  	_ = 	snop  }
0x3b: {  	_ = 	snop  }
0x3c: {  	p2 =	seq.s32 s10, $0x1;
	s10 =	sld [smem:$0x3FAF]  }
0x3d: {  	_ =	shalt  }
0x3e: {  	_ =	shalt  }
0x3f: {  	_ =	shalt  }
0x40: {  	_ =	shalt  }
0x41: {  	_ =	shalt  }
0x42: {  	_ =	shalt  }
0x43: {  	_ =	shalt  }
0x44: {  	_ =	shalt  }
0x45: {  	_ =	shalt  }
0x46: {  	_ =	shalt  }
0x47: {  	_ =	shalt  }
0x48: {  	_ =	shalt  }
0x49: {  	_ =	shalt  }
0x4a: {  	_ =	shalt  }
0x4b: {  	_ =	shalt  }
0x4c: {  	_ =	shalt  }
0x4d: {  	_ =	shalt  }
0x4e: {  	_ =	shalt  }
0x4f: {  	_ =	shalt  }
0x50: {  	_ =	shalt  }
0x51: {  	_ =	shalt  }
0x52: {  	_ =	shalt  }
0x53: {  	_ =	shalt  }
0x54: {  	_ =	shalt  }
0x55: {  	_ =	shalt  }
0x56: {  	_ =	shalt  }
0x57: {  	_ =	shalt  }
0x58: {  	_ =	shalt  }
0x59: {  	_ =	shalt  }
0x5a: {  	_ =	shalt  }
0x5b: {  	_ =	shalt  }
0x5c: {  	_ =	shalt  }
0x5d: {  	_ =	shalt  }
0x5e: {  	_ =	shalt  }
0x5f: {  	_ =	shalt  }
0x60: {  	_ =	shalt  }
0x61: {  	_ =	shalt  }
0x62: {  	_ =	shalt  }
0x63: {  	_ =	shalt  }
0x64: {  	_ =	shalt  }
0x65: {  	_ =	shalt  }
0x66: {  	_ =	shalt  }
0x67: {  	_ =	shalt  }
0x68: {  	_ =	shalt  }
0x69: {  	_ =	shalt  }
0x6a: {  	_ =	shalt  }
0x6b: {  	_ =	shalt  }
0x6c: {  	_ =	shalt  }
0x6d: {  	_ =	shalt  }
0x6e: {  	_ =	shalt  }
0x6f: {  	_ =	shalt  }
0x70: {  	_ =	shalt  }
0x71: {  	_ =	shalt  }
0x72: {  	_ =	shalt  }
0x73: {  	_ =	shalt  }
0x74: {  	_ =	shalt  }
0x75: {  	_ =	shalt  }
0x76: {  	_ =	shalt  }
0x77: {  	_ =	shalt  }
0x78: {  	_ =	shalt  }
0x79: {  	_ =	shalt  }
0x7a: {  	_ =	shalt  }
0x7b: {  	_ =	shalt  }
0x7c: {  	_ =	shalt  }
0x7d: {  	_ =	shalt  }
0x7e: {  	_ =	shalt  }
0x7f: {  	_ =	shalt  }
0x80: {  	_ =	shalt  }
0x81: {  	_ =	shalt  }
0x82: {  	_ =	shalt  }
0x83: {  	_ =	shalt  }
0x84: {  	_ =	shalt  }
0x85: {  	_ =	shalt  }
0x86: {  	_ =	shalt  }
0x87: {  	_ =	shalt  }
.Lfunc_end0:
.L_simem_size_0:
called_computation_lowered:
.L_overlay_start_0:
0x88: {  	s2 =	sld [smem:$0x3FD9]  }
0x89: {  	s3 =	sld [smem:$0x3FFE];
	_ =	sdelay $0x1  }
0x8a: {  	s1 =	srdreg.scid  }
0x8b: {  	s0 =	sand.u32 $0x1, s1  }
0x8c: {  	s16 =	sshll.u32 s0, $0xA;
	s2 =	sadd.s32 s3, s2  }
0x8d: {  	s2 =	sadd.s32 s2, s16  }
0x8e: {  	[smem:$0x3FBB] =	sst s2  }
0x8f: {  	_ = 	snop  }
0x90: {  	(tm) =	ssettm $0x1  }
0x91: {  	s17 =	sld [smem:$0x3FFB];
	_ =	sdelay $0x3  }
0x92: {  	_ =	strace s17  }
0x93: {  	s2 =	sld [smem:$0x3FFC];
	_ =	sdelay $0x3  }
0x94: {  	_ =	strace s2  }
0x95: {  	s2 =	sld [smem:$0x3FFD];
	_ =	sdelay $0x3  }
0x96: {  	_ =	strace s2  }
0x97: {  	_ =	strace $0x8FFFFFFF  }
0x98: {  	s18 =	sld [smem:$0x3FDB];
	_ =	sdelay $0x1  }
0x99: {  	s19 =	simm.s32 $_scs_section_size  }
0x9a: {  	s4 =	simm.s32 $_size__tile_overlayer_lowered;
	s5 =	simm.s32 $_tile_overlayer_lowered  }
0x9b: {  	s22 =	simm.s32 $0x1BFF;
	s21 =	sshll.u32 s5, $0x1;
	s2 =	sadd.s32 s19, s18  }
0x9c: {  	s6 =	simm.s32 $0x0;
	s20 =	sshll.u32 s4, $0x1;
	s4 =	sadd.s32 s21, s2  }
0x9d: {  	[timem:s6], [sflag:s22] =	dma.local [hbm:s4], s20  }
0x9e: {  	_ =	swait.ge [sflag:s22], s20  }
0x9f: {  	s3 =	ssub.s32 $0x0, s20;
	[sflag:s22] =	ssyncset.done $0x0  }
0xa0: {  	[sflag:s22] =	ssyncadd.s32 s3;
	_ =	sdelay $0x1  }
0xa1: {  	s23 =	simm.s32 $0x1B8B  }
0xa2: {  	_ =	swait.ge [sflag:s23], $0x1  }
0xa3: {  	[sflag:s23] =	ssyncset.done $0x0  }
0xa4: {  	s25 =	simm.s32 $0x1B8E;
	s24 =	sld [smem:$0x3FFE];
	[sflag:s23] =	ssyncadd.s32 $0xFFFFFFFF  }
0xa5: {  	s26 =	simm.s32 $execute0_lowered;
	[smem:$0x3FD2] =	sst s25  }
0xa6: {  	s4 =	sshll.u32 s26, $0x1;
	_ =	strace $0x80000046;
	[dreg:$0x1] =	wrdreg $0xFFFFFFFF  }
0xa7: {  	s28 =	simm.s32 $_size_execute0_lowered;
	s2 =	sadd.s32 s2, s4;
	[dreg:$0x0] =	wrdreg $0x0  }
0xa8: {  	s4 =	sshll.u32 s28, $0x1;
	[dreg:$0x2] =	wrdreg s2  }
0xa9: {  	[dreg:$0x3] =	wrdreg s4  }
0xaa: {  	[dreg:$0x4] =	wrdreg $0xC0  }
0xab: {  	_ =	task [dreg:s6], $0x5FFFF  }
0xac: {  	[dreg:$0x1] =	wrdreg $0xFFFFFFFF  }
0xad: {  	[dreg:$0x0] =	wrdreg $0x60  }
0xae: {  	[dreg:$0x2] =	wrdreg s24  }
0xaf: {  	[dreg:$0x3] =	wrdreg $0x68000  }
0xb0: {  	[dreg:$0x4] =	wrdreg $0x9  }
0xb1: {  	_ =	task.clear_ibuf [dreg:s6], $0x5FFFF;
	_ =	strace $0x90000046  }
0xb2: {  	s29 =	simm.s32 $0x9;
	_ =	strace $0x80000048  }
0xb3: {  	_ =	swait.ge [sflag:s29], $0x1  }
0xb4: {  	[sflag:s29] =	ssyncadd.s32 $0xFFFFFFFF  }
0xb5: {  	_ =	strace $0x90000048  }
0xb6: {  	_ =	sfence  }
0xb7: {  	s30 =	sld [smem:$0x0];
	_ =	sdelay $0x2  }
0xb8: {  	s31 =	sshll.u32 s1, $0xD;
	s1 =	sshrl.u32 s1, $0x2  }
0xb9: {  	s3 =	sand.u32 $0x4000, s31;
	s1 =	sadd.s32 s1, s30  }
0xba: {  	s0 =	sor.u32 s3, s0;
	s1 =	sshll.u32 s1, $0x11  }
0xbb: {  	s0 =	sor.u32 s1, s0  }
0xbc: {  	s0 =	sadd.s32 $0x8F2B, s0  }
0xbd: {  	[sflag:s0] =	ssyncadd.remote.s32 $0x1  }
0xbe: {  	_ =	sfence.sel $0xFFFF  }
0xbf: {  	[dreg:$0x0] =	wrdreg $0xFFFFFFFF;
	(pc) =	sbr.abs _section_cstart, $3  }
0xc0: {  	[dreg:$0x1] =	wrdreg $0xFFFFFFFF  }
0xc1: {  	_ =	task.clear_ibuf [dreg:s6], $0x2FFFF;
	_ =	strace $0x9FFFFFFF  }
0xc2: {  	(tm) =	ssettm $0x7FFFFFFF  }
0xc3: {  	_ =	shalt  }
tec
execute0_lowered:
.L_overlay_start_1:
0x0: {  	(tag) =	ssettag $0x1  }
0x1: {  	s4 =	rddreg [dreg:$0x0]  }
0x2: {  	s1 =	srdreg.scid;
	s0 =	stileid.u32  }
0x3: {  	s2 =	rddreg [dreg:$0x1];
	s3 =	simm.s32 $0x0;
	s19 =	simm.s32 $0x0  }
0x4: {  	s6 =	sand.u32 $0x1, s1;
	s1 =	rddreg [dreg:$0x2];
	s8 =	smul.u32 $0x50000, s0  }
0x5: {  	s5 =	sshll.u32 s0, $0x1;
	[smem:$0x7FF] =	sst s3;
	s9 =	smul.u32 $0x14000, s0  }
0x6: {  	s14 =	sadd.s32 $0x2BE00, s4;
	s5 =	sor.u32 s6, s5;
	s12 =	smul.u32 $0x140000, s6  }
0x7: {  	_ =	strace $0x80000047;
	s7 =	ssub.s32 $0x2, s6;
	s5 =	smul.u32 $0x500, s5  }
0x8: {  	s28 =	sshrl.u32 s7, $0x1;
	s29 =	sshrl.u32 s8, $0x2;
	s10 =	sadd.s32 $0x4000, s9  }
0x9: {  	s13 =	sadd.s32 $0x8000, s9;
	s16 =	sadd.s32 $0xC000, s9;
	s17 =	sadd.s32 $0x10000, s9  }
0xa: {  	s15 =	ssub.s32 s7, s28;
	s6 =	sadd.s32 s10, s2;
	s7 =	sadd.s32 s13, s2  }
0xb: {  	s8 =	sadd.s32 s16, s2;
	s11 =	sadd.s32 s9, s12;
	s18 =	sadd.s32 s12, s10  }
0xc: {  	s9 =	sadd.s32 s17, s2;
	s13 =	sadd.s32 s12, s13;
	s16 =	sadd.s32 s12, s16  }
0xd: {  	s17 =	sadd.s32 s12, s17;
	s5 =	sadd.s32 s5, s4;
	s11 =	sshrl.u32 s11, $0x3  }
0xe: {  	s30 =	sshrl.u32 s18, $0x3;
	s13 =	sshrl.u32 s13, $0x3;
	s16 =	sshrl.u32 s16, $0x3  }
0xf: {  	s31 =	sshrl.u32 s17, $0x3;
	s15 =	smax.u32 s15, $0x1;
	s17 =	simm.s32 $0x2800  }
0x10: {  	s18 =	simm.s32 $0x80;
	s4 =	sadd.s32 $0x17E00, s5;
	s5 =	sadd.s32 s29, s2  }
0x11: {  	v0 =	vimm.f32 $0.0e+00;
	vm0 =	vcmask $0x300;
	s10 =	sadd.s32 s14, s11;
	s11 =	sadd.s32 s14, s30;
	s12 =	sadd.s32 s14, s13  }
0x12: {  	v1 =	vsel vm0, $0x3F800000, v0;
	s13 =	sadd.s32 s14, s16;
	s14 =	sadd.s32 s14, s31;
	s16 =	simm.s32 $0x1  }
.LBB2_1:
0x13: {  	[tilespmem:s3], [sflag:$0x1] =	stream.linear.gather [hbm4b:s4+s3], $0x2800, $0x38;
	[tilespmem:$0x1A800] =	vst v63  }
0x14: {  	_ =	swait.ge [sflag:s16], $0x2800  }
0x15: {  	[sflag:s16] =	ssyncset.done $0x0  }
0x16: {  	s20 =	simm.s32 $0x0;
	s21 =	simm.s32 $0x200;
	[sflag:s16] =	ssyncadd.s32 $0xFFFFD800  }
.LBB2_2:
0x17: {  	p0 =	sne.s32 s21, $0xFE00;
	[tilespmem:s20+$0x2870] =	vst v0  }
0x18: {  	[tilespmem:s20+$0x2800] =	vst v0  }
0x19: {  	[tilespmem:s20+$0x2810] =	vst v0  }
.Ltmp0:
0x1a: {  	[tilespmem:s20+$0x2820] =	vst v0;
	(pc) =	sbr.rel @p0 .LBB2_2-.Ltmp0, $4  }
0x1b: {  	[tilespmem:s20+$0x2830] =	vst v0  }
0x1c: {  	[tilespmem:s20+$0x2840] =	vst v0  }
0x1d: {  	[tilespmem:s20+$0x2850] =	vst v0  }
0x1e: {  	[tilespmem:s20+$0x2860] =	vst v0;
	s20 =	sshra.s32 s21, $0x2;
	s21 =	sadd.s32 $0x200, s21  }
0x1f: {  	[tilespmem:s20+$0x2870] =	vst v0  }
0x20: {  	[tilespmem:s20+$0x2800] =	vst v0  }
0x21: {  	[tilespmem:s20+$0x2810] =	vst v0  }
0x22: {  	[tilespmem:s20+$0x2820] =	vst v0  }
0x23: {  	[tilespmem:s20+$0x2830] =	vst v0  }
0x24: {  	[tilespmem:s20+$0x2840] =	vst v0  }
0x25: {  	[tilespmem:s20+$0x2850] =	vst v0  }
0x26: {  	[tilespmem:s20+$0x2860] =	vst v0  }
0x27: {  	[spmem:s5] =	stream.linear.scatter [tilespmem:s17], [sflag:$0x1], $0x4000, $0x38;
	[tilespmem:$0x1A800] =	vst v63  }
0x28: {  	_ =	swait.ge [sflag:s16], $0x4000  }
0x29: {  	[sflag:s16] =	ssyncset.done $0x0  }
0x2a: {  	[sflag:s16] =	ssyncadd.s32 $0xFFFFC000  }
0x2b: {  	[spmem:s6] =	stream.linear.scatter [tilespmem:s17], [sflag:$0x1], $0x4000, $0x38;
	[tilespmem:$0x1A800] =	vst v63  }
0x2c: {  	_ =	swait.ge [sflag:s16], $0x4000  }
0x2d: {  	[sflag:s16] =	ssyncset.done $0x0  }
0x2e: {  	[sflag:s16] =	ssyncadd.s32 $0xFFFFC000  }
0x2f: {  	[spmem:s7] =	stream.linear.scatter [tilespmem:s17], [sflag:$0x1], $0x4000, $0x38;
	[tilespmem:$0x1A800] =	vst v63  }
0x30: {  	_ =	swait.ge [sflag:s16], $0x4000  }
0x31: {  	[sflag:s16] =	ssyncset.done $0x0  }
0x32: {  	[sflag:s16] =	ssyncadd.s32 $0xFFFFC000  }
0x33: {  	[spmem:s8] =	stream.linear.scatter [tilespmem:s17], [sflag:$0x1], $0x4000, $0x38;
	[tilespmem:$0x1A800] =	vst v63  }
0x34: {  	_ =	swait.ge [sflag:s16], $0x4000  }
0x35: {  	[sflag:s16] =	ssyncset.done $0x0  }
0x36: {  	[sflag:s16] =	ssyncadd.s32 $0xFFFFC000  }
0x37: {  	[spmem:s9] =	stream.linear.scatter [tilespmem:s17], [sflag:$0x1], $0x4000, $0x38;
	[tilespmem:$0x1A800] =	vst v63  }
0x38: {  	_ =	swait.ge [sflag:s16], $0x4000  }
0x39: {  	[sflag:s16] =	ssyncset.done $0x0  }
0x3a: {  	s20 =	simm.s32 $0x200;
	s21 =	simm.s32 $0x0;
	[sflag:s16] =	ssyncadd.s32 $0xFFFFC000  }
.LBB2_4:
0x3b: {  	p0 =	sne.s32 s20, $0xFE00;
	[tilespmem:s21+$0x2800] =	vst v1;
	s21 =	smov.u32 s20;
	s20 =	sadd.s32 $0x200, s20  }
.Ltmp1:
0x3c: {  	(pc) =	sbr.rel @p0 .LBB2_4-.Ltmp1, $2  }
0x3d: {  	_ =	sdelay $0x2  }
0x3e: {  	s21 =	sshra.s32 s21, $0x2  }
0x3f: {  	[tilespmem:s21+$0x2800] =	vst v1  }
0x40: {  	s20 =	simm.s32 $0x0;
	[bflag:$0x0] =	sbarrier.arrive $0xFFFF  }
0x41: {  	[spmem:s2] =	stream.indirect.scatter.add.f32 [tilespmem:s17], [sflag:$0x1], $0x80, s20, s18, $0xb8;
	[tilespmem:$0x1A800] =	vst v63  }
0x42: {  	_ =	swait.ge [sflag:s16], $0x4000  }
0x43: {  	s20 =	simm.s32 $0x200;
	[sflag:s16] =	ssyncset.done $0x0  }
.LBB2_6:
0x44: {  	s21 =	sshra.s32 s20, $0x2;
	[sflag:s16] =	ssyncadd.s32 $0xFFFFC000;
	p0 =	sne.s32 s20, $0x9E00  }
0x45: {  	[spmem:s2] =	stream.indirect.scatter.add.f32 [tilespmem:s17], [sflag:$0x1], $0x80, s21, s18, $0xb8;
	[tilespmem:$0x1A800] =	vst v63  }
.Ltmp2:
0x46: {  	_ = 	snop;
	(pc) =	sbr.rel @p0 .LBB2_6-.Ltmp2, $4  }
0x47: {  	_ = 	snop  }
0x48: {  	s20 =	sadd.s32 $0x200, s20  }
0x49: {  	_ =	swait.ge [sflag:s16], $0x4000  }
0x4a: {  	[sflag:s16] =	ssyncset.done $0x0  }
0x4b: {  	[sflag:s16] =	ssyncadd.s32 $0xFFFFC000  }
0x4c: {  	[bflag:$0x0] =	sbarrier.arrive $0xFFFF  }
0x4d: {  	[tilespmem:s17], [sflag:$0x1] =	stream.linear.gather [spmem:s5], $0x4000, $0x38;
	[tilespmem:$0x1A800] =	vst v63  }
0x4e: {  	_ =	swait.ge [sflag:s16], $0x4000  }
0x4f: {  	[sflag:s16] =	ssyncset.done $0x0  }
0x50: {  	[sflag:s16] =	ssyncadd.s32 $0xFFFFC000  }
0x51: {  	[hbm4b:s10+s3] =	stream.linear.scatter [tilespmem:s17], [sflag:$0x1], $0x4000, $0x38;
	[tilespmem:$0x1A800] =	vst v63  }
0x52: {  	_ =	swait.ge [sflag:s16], $0x4000  }
0x53: {  	[sflag:s16] =	ssyncset.done $0x0  }
0x54: {  	[sflag:s16] =	ssyncadd.s32 $0xFFFFC000  }
0x55: {  	[tilespmem:s17], [sflag:$0x1] =	stream.linear.gather [spmem:s6], $0x4000, $0x38;
	[tilespmem:$0x1A800] =	vst v63  }
0x56: {  	_ =	swait.ge [sflag:s16], $0x4000  }
0x57: {  	[sflag:s16] =	ssyncset.done $0x0  }
0x58: {  	[sflag:s16] =	ssyncadd.s32 $0xFFFFC000  }
0x59: {  	[hbm4b:s11+s3] =	stream.linear.scatter [tilespmem:s17], [sflag:$0x1], $0x4000, $0x38;
	[tilespmem:$0x1A800] =	vst v63  }
0x5a: {  	_ =	swait.ge [sflag:s16], $0x4000  }
0x5b: {  	[sflag:s16] =	ssyncset.done $0x0  }
0x5c: {  	[sflag:s16] =	ssyncadd.s32 $0xFFFFC000  }
0x5d: {  	[tilespmem:s17], [sflag:$0x1] =	stream.linear.gather [spmem:s7], $0x4000, $0x38;
	[tilespmem:$0x1A800] =	vst v63  }
0x5e: {  	_ =	swait.ge [sflag:s16], $0x4000  }
0x5f: {  	[sflag:s16] =	ssyncset.done $0x0  }
0x60: {  	[sflag:s16] =	ssyncadd.s32 $0xFFFFC000  }
0x61: {  	[hbm4b:s12+s3] =	stream.linear.scatter [tilespmem:s17], [sflag:$0x1], $0x4000, $0x38;
	[tilespmem:$0x1A800] =	vst v63  }
0x62: {  	_ =	swait.ge [sflag:s16], $0x4000  }
0x63: {  	[sflag:s16] =	ssyncset.done $0x0  }
0x64: {  	[sflag:s16] =	ssyncadd.s32 $0xFFFFC000  }
0x65: {  	[tilespmem:s17], [sflag:$0x1] =	stream.linear.gather [spmem:s8], $0x4000, $0x38;
	[tilespmem:$0x1A800] =	vst v63  }
0x66: {  	_ =	swait.ge [sflag:s16], $0x4000  }
0x67: {  	[sflag:s16] =	ssyncset.done $0x0  }
0x68: {  	[sflag:s16] =	ssyncadd.s32 $0xFFFFC000  }
0x69: {  	[hbm4b:s13+s3] =	stream.linear.scatter [tilespmem:s17], [sflag:$0x1], $0x4000, $0x38;
	[tilespmem:$0x1A800] =	vst v63  }
0x6a: {  	_ =	swait.ge [sflag:s16], $0x4000  }
0x6b: {  	[sflag:s16] =	ssyncset.done $0x0  }
0x6c: {  	[sflag:s16] =	ssyncadd.s32 $0xFFFFC000  }
0x6d: {  	[tilespmem:s17], [sflag:$0x1] =	stream.linear.gather [spmem:s9], $0x4000, $0x38;
	[tilespmem:$0x1A800] =	vst v63  }
0x6e: {  	s19 =	sadd.s32 $0x1, s19;
	_ =	swait.ge [sflag:s16], $0x4000  }
0x6f: {  	p0 =	sne.s32 s19, s15;
	[sflag:s16] =	ssyncset.done $0x0  }
.Ltmp3:
0x70: {  	[sflag:s16] =	ssyncadd.s32 $0xFFFFC000;
	(pc) =	sbr.rel @p0 .LBB2_1-.Ltmp3, $4  }
0x71: {  	[hbm4b:s14+s3] =	stream.linear.scatter [tilespmem:s17], [sflag:$0x1], $0x4000, $0x38;
	[tilespmem:$0x1A800] =	vst v63  }
0x72: {  	_ =	swait.ge [sflag:s16], $0x4000  }
0x73: {  	[sflag:s16] =	ssyncset.done $0x0  }
0x74: {  	[sflag:s16] =	ssyncadd.s32 $0xFFFFC000  }
0x75: {  	_ =	sfence.sel $0x180000  }
0x76: {  	[bflag:$0x0] =	sbarrier.arrive $0xFFFF  }
0x77: {  	p0 =	sne.s32 s0, $0x0;
	_ =	strace $0x90000047  }
0x78: {  	s0 =	sadd.s32 @!p0 $0x100000, s1;
	[bflag:$0x2] =	sbarrier.arrive $0xFFFF  }
0x79: {  	[sflag:s0] =	ssyncadd.tile.s32 @!p0 $0x1;
	_ =	shalt  }
.Lfunc_end2:
_tile_overlayer_lowered:
.L_overlay_start_2:
0x7a: {  	(tag) =	ssettag $0x2  }
0x7b: {  	s0 =	rddreg [dreg:$0x0];
	s2 =	stileid.u32  }
0x7c: {  	s1 =	rddreg [dreg:$0x1];
	p0 =	sne.s32 s2, $0x0  }
0x7d: {  	s3 =	rddreg [dreg:$0x2];
	[bflag:$0x3] =	sbarrier.arrive $0xFFFF;
	s2 =	simm.s32 @!p0 $0x1C01  }
0x7e: {  	[timem:s3], [sflag:s2] =	dma.local @!p0 [hbm:s0], s1  }
0x7f: {  	s0 =	simm.s32 @!p0 $0x1  }
0x80: {  	_ =	swait.ge @!p0 [sflag:s0], s1  }
0x81: {  	s1 =	ssub.s32 @!p0 $0x0, s1;
	[sflag:s0] =	ssyncset.done @!p0 $0x0  }
0x82: {  	[sflag:s0] =	ssyncadd.s32 @!p0 s1  }
0x83: {  	[bflag:$0x3] =	sbarrier.arrive $0xFFFF  }
0x84: {  	_ =	shalt  }

// kernel: kernel.16.cloned.1.call-start
scs
__scs_entry_jumppad:
0x0: {  	(pc) =	sbr.rel $0x88, $3  }
0x1: {  	(tag) =	ssettag $0x0;
	lr =	simm.s32 $0x1  }
0x2: {  	[smem:$0x3F94] =	sst lr;
	_ =	strace $0xD0000000  }
0x3: {  	_ = 	snop  }
0x4: {  	_ = 	snop  }
0x5: {  	_ = 	snop  }
0x6: {  	_ = 	snop  }
0x7: {  	_ = 	snop  }
__scs_overlays_trampoline_lowered:
0x8: {  	[smem:$0x3FA3] =	sst s0  }
0x9: {  	[smem:$0x3FA4] =	sst s1  }
0xa: {  	[smem:$0x3FA5] =	sst s2  }
0xb: {  	[smem:$0x3FA6] =	sst s3  }
0xc: {  	[smem:$0x3FA7] =	sst s4  }
0xd: {  	[smem:$0x3FA8] =	sst s5  }
0xe: {  	[smem:$0x3FA9] =	sst s6  }
0xf: {  	[smem:$0x3FAA] =	sst s7  }
0x10: {  	[smem:$0x3FAB] =	sst s8  }
0x11: {  	[smem:$0x3FAC] =	sst s9;
	s0 =	simm.s32 @!p0 $0x0  }
0x12: {  	s1 =	sld [smem:$0x3F92];
	s0 =	simm.s32 @p0 $0x1  }
0x13: {  	[smem:$0x3FAD] =	sst s0;
	s0 =	simm.s32 @!p1 $0x0  }
0x14: {  	s2 =	sld [smem:$0x3F91];
	s0 =	simm.s32 @p1 $0x1  }
0x15: {  	[smem:$0x3FAE] =	sst s0;
	s0 =	simm.s32 @!p2 $0x0  }
0x16: {  	s3 =	sld [smem:$0x3FDB];
	s0 =	simm.s32 @p2 $0x1  }
0x17: {  	s4 =	simm.s32 $0x1BF5;
	[smem:$0x3FB0] =	sst s0  }
0x18: {  	s0 =	sld [smem:$0x3F93];
	_ =	swait.ge [sflag:s4], $0x0  }
0x19: {  	s7 =	sld [smem:$0x3F94]  }
0x1a: {  	s8 =	sadd.s32 $0xFFFFE003, lr  }
0x1b: {  	s9 =	sadd.s32 $0xFFFFFEF7, lr;
	s5 =	simm.s32 $0xFFFFFFFF;
	p2 =	slt.u32 s8, $0xFFFFF086  }
0x1c: {  	p1 =	slt.u32 s9, $0xF7A;
	s5 =	simm.s32 @!p2 $0x0  }
0x1d: {  	s5 =	simm.s32 @p1 $0x1;
	p0 =	seq.s32 s7, s2  }
0x1e: {  	s7 =	smul.u32 @!p0 $0xF7A, s2;
	p2 =	seq.s32 @!p0 s5, $0x0  }
0x1f: {  	s9 =	smul.u32 $0xF7A, s1;
	s8 =	simm.s32 @!p0 $0x1BF5;
	p2 =	por !p2, p0  }
0x20: {  	[sflag:s8] =	ssyncset.s32 @!p0 $0xFFFFF086;
	s6 =	sadd.s32 @!p0 s3, s7;
	s7 =	simm.s32 @!p0 $0x108  }
0x21: {  	s3 =	sadd.s32 s3, s9;
	s6 =	sadd.s32 @!p0 $0x88, s6;
	s7 =	simm.s32 @p2 $0x1082  }
0x22: {  	[simem:s7], [sflag:s8] =	dma.local @!p0 [hbm:s6], $0xF7A  }
0x23: {  	s9 =	sor.u32 $0xD0000000, s2;
	s6 =	simm.s32 $0x108;
	_ =	swait.ge @!p0 [sflag:s8], $0x0  }
0x24: {  	s3 =	sadd.s32 $0x88, s3;
	s6 =	simm.s32 @!p1 $0x1082;
	[sflag:s4] =	ssyncset.s32 $0xFFFFF086  }
0x25: {  	[simem:s6], [sflag:s4] =	dma.local [hbm:s3], $0xF7A  }
0x26: {  	[smem:$0x3F94] =	sst s1;
	(tag) =	ssettag s2;
	_ =	strace s9  }
0x27: {  	s1 =	sld [smem:$0x3FA4]  }
0x28: {  	s2 =	sld [smem:$0x3FA5]  }
0x29: {  	s4 =	sld [smem:$0x3FA7]  }
0x2a: {  	p0 =	seq.s32 s5, $0x0;
	s5 =	sld [smem:$0x3FA8]  }
0x2b: {  	s6 =	sld [smem:$0x3FA9]  }
0x2c: {  	s7 =	sld [smem:$0x3FAA]  }
0x2d: {  	s3 =	simm.s32 $0x108;
	s8 =	sld [smem:$0x3FAB]  }
0x2e: {  	s3 =	simm.s32 @!p0 $0x1082;
	s9 =	sld [smem:$0x3FAC]  }
0x2f: {  	lr =	sadd.s32 s0, s3;
	s0 =	sld [smem:$0x3FA3]  }
0x30: {  	s3 =	sld [smem:$0x3FA6]  }
0x31: {  	[smem:$0x3FAF] =	sst s10  }
0x32: {  	s10 =	sld [smem:$0x3FAD];
	_ =	sdelay $0x3  }
0x33: {  	p0 =	seq.s32 s10, $0x1;
	s10 =	sld [smem:$0x3FAF];
	_ =	sdelay $0x3  }
0x34: {  	[smem:$0x3FAF] =	sst s10  }
0x35: {  	s10 =	sld [smem:$0x3FAE];
	_ =	sdelay $0x3  }
0x36: {  	p1 =	seq.s32 s10, $0x1;
	s10 =	sld [smem:$0x3FAF];
	_ =	sdelay $0x3  }
0x37: {  	[smem:$0x3FAF] =	sst s10  }
0x38: {  	s10 =	sld [smem:$0x3FB0]  }
0x39: {  	_ = 	snop;
	(pc) =	sbr.ind lr, $3  }
0x3a: {  	_ = 	snop  }
0x3b: {  	_ = 	snop  }
0x3c: {  	p2 =	seq.s32 s10, $0x1;
	s10 =	sld [smem:$0x3FAF]  }
0x3d: {  	_ =	shalt  }
0x3e: {  	_ =	shalt  }
0x3f: {  	_ =	shalt  }
0x40: {  	_ =	shalt  }
0x41: {  	_ =	shalt  }
0x42: {  	_ =	shalt  }
0x43: {  	_ =	shalt  }
0x44: {  	_ =	shalt  }
0x45: {  	_ =	shalt  }
0x46: {  	_ =	shalt  }
0x47: {  	_ =	shalt  }
0x48: {  	_ =	shalt  }
0x49: {  	_ =	shalt  }
0x4a: {  	_ =	shalt  }
0x4b: {  	_ =	shalt  }
0x4c: {  	_ =	shalt  }
0x4d: {  	_ =	shalt  }
0x4e: {  	_ =	shalt  }
0x4f: {  	_ =	shalt  }
0x50: {  	_ =	shalt  }
0x51: {  	_ =	shalt  }
0x52: {  	_ =	shalt  }
0x53: {  	_ =	shalt  }
0x54: {  	_ =	shalt  }
0x55: {  	_ =	shalt  }
0x56: {  	_ =	shalt  }
0x57: {  	_ =	shalt  }
0x58: {  	_ =	shalt  }
0x59: {  	_ =	shalt  }
0x5a: {  	_ =	shalt  }
0x5b: {  	_ =	shalt  }
0x5c: {  	_ =	shalt  }
0x5d: {  	_ =	shalt  }
0x5e: {  	_ =	shalt  }
0x5f: {  	_ =	shalt  }
0x60: {  	_ =	shalt  }
0x61: {  	_ =	shalt  }
0x62: {  	_ =	shalt  }
0x63: {  	_ =	shalt  }
0x64: {  	_ =	shalt  }
0x65: {  	_ =	shalt  }
0x66: {  	_ =	shalt  }
0x67: {  	_ =	shalt  }
0x68: {  	_ =	shalt  }
0x69: {  	_ =	shalt  }
0x6a: {  	_ =	shalt  }
0x6b: {  	_ =	shalt  }
0x6c: {  	_ =	shalt  }
0x6d: {  	_ =	shalt  }
0x6e: {  	_ =	shalt  }
0x6f: {  	_ =	shalt  }
0x70: {  	_ =	shalt  }
0x71: {  	_ =	shalt  }
0x72: {  	_ =	shalt  }
0x73: {  	_ =	shalt  }
0x74: {  	_ =	shalt  }
0x75: {  	_ =	shalt  }
0x76: {  	_ =	shalt  }
0x77: {  	_ =	shalt  }
0x78: {  	_ =	shalt  }
0x79: {  	_ =	shalt  }
0x7a: {  	_ =	shalt  }
0x7b: {  	_ =	shalt  }
0x7c: {  	_ =	shalt  }
0x7d: {  	_ =	shalt  }
0x7e: {  	_ =	shalt  }
0x7f: {  	_ =	shalt  }
0x80: {  	_ =	shalt  }
0x81: {  	_ =	shalt  }
0x82: {  	_ =	shalt  }
0x83: {  	_ =	shalt  }
0x84: {  	_ =	shalt  }
0x85: {  	_ =	shalt  }
0x86: {  	_ =	shalt  }
0x87: {  	_ =	shalt  }
.Lfunc_end0:
.L_simem_size_0:
called_computation.1_lowered:
.L_overlay_start_0:
0x88: {  	s2 =	sld [smem:$0x3FD9]  }
0x89: {  	s3 =	sld [smem:$0x3FFE];
	_ =	sdelay $0x1  }
0x8a: {  	s1 =	srdreg.scid  }
0x8b: {  	s0 =	sand.u32 $0x1, s1  }
0x8c: {  	s16 =	sshll.u32 s0, $0xA;
	s2 =	sadd.s32 s3, s2  }
0x8d: {  	s2 =	sadd.s32 s2, s16  }
0x8e: {  	[smem:$0x3FBB] =	sst s2  }
0x8f: {  	_ = 	snop  }
0x90: {  	(tm) =	ssettm $0x1  }
0x91: {  	s17 =	sld [smem:$0x3FFB];
	_ =	sdelay $0x3  }
0x92: {  	_ =	strace s17  }
0x93: {  	s2 =	sld [smem:$0x3FFC];
	_ =	sdelay $0x3  }
0x94: {  	_ =	strace s2  }
0x95: {  	s2 =	sld [smem:$0x3FFD];
	_ =	sdelay $0x3  }
0x96: {  	_ =	strace s2  }
0x97: {  	_ =	strace $0x8FFFFFFF  }
0x98: {  	s18 =	sld [smem:$0x3FDB];
	_ =	sdelay $0x1  }
0x99: {  	s19 =	simm.s32 $_scs_section_size  }
0x9a: {  	s4 =	simm.s32 $_size__tile_overlayer_lowered;
	s5 =	simm.s32 $_tile_overlayer_lowered  }
0x9b: {  	s22 =	simm.s32 $0x1BFF;
	s21 =	sshll.u32 s5, $0x1;
	s2 =	sadd.s32 s19, s18  }
0x9c: {  	s6 =	simm.s32 $0x0;
	s20 =	sshll.u32 s4, $0x1;
	s4 =	sadd.s32 s21, s2  }
0x9d: {  	[timem:s6], [sflag:s22] =	dma.local [hbm:s4], s20  }
0x9e: {  	_ =	swait.ge [sflag:s22], s20  }
0x9f: {  	s3 =	ssub.s32 $0x0, s20;
	[sflag:s22] =	ssyncset.done $0x0  }
0xa0: {  	[sflag:s22] =	ssyncadd.s32 s3;
	_ =	sdelay $0x1  }
0xa1: {  	s23 =	simm.s32 $0x1B8B  }
0xa2: {  	_ =	swait.ge [sflag:s23], $0x1  }
0xa3: {  	[sflag:s23] =	ssyncset.done $0x0  }
0xa4: {  	s25 =	simm.s32 $0x1B8E;
	s24 =	sld [smem:$0x3FFE];
	[sflag:s23] =	ssyncadd.s32 $0xFFFFFFFF  }
0xa5: {  	s26 =	simm.s32 $execute0_lowered;
	[smem:$0x3FD2] =	sst s25  }
0xa6: {  	s4 =	sshll.u32 s26, $0x1;
	_ =	strace $0x80000049;
	[dreg:$0x1] =	wrdreg $0xFFFFFFFF  }
0xa7: {  	s28 =	simm.s32 $_size_execute0_lowered;
	s2 =	sadd.s32 s2, s4;
	[dreg:$0x0] =	wrdreg $0x0  }
0xa8: {  	s4 =	sshll.u32 s28, $0x1;
	[dreg:$0x2] =	wrdreg s2  }
0xa9: {  	[dreg:$0x3] =	wrdreg s4  }
0xaa: {  	[dreg:$0x4] =	wrdreg $0xC0  }
0xab: {  	_ =	task [dreg:s6], $0x5FFFF  }
0xac: {  	[dreg:$0x1] =	wrdreg $0xFFFFFFFF  }
0xad: {  	[dreg:$0x0] =	wrdreg $0x60  }
0xae: {  	[dreg:$0x2] =	wrdreg s24  }
0xaf: {  	[dreg:$0x3] =	wrdreg $0xB0000  }
0xb0: {  	[dreg:$0x4] =	wrdreg $0x9  }
0xb1: {  	_ =	task.clear_ibuf [dreg:s6], $0x5FFFF;
	_ =	strace $0x90000049  }
0xb2: {  	s29 =	simm.s32 $0x9;
	_ =	strace $0x8000004B  }
0xb3: {  	_ =	swait.ge [sflag:s29], $0x1  }
0xb4: {  	[sflag:s29] =	ssyncadd.s32 $0xFFFFFFFF  }
0xb5: {  	_ =	strace $0x9000004B  }
0xb6: {  	_ =	sfence  }
0xb7: {  	s30 =	sld [smem:$0x0];
	_ =	sdelay $0x2  }
0xb8: {  	s31 =	sshll.u32 s1, $0xD;
	s1 =	sshrl.u32 s1, $0x2  }
0xb9: {  	s3 =	sand.u32 $0x4000, s31;
	s1 =	sadd.s32 s1, s30  }
0xba: {  	s0 =	sor.u32 s3, s0;
	s1 =	sshll.u32 s1, $0x11  }
0xbb: {  	s0 =	sor.u32 s1, s0  }
0xbc: {  	s0 =	sadd.s32 $0x8F2B, s0  }
0xbd: {  	[sflag:s0] =	ssyncadd.remote.s32 $0x1  }
0xbe: {  	_ =	sfence.sel $0xFFFF  }
0xbf: {  	[dreg:$0x0] =	wrdreg $0xFFFFFFFF;
	(pc) =	sbr.abs _section_cstart, $3  }
0xc0: {  	[dreg:$0x1] =	wrdreg $0xFFFFFFFF  }
0xc1: {  	_ =	task.clear_ibuf [dreg:s6], $0x2FFFF;
	_ =	strace $0x9FFFFFFF  }
0xc2: {  	(tm) =	ssettm $0x7FFFFFFF  }
0xc3: {  	_ =	shalt  }
tec
execute0_lowered:
.L_overlay_start_1:
0x0: {  	(tag) =	ssettag $0x1  }
0x1: {  	s0 =	rddreg [dreg:$0x0]  }
0x2: {  	s2 =	rddreg [dreg:$0x1];
	s5 =	simm.s32 $0x0  }
0x3: {  	s1 =	srdreg.scid;
	s8 =	stileid.u32;
	s28 =	simm.s32 $0x5000  }
0x4: {  	s30 =	simm.s32 $0x1;
	s29 =	simm.s32 $0xE80;
	s3 =	smul.u32 $0x90, s8  }
0x5: {  	s31 =	simm.s32 $0xF00;
	s1 =	sand.u32 $0x1, s1;
	s6 =	smul.u32 $0x50000, s8  }
0x6: {  	s4 =	sshll.u32 s8, $0x4;
	[smem:$0x7FF] =	sst s5;
	s23 =	smul.u32 $0x14000, s8  }
0x7: {  	s8 =	simm.s32 $0x400;
	p0 =	seq.s32 s1, $0x0;
	s5 =	sor.u32 $0x900, s4  }
0x8: {  	_ =	strace $0x8000004A;
	s4 =	sadd.s32 $0x53E00, s0;
	s22 =	ssub.s32 $0x2, s1  }
0x9: {  	s9 =	smul.u32 $0x140000, s1;
	s5 =	smov.u32 @p0 s3;
	s7 =	sshrl.u32 s22, $0x1  }
0xa: {  	s6 =	sshrl.u32 s6, $0x2;
	s25 =	sadd.s32 $0x4000, s23;
	s26 =	sadd.s32 $0x8000, s23  }
0xb: {  	s13 =	sadd.s32 $0xC000, s23;
	s15 =	sadd.s32 $0x10000, s23;
	p0 =	sne.s32 s1, $0x0  }
0xc: {  	s1 =	simm.s32 $0x0;
	s3 =	sshll.u32 s5, $0x4;
	s5 =	ssub.s32 s22, s7  }
0xd: {  	s18 =	sadd.s32 s6, s2;
	s21 =	sadd.s32 s25, s2;
	s11 =	sadd.s32 s26, s2  }
0xe: {  	s7 =	sadd.s32 s23, s9;
	s17 =	sadd.s32 s9, s26;
	s22 =	sadd.s32 s9, s13  }
0xf: {  	s23 =	sadd.s32 s9, s15;
	s6 =	simm.s32 $0xD00;
	[dreg:$0x9] =	wrdreg s11  }
0x10: {  	s3 =	sadd.s32 s3, s0;
	s0 =	sadd.s32 $0x7BE00, s0;
	[dreg:$0x5] =	wrdreg s18  }
0x11: {  	s24 =	sadd.s32 $0x2000, s18;
	s10 =	sadd.s32 $0x6000, s18;
	[dreg:$0x7] =	wrdreg s21  }
0x12: {  	s12 =	sadd.s32 $0xA000, s18;
	s14 =	sadd.s32 $0xE000, s18;
	[dreg:$0x6] =	wrdreg s24  }
0x13: {  	s11 =	sadd.s32 s15, s2;
	s16 =	sadd.s32 $0x12000, s18;
	[dreg:$0x8] =	wrdreg s10  }
0x14: {  	s7 =	sshrl.u32 s7, $0x3;
	s26 =	smax.u32 s5, $0x1;
	[dreg:$0xa] =	wrdreg s12  }
0x15: {  	s5 =	simm.s32 $0x580;
	s15 =	simm.s32 $0xE00;
	[dreg:$0xc] =	wrdreg s14  }
0x16: {  	s19 =	sadd.s32 $0xDE00, s3;
	s20 =	sadd.s32 $0x3E00, s3;
	[dreg:$0xd] =	wrdreg s11  }
0x17: {  	s10 =	sadd.s32 s13, s2;
	s3 =	sadd.s32 s9, s25;
	[dreg:$0xe] =	wrdreg s16  }
0x18: {  	s7 =	sadd.s32 s0, s7;
	s24 =	sshrl.u32 s22, $0x3;
	s25 =	sshrl.u32 s23, $0x3  }
0x19: {  	[dreg:$0x14] =	wrdreg s26;
	s23 =	simm.s32 $0x3;
	s26 =	simm.s32 $0x1000  }
0x1a: {  	s12 =	simm.s32 $0x480;
	s14 =	simm.s32 $0xC00;
	[dreg:$0xb] =	wrdreg s10  }
0x1b: {  	s22 =	simm.s32 $0x500;
	s9 =	simm.s32 $0x600;
	[dreg:$0xf] =	wrdreg s7  }
0x1c: {  	s11 =	simm.s32 $0xD80;
	s3 =	sshrl.u32 s3, $0x3;
	[dreg:$0x3] =	wrdreg s19  }
0x1d: {  	s13 =	simm.s32 $0x680;
	[dreg:$0x4] =	wrdreg s20;
	s3 =	sadd.s32 s0, s3  }
0x1e: {  	s10 =	simm.s32 $0xB80;
	[dreg:$0x10] =	wrdreg s3;
	s3 =	sshrl.u32 s17, $0x3  }
0x1f: {  	s7 =	simm.s32 $0x700;
	s17 =	simm.s32 $0x800;
	s3 =	sadd.s32 s0, s3  }
0x20: {  	[dreg:$0x11] =	wrdreg s3;
	s3 =	sadd.s32 s0, s24;
	s0 =	sadd.s32 s0, s25  }
0x21: {  	s25 =	simm.s32 $0x80;
	s24 =	simm.s32 $0x780;
	[dreg:$0x12] =	wrdreg s3  }
0x22: {  	v0 =	vimm.f32 $0.0e+00;
	[dreg:$0x13] =	wrdreg s0;
	s0 =	simm.s32 $0x2;
	s3 =	simm.s32 $0xC80  }
.LBB2_1:
0x23: {  	[dreg:$0x15] =	wrdreg s1;
	s16 =	simm.s32 $0x0  }
0x24: {  	[tilespmem:s16], [sflag:$0x3] =	stream.linear.gather [hbm4b:s19+s16], $0x800, $0x38;
	[tilespmem:$0x1F000] =	vst v63  }
0x25: {  	_ =	swait.ge [sflag:s23], $0x800  }
0x26: {  	[sflag:s23] =	ssyncset.done $0x0  }
0x27: {  	[sflag:s23] =	ssyncadd.s32 $0xFFFFF800  }
0x28: {  	[tilespmem:s17], [sflag:$0x3] =	stream.linear.gather [hbm4b:s20+s16], $0x800, $0x38;
	[tilespmem:$0x1F000] =	vst v63  }
0x29: {  	_ =	swait.ge [sflag:s23], $0x800  }
0x2a: {  	[sflag:s23] =	ssyncset.done $0x0  }
0x2b: {  	[sflag:s23] =	ssyncadd.s32 $0xFFFFF800  }
0x2c: {  	[tilespmem:s26], [sflag:$0x1] =	stream.indirect.gather [hbm4b:s4+s25], $0x80, s16, s25, $0xb8;
	[tilespmem:$0x1F000] =	vst v63  }
0x2d: {  	s17 =	simm.s32 $0x200;
	s16 =	simm.s32 $0x0  }
0x2e: {  	[tilespmem:s28], [sflag:$0x2] =	stream.indirect.gather [hbm4b:s4+s25], $0x80, s25, s25, $0xb8;
	[tilespmem:$0x1F000] =	vst v63  }
.LBB2_2:
0x2f: {  	p1 =	sne.s32 s17, $0x7E00;
	[tilespmem:s16+$0x9070] =	vst v0  }
0x30: {  	[tilespmem:s16+$0x9000] =	vst v0  }
0x31: {  	[tilespmem:s16+$0x9010] =	vst v0  }
.Ltmp0:
0x32: {  	[tilespmem:s16+$0x9020] =	vst v0;
	(pc) =	sbr.rel @p1 .LBB2_2-.Ltmp0, $4  }
0x33: {  	[tilespmem:s16+$0x9030] =	vst v0  }
0x34: {  	[tilespmem:s16+$0x9040] =	vst v0  }
0x35: {  	[tilespmem:s16+$0x9050] =	vst v0  }
0x36: {  	[tilespmem:s16+$0x9060] =	vst v0;
	s16 =	sshra.s32 s17, $0x2;
	s17 =	sadd.s32 $0x200, s17  }
0x37: {  	[tilespmem:s16+$0x9070] =	vst v0  }
0x38: {  	[tilespmem:s16+$0x9000] =	vst v0  }
0x39: {  	[tilespmem:s16+$0x9010] =	vst v0  }
0x3a: {  	[tilespmem:s16+$0x9020] =	vst v0  }
0x3b: {  	[tilespmem:s16+$0x9030] =	vst v0  }
0x3c: {  	[tilespmem:s16+$0x9040] =	vst v0  }
0x3d: {  	[tilespmem:s16+$0x9050] =	vst v0  }
0x3e: {  	[tilespmem:s16+$0x9060] =	vst v0;
	s17 =	simm.s32 $0x9000  }
0x3f: {  	[spmem:s18] =	stream.linear.scatter [tilespmem:s17], [sflag:$0x3], $0x2000, $0x38;
	[tilespmem:$0x1F000] =	vst v63  }
0x40: {  	_ =	swait.ge [sflag:s23], $0x2000  }
0x41: {  	[sflag:s23] =	ssyncset.done $0x0  }
0x42: {  	s18 =	rddreg [dreg:$0x6];
	[sflag:s23] =	ssyncadd.s32 $0xFFFFE000  }
0x43: {  	[spmem:s18] =	stream.linear.scatter [tilespmem:s17], [sflag:$0x3], $0x2000, $0x38;
	[tilespmem:$0x1F000] =	vst v63  }
0x44: {  	_ =	swait.ge [sflag:s23], $0x2000  }
0x45: {  	[sflag:s23] =	ssyncset.done $0x0  }
0x46: {  	[sflag:s23] =	ssyncadd.s32 $0xFFFFE000  }
0x47: {  	[spmem:s21] =	stream.linear.scatter [tilespmem:s17], [sflag:$0x3], $0x2000, $0x38;
	[tilespmem:$0x1F000] =	vst v63  }
0x48: {  	_ =	swait.ge [sflag:s23], $0x2000  }
0x49: {  	[sflag:s23] =	ssyncset.done $0x0  }
0x4a: {  	s21 =	rddreg [dreg:$0x8];
	[sflag:s23] =	ssyncadd.s32 $0xFFFFE000  }
0x4b: {  	[spmem:s21] =	stream.linear.scatter [tilespmem:s17], [sflag:$0x3], $0x2000, $0x38;
	[tilespmem:$0x1F000] =	vst v63  }
0x4c: {  	_ =	swait.ge [sflag:s23], $0x2000  }
0x4d: {  	[sflag:s23] =	ssyncset.done $0x0  }
0x4e: {  	s1 =	rddreg [dreg:$0x9];
	[sflag:s23] =	ssyncadd.s32 $0xFFFFE000  }
0x4f: {  	[spmem:s1] =	stream.linear.scatter [tilespmem:s17], [sflag:$0x3], $0x2000, $0x38;
	[tilespmem:$0x1F000] =	vst v63  }
0x50: {  	_ =	swait.ge [sflag:s23], $0x2000  }
0x51: {  	[sflag:s23] =	ssyncset.done $0x0  }
0x52: {  	s18 =	rddreg [dreg:$0xa];
	[sflag:s23] =	ssyncadd.s32 $0xFFFFE000  }
0x53: {  	[spmem:s18] =	stream.linear.scatter [tilespmem:s17], [sflag:$0x3], $0x2000, $0x38;
	[tilespmem:$0x1F000] =	vst v63  }
0x54: {  	_ =	swait.ge [sflag:s23], $0x2000  }
0x55: {  	[sflag:s23] =	ssyncset.done $0x0  }
0x56: {  	s21 =	rddreg [dreg:$0xb];
	[sflag:s23] =	ssyncadd.s32 $0xFFFFE000  }
0x57: {  	[spmem:s21] =	stream.linear.scatter [tilespmem:s17], [sflag:$0x3], $0x2000, $0x38;
	[tilespmem:$0x1F000] =	vst v63  }
0x58: {  	_ =	swait.ge [sflag:s23], $0x2000  }
0x59: {  	[sflag:s23] =	ssyncset.done $0x0  }
0x5a: {  	s1 =	rddreg [dreg:$0xc];
	[sflag:s23] =	ssyncadd.s32 $0xFFFFE000  }
0x5b: {  	[spmem:s1] =	stream.linear.scatter [tilespmem:s17], [sflag:$0x3], $0x2000, $0x38;
	[tilespmem:$0x1F000] =	vst v63  }
0x5c: {  	_ =	swait.ge [sflag:s23], $0x2000  }
0x5d: {  	[sflag:s23] =	ssyncset.done $0x0  }
0x5e: {  	s18 =	rddreg [dreg:$0xd];
	[sflag:s23] =	ssyncadd.s32 $0xFFFFE000  }
0x5f: {  	[spmem:s18] =	stream.linear.scatter [tilespmem:s17], [sflag:$0x3], $0x2000, $0x38;
	[tilespmem:$0x1F000] =	vst v63  }
0x60: {  	_ =	swait.ge [sflag:s23], $0x2000  }
0x61: {  	[sflag:s23] =	ssyncset.done $0x0  }
0x62: {  	s21 =	rddreg [dreg:$0xe];
	[sflag:s23] =	ssyncadd.s32 $0xFFFFE000  }
0x63: {  	[spmem:s21] =	stream.linear.scatter [tilespmem:s17], [sflag:$0x3], $0x2000, $0x38;
	[tilespmem:$0x1F000] =	vst v63  }
0x64: {  	_ =	swait.ge [sflag:s23], $0x2000  }
0x65: {  	[sflag:s23] =	ssyncset.done $0x0  }
0x66: {  	s16 =	smov.u32 s19;
	s1 =	simm.s32 $0xF80;
	[sflag:s23] =	ssyncadd.s32 $0xFFFFE000  }
0x67: {  	s18 =	simm.s32 $0x0;
	s17 =	smov.u32 s20;
	[bflag:$0x0] =	sbarrier.arrive $0xFFFF  }
.LBB2_4:
0x68: {  	p1 =	seq.s32 s18, $0x0  }
0x69: {  	s19 =	simm.s32 @!p1 $0x0;
	s20 =	simm.s32 @!p1 $0x3  }
0x6a: {  	[tilespmem:s19], [sflag:$0x3] =	stream.linear.gather @!p1 [hbm4b:s16+s19], $0x800, $0x38;
	[tilespmem:$0x1F000] =	vst v63  }
0x6b: {  	_ =	swait.ge @!p1 [sflag:s20], $0x800  }
0x6c: {  	[sflag:s20] =	ssyncset.done @!p1 $0x0  }
0x6d: {  	s21 =	simm.s32 @!p1 $0x800;
	[sflag:s20] =	ssyncadd.s32 @!p1 $0xFFFFF800  }
0x6e: {  	[tilespmem:s21], [sflag:$0x3] =	stream.linear.gather @!p1 [hbm4b:s17+s19], $0x800, $0x38;
	[tilespmem:$0x1F000] =	vst v63  }
0x6f: {  	_ =	swait.ge @!p1 [sflag:s20], $0x800  }
0x70: {  	[sflag:s20] =	ssyncset.done @!p1 $0x0  }
0x71: {  	s21 =	simm.s32 @!p1 $0x1000;
	[sflag:s20] =	ssyncadd.s32 @!p1 $0xFFFFF800;
	s20 =	simm.s32 @!p1 $0x80  }
0x72: {  	[tilespmem:s21], [sflag:$0x1] =	stream.indirect.gather @!p1 [hbm4b:s4+s20], $0x80, s19, s20, $0xb8;
	[tilespmem:$0x1F000] =	vst v63  }
0x73: {  	s19 =	simm.s32 @!p1 $0x5000  }
0x74: {  	[tilespmem:s19], [sflag:$0x2] =	stream.indirect.gather @!p1 [hbm4b:s4+s20], $0x80, s20, s20, $0xb8;
	[tilespmem:$0x1F000] =	vst v63  }
0x75: {  	_ =	swait.ge [sflag:s30], $0x4000  }
0x76: {  	[sflag:s30] =	ssyncset.done $0x0  }
0x77: {  	s21 =	simm.s32 $0x800;
	[sflag:s30] =	ssyncadd.s32 $0xFFFFC000  }
0x78: {  	[spmem:s2] =	stream.indirect.scatter.add.f32 [tilespmem:s26], [sflag:$0x3], $0x80, s21, s25, $0xb8;
	[tilespmem:$0x1F000] =	vst v63  }
0x79: {  	_ =	swait.ge [sflag:s23], $0x4000  }
0x7a: {  	[sflag:s23] =	ssyncset.done $0x0  }
0x7b: {  	s20 =	simm.s32 $0x100;
	[sflag:s23] =	ssyncadd.s32 $0xFFFFC000  }
0x7c: {  	[tilespmem:s26], [sflag:$0x1] =	stream.indirect.gather [hbm4b:s4+s25], $0x80, s20, s25, $0xb8;
	[tilespmem:$0x1F000] =	vst v63  }
0x7d: {  	_ =	swait.ge [sflag:s0], $0x4000  }
0x7e: {  	[sflag:s0] =	ssyncset.done $0x0  }
0x7f: {  	s21 =	simm.s32 $0x880;
	[sflag:s0] =	ssyncadd.s32 $0xFFFFC000  }
0x80: {  	[spmem:s2] =	stream.indirect.scatter.add.f32 [tilespmem:s28], [sflag:$0x3], $0x80, s21, s25, $0xb8;
	[tilespmem:$0x1F000] =	vst v63  }
0x81: {  	_ =	swait.ge [sflag:s23], $0x4000  }
0x82: {  	[sflag:s23] =	ssyncset.done $0x0  }
0x83: {  	s20 =	simm.s32 $0x180;
	[sflag:s23] =	ssyncadd.s32 $0xFFFFC000  }
0x84: {  	[tilespmem:s28], [sflag:$0x2] =	stream.indirect.gather [hbm4b:s4+s25], $0x80, s20, s25, $0xb8;
	[tilespmem:$0x1F000] =	vst v63  }
0x85: {  	_ =	swait.ge [sflag:s30], $0x4000  }
0x86: {  	[sflag:s30] =	ssyncset.done $0x0  }
0x87: {  	s21 =	simm.s32 $0x900;
	[sflag:s30] =	ssyncadd.s32 $0xFFFFC000  }
0x88: {  	[spmem:s2] =	stream.indirect.scatter.add.f32 [tilespmem:s26], [sflag:$0x3], $0x80, s21, s25, $0xb8;
	[tilespmem:$0x1F000] =	vst v63  }
0x89: {  	_ =	swait.ge [sflag:s23], $0x4000  }
0x8a: {  	[sflag:s23] =	ssyncset.done $0x0  }
0x8b: {  	s20 =	simm.s32 $0x200;
	[sflag:s23] =	ssyncadd.s32 $0xFFFFC000  }
0x8c: {  	[tilespmem:s26], [sflag:$0x1] =	stream.indirect.gather [hbm4b:s4+s25], $0x80, s20, s25, $0xb8;
	[tilespmem:$0x1F000] =	vst v63  }
0x8d: {  	_ =	swait.ge [sflag:s0], $0x4000  }
0x8e: {  	[sflag:s0] =	ssyncset.done $0x0  }
0x8f: {  	s21 =	simm.s32 $0x980;
	[sflag:s0] =	ssyncadd.s32 $0xFFFFC000  }
0x90: {  	[spmem:s2] =	stream.indirect.scatter.add.f32 [tilespmem:s28], [sflag:$0x3], $0x80, s21, s25, $0xb8;
	[tilespmem:$0x1F000] =	vst v63  }
0x91: {  	_ =	swait.ge [sflag:s23], $0x4000  }
0x92: {  	[sflag:s23] =	ssyncset.done $0x0  }
0x93: {  	s20 =	simm.s32 $0x280;
	[sflag:s23] =	ssyncadd.s32 $0xFFFFC000  }
0x94: {  	[tilespmem:s28], [sflag:$0x2] =	stream.indirect.gather [hbm4b:s4+s25], $0x80, s20, s25, $0xb8;
	[tilespmem:$0x1F000] =	vst v63  }
0x95: {  	_ =	swait.ge [sflag:s30], $0x4000  }
0x96: {  	[sflag:s30] =	ssyncset.done $0x0  }
0x97: {  	s21 =	simm.s32 $0xA00;
	[sflag:s30] =	ssyncadd.s32 $0xFFFFC000  }
0x98: {  	[spmem:s2] =	stream.indirect.scatter.add.f32 [tilespmem:s26], [sflag:$0x3], $0x80, s21, s25, $0xb8;
	[tilespmem:$0x1F000] =	vst v63  }
0x99: {  	_ =	swait.ge [sflag:s23], $0x4000  }
0x9a: {  	[sflag:s23] =	ssyncset.done $0x0  }
0x9b: {  	s20 =	simm.s32 $0x300;
	[sflag:s23] =	ssyncadd.s32 $0xFFFFC000  }
0x9c: {  	[tilespmem:s26], [sflag:$0x1] =	stream.indirect.gather [hbm4b:s4+s25], $0x80, s20, s25, $0xb8;
	[tilespmem:$0x1F000] =	vst v63  }
0x9d: {  	_ =	swait.ge [sflag:s0], $0x4000  }
0x9e: {  	[sflag:s0] =	ssyncset.done $0x0  }
0x9f: {  	s21 =	simm.s32 $0xA80;
	[sflag:s0] =	ssyncadd.s32 $0xFFFFC000  }
0xa0: {  	[spmem:s2] =	stream.indirect.scatter.add.f32 [tilespmem:s28], [sflag:$0x3], $0x80, s21, s25, $0xb8;
	[tilespmem:$0x1F000] =	vst v63  }
0xa1: {  	_ =	swait.ge [sflag:s23], $0x4000  }
0xa2: {  	[sflag:s23] =	ssyncset.done $0x0  }
0xa3: {  	s20 =	simm.s32 $0x380;
	[sflag:s23] =	ssyncadd.s32 $0xFFFFC000  }
0xa4: {  	[tilespmem:s28], [sflag:$0x2] =	stream.indirect.gather [hbm4b:s4+s25], $0x80, s20, s25, $0xb8;
	[tilespmem:$0x1F000] =	vst v63  }
0xa5: {  	_ =	swait.ge [sflag:s30], $0x4000  }
0xa6: {  	[sflag:s30] =	ssyncset.done $0x0  }
0xa7: {  	s21 =	simm.s32 $0xB00;
	[sflag:s30] =	ssyncadd.s32 $0xFFFFC000  }
0xa8: {  	[spmem:s2] =	stream.indirect.scatter.add.f32 [tilespmem:s26], [sflag:$0x3], $0x80, s21, s25, $0xb8;
	[tilespmem:$0x1F000] =	vst v63  }
0xa9: {  	_ =	swait.ge [sflag:s23], $0x4000  }
0xaa: {  	[sflag:s23] =	ssyncset.done $0x0  }
0xab: {  	[sflag:s23] =	ssyncadd.s32 $0xFFFFC000  }
0xac: {  	[tilespmem:s26], [sflag:$0x1] =	stream.indirect.gather [hbm4b:s4+s25], $0x80, s8, s25, $0xb8;
	[tilespmem:$0x1F000] =	vst v63  }
0xad: {  	_ =	swait.ge [sflag:s0], $0x4000  }
0xae: {  	[sflag:s0] =	ssyncset.done $0x0  }
0xaf: {  	[sflag:s0] =	ssyncadd.s32 $0xFFFFC000  }
0xb0: {  	[spmem:s2] =	stream.indirect.scatter.add.f32 [tilespmem:s28], [sflag:$0x3], $0x80, s10, s25, $0xb8;
	[tilespmem:$0x1F000] =	vst v63  }
0xb1: {  	_ =	swait.ge [sflag:s23], $0x4000  }
0xb2: {  	[sflag:s23] =	ssyncset.done $0x0  }
0xb3: {  	[sflag:s23] =	ssyncadd.s32 $0xFFFFC000  }
0xb4: {  	[tilespmem:s28], [sflag:$0x2] =	stream.indirect.gather [hbm4b:s4+s25], $0x80, s12, s25, $0xb8;
	[tilespmem:$0x1F000] =	vst v63  }
0xb5: {  	_ =	swait.ge [sflag:s30], $0x4000  }
0xb6: {  	[sflag:s30] =	ssyncset.done $0x0  }
0xb7: {  	[sflag:s30] =	ssyncadd.s32 $0xFFFFC000  }
0xb8: {  	[spmem:s2] =	stream.indirect.scatter.add.f32 [tilespmem:s26], [sflag:$0x3], $0x80, s14, s25, $0xb8;
	[tilespmem:$0x1F000] =	vst v63  }
0xb9: {  	_ =	swait.ge [sflag:s23], $0x4000  }
0xba: {  	[sflag:s23] =	ssyncset.done $0x0  }
0xbb: {  	[sflag:s23] =	ssyncadd.s32 $0xFFFFC000  }
0xbc: {  	[tilespmem:s26], [sflag:$0x1] =	stream.indirect.gather [hbm4b:s4+s25], $0x80, s22, s25, $0xb8;
	[tilespmem:$0x1F000] =	vst v63  }
0xbd: {  	_ =	swait.ge [sflag:s0], $0x4000  }
0xbe: {  	[sflag:s0] =	ssyncset.done $0x0  }
0xbf: {  	[sflag:s0] =	ssyncadd.s32 $0xFFFFC000  }
0xc0: {  	[spmem:s2] =	stream.indirect.scatter.add.f32 [tilespmem:s28], [sflag:$0x3], $0x80, s3, s25, $0xb8;
	[tilespmem:$0x1F000] =	vst v63  }
0xc1: {  	_ =	swait.ge [sflag:s23], $0x4000  }
0xc2: {  	[sflag:s23] =	ssyncset.done $0x0  }
0xc3: {  	[sflag:s23] =	ssyncadd.s32 $0xFFFFC000  }
0xc4: {  	[tilespmem:s28], [sflag:$0x2] =	stream.indirect.gather [hbm4b:s4+s25], $0x80, s5, s25, $0xb8;
	[tilespmem:$0x1F000] =	vst v63  }
0xc5: {  	_ =	swait.ge [sflag:s30], $0x4000  }
0xc6: {  	[sflag:s30] =	ssyncset.done $0x0  }
0xc7: {  	[sflag:s30] =	ssyncadd.s32 $0xFFFFC000  }
0xc8: {  	[spmem:s2] =	stream.indirect.scatter.add.f32 [tilespmem:s26], [sflag:$0x3], $0x80, s6, s25, $0xb8;
	[tilespmem:$0x1F000] =	vst v63  }
0xc9: {  	_ =	swait.ge [sflag:s23], $0x4000  }
0xca: {  	[sflag:s23] =	ssyncset.done $0x0  }
0xcb: {  	[sflag:s23] =	ssyncadd.s32 $0xFFFFC000  }
0xcc: {  	[tilespmem:s26], [sflag:$0x1] =	stream.indirect.gather [hbm4b:s4+s25], $0x80, s9, s25, $0xb8;
	[tilespmem:$0x1F000] =	vst v63  }
0xcd: {  	_ =	swait.ge [sflag:s0], $0x4000  }
0xce: {  	[sflag:s0] =	ssyncset.done $0x0  }
0xcf: {  	[sflag:s0] =	ssyncadd.s32 $0xFFFFC000  }
0xd0: {  	[spmem:s2] =	stream.indirect.scatter.add.f32 [tilespmem:s28], [sflag:$0x3], $0x80, s11, s25, $0xb8;
	[tilespmem:$0x1F000] =	vst v63  }
0xd1: {  	_ =	swait.ge [sflag:s23], $0x4000  }
0xd2: {  	[sflag:s23] =	ssyncset.done $0x0  }
0xd3: {  	[sflag:s23] =	ssyncadd.s32 $0xFFFFC000  }
0xd4: {  	[tilespmem:s28], [sflag:$0x2] =	stream.indirect.gather [hbm4b:s4+s25], $0x80, s13, s25, $0xb8;
	[tilespmem:$0x1F000] =	vst v63  }
0xd5: {  	_ =	swait.ge [sflag:s30], $0x4000  }
0xd6: {  	[sflag:s30] =	ssyncset.done $0x0  }
0xd7: {  	[sflag:s30] =	ssyncadd.s32 $0xFFFFC000  }
0xd8: {  	[spmem:s2] =	stream.indirect.scatter.add.f32 [tilespmem:s26], [sflag:$0x3], $0x80, s15, s25, $0xb8;
	[tilespmem:$0x1F000] =	vst v63  }
0xd9: {  	_ =	swait.ge [sflag:s23], $0x4000  }
0xda: {  	[sflag:s23] =	ssyncset.done $0x0  }
0xdb: {  	[sflag:s23] =	ssyncadd.s32 $0xFFFFC000  }
0xdc: {  	[tilespmem:s26], [sflag:$0x1] =	stream.indirect.gather [hbm4b:s4+s25], $0x80, s7, s25, $0xb8;
	[tilespmem:$0x1F000] =	vst v63  }
0xdd: {  	_ =	swait.ge [sflag:s0], $0x4000  }
0xde: {  	[sflag:s0] =	ssyncset.done $0x0  }
0xdf: {  	[sflag:s0] =	ssyncadd.s32 $0xFFFFC000  }
0xe0: {  	[spmem:s2] =	stream.indirect.scatter.add.f32 [tilespmem:s28], [sflag:$0x3], $0x80, s29, s25, $0xb8;
	[tilespmem:$0x1F000] =	vst v63  }
0xe1: {  	_ =	swait.ge [sflag:s23], $0x4000  }
0xe2: {  	[sflag:s23] =	ssyncset.done $0x0  }
0xe3: {  	[sflag:s23] =	ssyncadd.s32 $0xFFFFC000  }
0xe4: {  	[tilespmem:s28], [sflag:$0x2] =	stream.indirect.gather [hbm4b:s4+s25], $0x80, s24, s25, $0xb8;
	[tilespmem:$0x1F000] =	vst v63  }
0xe5: {  	_ =	swait.ge [sflag:s30], $0x4000  }
0xe6: {  	[sflag:s30] =	ssyncset.done $0x0  }
0xe7: {  	[sflag:s30] =	ssyncadd.s32 $0xFFFFC000  }
0xe8: {  	[spmem:s2] =	stream.indirect.scatter.add.f32 [tilespmem:s26], [sflag:$0x3], $0x80, s31, s25, $0xb8;
	[tilespmem:$0x1F000] =	vst v63  }
0xe9: {  	_ =	swait.ge [sflag:s23], $0x4000  }
0xea: {  	[sflag:s23] =	ssyncset.done $0x0  }
0xeb: {  	[sflag:s23] =	ssyncadd.s32 $0xFFFFC000  }
0xec: {  	p1 =	slt.u32 @!p0 s18, $0x8;
	_ =	swait.ge [sflag:s0], $0x4000  }
0xed: {  	p1 =	por p0, !p1;
	[sflag:s0] =	ssyncset.done $0x0  }
.Ltmp1:
0xee: {  	[sflag:s0] =	ssyncadd.s32 $0xFFFFC000;
	(pc) =	sbr.rel @!p1 .LBB2_4-.Ltmp1, $4  }
0xef: {  	[spmem:s2] =	stream.indirect.scatter.add.f32 [tilespmem:s28], [sflag:$0x3], $0x80, s1, s25, $0xb8;
	[tilespmem:$0x1F000] =	vst v63  }
0xf0: {  	_ =	swait.ge [sflag:s23], $0x4000  }
0xf1: {  	s16 =	sadd.s32 $0x100, s16;
	[sflag:s23] =	ssyncset.done $0x0  }
0xf2: {  	s17 =	sadd.s32 $0x100, s17;
	s18 =	sadd.s32 $0x1, s18;
	[sflag:s23] =	ssyncadd.s32 $0xFFFFC000  }
0xf3: {  	s16 =	stileid.u32;
	[bflag:$0x0] =	sbarrier.arrive $0xFFFF  }
0xf4: {  	s16 =	sshll.u32 s16, $0x6;
	s18 =	rddreg [dreg:$0x5]  }
0xf5: {  	s19 =	rddreg [dreg:$0xf];
	s16 =	sor.u32 $0x1C03, s16;
	s17 =	sshrl.u32 s18, $0x3  }
0xf6: {  	[hbm:s19], [sflag:s16] =	dma.local [spmem:s17], $0x800  }
0xf7: {  	_ =	swait.ge [sflag:s23], $0x800  }
0xf8: {  	[sflag:s23] =	ssyncset.done $0x0;
	s21 =	rddreg [dreg:$0x7]  }
0xf9: {  	s1 =	rddreg [dreg:$0x10];
	[sflag:s23] =	ssyncadd.s32 $0xFFFFF800;
	s20 =	sshrl.u32 s21, $0x3  }
0xfa: {  	[hbm:s1], [sflag:s16] =	dma.local [spmem:s20], $0x800  }
0xfb: {  	_ =	swait.ge [sflag:s23], $0x800  }
0xfc: {  	[sflag:s23] =	ssyncset.done $0x0;
	s20 =	rddreg [dreg:$0x9]  }
0xfd: {  	s1 =	rddreg [dreg:$0x11];
	[sflag:s23] =	ssyncadd.s32 $0xFFFFF800;
	s17 =	sshrl.u32 s20, $0x3  }
0xfe: {  	[hbm:s1], [sflag:s16] =	dma.local [spmem:s17], $0x800  }
0xff: {  	_ =	swait.ge [sflag:s23], $0x800  }
0x100: {  	[sflag:s23] =	ssyncset.done $0x0;
	s20 =	rddreg [dreg:$0xb]  }
0x101: {  	s1 =	rddreg [dreg:$0x12];
	[sflag:s23] =	ssyncadd.s32 $0xFFFFF800;
	s17 =	sshrl.u32 s20, $0x3  }
0x102: {  	[hbm:s1], [sflag:s16] =	dma.local [spmem:s17], $0x800  }
0x103: {  	_ =	swait.ge [sflag:s23], $0x800  }
0x104: {  	[sflag:s23] =	ssyncset.done $0x0;
	s20 =	rddreg [dreg:$0xd]  }
0x105: {  	s1 =	rddreg [dreg:$0x13];
	[sflag:s23] =	ssyncadd.s32 $0xFFFFF800;
	s17 =	sshrl.u32 s20, $0x3  }
0x106: {  	[hbm:s1], [sflag:s16] =	dma.local [spmem:s17], $0x800  }
0x107: {  	_ =	swait.ge [sflag:s23], $0x800  }
0x108: {  	s1 =	rddreg [dreg:$0x15]  }
0x109: {  	s20 =	rddreg [dreg:$0x14];
	s1 =	sadd.s32 $0x1, s1  }
0x10a: {  	p1 =	sne.s32 s1, s20  }
.Ltmp2:
0x10b: {  	_ = 	snop;
	(pc) =	sbr.rel @p1 .LBB2_1-.Ltmp2, $3  }
0x10c: {  	_ =	sdelay $0x1  }
0x10d: {  	[sflag:s23] =	ssyncset.done $0x0;
	s19 =	rddreg [dreg:$0x3]  }
0x10e: {  	s17 =	simm.s32 $0x800;
	[sflag:s23] =	ssyncadd.s32 $0xFFFFF800;
	s20 =	rddreg [dreg:$0x4]  }
0x10f: {  	_ =	sfence.sel $0x180000  }
0x110: {  	[bflag:$0x0] =	sbarrier.arrive $0xFFFF  }
0x111: {  	_ =	strace $0x9000004A  }
0x112: {  	s0 =	stileid.u32;
	[bflag:$0x2] =	sbarrier.arrive $0xFFFF  }
0x113: {  	p0 =	sne.s32 s0, $0x0;
	s0 =	rddreg [dreg:$0x2]  }
0x114: {  	s0 =	sadd.s32 @!p0 $0x100000, s0  }
0x115: {  	[sflag:s0] =	ssyncadd.tile.s32 @!p0 $0x1;
	_ =	shalt  }
.Lfunc_end2:
_tile_overlayer_lowered:
.L_overlay_start_2:
0x116: {  	(tag) =	ssettag $0x2  }
0x117: {  	s0 =	rddreg [dreg:$0x0];
	s2 =	stileid.u32  }
0x118: {  	s1 =	rddreg [dreg:$0x1];
	p0 =	sne.s32 s2, $0x0  }
0x119: {  	s3 =	rddreg [dreg:$0x2];
	[bflag:$0x3] =	sbarrier.arrive $0xFFFF;
	s2 =	simm.s32 @!p0 $0x1C03  }
0x11a: {  	[timem:s3], [sflag:s2] =	dma.local @!p0 [hbm:s0], s1  }
0x11b: {  	s0 =	simm.s32 @!p0 $0x3  }
0x11c: {  	_ =	swait.ge @!p0 [sflag:s0], s1  }
0x11d: {  	s1 =	ssub.s32 @!p0 $0x0, s1;
	[sflag:s0] =	ssyncset.done @!p0 $0x0  }
0x11e: {  	[sflag:s0] =	ssyncadd.s32 @!p0 s1  }
0x11f: {  	[bflag:$0x3] =	sbarrier.arrive $0xFFFF  }
0x120: {  	_ =	shalt  }

// kernel: kernel.19.cloned.1.call-start
scs
__scs_entry_jumppad:
0x0: {  	(pc) =	sbr.rel $0x88, $3  }
0x1: {  	(tag) =	ssettag $0x0;
	lr =	simm.s32 $0x1  }
0x2: {  	[smem:$0x3F94] =	sst lr;
	_ =	strace $0xD0000000  }
0x3: {  	_ = 	snop  }
0x4: {  	_ = 	snop  }
0x5: {  	_ = 	snop  }
0x6: {  	_ = 	snop  }
0x7: {  	_ = 	snop  }
__scs_overlays_trampoline_lowered:
0x8: {  	[smem:$0x3FA3] =	sst s0  }
0x9: {  	[smem:$0x3FA4] =	sst s1  }
0xa: {  	[smem:$0x3FA5] =	sst s2  }
0xb: {  	[smem:$0x3FA6] =	sst s3  }
0xc: {  	[smem:$0x3FA7] =	sst s4  }
0xd: {  	[smem:$0x3FA8] =	sst s5  }
0xe: {  	[smem:$0x3FA9] =	sst s6  }
0xf: {  	[smem:$0x3FAA] =	sst s7  }
0x10: {  	[smem:$0x3FAB] =	sst s8  }
0x11: {  	[smem:$0x3FAC] =	sst s9;
	s0 =	simm.s32 @!p0 $0x0  }
0x12: {  	s1 =	sld [smem:$0x3F92];
	s0 =	simm.s32 @p0 $0x1  }
0x13: {  	[smem:$0x3FAD] =	sst s0;
	s0 =	simm.s32 @!p1 $0x0  }
0x14: {  	s2 =	sld [smem:$0x3F91];
	s0 =	simm.s32 @p1 $0x1  }
0x15: {  	[smem:$0x3FAE] =	sst s0;
	s0 =	simm.s32 @!p2 $0x0  }
0x16: {  	s3 =	sld [smem:$0x3FDB];
	s0 =	simm.s32 @p2 $0x1  }
0x17: {  	s4 =	simm.s32 $0x1BF5;
	[smem:$0x3FB0] =	sst s0  }
0x18: {  	s0 =	sld [smem:$0x3F93];
	_ =	swait.ge [sflag:s4], $0x0  }
0x19: {  	s7 =	sld [smem:$0x3F94]  }
0x1a: {  	s8 =	sadd.s32 $0xFFFFE003, lr  }
0x1b: {  	s9 =	sadd.s32 $0xFFFFFEF7, lr;
	s5 =	simm.s32 $0xFFFFFFFF;
	p2 =	slt.u32 s8, $0xFFFFF086  }
0x1c: {  	p1 =	slt.u32 s9, $0xF7A;
	s5 =	simm.s32 @!p2 $0x0  }
0x1d: {  	s5 =	simm.s32 @p1 $0x1;
	p0 =	seq.s32 s7, s2  }
0x1e: {  	s7 =	smul.u32 @!p0 $0xF7A, s2;
	p2 =	seq.s32 @!p0 s5, $0x0  }
0x1f: {  	s9 =	smul.u32 $0xF7A, s1;
	s8 =	simm.s32 @!p0 $0x1BF5;
	p2 =	por !p2, p0  }
0x20: {  	[sflag:s8] =	ssyncset.s32 @!p0 $0xFFFFF086;
	s6 =	sadd.s32 @!p0 s3, s7;
	s7 =	simm.s32 @!p0 $0x108  }
0x21: {  	s3 =	sadd.s32 s3, s9;
	s6 =	sadd.s32 @!p0 $0x88, s6;
	s7 =	simm.s32 @p2 $0x1082  }
0x22: {  	[simem:s7], [sflag:s8] =	dma.local @!p0 [hbm:s6], $0xF7A  }
0x23: {  	s9 =	sor.u32 $0xD0000000, s2;
	s6 =	simm.s32 $0x108;
	_ =	swait.ge @!p0 [sflag:s8], $0x0  }
0x24: {  	s3 =	sadd.s32 $0x88, s3;
	s6 =	simm.s32 @!p1 $0x1082;
	[sflag:s4] =	ssyncset.s32 $0xFFFFF086  }
0x25: {  	[simem:s6], [sflag:s4] =	dma.local [hbm:s3], $0xF7A  }
0x26: {  	[smem:$0x3F94] =	sst s1;
	(tag) =	ssettag s2;
	_ =	strace s9  }
0x27: {  	s1 =	sld [smem:$0x3FA4]  }
0x28: {  	s2 =	sld [smem:$0x3FA5]  }
0x29: {  	s4 =	sld [smem:$0x3FA7]  }
0x2a: {  	p0 =	seq.s32 s5, $0x0;
	s5 =	sld [smem:$0x3FA8]  }
0x2b: {  	s6 =	sld [smem:$0x3FA9]  }
0x2c: {  	s7 =	sld [smem:$0x3FAA]  }
0x2d: {  	s3 =	simm.s32 $0x108;
	s8 =	sld [smem:$0x3FAB]  }
0x2e: {  	s3 =	simm.s32 @!p0 $0x1082;
	s9 =	sld [smem:$0x3FAC]  }
0x2f: {  	lr =	sadd.s32 s0, s3;
	s0 =	sld [smem:$0x3FA3]  }
0x30: {  	s3 =	sld [smem:$0x3FA6]  }
0x31: {  	[smem:$0x3FAF] =	sst s10  }
0x32: {  	s10 =	sld [smem:$0x3FAD];
	_ =	sdelay $0x3  }
0x33: {  	p0 =	seq.s32 s10, $0x1;
	s10 =	sld [smem:$0x3FAF];
	_ =	sdelay $0x3  }
0x34: {  	[smem:$0x3FAF] =	sst s10  }
0x35: {  	s10 =	sld [smem:$0x3FAE];
	_ =	sdelay $0x3  }
0x36: {  	p1 =	seq.s32 s10, $0x1;
	s10 =	sld [smem:$0x3FAF];
	_ =	sdelay $0x3  }
0x37: {  	[smem:$0x3FAF] =	sst s10  }
0x38: {  	s10 =	sld [smem:$0x3FB0]  }
0x39: {  	_ = 	snop;
	(pc) =	sbr.ind lr, $3  }
0x3a: {  	_ = 	snop  }
0x3b: {  	_ = 	snop  }
0x3c: {  	p2 =	seq.s32 s10, $0x1;
	s10 =	sld [smem:$0x3FAF]  }
0x3d: {  	_ =	shalt  }
0x3e: {  	_ =	shalt  }
0x3f: {  	_ =	shalt  }
0x40: {  	_ =	shalt  }
0x41: {  	_ =	shalt  }
0x42: {  	_ =	shalt  }
0x43: {  	_ =	shalt  }
0x44: {  	_ =	shalt  }
0x45: {  	_ =	shalt  }
0x46: {  	_ =	shalt  }
0x47: {  	_ =	shalt  }
0x48: {  	_ =	shalt  }
0x49: {  	_ =	shalt  }
0x4a: {  	_ =	shalt  }
0x4b: {  	_ =	shalt  }
0x4c: {  	_ =	shalt  }
0x4d: {  	_ =	shalt  }
0x4e: {  	_ =	shalt  }
0x4f: {  	_ =	shalt  }
0x50: {  	_ =	shalt  }
0x51: {  	_ =	shalt  }
0x52: {  	_ =	shalt  }
0x53: {  	_ =	shalt  }
0x54: {  	_ =	shalt  }
0x55: {  	_ =	shalt  }
0x56: {  	_ =	shalt  }
0x57: {  	_ =	shalt  }
0x58: {  	_ =	shalt  }
0x59: {  	_ =	shalt  }
0x5a: {  	_ =	shalt  }
0x5b: {  	_ =	shalt  }
0x5c: {  	_ =	shalt  }
0x5d: {  	_ =	shalt  }
0x5e: {  	_ =	shalt  }
0x5f: {  	_ =	shalt  }
0x60: {  	_ =	shalt  }
0x61: {  	_ =	shalt  }
0x62: {  	_ =	shalt  }
0x63: {  	_ =	shalt  }
0x64: {  	_ =	shalt  }
0x65: {  	_ =	shalt  }
0x66: {  	_ =	shalt  }
0x67: {  	_ =	shalt  }
0x68: {  	_ =	shalt  }
0x69: {  	_ =	shalt  }
0x6a: {  	_ =	shalt  }
0x6b: {  	_ =	shalt  }
0x6c: {  	_ =	shalt  }
0x6d: {  	_ =	shalt  }
0x6e: {  	_ =	shalt  }
0x6f: {  	_ =	shalt  }
0x70: {  	_ =	shalt  }
0x71: {  	_ =	shalt  }
0x72: {  	_ =	shalt  }
0x73: {  	_ =	shalt  }
0x74: {  	_ =	shalt  }
0x75: {  	_ =	shalt  }
0x76: {  	_ =	shalt  }
0x77: {  	_ =	shalt  }
0x78: {  	_ =	shalt  }
0x79: {  	_ =	shalt  }
0x7a: {  	_ =	shalt  }
0x7b: {  	_ =	shalt  }
0x7c: {  	_ =	shalt  }
0x7d: {  	_ =	shalt  }
0x7e: {  	_ =	shalt  }
0x7f: {  	_ =	shalt  }
0x80: {  	_ =	shalt  }
0x81: {  	_ =	shalt  }
0x82: {  	_ =	shalt  }
0x83: {  	_ =	shalt  }
0x84: {  	_ =	shalt  }
0x85: {  	_ =	shalt  }
0x86: {  	_ =	shalt  }
0x87: {  	_ =	shalt  }
.Lfunc_end0:
.L_simem_size_0:
called_computation.2_lowered:
.L_overlay_start_0:
0x88: {  	s2 =	sld [smem:$0x3FD9]  }
0x89: {  	s3 =	sld [smem:$0x3FFE];
	_ =	sdelay $0x1  }
0x8a: {  	s1 =	srdreg.scid  }
0x8b: {  	s0 =	sand.u32 $0x1, s1  }
0x8c: {  	s16 =	sshll.u32 s0, $0xA;
	s2 =	sadd.s32 s3, s2  }
0x8d: {  	s2 =	sadd.s32 s2, s16  }
0x8e: {  	[smem:$0x3FBB] =	sst s2  }
0x8f: {  	_ = 	snop  }
0x90: {  	(tm) =	ssettm $0x1  }
0x91: {  	s17 =	sld [smem:$0x3FFB];
	_ =	sdelay $0x3  }
0x92: {  	_ =	strace s17  }
0x93: {  	s2 =	sld [smem:$0x3FFC];
	_ =	sdelay $0x3  }
0x94: {  	_ =	strace s2  }
0x95: {  	s2 =	sld [smem:$0x3FFD];
	_ =	sdelay $0x3  }
0x96: {  	_ =	strace s2  }
0x97: {  	_ =	strace $0x8FFFFFFF  }
0x98: {  	s18 =	sld [smem:$0x3FDB];
	_ =	sdelay $0x1  }
0x99: {  	s19 =	simm.s32 $_scs_section_size  }
0x9a: {  	s4 =	simm.s32 $_size__tile_overlayer_lowered;
	s5 =	simm.s32 $_tile_overlayer_lowered  }
0x9b: {  	s22 =	simm.s32 $0x1BFF;
	s21 =	sshll.u32 s5, $0x1;
	s2 =	sadd.s32 s19, s18  }
0x9c: {  	s6 =	simm.s32 $0x0;
	s20 =	sshll.u32 s4, $0x1;
	s4 =	sadd.s32 s21, s2  }
0x9d: {  	[timem:s6], [sflag:s22] =	dma.local [hbm:s4], s20  }
0x9e: {  	_ =	swait.ge [sflag:s22], s20  }
0x9f: {  	s3 =	ssub.s32 $0x0, s20;
	[sflag:s22] =	ssyncset.done $0x0  }
0xa0: {  	[sflag:s22] =	ssyncadd.s32 s3;
	_ =	sdelay $0x1  }
0xa1: {  	s23 =	simm.s32 $0x1B8B  }
0xa2: {  	_ =	swait.ge [sflag:s23], $0x1  }
0xa3: {  	[sflag:s23] =	ssyncset.done $0x0  }
0xa4: {  	s25 =	simm.s32 $0x1B8E;
	s24 =	sld [smem:$0x3FFE];
	[sflag:s23] =	ssyncadd.s32 $0xFFFFFFFF  }
0xa5: {  	s26 =	simm.s32 $execute0_lowered;
	[smem:$0x3FD2] =	sst s25  }
0xa6: {  	s4 =	sshll.u32 s26, $0x1;
	_ =	strace $0x8000004C;
	[dreg:$0x1] =	wrdreg $0xFFFFFFFF  }
0xa7: {  	s28 =	simm.s32 $_size_execute0_lowered;
	s2 =	sadd.s32 s2, s4;
	[dreg:$0x0] =	wrdreg $0x0  }
0xa8: {  	s4 =	sshll.u32 s28, $0x1;
	[dreg:$0x2] =	wrdreg s2  }
0xa9: {  	[dreg:$0x3] =	wrdreg s4  }
0xaa: {  	[dreg:$0x4] =	wrdreg $0xC0  }
0xab: {  	_ =	task [dreg:s6], $0x5FFFF  }
0xac: {  	[dreg:$0x1] =	wrdreg $0xFFFFFFFF  }
0xad: {  	[dreg:$0x0] =	wrdreg $0x60  }
0xae: {  	[dreg:$0x2] =	wrdreg s24  }
0xaf: {  	[dreg:$0x3] =	wrdreg $0xB0000  }
0xb0: {  	[dreg:$0x4] =	wrdreg $0x9  }
0xb1: {  	_ =	task.clear_ibuf [dreg:s6], $0x5FFFF;
	_ =	strace $0x9000004C  }
0xb2: {  	s29 =	simm.s32 $0x9;
	_ =	strace $0x8000004E  }
0xb3: {  	_ =	swait.ge [sflag:s29], $0x1  }
0xb4: {  	[sflag:s29] =	ssyncadd.s32 $0xFFFFFFFF  }
0xb5: {  	_ =	strace $0x9000004E  }
0xb6: {  	_ =	sfence  }
0xb7: {  	s30 =	sld [smem:$0x0];
	_ =	sdelay $0x2  }
0xb8: {  	s31 =	sshll.u32 s1, $0xD;
	s1 =	sshrl.u32 s1, $0x2  }
0xb9: {  	s3 =	sand.u32 $0x4000, s31;
	s1 =	sadd.s32 s1, s30  }
0xba: {  	s0 =	sor.u32 s3, s0;
	s1 =	sshll.u32 s1, $0x11  }
0xbb: {  	s0 =	sor.u32 s1, s0  }
0xbc: {  	s0 =	sadd.s32 $0x8F2B, s0  }
0xbd: {  	[sflag:s0] =	ssyncadd.remote.s32 $0x1  }
0xbe: {  	_ =	sfence.sel $0xFFFF  }
0xbf: {  	[dreg:$0x0] =	wrdreg $0xFFFFFFFF;
	(pc) =	sbr.abs _section_cstart, $3  }
0xc0: {  	[dreg:$0x1] =	wrdreg $0xFFFFFFFF  }
0xc1: {  	_ =	task.clear_ibuf [dreg:s6], $0x2FFFF;
	_ =	strace $0x9FFFFFFF  }
0xc2: {  	(tm) =	ssettm $0x7FFFFFFF  }
0xc3: {  	_ =	shalt  }
tec
execute0_lowered:
.L_overlay_start_1:
0x0: {  	(tag) =	ssettag $0x1  }
0x1: {  	s0 =	rddreg [dreg:$0x0]  }
0x2: {  	s2 =	rddreg [dreg:$0x1];
	s5 =	simm.s32 $0x0  }
0x3: {  	s1 =	srdreg.scid;
	s8 =	stileid.u32;
	s28 =	simm.s32 $0x5000  }
0x4: {  	s30 =	simm.s32 $0x1;
	s29 =	simm.s32 $0xE80;
	s3 =	smul.u32 $0x90, s8  }
0x5: {  	s31 =	simm.s32 $0xF00;
	s1 =	sand.u32 $0x1, s1;
	s6 =	smul.u32 $0x50000, s8  }
0x6: {  	s4 =	sshll.u32 s8, $0x4;
	[smem:$0x7FF] =	sst s5;
	s23 =	smul.u32 $0x14000, s8  }
0x7: {  	s8 =	simm.s32 $0x400;
	p0 =	seq.s32 s1, $0x0;
	s5 =	sor.u32 $0x900, s4  }
0x8: {  	_ =	strace $0x8000004D;
	s4 =	sadd.s32 $0x53E00, s0;
	s22 =	ssub.s32 $0x2, s1  }
0x9: {  	s9 =	smul.u32 $0x140000, s1;
	s5 =	smov.u32 @p0 s3;
	s7 =	sshrl.u32 s22, $0x1  }
0xa: {  	s6 =	sshrl.u32 s6, $0x2;
	s25 =	sadd.s32 $0x4000, s23;
	s26 =	sadd.s32 $0x8000, s23  }
0xb: {  	s13 =	sadd.s32 $0xC000, s23;
	s15 =	sadd.s32 $0x10000, s23;
	p0 =	sne.s32 s1, $0x0  }
0xc: {  	s1 =	simm.s32 $0x0;
	s3 =	sshll.u32 s5, $0x4;
	s5 =	ssub.s32 s22, s7  }
0xd: {  	s18 =	sadd.s32 s6, s2;
	s21 =	sadd.s32 s25, s2;
	s11 =	sadd.s32 s26, s2  }
0xe: {  	s7 =	sadd.s32 s23, s9;
	s17 =	sadd.s32 s9, s26;
	s22 =	sadd.s32 s9, s13  }
0xf: {  	s23 =	sadd.s32 s9, s15;
	s6 =	simm.s32 $0xD00;
	[dreg:$0x9] =	wrdreg s11  }
0x10: {  	s3 =	sadd.s32 s3, s0;
	s0 =	sadd.s32 $0x7BE00, s0;
	[dreg:$0x5] =	wrdreg s18  }
0x11: {  	s24 =	sadd.s32 $0x2000, s18;
	s10 =	sadd.s32 $0x6000, s18;
	[dreg:$0x7] =	wrdreg s21  }
0x12: {  	s12 =	sadd.s32 $0xA000, s18;
	s14 =	sadd.s32 $0xE000, s18;
	[dreg:$0x6] =	wrdreg s24  }
0x13: {  	s11 =	sadd.s32 s15, s2;
	s16 =	sadd.s32 $0x12000, s18;
	[dreg:$0x8] =	wrdreg s10  }
0x14: {  	s7 =	sshrl.u32 s7, $0x3;
	s26 =	smax.u32 s5, $0x1;
	[dreg:$0xa] =	wrdreg s12  }
0x15: {  	s5 =	simm.s32 $0x580;
	s15 =	simm.s32 $0xE00;
	[dreg:$0xc] =	wrdreg s14  }
0x16: {  	s19 =	sadd.s32 $0xDE00, s3;
	s20 =	sadd.s32 $0x3E00, s3;
	[dreg:$0xd] =	wrdreg s11  }
0x17: {  	s10 =	sadd.s32 s13, s2;
	s3 =	sadd.s32 s9, s25;
	[dreg:$0xe] =	wrdreg s16  }
0x18: {  	s7 =	sadd.s32 s0, s7;
	s24 =	sshrl.u32 s22, $0x3;
	s25 =	sshrl.u32 s23, $0x3  }
0x19: {  	[dreg:$0x14] =	wrdreg s26;
	s23 =	simm.s32 $0x3;
	s26 =	simm.s32 $0x1000  }
0x1a: {  	s12 =	simm.s32 $0x480;
	s14 =	simm.s32 $0xC00;
	[dreg:$0xb] =	wrdreg s10  }
0x1b: {  	s22 =	simm.s32 $0x500;
	s9 =	simm.s32 $0x600;
	[dreg:$0xf] =	wrdreg s7  }
0x1c: {  	s11 =	simm.s32 $0xD80;
	s3 =	sshrl.u32 s3, $0x3;
	[dreg:$0x3] =	wrdreg s19  }
0x1d: {  	s13 =	simm.s32 $0x680;
	[dreg:$0x4] =	wrdreg s20;
	s3 =	sadd.s32 s0, s3  }
0x1e: {  	s10 =	simm.s32 $0xB80;
	[dreg:$0x10] =	wrdreg s3;
	s3 =	sshrl.u32 s17, $0x3  }
0x1f: {  	s7 =	simm.s32 $0x700;
	s17 =	simm.s32 $0x800;
	s3 =	sadd.s32 s0, s3  }
0x20: {  	[dreg:$0x11] =	wrdreg s3;
	s3 =	sadd.s32 s0, s24;
	s0 =	sadd.s32 s0, s25  }
0x21: {  	s25 =	simm.s32 $0x80;
	s24 =	simm.s32 $0x780;
	[dreg:$0x12] =	wrdreg s3  }
0x22: {  	v0 =	vimm.f32 $0.0e+00;
	[dreg:$0x13] =	wrdreg s0;
	s0 =	simm.s32 $0x2;
	s3 =	simm.s32 $0xC80  }
.LBB2_1:
0x23: {  	[dreg:$0x15] =	wrdreg s1;
	s16 =	simm.s32 $0x0  }
0x24: {  	[tilespmem:s16], [sflag:$0x3] =	stream.linear.gather [hbm4b:s19+s16], $0x800, $0x38;
	[tilespmem:$0x1F000] =	vst v63  }
0x25: {  	_ =	swait.ge [sflag:s23], $0x800  }
0x26: {  	[sflag:s23] =	ssyncset.done $0x0  }
0x27: {  	[sflag:s23] =	ssyncadd.s32 $0xFFFFF800  }
0x28: {  	[tilespmem:s17], [sflag:$0x3] =	stream.linear.gather [hbm4b:s20+s16], $0x800, $0x38;
	[tilespmem:$0x1F000] =	vst v63  }
0x29: {  	_ =	swait.ge [sflag:s23], $0x800  }
0x2a: {  	[sflag:s23] =	ssyncset.done $0x0  }
0x2b: {  	[sflag:s23] =	ssyncadd.s32 $0xFFFFF800  }
0x2c: {  	[tilespmem:s26], [sflag:$0x1] =	stream.indirect.gather [hbm4b:s4+s25], $0x80, s16, s25, $0xb8;
	[tilespmem:$0x1F000] =	vst v63  }
0x2d: {  	s17 =	simm.s32 $0x200;
	s16 =	simm.s32 $0x0  }
0x2e: {  	[tilespmem:s28], [sflag:$0x2] =	stream.indirect.gather [hbm4b:s4+s25], $0x80, s25, s25, $0xb8;
	[tilespmem:$0x1F000] =	vst v63  }
.LBB2_2:
0x2f: {  	p1 =	sne.s32 s17, $0x7E00;
	[tilespmem:s16+$0x9070] =	vst v0  }
0x30: {  	[tilespmem:s16+$0x9000] =	vst v0  }
0x31: {  	[tilespmem:s16+$0x9010] =	vst v0  }
.Ltmp0:
0x32: {  	[tilespmem:s16+$0x9020] =	vst v0;
	(pc) =	sbr.rel @p1 .LBB2_2-.Ltmp0, $4  }
0x33: {  	[tilespmem:s16+$0x9030] =	vst v0  }
0x34: {  	[tilespmem:s16+$0x9040] =	vst v0  }
0x35: {  	[tilespmem:s16+$0x9050] =	vst v0  }
0x36: {  	[tilespmem:s16+$0x9060] =	vst v0;
	s16 =	sshra.s32 s17, $0x2;
	s17 =	sadd.s32 $0x200, s17  }
0x37: {  	[tilespmem:s16+$0x9070] =	vst v0  }
0x38: {  	[tilespmem:s16+$0x9000] =	vst v0  }
0x39: {  	[tilespmem:s16+$0x9010] =	vst v0  }
0x3a: {  	[tilespmem:s16+$0x9020] =	vst v0  }
0x3b: {  	[tilespmem:s16+$0x9030] =	vst v0  }
0x3c: {  	[tilespmem:s16+$0x9040] =	vst v0  }
0x3d: {  	[tilespmem:s16+$0x9050] =	vst v0  }
0x3e: {  	[tilespmem:s16+$0x9060] =	vst v0;
	s17 =	simm.s32 $0x9000  }
0x3f: {  	[spmem:s18] =	stream.linear.scatter [tilespmem:s17], [sflag:$0x3], $0x2000, $0x38;
	[tilespmem:$0x1F000] =	vst v63  }
0x40: {  	_ =	swait.ge [sflag:s23], $0x2000  }
0x41: {  	[sflag:s23] =	ssyncset.done $0x0  }
0x42: {  	s18 =	rddreg [dreg:$0x6];
	[sflag:s23] =	ssyncadd.s32 $0xFFFFE000  }
0x43: {  	[spmem:s18] =	stream.linear.scatter [tilespmem:s17], [sflag:$0x3], $0x2000, $0x38;
	[tilespmem:$0x1F000] =	vst v63  }
0x44: {  	_ =	swait.ge [sflag:s23], $0x2000  }
0x45: {  	[sflag:s23] =	ssyncset.done $0x0  }
0x46: {  	[sflag:s23] =	ssyncadd.s32 $0xFFFFE000  }
0x47: {  	[spmem:s21] =	stream.linear.scatter [tilespmem:s17], [sflag:$0x3], $0x2000, $0x38;
	[tilespmem:$0x1F000] =	vst v63  }
0x48: {  	_ =	swait.ge [sflag:s23], $0x2000  }
0x49: {  	[sflag:s23] =	ssyncset.done $0x0  }
0x4a: {  	s21 =	rddreg [dreg:$0x8];
	[sflag:s23] =	ssyncadd.s32 $0xFFFFE000  }
0x4b: {  	[spmem:s21] =	stream.linear.scatter [tilespmem:s17], [sflag:$0x3], $0x2000, $0x38;
	[tilespmem:$0x1F000] =	vst v63  }
0x4c: {  	_ =	swait.ge [sflag:s23], $0x2000  }
0x4d: {  	[sflag:s23] =	ssyncset.done $0x0  }
0x4e: {  	s1 =	rddreg [dreg:$0x9];
	[sflag:s23] =	ssyncadd.s32 $0xFFFFE000  }
0x4f: {  	[spmem:s1] =	stream.linear.scatter [tilespmem:s17], [sflag:$0x3], $0x2000, $0x38;
	[tilespmem:$0x1F000] =	vst v63  }
0x50: {  	_ =	swait.ge [sflag:s23], $0x2000  }
0x51: {  	[sflag:s23] =	ssyncset.done $0x0  }
0x52: {  	s18 =	rddreg [dreg:$0xa];
	[sflag:s23] =	ssyncadd.s32 $0xFFFFE000  }
0x53: {  	[spmem:s18] =	stream.linear.scatter [tilespmem:s17], [sflag:$0x3], $0x2000, $0x38;
	[tilespmem:$0x1F000] =	vst v63  }
0x54: {  	_ =	swait.ge [sflag:s23], $0x2000  }
0x55: {  	[sflag:s23] =	ssyncset.done $0x0  }
0x56: {  	s21 =	rddreg [dreg:$0xb];
	[sflag:s23] =	ssyncadd.s32 $0xFFFFE000  }
0x57: {  	[spmem:s21] =	stream.linear.scatter [tilespmem:s17], [sflag:$0x3], $0x2000, $0x38;
	[tilespmem:$0x1F000] =	vst v63  }
0x58: {  	_ =	swait.ge [sflag:s23], $0x2000  }
0x59: {  	[sflag:s23] =	ssyncset.done $0x0  }
0x5a: {  	s1 =	rddreg [dreg:$0xc];
	[sflag:s23] =	ssyncadd.s32 $0xFFFFE000  }
0x5b: {  	[spmem:s1] =	stream.linear.scatter [tilespmem:s17], [sflag:$0x3], $0x2000, $0x38;
	[tilespmem:$0x1F000] =	vst v63  }
0x5c: {  	_ =	swait.ge [sflag:s23], $0x2000  }
0x5d: {  	[sflag:s23] =	ssyncset.done $0x0  }
0x5e: {  	s18 =	rddreg [dreg:$0xd];
	[sflag:s23] =	ssyncadd.s32 $0xFFFFE000  }
0x5f: {  	[spmem:s18] =	stream.linear.scatter [tilespmem:s17], [sflag:$0x3], $0x2000, $0x38;
	[tilespmem:$0x1F000] =	vst v63  }
0x60: {  	_ =	swait.ge [sflag:s23], $0x2000  }
0x61: {  	[sflag:s23] =	ssyncset.done $0x0  }
0x62: {  	s21 =	rddreg [dreg:$0xe];
	[sflag:s23] =	ssyncadd.s32 $0xFFFFE000  }
0x63: {  	[spmem:s21] =	stream.linear.scatter [tilespmem:s17], [sflag:$0x3], $0x2000, $0x38;
	[tilespmem:$0x1F000] =	vst v63  }
0x64: {  	_ =	swait.ge [sflag:s23], $0x2000  }
0x65: {  	[sflag:s23] =	ssyncset.done $0x0  }
0x66: {  	s16 =	smov.u32 s19;
	s1 =	simm.s32 $0xF80;
	[sflag:s23] =	ssyncadd.s32 $0xFFFFE000  }
0x67: {  	s18 =	simm.s32 $0x0;
	s17 =	smov.u32 s20;
	[bflag:$0x0] =	sbarrier.arrive $0xFFFF  }
.LBB2_4:
0x68: {  	p1 =	seq.s32 s18, $0x0  }
0x69: {  	s19 =	simm.s32 @!p1 $0x0;
	s20 =	simm.s32 @!p1 $0x3  }
0x6a: {  	[tilespmem:s19], [sflag:$0x3] =	stream.linear.gather @!p1 [hbm4b:s16+s19], $0x800, $0x38;
	[tilespmem:$0x1F000] =	vst v63  }
0x6b: {  	_ =	swait.ge @!p1 [sflag:s20], $0x800  }
0x6c: {  	[sflag:s20] =	ssyncset.done @!p1 $0x0  }
0x6d: {  	s21 =	simm.s32 @!p1 $0x800;
	[sflag:s20] =	ssyncadd.s32 @!p1 $0xFFFFF800  }
0x6e: {  	[tilespmem:s21], [sflag:$0x3] =	stream.linear.gather @!p1 [hbm4b:s17+s19], $0x800, $0x38;
	[tilespmem:$0x1F000] =	vst v63  }
0x6f: {  	_ =	swait.ge @!p1 [sflag:s20], $0x800  }
0x70: {  	[sflag:s20] =	ssyncset.done @!p1 $0x0  }
0x71: {  	s21 =	simm.s32 @!p1 $0x1000;
	[sflag:s20] =	ssyncadd.s32 @!p1 $0xFFFFF800;
	s20 =	simm.s32 @!p1 $0x80  }
0x72: {  	[tilespmem:s21], [sflag:$0x1] =	stream.indirect.gather @!p1 [hbm4b:s4+s20], $0x80, s19, s20, $0xb8;
	[tilespmem:$0x1F000] =	vst v63  }
0x73: {  	s19 =	simm.s32 @!p1 $0x5000  }
0x74: {  	[tilespmem:s19], [sflag:$0x2] =	stream.indirect.gather @!p1 [hbm4b:s4+s20], $0x80, s20, s20, $0xb8;
	[tilespmem:$0x1F000] =	vst v63  }
0x75: {  	_ =	swait.ge [sflag:s30], $0x4000  }
0x76: {  	[sflag:s30] =	ssyncset.done $0x0  }
0x77: {  	s21 =	simm.s32 $0x800;
	[sflag:s30] =	ssyncadd.s32 $0xFFFFC000  }
0x78: {  	[spmem:s2] =	stream.indirect.scatter.add.f32 [tilespmem:s26], [sflag:$0x3], $0x80, s21, s25, $0xb8;
	[tilespmem:$0x1F000] =	vst v63  }
0x79: {  	_ =	swait.ge [sflag:s23], $0x4000  }
0x7a: {  	[sflag:s23] =	ssyncset.done $0x0  }
0x7b: {  	s20 =	simm.s32 $0x100;
	[sflag:s23] =	ssyncadd.s32 $0xFFFFC000  }
0x7c: {  	[tilespmem:s26], [sflag:$0x1] =	stream.indirect.gather [hbm4b:s4+s25], $0x80, s20, s25, $0xb8;
	[tilespmem:$0x1F000] =	vst v63  }
0x7d: {  	_ =	swait.ge [sflag:s0], $0x4000  }
0x7e: {  	[sflag:s0] =	ssyncset.done $0x0  }
0x7f: {  	s21 =	simm.s32 $0x880;
	[sflag:s0] =	ssyncadd.s32 $0xFFFFC000  }
0x80: {  	[spmem:s2] =	stream.indirect.scatter.add.f32 [tilespmem:s28], [sflag:$0x3], $0x80, s21, s25, $0xb8;
	[tilespmem:$0x1F000] =	vst v63  }
0x81: {  	_ =	swait.ge [sflag:s23], $0x4000  }
0x82: {  	[sflag:s23] =	ssyncset.done $0x0  }
0x83: {  	s20 =	simm.s32 $0x180;
	[sflag:s23] =	ssyncadd.s32 $0xFFFFC000  }
0x84: {  	[tilespmem:s28], [sflag:$0x2] =	stream.indirect.gather [hbm4b:s4+s25], $0x80, s20, s25, $0xb8;
	[tilespmem:$0x1F000] =	vst v63  }
0x85: {  	_ =	swait.ge [sflag:s30], $0x4000  }
0x86: {  	[sflag:s30] =	ssyncset.done $0x0  }
0x87: {  	s21 =	simm.s32 $0x900;
	[sflag:s30] =	ssyncadd.s32 $0xFFFFC000  }
0x88: {  	[spmem:s2] =	stream.indirect.scatter.add.f32 [tilespmem:s26], [sflag:$0x3], $0x80, s21, s25, $0xb8;
	[tilespmem:$0x1F000] =	vst v63  }
0x89: {  	_ =	swait.ge [sflag:s23], $0x4000  }
0x8a: {  	[sflag:s23] =	ssyncset.done $0x0  }
0x8b: {  	s20 =	simm.s32 $0x200;
	[sflag:s23] =	ssyncadd.s32 $0xFFFFC000  }
0x8c: {  	[tilespmem:s26], [sflag:$0x1] =	stream.indirect.gather [hbm4b:s4+s25], $0x80, s20, s25, $0xb8;
	[tilespmem:$0x1F000] =	vst v63  }
0x8d: {  	_ =	swait.ge [sflag:s0], $0x4000  }
0x8e: {  	[sflag:s0] =	ssyncset.done $0x0  }
0x8f: {  	s21 =	simm.s32 $0x980;
	[sflag:s0] =	ssyncadd.s32 $0xFFFFC000  }
0x90: {  	[spmem:s2] =	stream.indirect.scatter.add.f32 [tilespmem:s28], [sflag:$0x3], $0x80, s21, s25, $0xb8;
	[tilespmem:$0x1F000] =	vst v63  }
0x91: {  	_ =	swait.ge [sflag:s23], $0x4000  }
0x92: {  	[sflag:s23] =	ssyncset.done $0x0  }
0x93: {  	s20 =	simm.s32 $0x280;
	[sflag:s23] =	ssyncadd.s32 $0xFFFFC000  }
0x94: {  	[tilespmem:s28], [sflag:$0x2] =	stream.indirect.gather [hbm4b:s4+s25], $0x80, s20, s25, $0xb8;
	[tilespmem:$0x1F000] =	vst v63  }
0x95: {  	_ =	swait.ge [sflag:s30], $0x4000  }
0x96: {  	[sflag:s30] =	ssyncset.done $0x0  }
0x97: {  	s21 =	simm.s32 $0xA00;
	[sflag:s30] =	ssyncadd.s32 $0xFFFFC000  }
0x98: {  	[spmem:s2] =	stream.indirect.scatter.add.f32 [tilespmem:s26], [sflag:$0x3], $0x80, s21, s25, $0xb8;
	[tilespmem:$0x1F000] =	vst v63  }
0x99: {  	_ =	swait.ge [sflag:s23], $0x4000  }
0x9a: {  	[sflag:s23] =	ssyncset.done $0x0  }
0x9b: {  	s20 =	simm.s32 $0x300;
	[sflag:s23] =	ssyncadd.s32 $0xFFFFC000  }
0x9c: {  	[tilespmem:s26], [sflag:$0x1] =	stream.indirect.gather [hbm4b:s4+s25], $0x80, s20, s25, $0xb8;
	[tilespmem:$0x1F000] =	vst v63  }
0x9d: {  	_ =	swait.ge [sflag:s0], $0x4000  }
0x9e: {  	[sflag:s0] =	ssyncset.done $0x0  }
0x9f: {  	s21 =	simm.s32 $0xA80;
	[sflag:s0] =	ssyncadd.s32 $0xFFFFC000  }
0xa0: {  	[spmem:s2] =	stream.indirect.scatter.add.f32 [tilespmem:s28], [sflag:$0x3], $0x80, s21, s25, $0xb8;
	[tilespmem:$0x1F000] =	vst v63  }
0xa1: {  	_ =	swait.ge [sflag:s23], $0x4000  }
0xa2: {  	[sflag:s23] =	ssyncset.done $0x0  }
0xa3: {  	s20 =	simm.s32 $0x380;
	[sflag:s23] =	ssyncadd.s32 $0xFFFFC000  }
0xa4: {  	[tilespmem:s28], [sflag:$0x2] =	stream.indirect.gather [hbm4b:s4+s25], $0x80, s20, s25, $0xb8;
	[tilespmem:$0x1F000] =	vst v63  }
0xa5: {  	_ =	swait.ge [sflag:s30], $0x4000  }
0xa6: {  	[sflag:s30] =	ssyncset.done $0x0  }
0xa7: {  	s21 =	simm.s32 $0xB00;
	[sflag:s30] =	ssyncadd.s32 $0xFFFFC000  }
0xa8: {  	[spmem:s2] =	stream.indirect.scatter.add.f32 [tilespmem:s26], [sflag:$0x3], $0x80, s21, s25, $0xb8;
	[tilespmem:$0x1F000] =	vst v63  }
0xa9: {  	_ =	swait.ge [sflag:s23], $0x4000  }
0xaa: {  	[sflag:s23] =	ssyncset.done $0x0  }
0xab: {  	[sflag:s23] =	ssyncadd.s32 $0xFFFFC000  }
0xac: {  	[tilespmem:s26], [sflag:$0x1] =	stream.indirect.gather [hbm4b:s4+s25], $0x80, s8, s25, $0xb8;
	[tilespmem:$0x1F000] =	vst v63  }
0xad: {  	_ =	swait.ge [sflag:s0], $0x4000  }
0xae: {  	[sflag:s0] =	ssyncset.done $0x0  }
0xaf: {  	[sflag:s0] =	ssyncadd.s32 $0xFFFFC000  }
0xb0: {  	[spmem:s2] =	stream.indirect.scatter.add.f32 [tilespmem:s28], [sflag:$0x3], $0x80, s10, s25, $0xb8;
	[tilespmem:$0x1F000] =	vst v63  }
0xb1: {  	_ =	swait.ge [sflag:s23], $0x4000  }
0xb2: {  	[sflag:s23] =	ssyncset.done $0x0  }
0xb3: {  	[sflag:s23] =	ssyncadd.s32 $0xFFFFC000  }
0xb4: {  	[tilespmem:s28], [sflag:$0x2] =	stream.indirect.gather [hbm4b:s4+s25], $0x80, s12, s25, $0xb8;
	[tilespmem:$0x1F000] =	vst v63  }
0xb5: {  	_ =	swait.ge [sflag:s30], $0x4000  }
0xb6: {  	[sflag:s30] =	ssyncset.done $0x0  }
0xb7: {  	[sflag:s30] =	ssyncadd.s32 $0xFFFFC000  }
0xb8: {  	[spmem:s2] =	stream.indirect.scatter.add.f32 [tilespmem:s26], [sflag:$0x3], $0x80, s14, s25, $0xb8;
	[tilespmem:$0x1F000] =	vst v63  }
0xb9: {  	_ =	swait.ge [sflag:s23], $0x4000  }
0xba: {  	[sflag:s23] =	ssyncset.done $0x0  }
0xbb: {  	[sflag:s23] =	ssyncadd.s32 $0xFFFFC000  }
0xbc: {  	[tilespmem:s26], [sflag:$0x1] =	stream.indirect.gather [hbm4b:s4+s25], $0x80, s22, s25, $0xb8;
	[tilespmem:$0x1F000] =	vst v63  }
0xbd: {  	_ =	swait.ge [sflag:s0], $0x4000  }
0xbe: {  	[sflag:s0] =	ssyncset.done $0x0  }
0xbf: {  	[sflag:s0] =	ssyncadd.s32 $0xFFFFC000  }
0xc0: {  	[spmem:s2] =	stream.indirect.scatter.add.f32 [tilespmem:s28], [sflag:$0x3], $0x80, s3, s25, $0xb8;
	[tilespmem:$0x1F000] =	vst v63  }
0xc1: {  	_ =	swait.ge [sflag:s23], $0x4000  }
0xc2: {  	[sflag:s23] =	ssyncset.done $0x0  }
0xc3: {  	[sflag:s23] =	ssyncadd.s32 $0xFFFFC000  }
0xc4: {  	[tilespmem:s28], [sflag:$0x2] =	stream.indirect.gather [hbm4b:s4+s25], $0x80, s5, s25, $0xb8;
	[tilespmem:$0x1F000] =	vst v63  }
0xc5: {  	_ =	swait.ge [sflag:s30], $0x4000  }
0xc6: {  	[sflag:s30] =	ssyncset.done $0x0  }
0xc7: {  	[sflag:s30] =	ssyncadd.s32 $0xFFFFC000  }
0xc8: {  	[spmem:s2] =	stream.indirect.scatter.add.f32 [tilespmem:s26], [sflag:$0x3], $0x80, s6, s25, $0xb8;
	[tilespmem:$0x1F000] =	vst v63  }
0xc9: {  	_ =	swait.ge [sflag:s23], $0x4000  }
0xca: {  	[sflag:s23] =	ssyncset.done $0x0  }
0xcb: {  	[sflag:s23] =	ssyncadd.s32 $0xFFFFC000  }
0xcc: {  	[tilespmem:s26], [sflag:$0x1] =	stream.indirect.gather [hbm4b:s4+s25], $0x80, s9, s25, $0xb8;
	[tilespmem:$0x1F000] =	vst v63  }
0xcd: {  	_ =	swait.ge [sflag:s0], $0x4000  }
0xce: {  	[sflag:s0] =	ssyncset.done $0x0  }
0xcf: {  	[sflag:s0] =	ssyncadd.s32 $0xFFFFC000  }
0xd0: {  	[spmem:s2] =	stream.indirect.scatter.add.f32 [tilespmem:s28], [sflag:$0x3], $0x80, s11, s25, $0xb8;
	[tilespmem:$0x1F000] =	vst v63  }
0xd1: {  	_ =	swait.ge [sflag:s23], $0x4000  }
0xd2: {  	[sflag:s23] =	ssyncset.done $0x0  }
0xd3: {  	[sflag:s23] =	ssyncadd.s32 $0xFFFFC000  }
0xd4: {  	[tilespmem:s28], [sflag:$0x2] =	stream.indirect.gather [hbm4b:s4+s25], $0x80, s13, s25, $0xb8;
	[tilespmem:$0x1F000] =	vst v63  }
0xd5: {  	_ =	swait.ge [sflag:s30], $0x4000  }
0xd6: {  	[sflag:s30] =	ssyncset.done $0x0  }
0xd7: {  	[sflag:s30] =	ssyncadd.s32 $0xFFFFC000  }
0xd8: {  	[spmem:s2] =	stream.indirect.scatter.add.f32 [tilespmem:s26], [sflag:$0x3], $0x80, s15, s25, $0xb8;
	[tilespmem:$0x1F000] =	vst v63  }
0xd9: {  	_ =	swait.ge [sflag:s23], $0x4000  }
0xda: {  	[sflag:s23] =	ssyncset.done $0x0  }
0xdb: {  	[sflag:s23] =	ssyncadd.s32 $0xFFFFC000  }
0xdc: {  	[tilespmem:s26], [sflag:$0x1] =	stream.indirect.gather [hbm4b:s4+s25], $0x80, s7, s25, $0xb8;
	[tilespmem:$0x1F000] =	vst v63  }
0xdd: {  	_ =	swait.ge [sflag:s0], $0x4000  }
0xde: {  	[sflag:s0] =	ssyncset.done $0x0  }
0xdf: {  	[sflag:s0] =	ssyncadd.s32 $0xFFFFC000  }
0xe0: {  	[spmem:s2] =	stream.indirect.scatter.add.f32 [tilespmem:s28], [sflag:$0x3], $0x80, s29, s25, $0xb8;
	[tilespmem:$0x1F000] =	vst v63  }
0xe1: {  	_ =	swait.ge [sflag:s23], $0x4000  }
0xe2: {  	[sflag:s23] =	ssyncset.done $0x0  }
0xe3: {  	[sflag:s23] =	ssyncadd.s32 $0xFFFFC000  }
0xe4: {  	[tilespmem:s28], [sflag:$0x2] =	stream.indirect.gather [hbm4b:s4+s25], $0x80, s24, s25, $0xb8;
	[tilespmem:$0x1F000] =	vst v63  }
0xe5: {  	_ =	swait.ge [sflag:s30], $0x4000  }
0xe6: {  	[sflag:s30] =	ssyncset.done $0x0  }
0xe7: {  	[sflag:s30] =	ssyncadd.s32 $0xFFFFC000  }
0xe8: {  	[spmem:s2] =	stream.indirect.scatter.add.f32 [tilespmem:s26], [sflag:$0x3], $0x80, s31, s25, $0xb8;
	[tilespmem:$0x1F000] =	vst v63  }
0xe9: {  	_ =	swait.ge [sflag:s23], $0x4000  }
0xea: {  	[sflag:s23] =	ssyncset.done $0x0  }
0xeb: {  	[sflag:s23] =	ssyncadd.s32 $0xFFFFC000  }
0xec: {  	p1 =	slt.u32 @!p0 s18, $0x8;
	_ =	swait.ge [sflag:s0], $0x4000  }
0xed: {  	p1 =	por p0, !p1;
	[sflag:s0] =	ssyncset.done $0x0  }
.Ltmp1:
0xee: {  	[sflag:s0] =	ssyncadd.s32 $0xFFFFC000;
	(pc) =	sbr.rel @!p1 .LBB2_4-.Ltmp1, $4  }
0xef: {  	[spmem:s2] =	stream.indirect.scatter.add.f32 [tilespmem:s28], [sflag:$0x3], $0x80, s1, s25, $0xb8;
	[tilespmem:$0x1F000] =	vst v63  }
0xf0: {  	_ =	swait.ge [sflag:s23], $0x4000  }
0xf1: {  	s16 =	sadd.s32 $0x100, s16;
	[sflag:s23] =	ssyncset.done $0x0  }
0xf2: {  	s17 =	sadd.s32 $0x100, s17;
	s18 =	sadd.s32 $0x1, s18;
	[sflag:s23] =	ssyncadd.s32 $0xFFFFC000  }
0xf3: {  	s16 =	stileid.u32;
	[bflag:$0x0] =	sbarrier.arrive $0xFFFF  }
0xf4: {  	s16 =	sshll.u32 s16, $0x6;
	s18 =	rddreg [dreg:$0x5]  }
0xf5: {  	s19 =	rddreg [dreg:$0xf];
	s16 =	sor.u32 $0x1C03, s16;
	s17 =	sshrl.u32 s18, $0x3  }
0xf6: {  	[hbm:s19], [sflag:s16] =	dma.local [spmem:s17], $0x800  }
0xf7: {  	_ =	swait.ge [sflag:s23], $0x800  }
0xf8: {  	[sflag:s23] =	ssyncset.done $0x0;
	s21 =	rddreg [dreg:$0x7]  }
0xf9: {  	s1 =	rddreg [dreg:$0x10];
	[sflag:s23] =	ssyncadd.s32 $0xFFFFF800;
	s20 =	sshrl.u32 s21, $0x3  }
0xfa: {  	[hbm:s1], [sflag:s16] =	dma.local [spmem:s20], $0x800  }
0xfb: {  	_ =	swait.ge [sflag:s23], $0x800  }
0xfc: {  	[sflag:s23] =	ssyncset.done $0x0;
	s20 =	rddreg [dreg:$0x9]  }
0xfd: {  	s1 =	rddreg [dreg:$0x11];
	[sflag:s23] =	ssyncadd.s32 $0xFFFFF800;
	s17 =	sshrl.u32 s20, $0x3  }
0xfe: {  	[hbm:s1], [sflag:s16] =	dma.local [spmem:s17], $0x800  }
0xff: {  	_ =	swait.ge [sflag:s23], $0x800  }
0x100: {  	[sflag:s23] =	ssyncset.done $0x0;
	s20 =	rddreg [dreg:$0xb]  }
0x101: {  	s1 =	rddreg [dreg:$0x12];
	[sflag:s23] =	ssyncadd.s32 $0xFFFFF800;
	s17 =	sshrl.u32 s20, $0x3  }
0x102: {  	[hbm:s1], [sflag:s16] =	dma.local [spmem:s17], $0x800  }
0x103: {  	_ =	swait.ge [sflag:s23], $0x800  }
0x104: {  	[sflag:s23] =	ssyncset.done $0x0;
	s20 =	rddreg [dreg:$0xd]  }
0x105: {  	s1 =	rddreg [dreg:$0x13];
	[sflag:s23] =	ssyncadd.s32 $0xFFFFF800;
	s17 =	sshrl.u32 s20, $0x3  }
0x106: {  	[hbm:s1], [sflag:s16] =	dma.local [spmem:s17], $0x800  }
0x107: {  	_ =	swait.ge [sflag:s23], $0x800  }
0x108: {  	s1 =	rddreg [dreg:$0x15]  }
0x109: {  	s20 =	rddreg [dreg:$0x14];
	s1 =	sadd.s32 $0x1, s1  }
0x10a: {  	p1 =	sne.s32 s1, s20  }
.Ltmp2:
0x10b: {  	_ = 	snop;
	(pc) =	sbr.rel @p1 .LBB2_1-.Ltmp2, $3  }
0x10c: {  	_ =	sdelay $0x1  }
0x10d: {  	[sflag:s23] =	ssyncset.done $0x0;
	s19 =	rddreg [dreg:$0x3]  }
0x10e: {  	s17 =	simm.s32 $0x800;
	[sflag:s23] =	ssyncadd.s32 $0xFFFFF800;
	s20 =	rddreg [dreg:$0x4]  }
0x10f: {  	_ =	sfence.sel $0x180000  }
0x110: {  	[bflag:$0x0] =	sbarrier.arrive $0xFFFF  }
0x111: {  	_ =	strace $0x9000004D  }
0x112: {  	s0 =	stileid.u32;
	[bflag:$0x2] =	sbarrier.arrive $0xFFFF  }
0x113: {  	p0 =	sne.s32 s0, $0x0;
	s0 =	rddreg [dreg:$0x2]  }
0x114: {  	s0 =	sadd.s32 @!p0 $0x100000, s0  }
0x115: {  	[sflag:s0] =	ssyncadd.tile.s32 @!p0 $0x1;
	_ =	shalt  }
.Lfunc_end2:
_tile_overlayer_lowered:
.L_overlay_start_2:
0x116: {  	(tag) =	ssettag $0x2  }
0x117: {  	s0 =	rddreg [dreg:$0x0];
	s2 =	stileid.u32  }
0x118: {  	s1 =	rddreg [dreg:$0x1];
	p0 =	sne.s32 s2, $0x0  }
0x119: {  	s3 =	rddreg [dreg:$0x2];
	[bflag:$0x3] =	sbarrier.arrive $0xFFFF;
	s2 =	simm.s32 @!p0 $0x1C03  }
0x11a: {  	[timem:s3], [sflag:s2] =	dma.local @!p0 [hbm:s0], s1  }
0x11b: {  	s0 =	simm.s32 @!p0 $0x3  }
0x11c: {  	_ =	swait.ge @!p0 [sflag:s0], s1  }
0x11d: {  	s1 =	ssub.s32 @!p0 $0x0, s1;
	[sflag:s0] =	ssyncset.done @!p0 $0x0  }
0x11e: {  	[sflag:s0] =	ssyncadd.s32 @!p0 s1  }
0x11f: {  	[bflag:$0x3] =	sbarrier.arrive $0xFFFF  }
0x120: {  	_ =	shalt  }

// kernel: kernel.22.cloned.1.call-start
scs
__scs_entry_jumppad:
0x0: {  	(pc) =	sbr.rel $0x88, $3  }
0x1: {  	(tag) =	ssettag $0x0;
	lr =	simm.s32 $0x1  }
0x2: {  	[smem:$0x3F94] =	sst lr;
	_ =	strace $0xD0000000  }
0x3: {  	_ = 	snop  }
0x4: {  	_ = 	snop  }
0x5: {  	_ = 	snop  }
0x6: {  	_ = 	snop  }
0x7: {  	_ = 	snop  }
__scs_overlays_trampoline_lowered:
0x8: {  	[smem:$0x3FA3] =	sst s0  }
0x9: {  	[smem:$0x3FA4] =	sst s1  }
0xa: {  	[smem:$0x3FA5] =	sst s2  }
0xb: {  	[smem:$0x3FA6] =	sst s3  }
0xc: {  	[smem:$0x3FA7] =	sst s4  }
0xd: {  	[smem:$0x3FA8] =	sst s5  }
0xe: {  	[smem:$0x3FA9] =	sst s6  }
0xf: {  	[smem:$0x3FAA] =	sst s7  }
0x10: {  	[smem:$0x3FAB] =	sst s8  }
0x11: {  	[smem:$0x3FAC] =	sst s9;
	s0 =	simm.s32 @!p0 $0x0  }
0x12: {  	s1 =	sld [smem:$0x3F92];
	s0 =	simm.s32 @p0 $0x1  }
0x13: {  	[smem:$0x3FAD] =	sst s0;
	s0 =	simm.s32 @!p1 $0x0  }
0x14: {  	s2 =	sld [smem:$0x3F91];
	s0 =	simm.s32 @p1 $0x1  }
0x15: {  	[smem:$0x3FAE] =	sst s0;
	s0 =	simm.s32 @!p2 $0x0  }
0x16: {  	s3 =	sld [smem:$0x3FDB];
	s0 =	simm.s32 @p2 $0x1  }
0x17: {  	s4 =	simm.s32 $0x1BF5;
	[smem:$0x3FB0] =	sst s0  }
0x18: {  	s0 =	sld [smem:$0x3F93];
	_ =	swait.ge [sflag:s4], $0x0  }
0x19: {  	s7 =	sld [smem:$0x3F94]  }
0x1a: {  	s8 =	sadd.s32 $0xFFFFE003, lr  }
0x1b: {  	s9 =	sadd.s32 $0xFFFFFEF7, lr;
	s5 =	simm.s32 $0xFFFFFFFF;
	p2 =	slt.u32 s8, $0xFFFFF086  }
0x1c: {  	p1 =	slt.u32 s9, $0xF7A;
	s5 =	simm.s32 @!p2 $0x0  }
0x1d: {  	s5 =	simm.s32 @p1 $0x1;
	p0 =	seq.s32 s7, s2  }
0x1e: {  	s7 =	smul.u32 @!p0 $0xF7A, s2;
	p2 =	seq.s32 @!p0 s5, $0x0  }
0x1f: {  	s9 =	smul.u32 $0xF7A, s1;
	s8 =	simm.s32 @!p0 $0x1BF5;
	p2 =	por !p2, p0  }
0x20: {  	[sflag:s8] =	ssyncset.s32 @!p0 $0xFFFFF086;
	s6 =	sadd.s32 @!p0 s3, s7;
	s7 =	simm.s32 @!p0 $0x108  }
0x21: {  	s3 =	sadd.s32 s3, s9;
	s6 =	sadd.s32 @!p0 $0x88, s6;
	s7 =	simm.s32 @p2 $0x1082  }
0x22: {  	[simem:s7], [sflag:s8] =	dma.local @!p0 [hbm:s6], $0xF7A  }
0x23: {  	s9 =	sor.u32 $0xD0000000, s2;
	s6 =	simm.s32 $0x108;
	_ =	swait.ge @!p0 [sflag:s8], $0x0  }
0x24: {  	s3 =	sadd.s32 $0x88, s3;
	s6 =	simm.s32 @!p1 $0x1082;
	[sflag:s4] =	ssyncset.s32 $0xFFFFF086  }
0x25: {  	[simem:s6], [sflag:s4] =	dma.local [hbm:s3], $0xF7A  }
0x26: {  	[smem:$0x3F94] =	sst s1;
	(tag) =	ssettag s2;
	_ =	strace s9  }
0x27: {  	s1 =	sld [smem:$0x3FA4]  }
0x28: {  	s2 =	sld [smem:$0x3FA5]  }
0x29: {  	s4 =	sld [smem:$0x3FA7]  }
0x2a: {  	p0 =	seq.s32 s5, $0x0;
	s5 =	sld [smem:$0x3FA8]  }
0x2b: {  	s6 =	sld [smem:$0x3FA9]  }
0x2c: {  	s7 =	sld [smem:$0x3FAA]  }
0x2d: {  	s3 =	simm.s32 $0x108;
	s8 =	sld [smem:$0x3FAB]  }
0x2e: {  	s3 =	simm.s32 @!p0 $0x1082;
	s9 =	sld [smem:$0x3FAC]  }
0x2f: {  	lr =	sadd.s32 s0, s3;
	s0 =	sld [smem:$0x3FA3]  }
0x30: {  	s3 =	sld [smem:$0x3FA6]  }
0x31: {  	[smem:$0x3FAF] =	sst s10  }
0x32: {  	s10 =	sld [smem:$0x3FAD];
	_ =	sdelay $0x3  }
0x33: {  	p0 =	seq.s32 s10, $0x1;
	s10 =	sld [smem:$0x3FAF];
	_ =	sdelay $0x3  }
0x34: {  	[smem:$0x3FAF] =	sst s10  }
0x35: {  	s10 =	sld [smem:$0x3FAE];
	_ =	sdelay $0x3  }
0x36: {  	p1 =	seq.s32 s10, $0x1;
	s10 =	sld [smem:$0x3FAF];
	_ =	sdelay $0x3  }
0x37: {  	[smem:$0x3FAF] =	sst s10  }
0x38: {  	s10 =	sld [smem:$0x3FB0]  }
0x39: {  	_ = 	snop;
	(pc) =	sbr.ind lr, $3  }
0x3a: {  	_ = 	snop  }
0x3b: {  	_ = 	snop  }
0x3c: {  	p2 =	seq.s32 s10, $0x1;
	s10 =	sld [smem:$0x3FAF]  }
0x3d: {  	_ =	shalt  }
0x3e: {  	_ =	shalt  }
0x3f: {  	_ =	shalt  }
0x40: {  	_ =	shalt  }
0x41: {  	_ =	shalt  }
0x42: {  	_ =	shalt  }
0x43: {  	_ =	shalt  }
0x44: {  	_ =	shalt  }
0x45: {  	_ =	shalt  }
0x46: {  	_ =	shalt  }
0x47: {  	_ =	shalt  }
0x48: {  	_ =	shalt  }
0x49: {  	_ =	shalt  }
0x4a: {  	_ =	shalt  }
0x4b: {  	_ =	shalt  }
0x4c: {  	_ =	shalt  }
0x4d: {  	_ =	shalt  }
0x4e: {  	_ =	shalt  }
0x4f: {  	_ =	shalt  }
0x50: {  	_ =	shalt  }
0x51: {  	_ =	shalt  }
0x52: {  	_ =	shalt  }
0x53: {  	_ =	shalt  }
0x54: {  	_ =	shalt  }
0x55: {  	_ =	shalt  }
0x56: {  	_ =	shalt  }
0x57: {  	_ =	shalt  }
0x58: {  	_ =	shalt  }
0x59: {  	_ =	shalt  }
0x5a: {  	_ =	shalt  }
0x5b: {  	_ =	shalt  }
0x5c: {  	_ =	shalt  }
0x5d: {  	_ =	shalt  }
0x5e: {  	_ =	shalt  }
0x5f: {  	_ =	shalt  }
0x60: {  	_ =	shalt  }
0x61: {  	_ =	shalt  }
0x62: {  	_ =	shalt  }
0x63: {  	_ =	shalt  }
0x64: {  	_ =	shalt  }
0x65: {  	_ =	shalt  }
0x66: {  	_ =	shalt  }
0x67: {  	_ =	shalt  }
0x68: {  	_ =	shalt  }
0x69: {  	_ =	shalt  }
0x6a: {  	_ =	shalt  }
0x6b: {  	_ =	shalt  }
0x6c: {  	_ =	shalt  }
0x6d: {  	_ =	shalt  }
0x6e: {  	_ =	shalt  }
0x6f: {  	_ =	shalt  }
0x70: {  	_ =	shalt  }
0x71: {  	_ =	shalt  }
0x72: {  	_ =	shalt  }
0x73: {  	_ =	shalt  }
0x74: {  	_ =	shalt  }
0x75: {  	_ =	shalt  }
0x76: {  	_ =	shalt  }
0x77: {  	_ =	shalt  }
0x78: {  	_ =	shalt  }
0x79: {  	_ =	shalt  }
0x7a: {  	_ =	shalt  }
0x7b: {  	_ =	shalt  }
0x7c: {  	_ =	shalt  }
0x7d: {  	_ =	shalt  }
0x7e: {  	_ =	shalt  }
0x7f: {  	_ =	shalt  }
0x80: {  	_ =	shalt  }
0x81: {  	_ =	shalt  }
0x82: {  	_ =	shalt  }
0x83: {  	_ =	shalt  }
0x84: {  	_ =	shalt  }
0x85: {  	_ =	shalt  }
0x86: {  	_ =	shalt  }
0x87: {  	_ =	shalt  }
.Lfunc_end0:
.L_simem_size_0:
called_computation.3_lowered:
.L_overlay_start_0:
0x88: {  	s2 =	sld [smem:$0x3FD9]  }
0x89: {  	s3 =	sld [smem:$0x3FFE];
	_ =	sdelay $0x1  }
0x8a: {  	s1 =	srdreg.scid  }
0x8b: {  	s0 =	sand.u32 $0x1, s1  }
0x8c: {  	s16 =	sshll.u32 s0, $0xA;
	s2 =	sadd.s32 s3, s2  }
0x8d: {  	s2 =	sadd.s32 s2, s16  }
0x8e: {  	[smem:$0x3FBB] =	sst s2  }
0x8f: {  	_ = 	snop  }
0x90: {  	(tm) =	ssettm $0x1  }
0x91: {  	s17 =	sld [smem:$0x3FFB];
	_ =	sdelay $0x3  }
0x92: {  	_ =	strace s17  }
0x93: {  	s2 =	sld [smem:$0x3FFC];
	_ =	sdelay $0x3  }
0x94: {  	_ =	strace s2  }
0x95: {  	s2 =	sld [smem:$0x3FFD];
	_ =	sdelay $0x3  }
0x96: {  	_ =	strace s2  }
0x97: {  	_ =	strace $0x8FFFFFFF  }
0x98: {  	s18 =	sld [smem:$0x3FDB];
	_ =	sdelay $0x1  }
0x99: {  	s19 =	simm.s32 $_scs_section_size  }
0x9a: {  	s4 =	simm.s32 $_size__tile_overlayer_lowered;
	s5 =	simm.s32 $_tile_overlayer_lowered  }
0x9b: {  	s22 =	simm.s32 $0x1BFF;
	s21 =	sshll.u32 s5, $0x1;
	s2 =	sadd.s32 s19, s18  }
0x9c: {  	s6 =	simm.s32 $0x0;
	s20 =	sshll.u32 s4, $0x1;
	s4 =	sadd.s32 s21, s2  }
0x9d: {  	[timem:s6], [sflag:s22] =	dma.local [hbm:s4], s20  }
0x9e: {  	_ =	swait.ge [sflag:s22], s20  }
0x9f: {  	s3 =	ssub.s32 $0x0, s20;
	[sflag:s22] =	ssyncset.done $0x0  }
0xa0: {  	[sflag:s22] =	ssyncadd.s32 s3;
	_ =	sdelay $0x1  }
0xa1: {  	s23 =	simm.s32 $0x1B8B  }
0xa2: {  	_ =	swait.ge [sflag:s23], $0x1  }
0xa3: {  	[sflag:s23] =	ssyncset.done $0x0  }
0xa4: {  	s25 =	simm.s32 $0x1B8E;
	s24 =	sld [smem:$0x3FFE];
	[sflag:s23] =	ssyncadd.s32 $0xFFFFFFFF  }
0xa5: {  	s26 =	simm.s32 $execute0_lowered;
	[smem:$0x3FD2] =	sst s25  }
0xa6: {  	s4 =	sshll.u32 s26, $0x1;
	_ =	strace $0x8000004F;
	[dreg:$0x1] =	wrdreg $0xFFFFFFFF  }
0xa7: {  	s28 =	simm.s32 $_size_execute0_lowered;
	s2 =	sadd.s32 s2, s4;
	[dreg:$0x0] =	wrdreg $0x0  }
0xa8: {  	s4 =	sshll.u32 s28, $0x1;
	[dreg:$0x2] =	wrdreg s2  }
0xa9: {  	[dreg:$0x3] =	wrdreg s4  }
0xaa: {  	[dreg:$0x4] =	wrdreg $0xC0  }
0xab: {  	_ =	task [dreg:s6], $0x5FFFF  }
0xac: {  	[dreg:$0x1] =	wrdreg $0xFFFFFFFF  }
0xad: {  	[dreg:$0x0] =	wrdreg $0x60  }
0xae: {  	[dreg:$0x2] =	wrdreg s24  }
0xaf: {  	[dreg:$0x3] =	wrdreg $0xB0000  }
0xb0: {  	[dreg:$0x4] =	wrdreg $0x9  }
0xb1: {  	_ =	task.clear_ibuf [dreg:s6], $0x5FFFF;
	_ =	strace $0x9000004F  }
0xb2: {  	s29 =	simm.s32 $0x9;
	_ =	strace $0x80000051  }
0xb3: {  	_ =	swait.ge [sflag:s29], $0x1  }
0xb4: {  	[sflag:s29] =	ssyncadd.s32 $0xFFFFFFFF  }
0xb5: {  	_ =	strace $0x90000051  }
0xb6: {  	_ =	sfence  }
0xb7: {  	s30 =	sld [smem:$0x0];
	_ =	sdelay $0x2  }
0xb8: {  	s31 =	sshll.u32 s1, $0xD;
	s1 =	sshrl.u32 s1, $0x2  }
0xb9: {  	s3 =	sand.u32 $0x4000, s31;
	s1 =	sadd.s32 s1, s30  }
0xba: {  	s0 =	sor.u32 s3, s0;
	s1 =	sshll.u32 s1, $0x11  }
0xbb: {  	s0 =	sor.u32 s1, s0  }
0xbc: {  	s0 =	sadd.s32 $0x8F2B, s0  }
0xbd: {  	[sflag:s0] =	ssyncadd.remote.s32 $0x1  }
0xbe: {  	_ =	sfence.sel $0xFFFF  }
0xbf: {  	[dreg:$0x0] =	wrdreg $0xFFFFFFFF;
	(pc) =	sbr.abs _section_cstart, $3  }
0xc0: {  	[dreg:$0x1] =	wrdreg $0xFFFFFFFF  }
0xc1: {  	_ =	task.clear_ibuf [dreg:s6], $0x2FFFF;
	_ =	strace $0x9FFFFFFF  }
0xc2: {  	(tm) =	ssettm $0x7FFFFFFF  }
0xc3: {  	_ =	shalt  }
tec
execute0_lowered:
.L_overlay_start_1:
0x0: {  	(tag) =	ssettag $0x1  }
0x1: {  	s0 =	rddreg [dreg:$0x0]  }
0x2: {  	s2 =	rddreg [dreg:$0x1];
	s5 =	simm.s32 $0x0  }
0x3: {  	s1 =	srdreg.scid;
	s8 =	stileid.u32;
	s28 =	simm.s32 $0x5000  }
0x4: {  	s30 =	simm.s32 $0x1;
	s29 =	simm.s32 $0xE80;
	s3 =	smul.u32 $0x90, s8  }
0x5: {  	s31 =	simm.s32 $0xF00;
	s1 =	sand.u32 $0x1, s1;
	s6 =	smul.u32 $0x50000, s8  }
0x6: {  	s4 =	sshll.u32 s8, $0x4;
	[smem:$0x7FF] =	sst s5;
	s23 =	smul.u32 $0x14000, s8  }
0x7: {  	s8 =	simm.s32 $0x400;
	p0 =	seq.s32 s1, $0x0;
	s5 =	sor.u32 $0x900, s4  }
0x8: {  	_ =	strace $0x80000050;
	s4 =	sadd.s32 $0x53E00, s0;
	s22 =	ssub.s32 $0x2, s1  }
0x9: {  	s9 =	smul.u32 $0x140000, s1;
	s5 =	smov.u32 @p0 s3;
	s7 =	sshrl.u32 s22, $0x1  }
0xa: {  	s6 =	sshrl.u32 s6, $0x2;
	s25 =	sadd.s32 $0x4000, s23;
	s26 =	sadd.s32 $0x8000, s23  }
0xb: {  	s13 =	sadd.s32 $0xC000, s23;
	s15 =	sadd.s32 $0x10000, s23;
	p0 =	sne.s32 s1, $0x0  }
0xc: {  	s1 =	simm.s32 $0x0;
	s3 =	sshll.u32 s5, $0x4;
	s5 =	ssub.s32 s22, s7  }
0xd: {  	s18 =	sadd.s32 s6, s2;
	s21 =	sadd.s32 s25, s2;
	s11 =	sadd.s32 s26, s2  }
0xe: {  	s7 =	sadd.s32 s23, s9;
	s17 =	sadd.s32 s9, s26;
	s22 =	sadd.s32 s9, s13  }
0xf: {  	s23 =	sadd.s32 s9, s15;
	s6 =	simm.s32 $0xD00;
	[dreg:$0x9] =	wrdreg s11  }
0x10: {  	s3 =	sadd.s32 s3, s0;
	s0 =	sadd.s32 $0xCC000, s0;
	[dreg:$0x5] =	wrdreg s18  }
0x11: {  	s24 =	sadd.s32 $0x2000, s18;
	s10 =	sadd.s32 $0x6000, s18;
	[dreg:$0x7] =	wrdreg s21  }
0x12: {  	s12 =	sadd.s32 $0xA000, s18;
	s14 =	sadd.s32 $0xE000, s18;
	[dreg:$0x6] =	wrdreg s24  }
0x13: {  	s11 =	sadd.s32 s15, s2;
	s16 =	sadd.s32 $0x12000, s18;
	[dreg:$0x8] =	wrdreg s10  }
0x14: {  	s7 =	sshrl.u32 s7, $0x3;
	s26 =	smax.u32 s5, $0x1;
	[dreg:$0xa] =	wrdreg s12  }
0x15: {  	s5 =	simm.s32 $0x580;
	s15 =	simm.s32 $0xE00;
	[dreg:$0xc] =	wrdreg s14  }
0x16: {  	s19 =	sadd.s32 $0xDE00, s3;
	s20 =	sadd.s32 $0x3E00, s3;
	[dreg:$0xd] =	wrdreg s11  }
0x17: {  	s10 =	sadd.s32 s13, s2;
	s3 =	sadd.s32 s9, s25;
	[dreg:$0xe] =	wrdreg s16  }
0x18: {  	s7 =	sadd.s32 s0, s7;
	s24 =	sshrl.u32 s22, $0x3;
	s25 =	sshrl.u32 s23, $0x3  }
0x19: {  	[dreg:$0x14] =	wrdreg s26;
	s23 =	simm.s32 $0x3;
	s26 =	simm.s32 $0x1000  }
0x1a: {  	s12 =	simm.s32 $0x480;
	s14 =	simm.s32 $0xC00;
	[dreg:$0xb] =	wrdreg s10  }
0x1b: {  	s22 =	simm.s32 $0x500;
	s9 =	simm.s32 $0x600;
	[dreg:$0xf] =	wrdreg s7  }
0x1c: {  	s11 =	simm.s32 $0xD80;
	s3 =	sshrl.u32 s3, $0x3;
	[dreg:$0x3] =	wrdreg s19  }
0x1d: {  	s13 =	simm.s32 $0x680;
	[dreg:$0x4] =	wrdreg s20;
	s3 =	sadd.s32 s0, s3  }
0x1e: {  	s10 =	simm.s32 $0xB80;
	[dreg:$0x10] =	wrdreg s3;
	s3 =	sshrl.u32 s17, $0x3  }
0x1f: {  	s7 =	simm.s32 $0x700;
	s17 =	simm.s32 $0x800;
	s3 =	sadd.s32 s0, s3  }
0x20: {  	[dreg:$0x11] =	wrdreg s3;
	s3 =	sadd.s32 s0, s24;
	s0 =	sadd.s32 s0, s25  }
0x21: {  	s25 =	simm.s32 $0x80;
	s24 =	simm.s32 $0x780;
	[dreg:$0x12] =	wrdreg s3  }
0x22: {  	v0 =	vimm.f32 $0.0e+00;
	[dreg:$0x13] =	wrdreg s0;
	s0 =	simm.s32 $0x2;
	s3 =	simm.s32 $0xC80  }
.LBB2_1:
0x23: {  	[dreg:$0x15] =	wrdreg s1;
	s16 =	simm.s32 $0x0  }
0x24: {  	[tilespmem:s16], [sflag:$0x3] =	stream.linear.gather [hbm4b:s19+s16], $0x800, $0x38;
	[tilespmem:$0x1F000] =	vst v63  }
0x25: {  	_ =	swait.ge [sflag:s23], $0x800  }
0x26: {  	[sflag:s23] =	ssyncset.done $0x0  }
0x27: {  	[sflag:s23] =	ssyncadd.s32 $0xFFFFF800  }
0x28: {  	[tilespmem:s17], [sflag:$0x3] =	stream.linear.gather [hbm4b:s20+s16], $0x800, $0x38;
	[tilespmem:$0x1F000] =	vst v63  }
0x29: {  	_ =	swait.ge [sflag:s23], $0x800  }
0x2a: {  	[sflag:s23] =	ssyncset.done $0x0  }
0x2b: {  	[sflag:s23] =	ssyncadd.s32 $0xFFFFF800  }
0x2c: {  	[tilespmem:s26], [sflag:$0x1] =	stream.indirect.gather [hbm4b:s4+s25], $0x80, s16, s25, $0xb8;
	[tilespmem:$0x1F000] =	vst v63  }
0x2d: {  	s17 =	simm.s32 $0x200;
	s16 =	simm.s32 $0x0  }
0x2e: {  	[tilespmem:s28], [sflag:$0x2] =	stream.indirect.gather [hbm4b:s4+s25], $0x80, s25, s25, $0xb8;
	[tilespmem:$0x1F000] =	vst v63  }
.LBB2_2:
0x2f: {  	p1 =	sne.s32 s17, $0x7E00;
	[tilespmem:s16+$0x9070] =	vst v0  }
0x30: {  	[tilespmem:s16+$0x9000] =	vst v0  }
0x31: {  	[tilespmem:s16+$0x9010] =	vst v0  }
.Ltmp0:
0x32: {  	[tilespmem:s16+$0x9020] =	vst v0;
	(pc) =	sbr.rel @p1 .LBB2_2-.Ltmp0, $4  }
0x33: {  	[tilespmem:s16+$0x9030] =	vst v0  }
0x34: {  	[tilespmem:s16+$0x9040] =	vst v0  }
0x35: {  	[tilespmem:s16+$0x9050] =	vst v0  }
0x36: {  	[tilespmem:s16+$0x9060] =	vst v0;
	s16 =	sshra.s32 s17, $0x2;
	s17 =	sadd.s32 $0x200, s17  }
0x37: {  	[tilespmem:s16+$0x9070] =	vst v0  }
0x38: {  	[tilespmem:s16+$0x9000] =	vst v0  }
0x39: {  	[tilespmem:s16+$0x9010] =	vst v0  }
0x3a: {  	[tilespmem:s16+$0x9020] =	vst v0  }
0x3b: {  	[tilespmem:s16+$0x9030] =	vst v0  }
0x3c: {  	[tilespmem:s16+$0x9040] =	vst v0  }
0x3d: {  	[tilespmem:s16+$0x9050] =	vst v0  }
0x3e: {  	[tilespmem:s16+$0x9060] =	vst v0;
	s17 =	simm.s32 $0x9000  }
0x3f: {  	[spmem:s18] =	stream.linear.scatter [tilespmem:s17], [sflag:$0x3], $0x2000, $0x38;
	[tilespmem:$0x1F000] =	vst v63  }
0x40: {  	_ =	swait.ge [sflag:s23], $0x2000  }
0x41: {  	[sflag:s23] =	ssyncset.done $0x0  }
0x42: {  	s18 =	rddreg [dreg:$0x6];
	[sflag:s23] =	ssyncadd.s32 $0xFFFFE000  }
0x43: {  	[spmem:s18] =	stream.linear.scatter [tilespmem:s17], [sflag:$0x3], $0x2000, $0x38;
	[tilespmem:$0x1F000] =	vst v63  }
0x44: {  	_ =	swait.ge [sflag:s23], $0x2000  }
0x45: {  	[sflag:s23] =	ssyncset.done $0x0  }
0x46: {  	[sflag:s23] =	ssyncadd.s32 $0xFFFFE000  }
0x47: {  	[spmem:s21] =	stream.linear.scatter [tilespmem:s17], [sflag:$0x3], $0x2000, $0x38;
	[tilespmem:$0x1F000] =	vst v63  }
0x48: {  	_ =	swait.ge [sflag:s23], $0x2000  }
0x49: {  	[sflag:s23] =	ssyncset.done $0x0  }
0x4a: {  	s21 =	rddreg [dreg:$0x8];
	[sflag:s23] =	ssyncadd.s32 $0xFFFFE000  }
0x4b: {  	[spmem:s21] =	stream.linear.scatter [tilespmem:s17], [sflag:$0x3], $0x2000, $0x38;
	[tilespmem:$0x1F000] =	vst v63  }
0x4c: {  	_ =	swait.ge [sflag:s23], $0x2000  }
0x4d: {  	[sflag:s23] =	ssyncset.done $0x0  }
0x4e: {  	s1 =	rddreg [dreg:$0x9];
	[sflag:s23] =	ssyncadd.s32 $0xFFFFE000  }
0x4f: {  	[spmem:s1] =	stream.linear.scatter [tilespmem:s17], [sflag:$0x3], $0x2000, $0x38;
	[tilespmem:$0x1F000] =	vst v63  }
0x50: {  	_ =	swait.ge [sflag:s23], $0x2000  }
0x51: {  	[sflag:s23] =	ssyncset.done $0x0  }
0x52: {  	s18 =	rddreg [dreg:$0xa];
	[sflag:s23] =	ssyncadd.s32 $0xFFFFE000  }
0x53: {  	[spmem:s18] =	stream.linear.scatter [tilespmem:s17], [sflag:$0x3], $0x2000, $0x38;
	[tilespmem:$0x1F000] =	vst v63  }
0x54: {  	_ =	swait.ge [sflag:s23], $0x2000  }
0x55: {  	[sflag:s23] =	ssyncset.done $0x0  }
0x56: {  	s21 =	rddreg [dreg:$0xb];
	[sflag:s23] =	ssyncadd.s32 $0xFFFFE000  }
0x57: {  	[spmem:s21] =	stream.linear.scatter [tilespmem:s17], [sflag:$0x3], $0x2000, $0x38;
	[tilespmem:$0x1F000] =	vst v63  }
0x58: {  	_ =	swait.ge [sflag:s23], $0x2000  }
0x59: {  	[sflag:s23] =	ssyncset.done $0x0  }
0x5a: {  	s1 =	rddreg [dreg:$0xc];
	[sflag:s23] =	ssyncadd.s32 $0xFFFFE000  }
0x5b: {  	[spmem:s1] =	stream.linear.scatter [tilespmem:s17], [sflag:$0x3], $0x2000, $0x38;
	[tilespmem:$0x1F000] =	vst v63  }
0x5c: {  	_ =	swait.ge [sflag:s23], $0x2000  }
0x5d: {  	[sflag:s23] =	ssyncset.done $0x0  }
0x5e: {  	s18 =	rddreg [dreg:$0xd];
	[sflag:s23] =	ssyncadd.s32 $0xFFFFE000  }
0x5f: {  	[spmem:s18] =	stream.linear.scatter [tilespmem:s17], [sflag:$0x3], $0x2000, $0x38;
	[tilespmem:$0x1F000] =	vst v63  }
0x60: {  	_ =	swait.ge [sflag:s23], $0x2000  }
0x61: {  	[sflag:s23] =	ssyncset.done $0x0  }
0x62: {  	s21 =	rddreg [dreg:$0xe];
	[sflag:s23] =	ssyncadd.s32 $0xFFFFE000  }
0x63: {  	[spmem:s21] =	stream.linear.scatter [tilespmem:s17], [sflag:$0x3], $0x2000, $0x38;
	[tilespmem:$0x1F000] =	vst v63  }
0x64: {  	_ =	swait.ge [sflag:s23], $0x2000  }
0x65: {  	[sflag:s23] =	ssyncset.done $0x0  }
0x66: {  	s16 =	smov.u32 s19;
	s1 =	simm.s32 $0xF80;
	[sflag:s23] =	ssyncadd.s32 $0xFFFFE000  }
0x67: {  	s18 =	simm.s32 $0x0;
	s17 =	smov.u32 s20;
	[bflag:$0x0] =	sbarrier.arrive $0xFFFF  }
.LBB2_4:
0x68: {  	p1 =	seq.s32 s18, $0x0  }
0x69: {  	s19 =	simm.s32 @!p1 $0x0;
	s20 =	simm.s32 @!p1 $0x3  }
0x6a: {  	[tilespmem:s19], [sflag:$0x3] =	stream.linear.gather @!p1 [hbm4b:s16+s19], $0x800, $0x38;
	[tilespmem:$0x1F000] =	vst v63  }
0x6b: {  	_ =	swait.ge @!p1 [sflag:s20], $0x800  }
0x6c: {  	[sflag:s20] =	ssyncset.done @!p1 $0x0  }
0x6d: {  	s21 =	simm.s32 @!p1 $0x800;
	[sflag:s20] =	ssyncadd.s32 @!p1 $0xFFFFF800  }
0x6e: {  	[tilespmem:s21], [sflag:$0x3] =	stream.linear.gather @!p1 [hbm4b:s17+s19], $0x800, $0x38;
	[tilespmem:$0x1F000] =	vst v63  }
0x6f: {  	_ =	swait.ge @!p1 [sflag:s20], $0x800  }
0x70: {  	[sflag:s20] =	ssyncset.done @!p1 $0x0  }
0x71: {  	s21 =	simm.s32 @!p1 $0x1000;
	[sflag:s20] =	ssyncadd.s32 @!p1 $0xFFFFF800;
	s20 =	simm.s32 @!p1 $0x80  }
0x72: {  	[tilespmem:s21], [sflag:$0x1] =	stream.indirect.gather @!p1 [hbm4b:s4+s20], $0x80, s19, s20, $0xb8;
	[tilespmem:$0x1F000] =	vst v63  }
0x73: {  	s19 =	simm.s32 @!p1 $0x5000  }
0x74: {  	[tilespmem:s19], [sflag:$0x2] =	stream.indirect.gather @!p1 [hbm4b:s4+s20], $0x80, s20, s20, $0xb8;
	[tilespmem:$0x1F000] =	vst v63  }
0x75: {  	_ =	swait.ge [sflag:s30], $0x4000  }
0x76: {  	[sflag:s30] =	ssyncset.done $0x0  }
0x77: {  	s21 =	simm.s32 $0x800;
	[sflag:s30] =	ssyncadd.s32 $0xFFFFC000  }
0x78: {  	[spmem:s2] =	stream.indirect.scatter.add.f32 [tilespmem:s26], [sflag:$0x3], $0x80, s21, s25, $0xb8;
	[tilespmem:$0x1F000] =	vst v63  }
0x79: {  	_ =	swait.ge [sflag:s23], $0x4000  }
0x7a: {  	[sflag:s23] =	ssyncset.done $0x0  }
0x7b: {  	s20 =	simm.s32 $0x100;
	[sflag:s23] =	ssyncadd.s32 $0xFFFFC000  }
0x7c: {  	[tilespmem:s26], [sflag:$0x1] =	stream.indirect.gather [hbm4b:s4+s25], $0x80, s20, s25, $0xb8;
	[tilespmem:$0x1F000] =	vst v63  }
0x7d: {  	_ =	swait.ge [sflag:s0], $0x4000  }
0x7e: {  	[sflag:s0] =	ssyncset.done $0x0  }
0x7f: {  	s21 =	simm.s32 $0x880;
	[sflag:s0] =	ssyncadd.s32 $0xFFFFC000  }
0x80: {  	[spmem:s2] =	stream.indirect.scatter.add.f32 [tilespmem:s28], [sflag:$0x3], $0x80, s21, s25, $0xb8;
	[tilespmem:$0x1F000] =	vst v63  }
0x81: {  	_ =	swait.ge [sflag:s23], $0x4000  }
0x82: {  	[sflag:s23] =	ssyncset.done $0x0  }
0x83: {  	s20 =	simm.s32 $0x180;
	[sflag:s23] =	ssyncadd.s32 $0xFFFFC000  }
0x84: {  	[tilespmem:s28], [sflag:$0x2] =	stream.indirect.gather [hbm4b:s4+s25], $0x80, s20, s25, $0xb8;
	[tilespmem:$0x1F000] =	vst v63  }
0x85: {  	_ =	swait.ge [sflag:s30], $0x4000  }
0x86: {  	[sflag:s30] =	ssyncset.done $0x0  }
0x87: {  	s21 =	simm.s32 $0x900;
	[sflag:s30] =	ssyncadd.s32 $0xFFFFC000  }
0x88: {  	[spmem:s2] =	stream.indirect.scatter.add.f32 [tilespmem:s26], [sflag:$0x3], $0x80, s21, s25, $0xb8;
	[tilespmem:$0x1F000] =	vst v63  }
0x89: {  	_ =	swait.ge [sflag:s23], $0x4000  }
0x8a: {  	[sflag:s23] =	ssyncset.done $0x0  }
0x8b: {  	s20 =	simm.s32 $0x200;
	[sflag:s23] =	ssyncadd.s32 $0xFFFFC000  }
0x8c: {  	[tilespmem:s26], [sflag:$0x1] =	stream.indirect.gather [hbm4b:s4+s25], $0x80, s20, s25, $0xb8;
	[tilespmem:$0x1F000] =	vst v63  }
0x8d: {  	_ =	swait.ge [sflag:s0], $0x4000  }
0x8e: {  	[sflag:s0] =	ssyncset.done $0x0  }
0x8f: {  	s21 =	simm.s32 $0x980;
	[sflag:s0] =	ssyncadd.s32 $0xFFFFC000  }
0x90: {  	[spmem:s2] =	stream.indirect.scatter.add.f32 [tilespmem:s28], [sflag:$0x3], $0x80, s21, s25, $0xb8;
	[tilespmem:$0x1F000] =	vst v63  }
0x91: {  	_ =	swait.ge [sflag:s23], $0x4000  }
0x92: {  	[sflag:s23] =	ssyncset.done $0x0  }
0x93: {  	s20 =	simm.s32 $0x280;
	[sflag:s23] =	ssyncadd.s32 $0xFFFFC000  }
0x94: {  	[tilespmem:s28], [sflag:$0x2] =	stream.indirect.gather [hbm4b:s4+s25], $0x80, s20, s25, $0xb8;
	[tilespmem:$0x1F000] =	vst v63  }
0x95: {  	_ =	swait.ge [sflag:s30], $0x4000  }
0x96: {  	[sflag:s30] =	ssyncset.done $0x0  }
0x97: {  	s21 =	simm.s32 $0xA00;
	[sflag:s30] =	ssyncadd.s32 $0xFFFFC000  }
0x98: {  	[spmem:s2] =	stream.indirect.scatter.add.f32 [tilespmem:s26], [sflag:$0x3], $0x80, s21, s25, $0xb8;
	[tilespmem:$0x1F000] =	vst v63  }
0x99: {  	_ =	swait.ge [sflag:s23], $0x4000  }
0x9a: {  	[sflag:s23] =	ssyncset.done $0x0  }
0x9b: {  	s20 =	simm.s32 $0x300;
	[sflag:s23] =	ssyncadd.s32 $0xFFFFC000  }
0x9c: {  	[tilespmem:s26], [sflag:$0x1] =	stream.indirect.gather [hbm4b:s4+s25], $0x80, s20, s25, $0xb8;
	[tilespmem:$0x1F000] =	vst v63  }
0x9d: {  	_ =	swait.ge [sflag:s0], $0x4000  }
0x9e: {  	[sflag:s0] =	ssyncset.done $0x0  }
0x9f: {  	s21 =	simm.s32 $0xA80;
	[sflag:s0] =	ssyncadd.s32 $0xFFFFC000  }
0xa0: {  	[spmem:s2] =	stream.indirect.scatter.add.f32 [tilespmem:s28], [sflag:$0x3], $0x80, s21, s25, $0xb8;
	[tilespmem:$0x1F000] =	vst v63  }
0xa1: {  	_ =	swait.ge [sflag:s23], $0x4000  }
0xa2: {  	[sflag:s23] =	ssyncset.done $0x0  }
0xa3: {  	s20 =	simm.s32 $0x380;
	[sflag:s23] =	ssyncadd.s32 $0xFFFFC000  }
0xa4: {  	[tilespmem:s28], [sflag:$0x2] =	stream.indirect.gather [hbm4b:s4+s25], $0x80, s20, s25, $0xb8;
	[tilespmem:$0x1F000] =	vst v63  }
0xa5: {  	_ =	swait.ge [sflag:s30], $0x4000  }
0xa6: {  	[sflag:s30] =	ssyncset.done $0x0  }
0xa7: {  	s21 =	simm.s32 $0xB00;
	[sflag:s30] =	ssyncadd.s32 $0xFFFFC000  }
0xa8: {  	[spmem:s2] =	stream.indirect.scatter.add.f32 [tilespmem:s26], [sflag:$0x3], $0x80, s21, s25, $0xb8;
	[tilespmem:$0x1F000] =	vst v63  }
0xa9: {  	_ =	swait.ge [sflag:s23], $0x4000  }
0xaa: {  	[sflag:s23] =	ssyncset.done $0x0  }
0xab: {  	[sflag:s23] =	ssyncadd.s32 $0xFFFFC000  }
0xac: {  	[tilespmem:s26], [sflag:$0x1] =	stream.indirect.gather [hbm4b:s4+s25], $0x80, s8, s25, $0xb8;
	[tilespmem:$0x1F000] =	vst v63  }
0xad: {  	_ =	swait.ge [sflag:s0], $0x4000  }
0xae: {  	[sflag:s0] =	ssyncset.done $0x0  }
0xaf: {  	[sflag:s0] =	ssyncadd.s32 $0xFFFFC000  }
0xb0: {  	[spmem:s2] =	stream.indirect.scatter.add.f32 [tilespmem:s28], [sflag:$0x3], $0x80, s10, s25, $0xb8;
	[tilespmem:$0x1F000] =	vst v63  }
0xb1: {  	_ =	swait.ge [sflag:s23], $0x4000  }
0xb2: {  	[sflag:s23] =	ssyncset.done $0x0  }
0xb3: {  	[sflag:s23] =	ssyncadd.s32 $0xFFFFC000  }
0xb4: {  	[tilespmem:s28], [sflag:$0x2] =	stream.indirect.gather [hbm4b:s4+s25], $0x80, s12, s25, $0xb8;
	[tilespmem:$0x1F000] =	vst v63  }
0xb5: {  	_ =	swait.ge [sflag:s30], $0x4000  }
0xb6: {  	[sflag:s30] =	ssyncset.done $0x0  }
0xb7: {  	[sflag:s30] =	ssyncadd.s32 $0xFFFFC000  }
0xb8: {  	[spmem:s2] =	stream.indirect.scatter.add.f32 [tilespmem:s26], [sflag:$0x3], $0x80, s14, s25, $0xb8;
	[tilespmem:$0x1F000] =	vst v63  }
0xb9: {  	_ =	swait.ge [sflag:s23], $0x4000  }
0xba: {  	[sflag:s23] =	ssyncset.done $0x0  }
0xbb: {  	[sflag:s23] =	ssyncadd.s32 $0xFFFFC000  }
0xbc: {  	[tilespmem:s26], [sflag:$0x1] =	stream.indirect.gather [hbm4b:s4+s25], $0x80, s22, s25, $0xb8;
	[tilespmem:$0x1F000] =	vst v63  }
0xbd: {  	_ =	swait.ge [sflag:s0], $0x4000  }
0xbe: {  	[sflag:s0] =	ssyncset.done $0x0  }
0xbf: {  	[sflag:s0] =	ssyncadd.s32 $0xFFFFC000  }
0xc0: {  	[spmem:s2] =	stream.indirect.scatter.add.f32 [tilespmem:s28], [sflag:$0x3], $0x80, s3, s25, $0xb8;
	[tilespmem:$0x1F000] =	vst v63  }
0xc1: {  	_ =	swait.ge [sflag:s23], $0x4000  }
0xc2: {  	[sflag:s23] =	ssyncset.done $0x0  }
0xc3: {  	[sflag:s23] =	ssyncadd.s32 $0xFFFFC000  }
0xc4: {  	[tilespmem:s28], [sflag:$0x2] =	stream.indirect.gather [hbm4b:s4+s25], $0x80, s5, s25, $0xb8;
	[tilespmem:$0x1F000] =	vst v63  }
0xc5: {  	_ =	swait.ge [sflag:s30], $0x4000  }
0xc6: {  	[sflag:s30] =	ssyncset.done $0x0  }
0xc7: {  	[sflag:s30] =	ssyncadd.s32 $0xFFFFC000  }
0xc8: {  	[spmem:s2] =	stream.indirect.scatter.add.f32 [tilespmem:s26], [sflag:$0x3], $0x80, s6, s25, $0xb8;
	[tilespmem:$0x1F000] =	vst v63  }
0xc9: {  	_ =	swait.ge [sflag:s23], $0x4000  }
0xca: {  	[sflag:s23] =	ssyncset.done $0x0  }
0xcb: {  	[sflag:s23] =	ssyncadd.s32 $0xFFFFC000  }
0xcc: {  	[tilespmem:s26], [sflag:$0x1] =	stream.indirect.gather [hbm4b:s4+s25], $0x80, s9, s25, $0xb8;
	[tilespmem:$0x1F000] =	vst v63  }
0xcd: {  	_ =	swait.ge [sflag:s0], $0x4000  }
0xce: {  	[sflag:s0] =	ssyncset.done $0x0  }
0xcf: {  	[sflag:s0] =	ssyncadd.s32 $0xFFFFC000  }
0xd0: {  	[spmem:s2] =	stream.indirect.scatter.add.f32 [tilespmem:s28], [sflag:$0x3], $0x80, s11, s25, $0xb8;
	[tilespmem:$0x1F000] =	vst v63  }
0xd1: {  	_ =	swait.ge [sflag:s23], $0x4000  }
0xd2: {  	[sflag:s23] =	ssyncset.done $0x0  }
0xd3: {  	[sflag:s23] =	ssyncadd.s32 $0xFFFFC000  }
0xd4: {  	[tilespmem:s28], [sflag:$0x2] =	stream.indirect.gather [hbm4b:s4+s25], $0x80, s13, s25, $0xb8;
	[tilespmem:$0x1F000] =	vst v63  }
0xd5: {  	_ =	swait.ge [sflag:s30], $0x4000  }
0xd6: {  	[sflag:s30] =	ssyncset.done $0x0  }
0xd7: {  	[sflag:s30] =	ssyncadd.s32 $0xFFFFC000  }
0xd8: {  	[spmem:s2] =	stream.indirect.scatter.add.f32 [tilespmem:s26], [sflag:$0x3], $0x80, s15, s25, $0xb8;
	[tilespmem:$0x1F000] =	vst v63  }
0xd9: {  	_ =	swait.ge [sflag:s23], $0x4000  }
0xda: {  	[sflag:s23] =	ssyncset.done $0x0  }
0xdb: {  	[sflag:s23] =	ssyncadd.s32 $0xFFFFC000  }
0xdc: {  	[tilespmem:s26], [sflag:$0x1] =	stream.indirect.gather [hbm4b:s4+s25], $0x80, s7, s25, $0xb8;
	[tilespmem:$0x1F000] =	vst v63  }
0xdd: {  	_ =	swait.ge [sflag:s0], $0x4000  }
0xde: {  	[sflag:s0] =	ssyncset.done $0x0  }
0xdf: {  	[sflag:s0] =	ssyncadd.s32 $0xFFFFC000  }
0xe0: {  	[spmem:s2] =	stream.indirect.scatter.add.f32 [tilespmem:s28], [sflag:$0x3], $0x80, s29, s25, $0xb8;
	[tilespmem:$0x1F000] =	vst v63  }
0xe1: {  	_ =	swait.ge [sflag:s23], $0x4000  }
0xe2: {  	[sflag:s23] =	ssyncset.done $0x0  }
0xe3: {  	[sflag:s23] =	ssyncadd.s32 $0xFFFFC000  }
0xe4: {  	[tilespmem:s28], [sflag:$0x2] =	stream.indirect.gather [hbm4b:s4+s25], $0x80, s24, s25, $0xb8;
	[tilespmem:$0x1F000] =	vst v63  }
0xe5: {  	_ =	swait.ge [sflag:s30], $0x4000  }
0xe6: {  	[sflag:s30] =	ssyncset.done $0x0  }
0xe7: {  	[sflag:s30] =	ssyncadd.s32 $0xFFFFC000  }
0xe8: {  	[spmem:s2] =	stream.indirect.scatter.add.f32 [tilespmem:s26], [sflag:$0x3], $0x80, s31, s25, $0xb8;
	[tilespmem:$0x1F000] =	vst v63  }
0xe9: {  	_ =	swait.ge [sflag:s23], $0x4000  }
0xea: {  	[sflag:s23] =	ssyncset.done $0x0  }
0xeb: {  	[sflag:s23] =	ssyncadd.s32 $0xFFFFC000  }
0xec: {  	p1 =	slt.u32 @!p0 s18, $0x8;
	_ =	swait.ge [sflag:s0], $0x4000  }
0xed: {  	p1 =	por p0, !p1;
	[sflag:s0] =	ssyncset.done $0x0  }
.Ltmp1:
0xee: {  	[sflag:s0] =	ssyncadd.s32 $0xFFFFC000;
	(pc) =	sbr.rel @!p1 .LBB2_4-.Ltmp1, $4  }
0xef: {  	[spmem:s2] =	stream.indirect.scatter.add.f32 [tilespmem:s28], [sflag:$0x3], $0x80, s1, s25, $0xb8;
	[tilespmem:$0x1F000] =	vst v63  }
0xf0: {  	_ =	swait.ge [sflag:s23], $0x4000  }
0xf1: {  	s16 =	sadd.s32 $0x100, s16;
	[sflag:s23] =	ssyncset.done $0x0  }
0xf2: {  	s17 =	sadd.s32 $0x100, s17;
	s18 =	sadd.s32 $0x1, s18;
	[sflag:s23] =	ssyncadd.s32 $0xFFFFC000  }
0xf3: {  	s16 =	stileid.u32;
	[bflag:$0x0] =	sbarrier.arrive $0xFFFF  }
0xf4: {  	s16 =	sshll.u32 s16, $0x6;
	s18 =	rddreg [dreg:$0x5]  }
0xf5: {  	s19 =	rddreg [dreg:$0xf];
	s16 =	sor.u32 $0x1C03, s16;
	s17 =	sshrl.u32 s18, $0x3  }
0xf6: {  	[hbm:s19], [sflag:s16] =	dma.local [spmem:s17], $0x800  }
0xf7: {  	_ =	swait.ge [sflag:s23], $0x800  }
0xf8: {  	[sflag:s23] =	ssyncset.done $0x0;
	s21 =	rddreg [dreg:$0x7]  }
0xf9: {  	s1 =	rddreg [dreg:$0x10];
	[sflag:s23] =	ssyncadd.s32 $0xFFFFF800;
	s20 =	sshrl.u32 s21, $0x3  }
0xfa: {  	[hbm:s1], [sflag:s16] =	dma.local [spmem:s20], $0x800  }
0xfb: {  	_ =	swait.ge [sflag:s23], $0x800  }
0xfc: {  	[sflag:s23] =	ssyncset.done $0x0;
	s20 =	rddreg [dreg:$0x9]  }
0xfd: {  	s1 =	rddreg [dreg:$0x11];
	[sflag:s23] =	ssyncadd.s32 $0xFFFFF800;
	s17 =	sshrl.u32 s20, $0x3  }
0xfe: {  	[hbm:s1], [sflag:s16] =	dma.local [spmem:s17], $0x800  }
0xff: {  	_ =	swait.ge [sflag:s23], $0x800  }
0x100: {  	[sflag:s23] =	ssyncset.done $0x0;
	s20 =	rddreg [dreg:$0xb]  }
0x101: {  	s1 =	rddreg [dreg:$0x12];
	[sflag:s23] =	ssyncadd.s32 $0xFFFFF800;
	s17 =	sshrl.u32 s20, $0x3  }
0x102: {  	[hbm:s1], [sflag:s16] =	dma.local [spmem:s17], $0x800  }
0x103: {  	_ =	swait.ge [sflag:s23], $0x800  }
0x104: {  	[sflag:s23] =	ssyncset.done $0x0;
	s20 =	rddreg [dreg:$0xd]  }
0x105: {  	s1 =	rddreg [dreg:$0x13];
	[sflag:s23] =	ssyncadd.s32 $0xFFFFF800;
	s17 =	sshrl.u32 s20, $0x3  }
0x106: {  	[hbm:s1], [sflag:s16] =	dma.local [spmem:s17], $0x800  }
0x107: {  	_ =	swait.ge [sflag:s23], $0x800  }
0x108: {  	s1 =	rddreg [dreg:$0x15]  }
0x109: {  	s20 =	rddreg [dreg:$0x14];
	s1 =	sadd.s32 $0x1, s1  }
0x10a: {  	p1 =	sne.s32 s1, s20  }
.Ltmp2:
0x10b: {  	_ = 	snop;
	(pc) =	sbr.rel @p1 .LBB2_1-.Ltmp2, $3  }
0x10c: {  	_ =	sdelay $0x1  }
0x10d: {  	[sflag:s23] =	ssyncset.done $0x0;
	s19 =	rddreg [dreg:$0x3]  }
0x10e: {  	s17 =	simm.s32 $0x800;
	[sflag:s23] =	ssyncadd.s32 $0xFFFFF800;
	s20 =	rddreg [dreg:$0x4]  }
0x10f: {  	_ =	sfence.sel $0x180000  }
0x110: {  	[bflag:$0x0] =	sbarrier.arrive $0xFFFF  }
0x111: {  	_ =	strace $0x90000050  }
0x112: {  	s0 =	stileid.u32;
	[bflag:$0x2] =	sbarrier.arrive $0xFFFF  }
0x113: {  	p0 =	sne.s32 s0, $0x0;
	s0 =	rddreg [dreg:$0x2]  }
0x114: {  	s0 =	sadd.s32 @!p0 $0x100000, s0  }
0x115: {  	[sflag:s0] =	ssyncadd.tile.s32 @!p0 $0x1;
	_ =	shalt  }
.Lfunc_end2:
_tile_overlayer_lowered:
.L_overlay_start_2:
0x116: {  	(tag) =	ssettag $0x2  }
0x117: {  	s0 =	rddreg [dreg:$0x0];
	s2 =	stileid.u32  }
0x118: {  	s1 =	rddreg [dreg:$0x1];
	p0 =	sne.s32 s2, $0x0  }
0x119: {  	s3 =	rddreg [dreg:$0x2];
	[bflag:$0x3] =	sbarrier.arrive $0xFFFF;
	s2 =	simm.s32 @!p0 $0x1C03  }
0x11a: {  	[timem:s3], [sflag:s2] =	dma.local @!p0 [hbm:s0], s1  }
0x11b: {  	s0 =	simm.s32 @!p0 $0x3  }
0x11c: {  	_ =	swait.ge @!p0 [sflag:s0], s1  }
0x11d: {  	s1 =	ssub.s32 @!p0 $0x0, s1;
	[sflag:s0] =	ssyncset.done @!p0 $0x0  }
0x11e: {  	[sflag:s0] =	ssyncadd.s32 @!p0 s1  }
0x11f: {  	[bflag:$0x3] =	sbarrier.arrive $0xFFFF  }
0x120: {  	_ =	shalt  }

// kernel: kernel.25.cloned.1.call-start
scs
__scs_entry_jumppad:
0x0: {  	(pc) =	sbr.rel $0x88, $3  }
0x1: {  	(tag) =	ssettag $0x0;
	lr =	simm.s32 $0x1  }
0x2: {  	[smem:$0x3F94] =	sst lr;
	_ =	strace $0xD0000000  }
0x3: {  	_ = 	snop  }
0x4: {  	_ = 	snop  }
0x5: {  	_ = 	snop  }
0x6: {  	_ = 	snop  }
0x7: {  	_ = 	snop  }
__scs_overlays_trampoline_lowered:
0x8: {  	[smem:$0x3FA3] =	sst s0  }
0x9: {  	[smem:$0x3FA4] =	sst s1  }
0xa: {  	[smem:$0x3FA5] =	sst s2  }
0xb: {  	[smem:$0x3FA6] =	sst s3  }
0xc: {  	[smem:$0x3FA7] =	sst s4  }
0xd: {  	[smem:$0x3FA8] =	sst s5  }
0xe: {  	[smem:$0x3FA9] =	sst s6  }
0xf: {  	[smem:$0x3FAA] =	sst s7  }
0x10: {  	[smem:$0x3FAB] =	sst s8  }
0x11: {  	[smem:$0x3FAC] =	sst s9;
	s0 =	simm.s32 @!p0 $0x0  }
0x12: {  	s1 =	sld [smem:$0x3F92];
	s0 =	simm.s32 @p0 $0x1  }
0x13: {  	[smem:$0x3FAD] =	sst s0;
	s0 =	simm.s32 @!p1 $0x0  }
0x14: {  	s2 =	sld [smem:$0x3F91];
	s0 =	simm.s32 @p1 $0x1  }
0x15: {  	[smem:$0x3FAE] =	sst s0;
	s0 =	simm.s32 @!p2 $0x0  }
0x16: {  	s3 =	sld [smem:$0x3FDB];
	s0 =	simm.s32 @p2 $0x1  }
0x17: {  	s4 =	simm.s32 $0x1BF5;
	[smem:$0x3FB0] =	sst s0  }
0x18: {  	s0 =	sld [smem:$0x3F93];
	_ =	swait.ge [sflag:s4], $0x0  }
0x19: {  	s7 =	sld [smem:$0x3F94]  }
0x1a: {  	s8 =	sadd.s32 $0xFFFFE003, lr  }
0x1b: {  	s9 =	sadd.s32 $0xFFFFFEF7, lr;
	s5 =	simm.s32 $0xFFFFFFFF;
	p2 =	slt.u32 s8, $0xFFFFF086  }
0x1c: {  	p1 =	slt.u32 s9, $0xF7A;
	s5 =	simm.s32 @!p2 $0x0  }
0x1d: {  	s5 =	simm.s32 @p1 $0x1;
	p0 =	seq.s32 s7, s2  }
0x1e: {  	s7 =	smul.u32 @!p0 $0xF7A, s2;
	p2 =	seq.s32 @!p0 s5, $0x0  }
0x1f: {  	s9 =	smul.u32 $0xF7A, s1;
	s8 =	simm.s32 @!p0 $0x1BF5;
	p2 =	por !p2, p0  }
0x20: {  	[sflag:s8] =	ssyncset.s32 @!p0 $0xFFFFF086;
	s6 =	sadd.s32 @!p0 s3, s7;
	s7 =	simm.s32 @!p0 $0x108  }
0x21: {  	s3 =	sadd.s32 s3, s9;
	s6 =	sadd.s32 @!p0 $0x88, s6;
	s7 =	simm.s32 @p2 $0x1082  }
0x22: {  	[simem:s7], [sflag:s8] =	dma.local @!p0 [hbm:s6], $0xF7A  }
0x23: {  	s9 =	sor.u32 $0xD0000000, s2;
	s6 =	simm.s32 $0x108;
	_ =	swait.ge @!p0 [sflag:s8], $0x0  }
0x24: {  	s3 =	sadd.s32 $0x88, s3;
	s6 =	simm.s32 @!p1 $0x1082;
	[sflag:s4] =	ssyncset.s32 $0xFFFFF086  }
0x25: {  	[simem:s6], [sflag:s4] =	dma.local [hbm:s3], $0xF7A  }
0x26: {  	[smem:$0x3F94] =	sst s1;
	(tag) =	ssettag s2;
	_ =	strace s9  }
0x27: {  	s1 =	sld [smem:$0x3FA4]  }
0x28: {  	s2 =	sld [smem:$0x3FA5]  }
0x29: {  	s4 =	sld [smem:$0x3FA7]  }
0x2a: {  	p0 =	seq.s32 s5, $0x0;
	s5 =	sld [smem:$0x3FA8]  }
0x2b: {  	s6 =	sld [smem:$0x3FA9]  }
0x2c: {  	s7 =	sld [smem:$0x3FAA]  }
0x2d: {  	s3 =	simm.s32 $0x108;
	s8 =	sld [smem:$0x3FAB]  }
0x2e: {  	s3 =	simm.s32 @!p0 $0x1082;
	s9 =	sld [smem:$0x3FAC]  }
0x2f: {  	lr =	sadd.s32 s0, s3;
	s0 =	sld [smem:$0x3FA3]  }
0x30: {  	s3 =	sld [smem:$0x3FA6]  }
0x31: {  	[smem:$0x3FAF] =	sst s10  }
0x32: {  	s10 =	sld [smem:$0x3FAD];
	_ =	sdelay $0x3  }
0x33: {  	p0 =	seq.s32 s10, $0x1;
	s10 =	sld [smem:$0x3FAF];
	_ =	sdelay $0x3  }
0x34: {  	[smem:$0x3FAF] =	sst s10  }
0x35: {  	s10 =	sld [smem:$0x3FAE];
	_ =	sdelay $0x3  }
0x36: {  	p1 =	seq.s32 s10, $0x1;
	s10 =	sld [smem:$0x3FAF];
	_ =	sdelay $0x3  }
0x37: {  	[smem:$0x3FAF] =	sst s10  }
0x38: {  	s10 =	sld [smem:$0x3FB0]  }
0x39: {  	_ = 	snop;
	(pc) =	sbr.ind lr, $3  }
0x3a: {  	_ = 	snop  }
0x3b: {  	_ = 	snop  }
0x3c: {  	p2 =	seq.s32 s10, $0x1;
	s10 =	sld [smem:$0x3FAF]  }
0x3d: {  	_ =	shalt  }
0x3e: {  	_ =	shalt  }
0x3f: {  	_ =	shalt  }
0x40: {  	_ =	shalt  }
0x41: {  	_ =	shalt  }
0x42: {  	_ =	shalt  }
0x43: {  	_ =	shalt  }
0x44: {  	_ =	shalt  }
0x45: {  	_ =	shalt  }
0x46: {  	_ =	shalt  }
0x47: {  	_ =	shalt  }
0x48: {  	_ =	shalt  }
0x49: {  	_ =	shalt  }
0x4a: {  	_ =	shalt  }
0x4b: {  	_ =	shalt  }
0x4c: {  	_ =	shalt  }
0x4d: {  	_ =	shalt  }
0x4e: {  	_ =	shalt  }
0x4f: {  	_ =	shalt  }
0x50: {  	_ =	shalt  }
0x51: {  	_ =	shalt  }
0x52: {  	_ =	shalt  }
0x53: {  	_ =	shalt  }
0x54: {  	_ =	shalt  }
0x55: {  	_ =	shalt  }
0x56: {  	_ =	shalt  }
0x57: {  	_ =	shalt  }
0x58: {  	_ =	shalt  }
0x59: {  	_ =	shalt  }
0x5a: {  	_ =	shalt  }
0x5b: {  	_ =	shalt  }
0x5c: {  	_ =	shalt  }
0x5d: {  	_ =	shalt  }
0x5e: {  	_ =	shalt  }
0x5f: {  	_ =	shalt  }
0x60: {  	_ =	shalt  }
0x61: {  	_ =	shalt  }
0x62: {  	_ =	shalt  }
0x63: {  	_ =	shalt  }
0x64: {  	_ =	shalt  }
0x65: {  	_ =	shalt  }
0x66: {  	_ =	shalt  }
0x67: {  	_ =	shalt  }
0x68: {  	_ =	shalt  }
0x69: {  	_ =	shalt  }
0x6a: {  	_ =	shalt  }
0x6b: {  	_ =	shalt  }
0x6c: {  	_ =	shalt  }
0x6d: {  	_ =	shalt  }
0x6e: {  	_ =	shalt  }
0x6f: {  	_ =	shalt  }
0x70: {  	_ =	shalt  }
0x71: {  	_ =	shalt  }
0x72: {  	_ =	shalt  }
0x73: {  	_ =	shalt  }
0x74: {  	_ =	shalt  }
0x75: {  	_ =	shalt  }
0x76: {  	_ =	shalt  }
0x77: {  	_ =	shalt  }
0x78: {  	_ =	shalt  }
0x79: {  	_ =	shalt  }
0x7a: {  	_ =	shalt  }
0x7b: {  	_ =	shalt  }
0x7c: {  	_ =	shalt  }
0x7d: {  	_ =	shalt  }
0x7e: {  	_ =	shalt  }
0x7f: {  	_ =	shalt  }
0x80: {  	_ =	shalt  }
0x81: {  	_ =	shalt  }
0x82: {  	_ =	shalt  }
0x83: {  	_ =	shalt  }
0x84: {  	_ =	shalt  }
0x85: {  	_ =	shalt  }
0x86: {  	_ =	shalt  }
0x87: {  	_ =	shalt  }
.Lfunc_end0:
.L_simem_size_0:
called_computation.4_lowered:
.L_overlay_start_0:
0x88: {  	s2 =	sld [smem:$0x3FD9]  }
0x89: {  	s3 =	sld [smem:$0x3FFE];
	_ =	sdelay $0x1  }
0x8a: {  	s1 =	srdreg.scid  }
0x8b: {  	s0 =	sand.u32 $0x1, s1  }
0x8c: {  	s17 =	sshll.u32 s0, $0xA;
	s2 =	sadd.s32 s3, s2  }
0x8d: {  	s2 =	sadd.s32 s2, s17  }
0x8e: {  	[smem:$0x3FBB] =	sst s2  }
0x8f: {  	_ = 	snop  }
0x90: {  	s2 =	sld [smem:$0x3FD0];
	(tm) =	ssettm $0x1  }
0x91: {  	s18 =	sld [smem:$0x3FFB];
	_ =	sdelay $0x3  }
0x92: {  	_ =	strace s18  }
0x93: {  	s3 =	sld [smem:$0x3FFC];
	_ =	sdelay $0x3  }
0x94: {  	_ =	strace s3  }
0x95: {  	s3 =	sld [smem:$0x3FFD];
	_ =	sdelay $0x3  }
0x96: {  	_ =	strace s3  }
0x97: {  	_ =	strace $0x8FFFFFFF  }
0x98: {  	s19 =	sld [smem:$0x3FDB];
	_ =	sdelay $0x1  }
0x99: {  	s4 =	simm.s32 $_scs_section_size  }
0x9a: {  	s5 =	simm.s32 $_size__tile_overlayer_lowered;
	s6 =	simm.s32 $_tile_overlayer_lowered  }
0x9b: {  	s22 =	simm.s32 $0x1BFF;
	s21 =	sshll.u32 s6, $0x1;
	s3 =	sadd.s32 s4, s19  }
0x9c: {  	s7 =	simm.s32 $0x0;
	s20 =	sshll.u32 s5, $0x1;
	s5 =	sadd.s32 s21, s3  }
0x9d: {  	[timem:s7], [sflag:s22] =	dma.local [hbm:s5], s20  }
0x9e: {  	_ =	swait.ge [sflag:s22], s20  }
0x9f: {  	s4 =	ssub.s32 $0x0, s20;
	[sflag:s22] =	ssyncset.done $0x0  }
0xa0: {  	[sflag:s22] =	ssyncadd.s32 s4;
	_ =	sdelay $0x1  }
0xa1: {  	s23 =	simm.s32 $0x1B8B  }
0xa2: {  	_ =	swait.ge [sflag:s23], $0x1  }
0xa3: {  	[sflag:s23] =	ssyncset.done $0x0  }
0xa4: {  	s25 =	simm.s32 $0x1B8E;
	s24 =	sld [smem:$0x3FFE];
	[sflag:s23] =	ssyncadd.s32 $0xFFFFFFFF  }
0xa5: {  	s26 =	simm.s32 $execute0_lowered;
	[smem:$0x3FD2] =	sst s25  }
0xa6: {  	s5 =	sshll.u32 s26, $0x1;
	_ =	strace $0x80000052;
	[dreg:$0x1] =	wrdreg $0xFFFFFFFF  }
0xa7: {  	s28 =	simm.s32 $_size_execute0_lowered;
	s3 =	sadd.s32 s3, s5;
	[dreg:$0x0] =	wrdreg $0x0  }
0xa8: {  	s5 =	sshll.u32 s28, $0x1;
	[dreg:$0x2] =	wrdreg s3  }
0xa9: {  	[dreg:$0x3] =	wrdreg s5  }
0xaa: {  	[dreg:$0x4] =	wrdreg $0xC0  }
0xab: {  	_ =	task [dreg:s7], $0x5FFFF  }
0xac: {  	[dreg:$0x1] =	wrdreg $0xFFFFFFFF  }
0xad: {  	[dreg:$0x0] =	wrdreg $0x60  }
0xae: {  	[dreg:$0x2] =	wrdreg s24  }
0xaf: {  	[dreg:$0x3] =	wrdreg s2  }
0xb0: {  	[dreg:$0x4] =	wrdreg $0x9  }
0xb1: {  	_ =	task.clear_ibuf [dreg:s7], $0x5FFFF;
	_ =	strace $0x90000052  }
0xb2: {  	s29 =	simm.s32 $0x9;
	_ =	strace $0x80000054  }
0xb3: {  	_ =	swait.ge [sflag:s29], $0x1  }
0xb4: {  	[sflag:s29] =	ssyncadd.s32 $0xFFFFFFFF  }
0xb5: {  	_ =	strace $0x90000054  }
0xb6: {  	_ =	sfence  }
0xb7: {  	s30 =	sld [smem:$0x0];
	_ =	sdelay $0x2  }
0xb8: {  	s31 =	sshll.u32 s1, $0xD;
	s1 =	sshrl.u32 s1, $0x2  }
0xb9: {  	s3 =	sand.u32 $0x4000, s31;
	s1 =	sadd.s32 s1, s30  }
0xba: {  	s0 =	sor.u32 s3, s0;
	s1 =	sshll.u32 s1, $0x11  }
0xbb: {  	s0 =	sor.u32 s1, s0  }
0xbc: {  	s0 =	sadd.s32 $0x8F2B, s0  }
0xbd: {  	[sflag:s0] =	ssyncadd.remote.s32 $0x1  }
0xbe: {  	_ =	sfence.sel $0xFFFF  }
0xbf: {  	[dreg:$0x0] =	wrdreg $0xFFFFFFFF;
	(pc) =	sbr.abs _section_cstart, $3  }
0xc0: {  	[dreg:$0x1] =	wrdreg $0xFFFFFFFF  }
0xc1: {  	_ =	task.clear_ibuf [dreg:s7], $0x2FFFF;
	_ =	strace $0x9FFFFFFF  }
0xc2: {  	(tm) =	ssettm $0x7FFFFFFF  }
0xc3: {  	_ =	shalt  }
tec
execute0_lowered:
.L_overlay_start_1:
0x0: {  	(tag) =	ssettag $0x1  }
0x1: {  	s5 =	rddreg [dreg:$0x0];
	s1 =	srdreg.scid  }
0x2: {  	s0 =	stileid.u32;
	s2 =	rddreg [dreg:$0x1];
	s3 =	simm.s32 $0x0  }
0x3: {  	s11 =	simm.s32 $0x2800;
	s12 =	simm.s32 $0x5000;
	s13 =	simm.s32 $0x7800  }
0x4: {  	s14 =	simm.s32 $0xA000;
	s4 =	sand.u32 $0x1, s1;
	s6 =	sshll.u32 s0, $0x1  }
0x5: {  	s15 =	simm.s32 $0xC800;
	s16 =	simm.s32 $0x0;
	s6 =	sor.u32 s4, s6  }
0x6: {  	[smem:$0x7FF] =	sst s3;
	s7 =	ssub.s32 $0x2, s4;
	s6 =	smul.u32 $0x500, s6  }
0x7: {  	s1 =	rddreg [dreg:$0x2];
	_ =	strace $0x80000053;
	s8 =	sshrl.u32 s7, $0x1  }
0x8: {  	s4 =	sadd.s32 $0x3E00, s5;
	s10 =	ssub.s32 s7, s8;
	s9 =	sadd.s32 s6, s5  }
0x9: {  	s5 =	sadd.s32 $0xA3E00, s9;
	s6 =	sadd.s32 $0x21E00, s9;
	s7 =	sadd.s32 $0x17E00, s9  }
0xa: {  	s8 =	sadd.s32 $0x4400, s9;
	s9 =	smax.u32 s10, $0x1;
	s10 =	simm.s32 $0x1  }
.LBB2_1:
0xb: {  	[tilespmem:s3], [sflag:$0x1] =	stream.linear.gather [hbm4b:s4+s3], $0x2800, $0x38;
	[tilespmem:$0xF000] =	vst v63  }
0xc: {  	_ =	swait.ge [sflag:s10], $0x2800  }
0xd: {  	[sflag:s10] =	ssyncset.done $0x0  }
0xe: {  	[sflag:s10] =	ssyncadd.s32 $0xFFFFD800  }
0xf: {  	[tilespmem:s11], [sflag:$0x1] =	stream.linear.gather [hbm4b:s2+s3], $0x2800, $0x38;
	[tilespmem:$0xF000] =	vst v63  }
0x10: {  	_ =	swait.ge [sflag:s10], $0x2800  }
0x11: {  	[sflag:s10] =	ssyncset.done $0x0  }
0x12: {  	[sflag:s10] =	ssyncadd.s32 $0xFFFFD800  }
0x13: {  	[tilespmem:s12], [sflag:$0x1] =	stream.linear.gather [hbm4b:s5+s3], $0x2800, $0x38;
	[tilespmem:$0xF000] =	vst v63  }
0x14: {  	_ =	swait.ge [sflag:s10], $0x2800  }
0x15: {  	[sflag:s10] =	ssyncset.done $0x0  }
0x16: {  	[sflag:s10] =	ssyncadd.s32 $0xFFFFD800  }
0x17: {  	[tilespmem:s13], [sflag:$0x1] =	stream.linear.gather [hbm4b:s6+s3], $0x2800, $0x38;
	[tilespmem:$0xF000] =	vst v63  }
0x18: {  	_ =	swait.ge [sflag:s10], $0x2800  }
0x19: {  	[sflag:s10] =	ssyncset.done $0x0  }
0x1a: {  	[sflag:s10] =	ssyncadd.s32 $0xFFFFD800  }
0x1b: {  	[tilespmem:s14], [sflag:$0x1] =	stream.linear.gather [hbm4b:s7+s3], $0x2800, $0x38;
	[tilespmem:$0xF000] =	vst v63  }
0x1c: {  	_ =	swait.ge [sflag:s10], $0x2800  }
0x1d: {  	[sflag:s10] =	ssyncset.done $0x0  }
0x1e: {  	s17 =	simm.s32 $0x0;
	[sflag:s10] =	ssyncadd.s32 $0xFFFFD800  }
0x1f: {  	v0 =	vld [tilespmem:s17+$0x7800]  }
0x20: {  	v1 =	vld [tilespmem:s17+$0xA000];
	_ =	sdelay $0x6  }
0x21: {  	v0 =	vld.idx.msk [tilespmem:v0+s3+$0x0], $0xffff  }
0x22: {  	v1 =	vld.idx.msk [tilespmem:v1+s11+$0x0], $0xffff  }
0x23: {  	v2 =	vld [tilespmem:s17+$0x5000]  }
0x24: {  	v3 =	vld [tilespmem:s17+$0x7810]  }
0x25: {  	v4 =	vld [tilespmem:s17+$0xA010];
	_ =	sdelay $0x1  }
0x26: {  	v0 =	vadd.f32 v1, v0;
	_ =	sdelay $0x1  }
0x27: {  	v0 =	vadd.f32 v2, v0;
	_ =	sdelay $0x1  }
0x28: {  	[tilespmem:s17+$0xC800] =	vst v0  }
0x29: {  	v0 =	vld.idx.msk [tilespmem:v3+s3+$0x0], $0xffff  }
0x2a: {  	v1 =	vld.idx.msk [tilespmem:v4+s11+$0x0], $0xffff  }
0x2b: {  	v2 =	vld [tilespmem:s17+$0x5010]  }
0x2c: {  	v3 =	vld [tilespmem:s17+$0x7820]  }
0x2d: {  	v58 =	vld [tilespmem:s17+$0xA020];
	_ =	sdelay $0x1  }
0x2e: {  	v0 =	vadd.f32 v1, v0;
	_ =	sdelay $0x1  }
0x2f: {  	v0 =	vadd.f32 v2, v0;
	_ =	sdelay $0x1  }
0x30: {  	[tilespmem:s17+$0xC810] =	vst v0  }
0x31: {  	v0 =	vld.idx.msk [tilespmem:v3+s3+$0x0], $0xffff  }
0x32: {  	v1 =	vld.idx.msk [tilespmem:v58+s11+$0x0], $0xffff  }
0x33: {  	v2 =	vld [tilespmem:s17+$0x5020]  }
0x34: {  	v3 =	vld [tilespmem:s17+$0x7830]  }
0x35: {  	v59 =	vld [tilespmem:s17+$0xA030];
	_ =	sdelay $0x1  }
0x36: {  	v0 =	vadd.f32 v1, v0;
	_ =	sdelay $0x1  }
0x37: {  	v0 =	vadd.f32 v2, v0;
	_ =	sdelay $0x1  }
0x38: {  	[tilespmem:s17+$0xC820] =	vst v0  }
0x39: {  	v0 =	vld.idx.msk [tilespmem:v3+s3+$0x0], $0xffff  }
0x3a: {  	v1 =	vld.idx.msk [tilespmem:v59+s11+$0x0], $0xffff  }
0x3b: {  	v2 =	vld [tilespmem:s17+$0x5030]  }
0x3c: {  	v3 =	vld [tilespmem:s17+$0x7840]  }
0x3d: {  	v60 =	vld [tilespmem:s17+$0xA040];
	_ =	sdelay $0x1  }
0x3e: {  	v0 =	vadd.f32 v1, v0;
	_ =	sdelay $0x1  }
0x3f: {  	v0 =	vadd.f32 v2, v0;
	_ =	sdelay $0x1  }
0x40: {  	[tilespmem:s17+$0xC830] =	vst v0  }
0x41: {  	v0 =	vld.idx.msk [tilespmem:v3+s3+$0x0], $0xffff  }
0x42: {  	v1 =	vld.idx.msk [tilespmem:v60+s11+$0x0], $0xffff  }
0x43: {  	v2 =	vld [tilespmem:s17+$0x5040]  }
0x44: {  	v3 =	vld [tilespmem:s17+$0x7850]  }
0x45: {  	v61 =	vld [tilespmem:s17+$0xA050];
	_ =	sdelay $0x1  }
0x46: {  	v0 =	vadd.f32 v1, v0;
	_ =	sdelay $0x1  }
0x47: {  	v0 =	vadd.f32 v2, v0;
	_ =	sdelay $0x1  }
0x48: {  	[tilespmem:s17+$0xC840] =	vst v0  }
0x49: {  	v0 =	vld.idx.msk [tilespmem:v3+s3+$0x0], $0xffff  }
0x4a: {  	v2 =	vld.idx.msk [tilespmem:v61+s11+$0x0], $0xffff  }
0x4b: {  	v1 =	vld [tilespmem:s17+$0x5050]  }
0x4c: {  	v3 =	vld [tilespmem:s17+$0x7860]  }
0x4d: {  	v62 =	vld [tilespmem:s17+$0xA060];
	_ =	sdelay $0x1  }
0x4e: {  	v0 =	vadd.f32 v2, v0;
	_ =	sdelay $0x1  }
0x4f: {  	v0 =	vadd.f32 v1, v0;
	_ =	sdelay $0x1  }
0x50: {  	[tilespmem:s17+$0xC850] =	vst v0  }
0x51: {  	v0 =	vld.idx.msk [tilespmem:v3+s3+$0x0], $0xffff  }
0x52: {  	v2 =	vld.idx.msk [tilespmem:v62+s11+$0x0], $0xffff  }
0x53: {  	v1 =	vld [tilespmem:s17+$0x5060]  }
0x54: {  	v3 =	vld [tilespmem:s17+$0x7870]  }
0x55: {  	v63 =	vld [tilespmem:s17+$0xA070];
	_ =	sdelay $0x1  }
0x56: {  	v0 =	vadd.f32 v2, v0;
	_ =	sdelay $0x1  }
0x57: {  	v1 =	vadd.f32 v1, v0;
	_ =	sdelay $0x1  }
0x58: {  	v0 =	vld [tilespmem:s17+$0x5070];
	[tilespmem:s17+$0xC860] =	vst v1  }
0x59: {  	v1 =	vld.idx.msk [tilespmem:v3+s3+$0x0], $0xffff  }
0x5a: {  	s18 =	simm.s32 $0x200;
	s19 =	simm.s32 $0x400;
	v2 =	vld.idx.msk [tilespmem:v63+s11+$0x0], $0xffff  }
.LBB2_2:
0x5b: {  	p0 =	sne.s32 s19, $0x9E00  }
0x5c: {  	s20 =	sshra.s32 s18, $0x2;
	s18 =	smov.u32 s19;
	s19 =	sadd.s32 $0x200, s19  }
0x5d: {  	v3 =	vld [tilespmem:s20+$0x7800]  }
0x5e: {  	v4 =	vld [tilespmem:s20+$0xA000];
	_ =	sdelay $0x1  }
0x5f: {  	v1 =	vadd.f32 v2, v1;
	_ =	sdelay $0x1  }
0x60: {  	v0 =	vadd.f32 v0, v1;
	_ =	sdelay $0x1  }
0x61: {  	[tilespmem:s17+$0xC870] =	vst v0;
	s17 =	smov.u32 s20  }
0x62: {  	v0 =	vld.idx.msk [tilespmem:v3+s3+$0x0], $0xffff  }
0x63: {  	v1 =	vld.idx.msk [tilespmem:v4+s11+$0x0], $0xffff  }
0x64: {  	v2 =	vld [tilespmem:s17+$0xA010]  }
0x65: {  	v3 =	vld [tilespmem:s17+$0x5000]  }
0x66: {  	v4 =	vld [tilespmem:s17+$0x7810];
	_ =	sdelay $0x2  }
0x67: {  	v0 =	vadd.f32 v1, v0;
	_ =	sdelay $0x1  }
0x68: {  	v0 =	vadd.f32 v3, v0;
	_ =	sdelay $0x1  }
0x69: {  	[tilespmem:s17+$0xC800] =	vst v0  }
0x6a: {  	v0 =	vld.idx.msk [tilespmem:v4+s3+$0x0], $0xffff  }
0x6b: {  	v1 =	vld.idx.msk [tilespmem:v2+s11+$0x0], $0xffff  }
0x6c: {  	v2 =	vld [tilespmem:s17+$0x5010]  }
0x6d: {  	v3 =	vld [tilespmem:s17+$0xA020]  }
0x6e: {  	v4 =	vld [tilespmem:s17+$0x7820];
	_ =	sdelay $0x2  }
0x6f: {  	v0 =	vadd.f32 v1, v0;
	_ =	sdelay $0x1  }
0x70: {  	v0 =	vadd.f32 v2, v0;
	_ =	sdelay $0x1  }
0x71: {  	[tilespmem:s17+$0xC810] =	vst v0;
	v0 =	vld [tilespmem:s17+$0x5020]  }
0x72: {  	v1 =	vld.idx.msk [tilespmem:v4+s3+$0x0], $0xffff  }
0x73: {  	v2 =	vld.idx.msk [tilespmem:v3+s11+$0x0], $0xffff;
	_ =	sdelay $0x1  }
0x74: {  	v3 =	vld [tilespmem:s17+$0xA030]  }
0x75: {  	v4 =	vld [tilespmem:s17+$0x7830];
	_ =	sdelay $0x2  }
0x76: {  	v1 =	vadd.f32 v2, v1;
	_ =	sdelay $0x1  }
0x77: {  	v0 =	vadd.f32 v0, v1;
	_ =	sdelay $0x1  }
0x78: {  	[tilespmem:s17+$0xC820] =	vst v0;
	v0 =	vld [tilespmem:s17+$0x5030]  }
0x79: {  	v1 =	vld.idx.msk [tilespmem:v4+s3+$0x0], $0xffff  }
0x7a: {  	v2 =	vld.idx.msk [tilespmem:v3+s11+$0x0], $0xffff;
	_ =	sdelay $0x1  }
0x7b: {  	v3 =	vld [tilespmem:s17+$0xA040]  }
0x7c: {  	v4 =	vld [tilespmem:s17+$0x7840];
	_ =	sdelay $0x2  }
0x7d: {  	v1 =	vadd.f32 v2, v1;
	_ =	sdelay $0x1  }
0x7e: {  	v0 =	vadd.f32 v0, v1;
	_ =	sdelay $0x1  }
0x7f: {  	[tilespmem:s17+$0xC830] =	vst v0;
	v0 =	vld [tilespmem:s17+$0x5040]  }
0x80: {  	v1 =	vld.idx.msk [tilespmem:v4+s3+$0x0], $0xffff  }
0x81: {  	v2 =	vld.idx.msk [tilespmem:v3+s11+$0x0], $0xffff;
	_ =	sdelay $0x1  }
0x82: {  	v3 =	vld [tilespmem:s17+$0xA050]  }
0x83: {  	v4 =	vld [tilespmem:s17+$0x7850];
	_ =	sdelay $0x2  }
0x84: {  	v1 =	vadd.f32 v2, v1;
	_ =	sdelay $0x1  }
0x85: {  	v0 =	vadd.f32 v0, v1  }
0x86: {  	v1 =	vld [tilespmem:s17+$0x5050]  }
0x87: {  	[tilespmem:s17+$0xC840] =	vst v0  }
0x88: {  	v0 =	vld.idx.msk [tilespmem:v4+s3+$0x0], $0xffff  }
0x89: {  	v2 =	vld.idx.msk [tilespmem:v3+s11+$0x0], $0xffff;
	_ =	sdelay $0x1  }
0x8a: {  	v3 =	vld [tilespmem:s17+$0xA060]  }
0x8b: {  	v4 =	vld [tilespmem:s17+$0x7860];
	_ =	sdelay $0x2  }
0x8c: {  	v0 =	vadd.f32 v2, v0;
	_ =	sdelay $0x1  }
0x8d: {  	v0 =	vadd.f32 v1, v0;
	v1 =	vld [tilespmem:s17+$0x5060];
	_ =	sdelay $0x1  }
0x8e: {  	[tilespmem:s17+$0xC850] =	vst v0  }
0x8f: {  	v0 =	vld.idx.msk [tilespmem:v4+s3+$0x0], $0xffff  }
0x90: {  	v2 =	vld.idx.msk [tilespmem:v3+s11+$0x0], $0xffff;
	_ =	sdelay $0x1  }
0x91: {  	v3 =	vld [tilespmem:s17+$0xA070]  }
0x92: {  	v4 =	vld [tilespmem:s17+$0x7870];
	_ =	sdelay $0x2  }
0x93: {  	v2 =	vadd.f32 v2, v0  }
0x94: {  	v0 =	vld [tilespmem:s17+$0x5070]  }
.Ltmp0:
0x95: {  	v1 =	vadd.f32 v1, v2;
	(pc) =	sbr.rel @p0 .LBB2_2-.Ltmp0, $4  }
0x96: {  	_ = 	snop  }
0x97: {  	[tilespmem:s17+$0xC860] =	vst v1  }
0x98: {  	v1 =	vld.idx.msk [tilespmem:v4+s3+$0x0], $0xffff  }
0x99: {  	v2 =	vld.idx.msk [tilespmem:v3+s11+$0x0], $0xffff  }
0x9a: {  	s18 =	sshra.s32 s18, $0x2  }
0x9b: {  	v3 =	vld [tilespmem:s18+$0x7800]  }
0x9c: {  	v4 =	vld [tilespmem:s18+$0xA000];
	_ =	sdelay $0x1  }
0x9d: {  	v1 =	vadd.f32 v2, v1;
	_ =	sdelay $0x1  }
0x9e: {  	v0 =	vadd.f32 v0, v1;
	_ =	sdelay $0x1  }
0x9f: {  	[tilespmem:s17+$0xC870] =	vst v0  }
0xa0: {  	v0 =	vld.idx.msk [tilespmem:v3+s3+$0x0], $0xffff  }
0xa1: {  	v34 =	vld.idx.msk [tilespmem:v4+s11+$0x0], $0xffff  }
0xa2: {  	v35 =	vld [tilespmem:s18+$0x5000]  }
0xa3: {  	v36 =	vld [tilespmem:s18+$0x7810]  }
0xa4: {  	v37 =	vld [tilespmem:s18+$0xA010];
	_ =	sdelay $0x1  }
0xa5: {  	v0 =	vadd.f32 v34, v0;
	_ =	sdelay $0x1  }
0xa6: {  	v0 =	vadd.f32 v35, v0;
	_ =	sdelay $0x1  }
0xa7: {  	[tilespmem:s18+$0xC800] =	vst v0  }
0xa8: {  	v0 =	vld.idx.msk [tilespmem:v36+s3+$0x0], $0xffff  }
0xa9: {  	v38 =	vld.idx.msk [tilespmem:v37+s11+$0x0], $0xffff  }
0xaa: {  	v39 =	vld [tilespmem:s18+$0x5010]  }
0xab: {  	v40 =	vld [tilespmem:s18+$0x7820]  }
0xac: {  	v41 =	vld [tilespmem:s18+$0xA020];
	_ =	sdelay $0x1  }
0xad: {  	v0 =	vadd.f32 v38, v0;
	_ =	sdelay $0x1  }
0xae: {  	v0 =	vadd.f32 v39, v0;
	_ =	sdelay $0x1  }
0xaf: {  	[tilespmem:s18+$0xC810] =	vst v0  }
0xb0: {  	v0 =	vld.idx.msk [tilespmem:v40+s3+$0x0], $0xffff  }
0xb1: {  	v42 =	vld.idx.msk [tilespmem:v41+s11+$0x0], $0xffff  }
0xb2: {  	v43 =	vld [tilespmem:s18+$0x5020]  }
0xb3: {  	v44 =	vld [tilespmem:s18+$0x7830]  }
0xb4: {  	v45 =	vld [tilespmem:s18+$0xA030];
	_ =	sdelay $0x1  }
0xb5: {  	v0 =	vadd.f32 v42, v0;
	_ =	sdelay $0x1  }
0xb6: {  	v0 =	vadd.f32 v43, v0;
	_ =	sdelay $0x1  }
0xb7: {  	[tilespmem:s18+$0xC820] =	vst v0  }
0xb8: {  	v0 =	vld.idx.msk [tilespmem:v44+s3+$0x0], $0xffff  }
0xb9: {  	v46 =	vld.idx.msk [tilespmem:v45+s11+$0x0], $0xffff  }
0xba: {  	v47 =	vld [tilespmem:s18+$0x5030]  }
0xbb: {  	v48 =	vld [tilespmem:s18+$0x7840]  }
0xbc: {  	v49 =	vld [tilespmem:s18+$0xA040];
	_ =	sdelay $0x1  }
0xbd: {  	v0 =	vadd.f32 v46, v0;
	_ =	sdelay $0x1  }
0xbe: {  	v0 =	vadd.f32 v47, v0;
	_ =	sdelay $0x1  }
0xbf: {  	[tilespmem:s18+$0xC830] =	vst v0  }
0xc0: {  	v0 =	vld.idx.msk [tilespmem:v48+s3+$0x0], $0xffff  }
0xc1: {  	v50 =	vld.idx.msk [tilespmem:v49+s11+$0x0], $0xffff  }
0xc2: {  	v51 =	vld [tilespmem:s18+$0x5040]  }
0xc3: {  	v52 =	vld [tilespmem:s18+$0x7850]  }
0xc4: {  	v53 =	vld [tilespmem:s18+$0xA050];
	_ =	sdelay $0x1  }
0xc5: {  	v0 =	vadd.f32 v50, v0;
	_ =	sdelay $0x1  }
0xc6: {  	v0 =	vadd.f32 v51, v0;
	_ =	sdelay $0x1  }
0xc7: {  	[tilespmem:s18+$0xC840] =	vst v0  }
0xc8: {  	v0 =	vld.idx.msk [tilespmem:v52+s3+$0x0], $0xffff  }
0xc9: {  	v54 =	vld.idx.msk [tilespmem:v53+s11+$0x0], $0xffff  }
0xca: {  	v55 =	vld [tilespmem:s18+$0x5050]  }
0xcb: {  	v56 =	vld [tilespmem:s18+$0x7860]  }
0xcc: {  	v57 =	vld [tilespmem:s18+$0xA060];
	_ =	sdelay $0x1  }
0xcd: {  	v0 =	vadd.f32 v54, v0;
	_ =	sdelay $0x1  }
0xce: {  	v0 =	vadd.f32 v55, v0;
	_ =	sdelay $0x1  }
0xcf: {  	[tilespmem:s18+$0xC850] =	vst v0  }
0xd0: {  	v0 =	vld.idx.msk [tilespmem:v56+s3+$0x0], $0xffff  }
0xd1: {  	v58 =	vld.idx.msk [tilespmem:v57+s11+$0x0], $0xffff  }
0xd2: {  	v59 =	vld [tilespmem:s18+$0x5060]  }
0xd3: {  	v60 =	vld [tilespmem:s18+$0x7870]  }
0xd4: {  	v61 =	vld [tilespmem:s18+$0xA070];
	_ =	sdelay $0x1  }
0xd5: {  	v0 =	vadd.f32 v58, v0;
	_ =	sdelay $0x1  }
0xd6: {  	v0 =	vadd.f32 v59, v0;
	_ =	sdelay $0x1  }
0xd7: {  	[tilespmem:s18+$0xC860] =	vst v0  }
0xd8: {  	v0 =	vld.idx.msk [tilespmem:v60+s3+$0x0], $0xffff  }
0xd9: {  	v62 =	vld.idx.msk [tilespmem:v61+s11+$0x0], $0xffff;
	_ =	sdelay $0x1  }
0xda: {  	v63 =	vld [tilespmem:s18+$0x5070];
	_ =	sdelay $0x2  }
0xdb: {  	v0 =	vadd.f32 v62, v0;
	_ =	sdelay $0x1  }
0xdc: {  	s16 =	sadd.s32 $0x1, s16;
	v0 =	vadd.f32 v63, v0  }
0xdd: {  	p0 =	sne.s32 s16, s9  }
.Ltmp1:
0xde: {  	[tilespmem:s18+$0xC870] =	vst v0;
	(pc) =	sbr.rel @p0 .LBB2_1-.Ltmp1, $4  }
0xdf: {  	[hbm4b:s8+s3] =	stream.linear.scatter [tilespmem:s15], [sflag:$0x1], $0x2800, $0x38;
	[tilespmem:$0xF000] =	vst v63  }
0xe0: {  	_ =	swait.ge [sflag:s10], $0x2800  }
0xe1: {  	[sflag:s10] =	ssyncset.done $0x0  }
0xe2: {  	[sflag:s10] =	ssyncadd.s32 $0xFFFFD800  }
0xe3: {  	_ =	sfence.sel $0x180000  }
0xe4: {  	[bflag:$0x0] =	sbarrier.arrive $0xFFFF  }
0xe5: {  	p0 =	sne.s32 s0, $0x0;
	_ =	strace $0x90000053  }
0xe6: {  	s0 =	sadd.s32 @!p0 $0x100000, s1;
	[bflag:$0x2] =	sbarrier.arrive $0xFFFF  }
0xe7: {  	[sflag:s0] =	ssyncadd.tile.s32 @!p0 $0x1;
	_ =	shalt  }
.Lfunc_end2:
_tile_overlayer_lowered:
.L_overlay_start_2:
0xe8: {  	(tag) =	ssettag $0x2  }
0xe9: {  	s0 =	rddreg [dreg:$0x0];
	s2 =	stileid.u32  }
0xea: {  	s1 =	rddreg [dreg:$0x1];
	p0 =	sne.s32 s2, $0x0  }
0xeb: {  	s3 =	rddreg [dreg:$0x2];
	[bflag:$0x3] =	sbarrier.arrive $0xFFFF;
	s2 =	simm.s32 @!p0 $0x1C01  }
0xec: {  	[timem:s3], [sflag:s2] =	dma.local @!p0 [hbm:s0], s1  }
0xed: {  	s0 =	simm.s32 @!p0 $0x1  }
0xee: {  	_ =	swait.ge @!p0 [sflag:s0], s1  }
0xef: {  	s1 =	ssub.s32 @!p0 $0x0, s1;
	[sflag:s0] =	ssyncset.done @!p0 $0x0  }
0xf0: {  	[sflag:s0] =	ssyncadd.s32 @!p0 s1  }
0xf1: {  	[bflag:$0x3] =	sbarrier.arrive $0xFFFF  }
0xf2: {  	_ =	shalt  }

</sc_bundles>
